<compile_context>
chip_gen: v7x
topology: tpu7x:2x2x1
jax: 0.10.2.dev20260603
libtpu: 0.0.44.dev20260713+nightly
codegen_flags: <defaults>
</compile_context>

<pallas_src>
import jax
import jax.numpy as jnp
from jax import lax
from jax.experimental import pallas as pl
from jax.experimental.pallas import tpu as pltpu
from jax.experimental.pallas import tpu_sc as plsc

_L = 16
_NTILES = 16
_NCORES = 2
_ROW = 128
_ZB = 125
_G = 5


def _sc_body(x4, ei3, eaF, S4, T4, S_sh, T_sh,
             isb, idb, ixA, ixB, xsA, xsB, eaA, eaB, evA, evB, tvA, tvB,
             gsemA, gsemB, ssemA, ssemB):
    cid = lax.axis_index("c")
    sid = lax.axis_index("s")
    N = S_sh.shape[0]
    NPT = N // _NTILES
    CPC = S4.shape[0] // _NCORES
    NSC = ei3.shape[1] // _G
    q, r = NSC // _NTILES, NSC % _NTILES
    n_sc = jnp.where(sid < r, q + 1, q)
    base_sc = jnp.where(sid < r, (q + 1) * sid, r + q * sid)

    for j in range(CPC):
        chunk = cid * CPC + j

        @pl.loop(0, _ZB)
        def _(i):
            evA[i] = jnp.zeros((_L,), jnp.float32)

        @pl.loop(0, NPT // _ZB)
        def _(i):
            base = sid * NPT + i * _ZB
            pltpu.sync_copy(evA.at[pl.ds(0, _ZB)], S_sh.at[pl.ds(base, _ZB)])
            pltpu.sync_copy(evA.at[pl.ds(0, _ZB)], T_sh.at[pl.ds(base, _ZB)])

        plsc.subcore_barrier()

        def gissue(k, r0, ix_, xs_, ea_, gsem):
            for kk in range(_ROW // _L):
                ix_[pl.ds(kk * _L, _L)] = (
                    isb[k, pl.ds(kk * _L, _L)] * 4 + chunk)
            pltpu.async_copy(x4.at[ix_], xs_, gsem)
            pltpu.async_copy(
                eaF.at[pl.ds((r0 + k) * (_ROW // 2), _ROW // 2)], ea_, gsem)

        def gwait(k, ix_, xs_, ea_, gsem):
            pltpu.make_async_copy(x4.at[ix_], xs_, gsem).wait()
            pltpu.make_async_copy(
                eaF.at[pl.ds(0, _ROW // 2)], ea_, gsem).wait()

        def swait(ev_, tv_, ssem):
            pltpu.make_async_copy(ev_, S_sh.at[idb.at[0]], ssem).wait()
            pltpu.make_async_copy(tv_, T_sh.at[idb.at[0]], ssem).wait()

        def phase(k, r0, ix_, xs_, ea_, ev_, tv_, gsem, ssem, pre, wg):
            if pre is not None:
                kn, nix, nxs, nea, ngsem = pre
                gissue(kn, r0, nix, nxs, nea, ngsem)
            gwait(k, ix_, xs_, ea_, gsem)
            if wg is True:
                swait(ev_, tv_, ssem)
            else:
                @pl.when(wg)
                def _():
                    swait(ev_, tv_, ssem)

            c16 = chunk * _L

            @plsc.parallel_loop(0, _ROW, unroll=8)
            def _(i):
                base = (i << 6) + c16
                eav = ea_[base >> 7, pl.ds(base & 127, _L)]
                m = jnp.maximum(xs_[i] + eav, 0.0) + 1e-7
                z = jnp.exp(m)
                ev_[i] = z
                tv_[i] = m * z

            pltpu.async_copy(ev_, S_sh.at[idb.at[k]], ssem, add=True)
            pltpu.async_copy(tv_, T_sh.at[idb.at[k]], ssem, add=True)

        @pl.loop(0, n_sc)
        def _(g):
            r0 = (base_sc + g) * _G
            @pl.when(g > 0)
            def _():
                swait(evA, tvA, ssemA)
                swait(evB, tvB, ssemB)
            pltpu.sync_copy(ei3.at[0, pl.ds(r0, _G)], isb)
            pltpu.sync_copy(ei3.at[1, pl.ds(r0, _G)], idb)
            gissue(0, r0, ixA, xsA, eaA, gsemA)

            @pl.loop(0, (_G - 1) // 2)
            def _(kp):
                kA = 2 * kp
                phase(kA, r0, ixA, xsA, eaA, evA, tvA, gsemA, ssemA,
                      (kA + 1, ixB, xsB, eaB, gsemB), kp > 0)
                phase(kA + 1, r0, ixB, xsB, eaB, evB, tvB, gsemB, ssemB,
                      (kA + 2, ixA, xsA, eaA, gsemA), kp > 0)

            phase(_G - 1, r0, ixA, xsA, eaA, evA, tvA, gsemA, ssemA, None, True)

        swait(evA, tvA, ssemA)
        swait(evB, tvB, ssemB)

        plsc.subcore_barrier()
        base = sid * NPT
        pltpu.sync_copy(S_sh.at[pl.ds(base, NPT)],
                        S4.at[chunk, pl.ds(base, NPT)])
        pltpu.sync_copy(T_sh.at[pl.ds(base, NPT)],
                        T4.at[chunk, pl.ds(base, NPT)])
        plsc.subcore_barrier()


def _sc_edge_pass(x4, ei3, eaF):
    N = x4.shape[0] // 4
    C, L = 4, _L
    out = jax.ShapeDtypeStruct((C, N, L), jnp.float32)
    idxm = pltpu.VMEM((_G, _ROW), jnp.int32)
    slab = pltpu.VMEM((_ROW, L), jnp.float32)
    xsl = pltpu.VMEM((_ROW, L), jnp.float32)
    easl = pltpu.VMEM((_ROW // 2, 8 * L), jnp.float32)
    f = pl.kernel(
        _sc_body,
        out_type=(out, out),
        mesh=plsc.VectorSubcoreMesh(core_axis_name="c", subcore_axis_name="s"),
        compiler_params=pltpu.CompilerParams(use_tc_tiling_on_sc=False),
        scratch_types=[
            pltpu.VMEM_SHARED((N, L), jnp.float32),
            pltpu.VMEM_SHARED((N, L), jnp.float32),
            idxm,
            idxm,
            pltpu.VMEM((_ROW,), jnp.int32),
            pltpu.VMEM((_ROW,), jnp.int32),
            xsl, xsl,
            easl, easl,
            slab, slab,
            slab, slab,
            pltpu.SemaphoreType.DMA, pltpu.SemaphoreType.DMA,
            pltpu.SemaphoreType.DMA, pltpu.SemaphoreType.DMA,
        ],
    )
    return f(x4, ei3, eaF)


def _tc_mlp(S, T, x, W1, b1, g, b, W2, b2):
    N, D = x.shape
    H = W1.shape[1]
    R = 2000

    def body(s_ref, t_ref, x_ref, w1, b1r, gr, br, w2, b2r, o_ref):
        s4 = s_ref[...]
        t4 = t_ref[...]
        S = jnp.concatenate([s4[c] for c in range(s4.shape[0])], axis=1)
        T = jnp.concatenate([t4[c] for c in range(t4.shape[0])], axis=1)
        agg = T / (S + 1e-16)
        out = agg + x_ref[...]
        h = jnp.dot(out, w1[...], preferred_element_type=jnp.float32) + b1r[...]
        mu = jnp.mean(h, axis=1, keepdims=True)
        var = jnp.mean((h - mu) ** 2, axis=1, keepdims=True)
        hn = (h - mu) / jnp.sqrt(var + 1e-5) * gr[...] + br[...]
        hr = jnp.maximum(hn, 0.0)
        o_ref[...] = jnp.dot(hr, w2[...], preferred_element_type=jnp.float32) + b2r[...]

    rows = pl.BlockSpec((R, D), lambda i: (i, 0))
    crows = pl.BlockSpec((4, R, D // 4), lambda i: (0, i, 0))
    full = lambda shape: pl.BlockSpec(shape, lambda i: tuple(0 for _ in shape))
    return pl.pallas_call(
        body,
        grid=(N // R,),
        in_specs=[crows, crows, rows,
                  full((D, H)), full((1, H)), full((1, H)), full((1, H)),
                  full((H, D)), full((1, D))],
        out_specs=rows,
        out_shape=jax.ShapeDtypeStruct((N, D), jnp.float32),
    )(S, T, x, W1, b1, g, b, W2, b2)


def kernel(x, edge_index, edge_attr, W1, b1, ln_g, ln_b, W2, b2):
    N, D = x.shape
    E = edge_attr.shape[0]
    C = D // _L
    x4 = x.reshape(C * N, _L)
    eaF = edge_attr.reshape(E // 2, 2 * D)
    ei3 = edge_index.reshape(2, E // _ROW, _ROW)
    S4, T4 = _sc_edge_pass(x4, ei3, eaF)
    return _tc_mlp(S4, T4, x, W1,
                   b1.reshape(1, -1), ln_g.reshape(1, -1), ln_b.reshape(1, -1),
                   W2, b2.reshape(1, -1))

# --- scband reference (transcript-rebuilt; emitter-appended) ---
"""Pipeline reference for scband-processor-block-16655883174348 (READ-ONLY COPY).

The authoritative reference and input builder live on the scoring server;
editing this copy changes nothing except your own understanding.
"""

import jax, jax.numpy as jnp
import numpy as np

N = 50000
E = 800000
D = 64
H = 128
EPS = 1e-7

def setup_inputs(seed: int = 0) -> dict:
    key = jax.random.key(seed)
    ks = jax.random.split(key, 6)
    x = jax.random.normal(ks[0], (N, D), dtype=jnp.float32)
    edge_index = jax.random.randint(ks[1], (2, E), 0, N, dtype=jnp.int32)
    edge_attr = jax.random.normal(ks[2], (E, D), dtype=jnp.float32)
    # GENConv.mlp = Linear(64,128,bias=True) -> LayerNorm(128) -> ReLU -> Linear(128,64,bias=True)
    W1 = jax.random.normal(ks[3], (D, H), dtype=jnp.float32) * (1.0 / np.sqrt(D))
    b1 = jnp.zeros((H,), dtype=jnp.float32)
    ln_g = jnp.ones((H,), dtype=jnp.float32)
    ln_b = jnp.zeros((H,), dtype=jnp.float32)
    W2 = jax.random.normal(ks[4], (H, D), dtype=jnp.float32) * (1.0 / np.sqrt(H))
    b2 = jnp.zeros((D,), dtype=jnp.float32)
    return {"x": x, "edge_index": edge_index, "edge_attr": edge_attr,
            "W1": W1, "b1": b1, "ln_g": ln_g, "ln_b": ln_b, "W2": W2, "b2": b2}

def reference(x, edge_index, edge_attr, W1, b1, ln_g, ln_b, W2, b2):
    src = edge_index[0]
    dst = edge_index[1]
    # message: relu(x_j + edge_attr) + eps
    msg = jax.nn.relu(jnp.take(x, src, axis=0) + edge_attr) + EPS
    # softmax aggregation (t=1.0): alpha = scatter_softmax(msg, dst); out = scatter_sum(msg * alpha)
    seg_max = jax.ops.segment_max(msg, dst, num_segments=N)
    seg_max = jnp.where(jnp.isfinite(seg_max), seg_max, 0.0)
    ex = jnp.exp(msg - jnp.take(seg_max, dst, axis=0))
    seg_sum = jax.ops.segment_sum(ex, dst, num_segments=N)
    alpha = ex / (jnp.take(seg_sum, dst, axis=0) + 1e-16)
    agg = jax.ops.segment_sum(msg * alpha, dst, num_segments=N)
    # residual: out = out + x_r
    out = agg + x
    # MLP: Linear -> LayerNorm -> ReLU -> Linear
    h = out @ W1 + b1
    mu = jnp.mean(h, axis=-1, keepdims=True)
    var = jnp.var(h, axis=-1, keepdims=True)
    h = (h - mu) / jnp.sqrt(var + 1e-5) * ln_g + ln_b
    h = jax.nn.relu(h)
    return h @ W2 + b2

if __name__ == "__main__":
    import jax
    _d = setup_inputs()
    print(jax.jit(kernel)(*tuple(_d.values())))

</pallas_src>

<mosaic_0001>
#map = affine_map<(d0, d1) -> (0, 0)>
#map1 = affine_map<(d0, d1) -> (0, 0, 0)>
module attributes {stable_mosaic.version = 14 : i64} {
  func.func @_sc_body(%arg0: i32, %arg1: i32, %arg2: memref<200000x16xf32, #tpu.memory_space<hbm>>, %arg3: memref<2x6250x128xi32, #tpu.memory_space<hbm>>, %arg4: memref<400000x128xf32, #tpu.memory_space<hbm>>, %arg5: memref<4x50000x16xf32, #tpu.memory_space<hbm>>, %arg6: memref<4x50000x16xf32, #tpu.memory_space<hbm>>, %arg7: memref<50000x16xf32, #tpu.memory_space<vmem_shared>>, %arg8: memref<50000x16xf32, #tpu.memory_space<vmem_shared>>, %arg9: memref<5x128xi32, #tpu.memory_space<vmem>>, %arg10: memref<5x128xi32, #tpu.memory_space<vmem>>, %arg11: memref<128xi32, #tpu.memory_space<vmem>>, %arg12: memref<128xi32, #tpu.memory_space<vmem>>, %arg13: memref<128x16xf32, #tpu.memory_space<vmem>>, %arg14: memref<128x16xf32, #tpu.memory_space<vmem>>, %arg15: memref<64x128xf32, #tpu.memory_space<vmem>>, %arg16: memref<64x128xf32, #tpu.memory_space<vmem>>, %arg17: memref<128x16xf32, #tpu.memory_space<vmem>>, %arg18: memref<128x16xf32, #tpu.memory_space<vmem>>, %arg19: memref<128x16xf32, #tpu.memory_space<vmem>>, %arg20: memref<128x16xf32, #tpu.memory_space<vmem>>, %arg21: memref<!tpu.dma_semaphore, #tpu.memory_space<semaphore_mem>>, %arg22: memref<!tpu.dma_semaphore, #tpu.memory_space<semaphore_mem>>, %arg23: memref<!tpu.dma_semaphore, #tpu.memory_space<semaphore_mem>>, %arg24: memref<!tpu.dma_semaphore, #tpu.memory_space<semaphore_mem>>) attributes {dimension_semantics = [#tpu.dimension_semantics<core_parallel>, #tpu.dimension_semantics<subcore_parallel>], iteration_bounds = array<i64: 2, 16>, scalar_prefetch = 0 : i64, scratch_operands = 18 : i64, tpu.core_type = #tpu.core_type<sc_vector_subcore>, window_params = [{transform_indices = #map}, {transform_indices = #map1}, {transform_indices = #map}, {transform_indices = #map1}, {transform_indices = #map1}]} {
    %lt3A = arith.constant 2 : i32
    %lt3A_0 = arith.cmpi slt, %arg1, %lt3A : i32
    %jit3A = arith.constant 79 : i32
    %jit3A_1 = arith.constant 78 : i32
    %select_n3A = arith.select %lt3A_0, %jit3A, %jit3A_1 : i32
    %lt3A_2 = arith.constant 2 : i32
    %lt3A_3 = arith.cmpi slt, %arg1, %lt3A_2 : i32
    %mul3A = arith.constant 79 : i32
    %mul3A_4 = arith.muli %mul3A, %arg1 : i32
    %mul3A_5 = arith.constant 78 : i32
    %mul3A_6 = arith.muli %mul3A_5, %arg1 : i32
    %add3A = arith.constant 2 : i32
    %add3A_7 = arith.addi %add3A, %mul3A_6 : i32
    %select_n3A_8 = arith.select %lt3A_3, %mul3A_4, %add3A_7 : i32
    %mul3A_9 = arith.constant 2 : i32
    %mul3A_10 = arith.muli %arg0, %mul3A_9 : i32
    %add3A_11 = arith.constant 0 : i32
    %add3A_12 = arith.addi %mul3A_10, %add3A_11 : i32
    %scan3A = arith.constant 0 : i32
    %scan3A_13 = arith.constant 125 : i32
    %scan3A_14 = arith.addi %scan3A, %scan3A_13 : i32
    %scan3A_15 = arith.constant 1 : i32
    scf.for %scan3A_135 = %scan3A to %scan3A_14 step %scan3A_15  : i32 {
      %mul3A_136 = arith.constant 1 : i32
      %mul3A_137 = arith.muli %scan3A_135, %mul3A_136 : i32
      %add3A_138 = arith.constant 0 : i32
      %add3A_139 = arith.addi %add3A_138, %mul3A_137 : i32
      %broadcast_in_dim3A = arith.constant 0.000000e+00 : f32
      %broadcast_in_dim3A_140 = vector.broadcast %broadcast_in_dim3A : f32 to vector<16xf32>
      %swap3A = arith.index_cast %add3A_139 : i32 to index
      %swap3A_141 = arith.constant 0 : index
      %swap3A_142 = tpu.vector_load %arg17[%swap3A, %swap3A_141] {strides = array<i32>} : memref<128x16xf32, #tpu.memory_space<vmem>>, vector<1x16xf32>,
      %swap3A_143 = vector.shape_cast %swap3A_142 : vector<1x16xf32> to vector<16xf32>
      %swap3A_144 = vector.shape_cast %broadcast_in_dim3A_140 : vector<16xf32> to vector<1x16xf32>
      tpu.vector_store %arg17[%swap3A, %swap3A_141], %swap3A_144 {strides = array<i32>} : memref<128x16xf32, #tpu.memory_space<vmem>>, vector<1x16xf32>,
    }
    %scan3A_16 = arith.constant 125 : i32
    %scan3A_17 = arith.constant 0 : i32
    %scan3A_18 = arith.constant 25 : i32
    %scan3A_19 = arith.addi %scan3A_17, %scan3A_18 : i32
    %scan3A_20 = arith.constant 1 : i32
    scf.for %scan3A_135 = %scan3A_17 to %scan3A_19 step %scan3A_20  : i32 {
      %mul3A_136 = arith.constant 1 : i32
      %mul3A_137 = arith.muli %scan3A_135, %mul3A_136 : i32
      %add3A_138 = arith.constant 0 : i32
      %add3A_139 = arith.addi %add3A_138, %mul3A_137 : i32
      %mul3A_140 = arith.constant 3125 : i32
      %mul3A_141 = arith.muli %arg1, %mul3A_140 : i32
      %mul3A_142 = arith.constant 125 : i32
      %mul3A_143 = arith.muli %add3A_139, %mul3A_142 : i32
      %add3A_144 = arith.addi %mul3A_141, %mul3A_143 : i32
      "tpu.region"() ({
        %run_scoped3A = tpu.sem_alloc : memref<!tpu.dma_semaphore, #tpu.memory_space<semaphore_mem>>
        %dma_start3A = arith.constant 0 : i32
        %dma_start3A_145 = arith.constant 0 : i32
        %dma_start3A_146 = tpu.memref_slice %arg17[%dma_start3A, %dma_start3A_145] : memref<128x16xf32, #tpu.memory_space<vmem>> -> memref<125x16xf32, #tpu.memory_space<vmem>>
        %dma_start3A_147 = arith.constant 0 : i32
        %dma_start3A_148 = tpu.memref_slice %arg7[%add3A_144, %dma_start3A_147] : memref<50000x16xf32, #tpu.memory_space<vmem_shared>> -> memref<125x16xf32, #tpu.memory_space<vmem_shared>>
        %dma_start3A_149 = arith.constant 0 : i32
        %dma_start3A_150 = tpu.memref_slice %arg7[%add3A_144, %dma_start3A_149] : memref<50000x16xf32, #tpu.memory_space<vmem_shared>> -> memref<125x16xf32, #tpu.memory_space<vmem_shared>>
        %dma_start3A_151 = arith.constant 0 : i32
        %dma_start3A_152 = arith.constant 0 : i32
        %dma_start3A_153 = tpu.memref_slice %arg17[%dma_start3A_151, %dma_start3A_152] : memref<128x16xf32, #tpu.memory_space<vmem>> -> memref<125x16xf32, #tpu.memory_space<vmem>>
        tpu.enqueue_dma source(%dma_start3A_153 : memref<125x16xf32, #tpu.memory_space<vmem>>) target(%dma_start3A_150 : memref<125x16xf32, #tpu.memory_space<vmem_shared>>) target_semaphore(%run_scoped3A : memref<!tpu.dma_semaphore, #tpu.memory_space<semaphore_mem>>)
        %dma_wait3A_154 = arith.constant 0 : i32
        %dma_wait3A_155 = arith.constant 0 : i32
        %dma_wait3A_156 = tpu.memref_slice %arg17[%dma_wait3A_154, %dma_wait3A_155] : memref<128x16xf32, #tpu.memory_space<vmem>> -> memref<125x16xf32, #tpu.memory_space<vmem>>
        %dma_wait3A_157 = arith.constant 0 : i32
        %dma_wait3A_158 = tpu.memref_slice %arg7[%add3A_144, %dma_wait3A_157] : memref<50000x16xf32, #tpu.memory_space<vmem_shared>> -> memref<125x16xf32, #tpu.memory_space<vmem_shared>>
        %dma_wait3A_159 = arith.constant 0 : i32
        %dma_wait3A_160 = tpu.memref_slice %arg7[%add3A_144, %dma_wait3A_159] : memref<50000x16xf32, #tpu.memory_space<vmem_shared>> -> memref<125x16xf32, #tpu.memory_space<vmem_shared>>
        %dma_wait3A_161 = arith.constant 0 : i32
        %dma_wait3A_162 = arith.constant 0 : i32
        %dma_wait3A_163 = tpu.memref_slice %arg17[%dma_wait3A_161, %dma_wait3A_162] : memref<128x16xf32, #tpu.memory_space<vmem>> -> memref<125x16xf32, #tpu.memory_space<vmem>>
        tpu.wait_dma2 semaphore(%run_scoped3A : memref<!tpu.dma_semaphore, #tpu.memory_space<semaphore_mem>>) src(%dma_wait3A_163 : memref<125x16xf32, #tpu.memory_space<vmem>>) dst(%dma_wait3A_160 : memref<125x16xf32, #tpu.memory_space<vmem_shared>>)
        tpu.yield
      }) : () -> ()
      "tpu.region"() ({
        %run_scoped3A = tpu.sem_alloc : memref<!tpu.dma_semaphore, #tpu.memory_space<semaphore_mem>>
        %dma_start3A = arith.constant 0 : i32
        %dma_start3A_145 = arith.constant 0 : i32
        %dma_start3A_146 = tpu.memref_slice %arg17[%dma_start3A, %dma_start3A_145] : memref<128x16xf32, #tpu.memory_space<vmem>> -> memref<125x16xf32, #tpu.memory_space<vmem>>
        %dma_start3A_147 = arith.constant 0 : i32
        %dma_start3A_148 = tpu.memref_slice %arg8[%add3A_144, %dma_start3A_147] : memref<50000x16xf32, #tpu.memory_space<vmem_shared>> -> memref<125x16xf32, #tpu.memory_space<vmem_shared>>
        %dma_start3A_149 = arith.constant 0 : i32
        %dma_start3A_150 = tpu.memref_slice %arg8[%add3A_144, %dma_start3A_149] : memref<50000x16xf32, #tpu.memory_space<vmem_shared>> -> memref<125x16xf32, #tpu.memory_space<vmem_shared>>
        %dma_start3A_151 = arith.constant 0 : i32
        %dma_start3A_152 = arith.constant 0 : i32
        %dma_start3A_153 = tpu.memref_slice %arg17[%dma_start3A_151, %dma_start3A_152] : memref<128x16xf32, #tpu.memory_space<vmem>> -> memref<125x16xf32, #tpu.memory_space<vmem>>
        tpu.enqueue_dma source(%dma_start3A_153 : memref<125x16xf32, #tpu.memory_space<vmem>>) target(%dma_start3A_150 : memref<125x16xf32, #tpu.memory_space<vmem_shared>>) target_semaphore(%run_scoped3A : memref<!tpu.dma_semaphore, #tpu.memory_space<semaphore_mem>>)
        %dma_wait3A_154 = arith.constant 0 : i32
        %dma_wait3A_155 = arith.constant 0 : i32
        %dma_wait3A_156 = tpu.memref_slice %arg17[%dma_wait3A_154, %dma_wait3A_155] : memref<128x16xf32, #tpu.memory_space<vmem>> -> memref<125x16xf32, #tpu.memory_space<vmem>>
        %dma_wait3A_157 = arith.constant 0 : i32
        %dma_wait3A_158 = tpu.memref_slice %arg8[%add3A_144, %dma_wait3A_157] : memref<50000x16xf32, #tpu.memory_space<vmem_shared>> -> memref<125x16xf32, #tpu.memory_space<vmem_shared>>
        %dma_wait3A_159 = arith.constant 0 : i32
        %dma_wait3A_160 = tpu.memref_slice %arg8[%add3A_144, %dma_wait3A_159] : memref<50000x16xf32, #tpu.memory_space<vmem_shared>> -> memref<125x16xf32, #tpu.memory_space<vmem_shared>>
        %dma_wait3A_161 = arith.constant 0 : i32
        %dma_wait3A_162 = arith.constant 0 : i32
        %dma_wait3A_163 = tpu.memref_slice %arg17[%dma_wait3A_161, %dma_wait3A_162] : memref<128x16xf32, #tpu.memory_space<vmem>> -> memref<125x16xf32, #tpu.memory_space<vmem>>
        tpu.wait_dma2 semaphore(%run_scoped3A : memref<!tpu.dma_semaphore, #tpu.memory_space<semaphore_mem>>) src(%dma_wait3A_163 : memref<125x16xf32, #tpu.memory_space<vmem>>) dst(%dma_wait3A_160 : memref<125x16xf32, #tpu.memory_space<vmem_shared>>)
        tpu.yield
      }) : () -> ()
    }
    %scan3A_21 = arith.constant 25 : i32
    %barrier3A = arith.constant 0 : index
    tpu.barrier barrier_id(%barrier3A)
    %sub3A = arith.constant 0 : i32
    %sub3A_22 = arith.subi %select_n3A, %sub3A : i32
    %sub3A_23 = arith.constant 1 : i32
    %sub3A_24 = arith.constant 1 : i32
    %sub3A_25 = arith.subi %sub3A_23, %sub3A_24 : i32
    %add3A_26 = arith.addi %sub3A_22, %sub3A_25 : i32
    %div3A = arith.constant 1 : i32
    %div3A_27 = arith.divsi %add3A_26, %div3A : i32
    %while3A = arith.constant 1 : i32
    %while3A_28 = arith.constant 0 : i32
    %while3A_29 = arith.constant 0 : i32
    %while3A_30 = arith.subi %div3A_27, %while3A_29 : i32
    %while3A_31 = arith.addi %while3A_29, %while3A_30 : i32
    %while3A_32 = arith.constant 1 : i32
    %while3A_33 = arith.divsi %while3A_30, %while3A_32 : i32
    %while3A_34 = arith.muli %while3A_33, %while3A_32 : i32
    %while3A_35 = arith.addi %while3A_29, %while3A_34 : i32
    %while3A_36 = arith.constant 1 : i32
    scf.for %while3A_135 = %while3A_29 to %while3A_35 step %while3A_36  : i32 {
      %mul3A_136 = arith.muli %while3A_135, %while3A : i32
      %add3A_137 = arith.addi %while3A_28, %mul3A_136 : i32
      %add3A_138 = arith.addi %select_n3A_8, %add3A_137 : i32
      %mul3A_139 = arith.constant 5 : i32
      %mul3A_140 = arith.muli %add3A_138, %mul3A_139 : i32
      %gt3A = arith.constant 0 : i32
      %gt3A_141 = arith.cmpi sgt, %add3A_137, %gt3A : i32
      %convert_element_type3A = arith.extui %gt3A_141 : i1 to i32
      %cond3A = arith.constant 0 : i32
      %cond3A_142 = arith.cmpi ne, %convert_element_type3A, %cond3A : i32
      scf.if %cond3A_142 {
        %dma_wait3A_310 = arith.constant 0 : i32
        %dma_wait3A_311 = arith.constant 0 : i32
        %dma_wait3A_312 = tpu.memref_slice %arg10[%dma_wait3A_310, %dma_wait3A_311] : memref<5x128xi32, #tpu.memory_space<vmem>> -> memref<1x128xi32, #tpu.memory_space<vmem>>
        %dma_wait3A_313 = tpu.memref_squeeze %dma_wait3A_312 : memref<1x128xi32, #tpu.memory_space<vmem>> -> memref<128xi32, #tpu.memory_space<vmem>>
        %dma_wait3A_314 = arith.constant 0 : i32
        %dma_wait3A_315 = arith.constant 0 : i32
        %dma_wait3A_316 = tpu.memref_slice %arg7[%dma_wait3A_314, %dma_wait3A_315] : memref<50000x16xf32, #tpu.memory_space<vmem_shared>> -> memref<50000x16xf32, #tpu.memory_space<vmem_shared>>
        tpu.wait_indirect_dma semaphore(%arg23 : memref<!tpu.dma_semaphore, #tpu.memory_space<semaphore_mem>>) src(%arg17 : memref<128x16xf32, #tpu.memory_space<vmem>>) dst(%dma_wait3A_316 : memref<50000x16xf32, #tpu.memory_space<vmem_shared>>)
        %dma_wait3A_317 = arith.constant 0 : i32
        %dma_wait3A_318 = arith.constant 0 : i32
        %dma_wait3A_319 = tpu.memref_slice %arg10[%dma_wait3A_317, %dma_wait3A_318] : memref<5x128xi32, #tpu.memory_space<vmem>> -> memref<1x128xi32, #tpu.memory_space<vmem>>
        %dma_wait3A_320 = tpu.memref_squeeze %dma_wait3A_319 : memref<1x128xi32, #tpu.memory_space<vmem>> -> memref<128xi32, #tpu.memory_space<vmem>>
        %dma_wait3A_321 = arith.constant 0 : i32
        %dma_wait3A_322 = arith.constant 0 : i32
        %dma_wait3A_323 = tpu.memref_slice %arg8[%dma_wait3A_321, %dma_wait3A_322] : memref<50000x16xf32, #tpu.memory_space<vmem_shared>> -> memref<50000x16xf32, #tpu.memory_space<vmem_shared>>
        tpu.wait_indirect_dma semaphore(%arg23 : memref<!tpu.dma_semaphore, #tpu.memory_space<semaphore_mem>>) src(%arg19 : memref<128x16xf32, #tpu.memory_space<vmem>>) dst(%dma_wait3A_323 : memref<50000x16xf32, #tpu.memory_space<vmem_shared>>)
        %dma_wait3A_324 = arith.constant 0 : i32
        %dma_wait3A_325 = arith.constant 0 : i32
        %dma_wait3A_326 = tpu.memref_slice %arg10[%dma_wait3A_324, %dma_wait3A_325] : memref<5x128xi32, #tpu.memory_space<vmem>> -> memref<1x128xi32, #tpu.memory_space<vmem>>
        %dma_wait3A_327 = tpu.memref_squeeze %dma_wait3A_326 : memref<1x128xi32, #tpu.memory_space<vmem>> -> memref<128xi32, #tpu.memory_space<vmem>>
        %dma_wait3A_328 = arith.constant 0 : i32
        %dma_wait3A_329 = arith.constant 0 : i32
        %dma_wait3A_330 = tpu.memref_slice %arg7[%dma_wait3A_328, %dma_wait3A_329] : memref<50000x16xf32, #tpu.memory_space<vmem_shared>> -> memref<50000x16xf32, #tpu.memory_space<vmem_shared>>
        tpu.wait_indirect_dma semaphore(%arg24 : memref<!tpu.dma_semaphore, #tpu.memory_space<semaphore_mem>>) src(%arg18 : memref<128x16xf32, #tpu.memory_space<vmem>>) dst(%dma_wait3A_330 : memref<50000x16xf32, #tpu.memory_space<vmem_shared>>)
        %dma_wait3A_331 = arith.constant 0 : i32
        %dma_wait3A_332 = arith.constant 0 : i32
        %dma_wait3A_333 = tpu.memref_slice %arg10[%dma_wait3A_331, %dma_wait3A_332] : memref<5x128xi32, #tpu.memory_space<vmem>> -> memref<1x128xi32, #tpu.memory_space<vmem>>
        %dma_wait3A_334 = tpu.memref_squeeze %dma_wait3A_333 : memref<1x128xi32, #tpu.memory_space<vmem>> -> memref<128xi32, #tpu.memory_space<vmem>>
        %dma_wait3A_335 = arith.constant 0 : i32
        %dma_wait3A_336 = arith.constant 0 : i32
        %dma_wait3A_337 = tpu.memref_slice %arg8[%dma_wait3A_335, %dma_wait3A_336] : memref<50000x16xf32, #tpu.memory_space<vmem_shared>> -> memref<50000x16xf32, #tpu.memory_space<vmem_shared>>
        tpu.wait_indirect_dma semaphore(%arg24 : memref<!tpu.dma_semaphore, #tpu.memory_space<semaphore_mem>>) src(%arg20 : memref<128x16xf32, #tpu.memory_space<vmem>>) dst(%dma_wait3A_337 : memref<50000x16xf32, #tpu.memory_space<vmem_shared>>)
      } else {
      }
      %run_scoped3A = arith.constant 0 : i32
      "tpu.region"() ({
        %run_scoped3A_310 = tpu.sem_alloc : memref<!tpu.dma_semaphore, #tpu.memory_space<semaphore_mem>>
        %dma_start3A_311 = arith.constant 0 : i32
        %dma_start3A_312 = tpu.memref_slice %arg3[%run_scoped3A, %mul3A_140, %dma_start3A_311] : memref<2x6250x128xi32, #tpu.memory_space<hbm>> -> memref<1x5x128xi32, #tpu.memory_space<hbm>>
        %dma_start3A_313 = tpu.memref_squeeze %dma_start3A_312 : memref<1x5x128xi32, #tpu.memory_space<hbm>> -> memref<5x128xi32, #tpu.memory_space<hbm>>
        %dma_start3A_314 = arith.constant 0 : i32
        %dma_start3A_315 = tpu.memref_slice %arg3[%run_scoped3A, %mul3A_140, %dma_start3A_314] : memref<2x6250x128xi32, #tpu.memory_space<hbm>> -> memref<1x5x128xi32, #tpu.memory_space<hbm>>
        %dma_start3A_316 = tpu.memref_squeeze %dma_start3A_315 : memref<1x5x128xi32, #tpu.memory_space<hbm>> -> memref<5x128xi32, #tpu.memory_space<hbm>>
        tpu.enqueue_dma source(%dma_start3A_316 : memref<5x128xi32, #tpu.memory_space<hbm>>) target(%arg9 : memref<5x128xi32, #tpu.memory_space<vmem>>) target_semaphore(%run_scoped3A_310 : memref<!tpu.dma_semaphore, #tpu.memory_space<semaphore_mem>>)
        %dma_wait3A_317 = arith.constant 0 : i32
        %dma_wait3A_318 = tpu.memref_slice %arg3[%run_scoped3A, %mul3A_140, %dma_wait3A_317] : memref<2x6250x128xi32, #tpu.memory_space<hbm>> -> memref<1x5x128xi32, #tpu.memory_space<hbm>>
        %dma_wait3A_319 = tpu.memref_squeeze %dma_wait3A_318 : memref<1x5x128xi32, #tpu.memory_space<hbm>> -> memref<5x128xi32, #tpu.memory_space<hbm>>
        %dma_wait3A_320 = arith.constant 0 : i32
        %dma_wait3A_321 = tpu.memref_slice %arg3[%run_scoped3A, %mul3A_140, %dma_wait3A_320] : memref<2x6250x128xi32, #tpu.memory_space<hbm>> -> memref<1x5x128xi32, #tpu.memory_space<hbm>>
        %dma_wait3A_322 = tpu.memref_squeeze %dma_wait3A_321 : memref<1x5x128xi32, #tpu.memory_space<hbm>> -> memref<5x128xi32, #tpu.memory_space<hbm>>
        tpu.wait_dma2 semaphore(%run_scoped3A_310 : memref<!tpu.dma_semaphore, #tpu.memory_space<semaphore_mem>>) src(%dma_wait3A_322 : memref<5x128xi32, #tpu.memory_space<hbm>>) dst(%arg9 : memref<5x128xi32, #tpu.memory_space<vmem>>)
        tpu.yield
      }) : () -> ()
      %run_scoped3A_143 = arith.constant 1 : i32
      "tpu.region"() ({
        %run_scoped3A_310 = tpu.sem_alloc : memref<!tpu.dma_semaphore, #tpu.memory_space<semaphore_mem>>
        %dma_start3A_311 = arith.constant 0 : i32
        %dma_start3A_312 = tpu.memref_slice %arg3[%run_scoped3A_143, %mul3A_140, %dma_start3A_311] : memref<2x6250x128xi32, #tpu.memory_space<hbm>> -> memref<1x5x128xi32, #tpu.memory_space<hbm>>
        %dma_start3A_313 = tpu.memref_squeeze %dma_start3A_312 : memref<1x5x128xi32, #tpu.memory_space<hbm>> -> memref<5x128xi32, #tpu.memory_space<hbm>>
        %dma_start3A_314 = arith.constant 0 : i32
        %dma_start3A_315 = tpu.memref_slice %arg3[%run_scoped3A_143, %mul3A_140, %dma_start3A_314] : memref<2x6250x128xi32, #tpu.memory_space<hbm>> -> memref<1x5x128xi32, #tpu.memory_space<hbm>>
        %dma_start3A_316 = tpu.memref_squeeze %dma_start3A_315 : memref<1x5x128xi32, #tpu.memory_space<hbm>> -> memref<5x128xi32, #tpu.memory_space<hbm>>
        tpu.enqueue_dma source(%dma_start3A_316 : memref<5x128xi32, #tpu.memory_space<hbm>>) target(%arg10 : memref<5x128xi32, #tpu.memory_space<vmem>>) target_semaphore(%run_scoped3A_310 : memref<!tpu.dma_semaphore, #tpu.memory_space<semaphore_mem>>)
        %dma_wait3A_317 = arith.constant 0 : i32
        %dma_wait3A_318 = tpu.memref_slice %arg3[%run_scoped3A_143, %mul3A_140, %dma_wait3A_317] : memref<2x6250x128xi32, #tpu.memory_space<hbm>> -> memref<1x5x128xi32, #tpu.memory_space<hbm>>
        %dma_wait3A_319 = tpu.memref_squeeze %dma_wait3A_318 : memref<1x5x128xi32, #tpu.memory_space<hbm>> -> memref<5x128xi32, #tpu.memory_space<hbm>>
        %dma_wait3A_320 = arith.constant 0 : i32
        %dma_wait3A_321 = tpu.memref_slice %arg3[%run_scoped3A_143, %mul3A_140, %dma_wait3A_320] : memref<2x6250x128xi32, #tpu.memory_space<hbm>> -> memref<1x5x128xi32, #tpu.memory_space<hbm>>
        %dma_wait3A_322 = tpu.memref_squeeze %dma_wait3A_321 : memref<1x5x128xi32, #tpu.memory_space<hbm>> -> memref<5x128xi32, #tpu.memory_space<hbm>>
        tpu.wait_dma2 semaphore(%run_scoped3A_310 : memref<!tpu.dma_semaphore, #tpu.memory_space<semaphore_mem>>) src(%dma_wait3A_322 : memref<5x128xi32, #tpu.memory_space<hbm>>) dst(%arg10 : memref<5x128xi32, #tpu.memory_space<vmem>>)
        tpu.yield
      }) : () -> ()
      %get3A = arith.constant 0 : i32
      %get3A_144 = arith.index_cast %get3A : i32 to index
      %get3A_145 = arith.constant 0 : index
      %get3A_146 = tpu.vector_load %arg9[%get3A_144, %get3A_145] {strides = array<i32>} : memref<5x128xi32, #tpu.memory_space<vmem>>, vector<1x16xi32>,
      %get3A_147 = vector.shape_cast %get3A_146 : vector<1x16xi32> to vector<16xi32>
      %mul3A_148 = arith.constant 4 : i32
      %mul3A_149 = vector.broadcast %mul3A_148 : i32 to vector<16xi32>
      %mul3A_150 = arith.muli %get3A_147, %mul3A_149 : vector<16xi32>
      %add3A_151 = vector.broadcast %add3A_12 : i32 to vector<16xi32>
      %add3A_152 = arith.addi %mul3A_150, %add3A_151 : vector<16xi32>
      %swap3A = arith.constant 0 : index
      %swap3A_153 = tpu.vector_load %arg11[%swap3A] {strides = array<i32>} : memref<128xi32, #tpu.memory_space<vmem>>, vector<16xi32>,
      %swap3A_154 = vector.shape_cast %swap3A_153 : vector<16xi32> to vector<16xi32>
      %swap3A_155 = vector.shape_cast %add3A_152 : vector<16xi32> to vector<16xi32>
      tpu.vector_store %arg11[%swap3A], %swap3A_155 {strides = array<i32>} : memref<128xi32, #tpu.memory_space<vmem>>, vector<16xi32>,
      %get3A_156 = arith.constant 0 : i32
      %get3A_157 = arith.index_cast %get3A_156 : i32 to index
      %get3A_158 = arith.constant 16 : index
      %get3A_159 = tpu.vector_load %arg9[%get3A_157, %get3A_158] {strides = array<i32>} : memref<5x128xi32, #tpu.memory_space<vmem>>, vector<1x16xi32>,
      %get3A_160 = vector.shape_cast %get3A_159 : vector<1x16xi32> to vector<16xi32>
      %mul3A_161 = arith.constant 4 : i32
      %mul3A_162 = vector.broadcast %mul3A_161 : i32 to vector<16xi32>
      %mul3A_163 = arith.muli %get3A_160, %mul3A_162 : vector<16xi32>
      %add3A_164 = vector.broadcast %add3A_12 : i32 to vector<16xi32>
      %add3A_165 = arith.addi %mul3A_163, %add3A_164 : vector<16xi32>
      %swap3A_166 = arith.constant 16 : index
      %swap3A_167 = tpu.vector_load %arg11[%swap3A_166] {strides = array<i32>} : memref<128xi32, #tpu.memory_space<vmem>>, vector<16xi32>,
      %swap3A_168 = vector.shape_cast %swap3A_167 : vector<16xi32> to vector<16xi32>
      %swap3A_169 = vector.shape_cast %add3A_165 : vector<16xi32> to vector<16xi32>
      tpu.vector_store %arg11[%swap3A_166], %swap3A_169 {strides = array<i32>} : memref<128xi32, #tpu.memory_space<vmem>>, vector<16xi32>,
      %get3A_170 = arith.constant 0 : i32
      %get3A_171 = arith.index_cast %get3A_170 : i32 to index
      %get3A_172 = arith.constant 32 : index
      %get3A_173 = tpu.vector_load %arg9[%get3A_171, %get3A_172] {strides = array<i32>} : memref<5x128xi32, #tpu.memory_space<vmem>>, vector<1x16xi32>,
      %get3A_174 = vector.shape_cast %get3A_173 : vector<1x16xi32> to vector<16xi32>
      %mul3A_175 = arith.constant 4 : i32
      %mul3A_176 = vector.broadcast %mul3A_175 : i32 to vector<16xi32>
      %mul3A_177 = arith.muli %get3A_174, %mul3A_176 : vector<16xi32>
      %add3A_178 = vector.broadcast %add3A_12 : i32 to vector<16xi32>
      %add3A_179 = arith.addi %mul3A_177, %add3A_178 : vector<16xi32>
      %swap3A_180 = arith.constant 32 : index
      %swap3A_181 = tpu.vector_load %arg11[%swap3A_180] {strides = array<i32>} : memref<128xi32, #tpu.memory_space<vmem>>, vector<16xi32>,
      %swap3A_182 = vector.shape_cast %swap3A_181 : vector<16xi32> to vector<16xi32>
      %swap3A_183 = vector.shape_cast %add3A_179 : vector<16xi32> to vector<16xi32>
      tpu.vector_store %arg11[%swap3A_180], %swap3A_183 {strides = array<i32>} : memref<128xi32, #tpu.memory_space<vmem>>, vector<16xi32>,
      %get3A_184 = arith.constant 0 : i32
      %get3A_185 = arith.index_cast %get3A_184 : i32 to index
      %get3A_186 = arith.constant 48 : index
      %get3A_187 = tpu.vector_load %arg9[%get3A_185, %get3A_186] {strides = array<i32>} : memref<5x128xi32, #tpu.memory_space<vmem>>, vector<1x16xi32>,
      %get3A_188 = vector.shape_cast %get3A_187 : vector<1x16xi32> to vector<16xi32>
      %mul3A_189 = arith.constant 4 : i32
      %mul3A_190 = vector.broadcast %mul3A_189 : i32 to vector<16xi32>
      %mul3A_191 = arith.muli %get3A_188, %mul3A_190 : vector<16xi32>
      %add3A_192 = vector.broadcast %add3A_12 : i32 to vector<16xi32>
      %add3A_193 = arith.addi %mul3A_191, %add3A_192 : vector<16xi32>
      %swap3A_194 = arith.constant 48 : index
      %swap3A_195 = tpu.vector_load %arg11[%swap3A_194] {strides = array<i32>} : memref<128xi32, #tpu.memory_space<vmem>>, vector<16xi32>,
      %swap3A_196 = vector.shape_cast %swap3A_195 : vector<16xi32> to vector<16xi32>
      %swap3A_197 = vector.shape_cast %add3A_193 : vector<16xi32> to vector<16xi32>
      tpu.vector_store %arg11[%swap3A_194], %swap3A_197 {strides = array<i32>} : memref<128xi32, #tpu.memory_space<vmem>>, vector<16xi32>,
      %get3A_198 = arith.constant 0 : i32
      %get3A_199 = arith.index_cast %get3A_198 : i32 to index
      %get3A_200 = arith.constant 64 : index
      %get3A_201 = tpu.vector_load %arg9[%get3A_199, %get3A_200] {strides = array<i32>} : memref<5x128xi32, #tpu.memory_space<vmem>>, vector<1x16xi32>,
      %get3A_202 = vector.shape_cast %get3A_201 : vector<1x16xi32> to vector<16xi32>
      %mul3A_203 = arith.constant 4 : i32
      %mul3A_204 = vector.broadcast %mul3A_203 : i32 to vector<16xi32>
      %mul3A_205 = arith.muli %get3A_202, %mul3A_204 : vector<16xi32>
      %add3A_206 = vector.broadcast %add3A_12 : i32 to vector<16xi32>
      %add3A_207 = arith.addi %mul3A_205, %add3A_206 : vector<16xi32>
      %swap3A_208 = arith.constant 64 : index
      %swap3A_209 = tpu.vector_load %arg11[%swap3A_208] {strides = array<i32>} : memref<128xi32, #tpu.memory_space<vmem>>, vector<16xi32>,
      %swap3A_210 = vector.shape_cast %swap3A_209 : vector<16xi32> to vector<16xi32>
      %swap3A_211 = vector.shape_cast %add3A_207 : vector<16xi32> to vector<16xi32>
      tpu.vector_store %arg11[%swap3A_208], %swap3A_211 {strides = array<i32>} : memref<128xi32, #tpu.memory_space<vmem>>, vector<16xi32>,
      %get3A_212 = arith.constant 0 : i32
      %get3A_213 = arith.index_cast %get3A_212 : i32 to index
      %get3A_214 = arith.constant 80 : index
      %get3A_215 = tpu.vector_load %arg9[%get3A_213, %get3A_214] {strides = array<i32>} : memref<5x128xi32, #tpu.memory_space<vmem>>, vector<1x16xi32>,
      %get3A_216 = vector.shape_cast %get3A_215 : vector<1x16xi32> to vector<16xi32>
      %mul3A_217 = arith.constant 4 : i32
      %mul3A_218 = vector.broadcast %mul3A_217 : i32 to vector<16xi32>
      %mul3A_219 = arith.muli %get3A_216, %mul3A_218 : vector<16xi32>
      %add3A_220 = vector.broadcast %add3A_12 : i32 to vector<16xi32>
      %add3A_221 = arith.addi %mul3A_219, %add3A_220 : vector<16xi32>
      %swap3A_222 = arith.constant 80 : index
      %swap3A_223 = tpu.vector_load %arg11[%swap3A_222] {strides = array<i32>} : memref<128xi32, #tpu.memory_space<vmem>>, vector<16xi32>,
      %swap3A_224 = vector.shape_cast %swap3A_223 : vector<16xi32> to vector<16xi32>
      %swap3A_225 = vector.shape_cast %add3A_221 : vector<16xi32> to vector<16xi32>
      tpu.vector_store %arg11[%swap3A_222], %swap3A_225 {strides = array<i32>} : memref<128xi32, #tpu.memory_space<vmem>>, vector<16xi32>,
      %get3A_226 = arith.constant 0 : i32
      %get3A_227 = arith.index_cast %get3A_226 : i32 to index
      %get3A_228 = arith.constant 96 : index
      %get3A_229 = tpu.vector_load %arg9[%get3A_227, %get3A_228] {strides = array<i32>} : memref<5x128xi32, #tpu.memory_space<vmem>>, vector<1x16xi32>,
      %get3A_230 = vector.shape_cast %get3A_229 : vector<1x16xi32> to vector<16xi32>
      %mul3A_231 = arith.constant 4 : i32
      %mul3A_232 = vector.broadcast %mul3A_231 : i32 to vector<16xi32>
      %mul3A_233 = arith.muli %get3A_230, %mul3A_232 : vector<16xi32>
      %add3A_234 = vector.broadcast %add3A_12 : i32 to vector<16xi32>
      %add3A_235 = arith.addi %mul3A_233, %add3A_234 : vector<16xi32>
      %swap3A_236 = arith.constant 96 : index
      %swap3A_237 = tpu.vector_load %arg11[%swap3A_236] {strides = array<i32>} : memref<128xi32, #tpu.memory_space<vmem>>, vector<16xi32>,
      %swap3A_238 = vector.shape_cast %swap3A_237 : vector<16xi32> to vector<16xi32>
      %swap3A_239 = vector.shape_cast %add3A_235 : vector<16xi32> to vector<16xi32>
      tpu.vector_store %arg11[%swap3A_236], %swap3A_239 {strides = array<i32>} : memref<128xi32, #tpu.memory_space<vmem>>, vector<16xi32>,
      %get3A_240 = arith.constant 0 : i32
      %get3A_241 = arith.index_cast %get3A_240 : i32 to index
      %get3A_242 = arith.constant 112 : index
      %get3A_243 = tpu.vector_load %arg9[%get3A_241, %get3A_242] {strides = array<i32>} : memref<5x128xi32, #tpu.memory_space<vmem>>, vector<1x16xi32>,
      %get3A_244 = vector.shape_cast %get3A_243 : vector<1x16xi32> to vector<16xi32>
      %mul3A_245 = arith.constant 4 : i32
      %mul3A_246 = vector.broadcast %mul3A_245 : i32 to vector<16xi32>
      %mul3A_247 = arith.muli %get3A_244, %mul3A_246 : vector<16xi32>
      %add3A_248 = vector.broadcast %add3A_12 : i32 to vector<16xi32>
      %add3A_249 = arith.addi %mul3A_247, %add3A_248 : vector<16xi32>
      %swap3A_250 = arith.constant 112 : index
      %swap3A_251 = tpu.vector_load %arg11[%swap3A_250] {strides = array<i32>} : memref<128xi32, #tpu.memory_space<vmem>>, vector<16xi32>,
      %swap3A_252 = vector.shape_cast %swap3A_251 : vector<16xi32> to vector<16xi32>
      %swap3A_253 = vector.shape_cast %add3A_249 : vector<16xi32> to vector<16xi32>
      tpu.vector_store %arg11[%swap3A_250], %swap3A_253 {strides = array<i32>} : memref<128xi32, #tpu.memory_space<vmem>>, vector<16xi32>,
      %dma_start3A = arith.constant 0 : i32
      %dma_start3A_254 = arith.constant 0 : i32
      %dma_start3A_255 = tpu.memref_slice %arg2[%dma_start3A, %dma_start3A_254] : memref<200000x16xf32, #tpu.memory_space<hbm>> -> memref<200000x16xf32, #tpu.memory_space<hbm>>
      tpu.enqueue_indirect_dma source(%dma_start3A_255 : memref<200000x16xf32, #tpu.memory_space<hbm>>) target(%arg13 : memref<128x16xf32, #tpu.memory_space<vmem>>) offsets(%arg11 : memref<128xi32, #tpu.memory_space<vmem>>) semaphore(%arg21 : memref<!tpu.dma_semaphore, #tpu.memory_space<semaphore_mem>>)
      %add3A_256 = arith.constant 0 : i32
      %add3A_257 = arith.addi %mul3A_140, %add3A_256 : i32
      %mul3A_258 = arith.constant 64 : i32
      %mul3A_259 = arith.muli %add3A_257, %mul3A_258 : i32
      %dma_start3A_260 = arith.constant 0 : i32
      %dma_start3A_261 = tpu.memref_slice %arg4[%mul3A_259, %dma_start3A_260] : memref<400000x128xf32, #tpu.memory_space<hbm>> -> memref<64x128xf32, #tpu.memory_space<hbm>>
      %dma_start3A_262 = arith.constant 0 : i32
      %dma_start3A_263 = tpu.memref_slice %arg4[%mul3A_259, %dma_start3A_262] : memref<400000x128xf32, #tpu.memory_space<hbm>> -> memref<64x128xf32, #tpu.memory_space<hbm>>
      tpu.enqueue_dma source(%dma_start3A_263 : memref<64x128xf32, #tpu.memory_space<hbm>>) target(%arg15 : memref<64x128xf32, #tpu.memory_space<vmem>>) target_semaphore(%arg21 : memref<!tpu.dma_semaphore, #tpu.memory_space<semaphore_mem>>)
      %scan3A_264 = arith.constant 0 : i32
      %scan3A_265 = arith.constant 2 : i32
      %scan3A_266 = arith.addi %scan3A_264, %scan3A_265 : i32
      %scan3A_267 = arith.constant 1 : i32
      scf.for %scan3A_310 = %scan3A_264 to %scan3A_266 step %scan3A_267  : i32 {
        %mul3A_311 = arith.constant 1 : i32
        %mul3A_312 = arith.muli %scan3A_310, %mul3A_311 : i32
        %add3A_313 = arith.constant 0 : i32
        %add3A_314 = arith.addi %add3A_313, %mul3A_312 : i32
        %mul3A_315 = arith.constant 2 : i32
        %mul3A_316 = arith.muli %mul3A_315, %add3A_314 : i32
        %add3A_317 = arith.constant 1 : i32
        %add3A_318 = arith.addi %mul3A_316, %add3A_317 : i32
        %gt3A_319 = arith.constant 0 : i32
        %gt3A_320 = arith.cmpi sgt, %add3A_314, %gt3A_319 : i32
        %get3A_321 = arith.index_cast %add3A_318 : i32 to index
        %get3A_322 = arith.constant 0 : index
        %get3A_323 = tpu.vector_load %arg9[%get3A_321, %get3A_322] {strides = array<i32>} : memref<5x128xi32, #tpu.memory_space<vmem>>, vector<1x16xi32>,
        %get3A_324 = vector.shape_cast %get3A_323 : vector<1x16xi32> to vector<16xi32>
        %mul3A_325 = arith.constant 4 : i32
        %mul3A_326 = vector.broadcast %mul3A_325 : i32 to vector<16xi32>
        %mul3A_327 = arith.muli %get3A_324, %mul3A_326 : vector<16xi32>
        %add3A_328 = vector.broadcast %add3A_12 : i32 to vector<16xi32>
        %add3A_329 = arith.addi %mul3A_327, %add3A_328 : vector<16xi32>
        %swap3A_330 = arith.constant 0 : index
        %swap3A_331 = tpu.vector_load %arg12[%swap3A_330] {strides = array<i32>} : memref<128xi32, #tpu.memory_space<vmem>>, vector<16xi32>,
        %swap3A_332 = vector.shape_cast %swap3A_331 : vector<16xi32> to vector<16xi32>
        %swap3A_333 = vector.shape_cast %add3A_329 : vector<16xi32> to vector<16xi32>
        tpu.vector_store %arg12[%swap3A_330], %swap3A_333 {strides = array<i32>} : memref<128xi32, #tpu.memory_space<vmem>>, vector<16xi32>,
        %get3A_334 = arith.index_cast %add3A_318 : i32 to index
        %get3A_335 = arith.constant 16 : index
        %get3A_336 = tpu.vector_load %arg9[%get3A_334, %get3A_335] {strides = array<i32>} : memref<5x128xi32, #tpu.memory_space<vmem>>, vector<1x16xi32>,
        %get3A_337 = vector.shape_cast %get3A_336 : vector<1x16xi32> to vector<16xi32>
        %mul3A_338 = arith.constant 4 : i32
        %mul3A_339 = vector.broadcast %mul3A_338 : i32 to vector<16xi32>
        %mul3A_340 = arith.muli %get3A_337, %mul3A_339 : vector<16xi32>
        %add3A_341 = vector.broadcast %add3A_12 : i32 to vector<16xi32>
        %add3A_342 = arith.addi %mul3A_340, %add3A_341 : vector<16xi32>
        %swap3A_343 = arith.constant 16 : index
        %swap3A_344 = tpu.vector_load %arg12[%swap3A_343] {strides = array<i32>} : memref<128xi32, #tpu.memory_space<vmem>>, vector<16xi32>,
        %swap3A_345 = vector.shape_cast %swap3A_344 : vector<16xi32> to vector<16xi32>
        %swap3A_346 = vector.shape_cast %add3A_342 : vector<16xi32> to vector<16xi32>
        tpu.vector_store %arg12[%swap3A_343], %swap3A_346 {strides = array<i32>} : memref<128xi32, #tpu.memory_space<vmem>>, vector<16xi32>,
        %get3A_347 = arith.index_cast %add3A_318 : i32 to index
        %get3A_348 = arith.constant 32 : index
        %get3A_349 = tpu.vector_load %arg9[%get3A_347, %get3A_348] {strides = array<i32>} : memref<5x128xi32, #tpu.memory_space<vmem>>, vector<1x16xi32>,
        %get3A_350 = vector.shape_cast %get3A_349 : vector<1x16xi32> to vector<16xi32>
        %mul3A_351 = arith.constant 4 : i32
        %mul3A_352 = vector.broadcast %mul3A_351 : i32 to vector<16xi32>
        %mul3A_353 = arith.muli %get3A_350, %mul3A_352 : vector<16xi32>
        %add3A_354 = vector.broadcast %add3A_12 : i32 to vector<16xi32>
        %add3A_355 = arith.addi %mul3A_353, %add3A_354 : vector<16xi32>
        %swap3A_356 = arith.constant 32 : index
        %swap3A_357 = tpu.vector_load %arg12[%swap3A_356] {strides = array<i32>} : memref<128xi32, #tpu.memory_space<vmem>>, vector<16xi32>,
        %swap3A_358 = vector.shape_cast %swap3A_357 : vector<16xi32> to vector<16xi32>
        %swap3A_359 = vector.shape_cast %add3A_355 : vector<16xi32> to vector<16xi32>
        tpu.vector_store %arg12[%swap3A_356], %swap3A_359 {strides = array<i32>} : memref<128xi32, #tpu.memory_space<vmem>>, vector<16xi32>,
        %get3A_360 = arith.index_cast %add3A_318 : i32 to index
        %get3A_361 = arith.constant 48 : index
        %get3A_362 = tpu.vector_load %arg9[%get3A_360, %get3A_361] {strides = array<i32>} : memref<5x128xi32, #tpu.memory_space<vmem>>, vector<1x16xi32>,
        %get3A_363 = vector.shape_cast %get3A_362 : vector<1x16xi32> to vector<16xi32>
        %mul3A_364 = arith.constant 4 : i32
        %mul3A_365 = vector.broadcast %mul3A_364 : i32 to vector<16xi32>
        %mul3A_366 = arith.muli %get3A_363, %mul3A_365 : vector<16xi32>
        %add3A_367 = vector.broadcast %add3A_12 : i32 to vector<16xi32>
        %add3A_368 = arith.addi %mul3A_366, %add3A_367 : vector<16xi32>
        %swap3A_369 = arith.constant 48 : index
        %swap3A_370 = tpu.vector_load %arg12[%swap3A_369] {strides = array<i32>} : memref<128xi32, #tpu.memory_space<vmem>>, vector<16xi32>,
        %swap3A_371 = vector.shape_cast %swap3A_370 : vector<16xi32> to vector<16xi32>
        %swap3A_372 = vector.shape_cast %add3A_368 : vector<16xi32> to vector<16xi32>
        tpu.vector_store %arg12[%swap3A_369], %swap3A_372 {strides = array<i32>} : memref<128xi32, #tpu.memory_space<vmem>>, vector<16xi32>,
        %get3A_373 = arith.index_cast %add3A_318 : i32 to index
        %get3A_374 = arith.constant 64 : index
        %get3A_375 = tpu.vector_load %arg9[%get3A_373, %get3A_374] {strides = array<i32>} : memref<5x128xi32, #tpu.memory_space<vmem>>, vector<1x16xi32>,
        %get3A_376 = vector.shape_cast %get3A_375 : vector<1x16xi32> to vector<16xi32>
        %mul3A_377 = arith.constant 4 : i32
        %mul3A_378 = vector.broadcast %mul3A_377 : i32 to vector<16xi32>
        %mul3A_379 = arith.muli %get3A_376, %mul3A_378 : vector<16xi32>
        %add3A_380 = vector.broadcast %add3A_12 : i32 to vector<16xi32>
        %add3A_381 = arith.addi %mul3A_379, %add3A_380 : vector<16xi32>
        %swap3A_382 = arith.constant 64 : index
        %swap3A_383 = tpu.vector_load %arg12[%swap3A_382] {strides = array<i32>} : memref<128xi32, #tpu.memory_space<vmem>>, vector<16xi32>,
        %swap3A_384 = vector.shape_cast %swap3A_383 : vector<16xi32> to vector<16xi32>
        %swap3A_385 = vector.shape_cast %add3A_381 : vector<16xi32> to vector<16xi32>
        tpu.vector_store %arg12[%swap3A_382], %swap3A_385 {strides = array<i32>} : memref<128xi32, #tpu.memory_space<vmem>>, vector<16xi32>,
        %get3A_386 = arith.index_cast %add3A_318 : i32 to index
        %get3A_387 = arith.constant 80 : index
        %get3A_388 = tpu.vector_load %arg9[%get3A_386, %get3A_387] {strides = array<i32>} : memref<5x128xi32, #tpu.memory_space<vmem>>, vector<1x16xi32>,
        %get3A_389 = vector.shape_cast %get3A_388 : vector<1x16xi32> to vector<16xi32>
        %mul3A_390 = arith.constant 4 : i32
        %mul3A_391 = vector.broadcast %mul3A_390 : i32 to vector<16xi32>
        %mul3A_392 = arith.muli %get3A_389, %mul3A_391 : vector<16xi32>
        %add3A_393 = vector.broadcast %add3A_12 : i32 to vector<16xi32>
        %add3A_394 = arith.addi %mul3A_392, %add3A_393 : vector<16xi32>
        %swap3A_395 = arith.constant 80 : index
        %swap3A_396 = tpu.vector_load %arg12[%swap3A_395] {strides = array<i32>} : memref<128xi32, #tpu.memory_space<vmem>>, vector<16xi32>,
        %swap3A_397 = vector.shape_cast %swap3A_396 : vector<16xi32> to vector<16xi32>
        %swap3A_398 = vector.shape_cast %add3A_394 : vector<16xi32> to vector<16xi32>
        tpu.vector_store %arg12[%swap3A_395], %swap3A_398 {strides = array<i32>} : memref<128xi32, #tpu.memory_space<vmem>>, vector<16xi32>,
        %get3A_399 = arith.index_cast %add3A_318 : i32 to index
        %get3A_400 = arith.constant 96 : index
        %get3A_401 = tpu.vector_load %arg9[%get3A_399, %get3A_400] {strides = array<i32>} : memref<5x128xi32, #tpu.memory_space<vmem>>, vector<1x16xi32>,
        %get3A_402 = vector.shape_cast %get3A_401 : vector<1x16xi32> to vector<16xi32>
        %mul3A_403 = arith.constant 4 : i32
        %mul3A_404 = vector.broadcast %mul3A_403 : i32 to vector<16xi32>
        %mul3A_405 = arith.muli %get3A_402, %mul3A_404 : vector<16xi32>
        %add3A_406 = vector.broadcast %add3A_12 : i32 to vector<16xi32>
        %add3A_407 = arith.addi %mul3A_405, %add3A_406 : vector<16xi32>
        %swap3A_408 = arith.constant 96 : index
        %swap3A_409 = tpu.vector_load %arg12[%swap3A_408] {strides = array<i32>} : memref<128xi32, #tpu.memory_space<vmem>>, vector<16xi32>,
        %swap3A_410 = vector.shape_cast %swap3A_409 : vector<16xi32> to vector<16xi32>
        %swap3A_411 = vector.shape_cast %add3A_407 : vector<16xi32> to vector<16xi32>
        tpu.vector_store %arg12[%swap3A_408], %swap3A_411 {strides = array<i32>} : memref<128xi32, #tpu.memory_space<vmem>>, vector<16xi32>,
        %get3A_412 = arith.index_cast %add3A_318 : i32 to index
        %get3A_413 = arith.constant 112 : index
        %get3A_414 = tpu.vector_load %arg9[%get3A_412, %get3A_413] {strides = array<i32>} : memref<5x128xi32, #tpu.memory_space<vmem>>, vector<1x16xi32>,
        %get3A_415 = vector.shape_cast %get3A_414 : vector<1x16xi32> to vector<16xi32>
        %mul3A_416 = arith.constant 4 : i32
        %mul3A_417 = vector.broadcast %mul3A_416 : i32 to vector<16xi32>
        %mul3A_418 = arith.muli %get3A_415, %mul3A_417 : vector<16xi32>
        %add3A_419 = vector.broadcast %add3A_12 : i32 to vector<16xi32>
        %add3A_420 = arith.addi %mul3A_418, %add3A_419 : vector<16xi32>
        %swap3A_421 = arith.constant 112 : index
        %swap3A_422 = tpu.vector_load %arg12[%swap3A_421] {strides = array<i32>} : memref<128xi32, #tpu.memory_space<vmem>>, vector<16xi32>,
        %swap3A_423 = vector.shape_cast %swap3A_422 : vector<16xi32> to vector<16xi32>
        %swap3A_424 = vector.shape_cast %add3A_420 : vector<16xi32> to vector<16xi32>
        tpu.vector_store %arg12[%swap3A_421], %swap3A_424 {strides = array<i32>} : memref<128xi32, #tpu.memory_space<vmem>>, vector<16xi32>,
        %dma_start3A_425 = arith.constant 0 : i32
        %dma_start3A_426 = arith.constant 0 : i32
        %dma_start3A_427 = tpu.memref_slice %arg2[%dma_start3A_425, %dma_start3A_426] : memref<200000x16xf32, #tpu.memory_space<hbm>> -> memref<200000x16xf32, #tpu.memory_space<hbm>>
        tpu.enqueue_indirect_dma source(%dma_start3A_427 : memref<200000x16xf32, #tpu.memory_space<hbm>>) target(%arg14 : memref<128x16xf32, #tpu.memory_space<vmem>>) offsets(%arg12 : memref<128xi32, #tpu.memory_space<vmem>>) semaphore(%arg22 : memref<!tpu.dma_semaphore, #tpu.memory_space<semaphore_mem>>)
        %add3A_428 = arith.addi %mul3A_140, %add3A_318 : i32
        %mul3A_429 = arith.constant 64 : i32
        %mul3A_430 = arith.muli %add3A_428, %mul3A_429 : i32
        %dma_start3A_431 = arith.constant 0 : i32
        %dma_start3A_432 = tpu.memref_slice %arg4[%mul3A_430, %dma_start3A_431] : memref<400000x128xf32, #tpu.memory_space<hbm>> -> memref<64x128xf32, #tpu.memory_space<hbm>>
        %dma_start3A_433 = arith.constant 0 : i32
        %dma_start3A_434 = tpu.memref_slice %arg4[%mul3A_430, %dma_start3A_433] : memref<400000x128xf32, #tpu.memory_space<hbm>> -> memref<64x128xf32, #tpu.memory_space<hbm>>
        tpu.enqueue_dma source(%dma_start3A_434 : memref<64x128xf32, #tpu.memory_space<hbm>>) target(%arg16 : memref<64x128xf32, #tpu.memory_space<vmem>>) target_semaphore(%arg22 : memref<!tpu.dma_semaphore, #tpu.memory_space<semaphore_mem>>)
        %dma_wait3A_435 = arith.constant 0 : i32
        %dma_wait3A_436 = arith.constant 0 : i32
        %dma_wait3A_437 = tpu.memref_slice %arg2[%dma_wait3A_435, %dma_wait3A_436] : memref<200000x16xf32, #tpu.memory_space<hbm>> -> memref<200000x16xf32, #tpu.memory_space<hbm>>
        tpu.wait_indirect_dma semaphore(%arg21 : memref<!tpu.dma_semaphore, #tpu.memory_space<semaphore_mem>>) src(%dma_wait3A_437 : memref<200000x16xf32, #tpu.memory_space<hbm>>) dst(%arg13 : memref<128x16xf32, #tpu.memory_space<vmem>>)
        %dma_wait3A_438 = arith.constant 0 : i32
        %dma_wait3A_439 = arith.constant 0 : i32
        %dma_wait3A_440 = tpu.memref_slice %arg4[%dma_wait3A_438, %dma_wait3A_439] : memref<400000x128xf32, #tpu.memory_space<hbm>> -> memref<64x128xf32, #tpu.memory_space<hbm>>
        %dma_wait3A_441 = arith.constant 0 : i32
        %dma_wait3A_442 = arith.constant 0 : i32
        %dma_wait3A_443 = tpu.memref_slice %arg4[%dma_wait3A_441, %dma_wait3A_442] : memref<400000x128xf32, #tpu.memory_space<hbm>> -> memref<64x128xf32, #tpu.memory_space<hbm>>
        tpu.wait_dma2 semaphore(%arg21 : memref<!tpu.dma_semaphore, #tpu.memory_space<semaphore_mem>>) src(%dma_wait3A_443 : memref<64x128xf32, #tpu.memory_space<hbm>>) dst(%arg15 : memref<64x128xf32, #tpu.memory_space<vmem>>)
        %convert_element_type3A_444 = arith.extui %gt3A_320 : i1 to i32
        %cond3A_445 = arith.constant 0 : i32
        %cond3A_446 = arith.cmpi ne, %convert_element_type3A_444, %cond3A_445 : i32
        scf.if %cond3A_446 {
          %dma_wait3A_613 = arith.constant 0 : i32
          %dma_wait3A_614 = arith.constant 0 : i32
          %dma_wait3A_615 = tpu.memref_slice %arg10[%dma_wait3A_613, %dma_wait3A_614] : memref<5x128xi32, #tpu.memory_space<vmem>> -> memref<1x128xi32, #tpu.memory_space<vmem>>
          %dma_wait3A_616 = tpu.memref_squeeze %dma_wait3A_615 : memref<1x128xi32, #tpu.memory_space<vmem>> -> memref<128xi32, #tpu.memory_space<vmem>>
          %dma_wait3A_617 = arith.constant 0 : i32
          %dma_wait3A_618 = arith.constant 0 : i32
          %dma_wait3A_619 = tpu.memref_slice %arg7[%dma_wait3A_617, %dma_wait3A_618] : memref<50000x16xf32, #tpu.memory_space<vmem_shared>> -> memref<50000x16xf32, #tpu.memory_space<vmem_shared>>
          tpu.wait_indirect_dma semaphore(%arg23 : memref<!tpu.dma_semaphore, #tpu.memory_space<semaphore_mem>>) src(%arg17 : memref<128x16xf32, #tpu.memory_space<vmem>>) dst(%dma_wait3A_619 : memref<50000x16xf32, #tpu.memory_space<vmem_shared>>)
          %dma_wait3A_620 = arith.constant 0 : i32
          %dma_wait3A_621 = arith.constant 0 : i32
          %dma_wait3A_622 = tpu.memref_slice %arg10[%dma_wait3A_620, %dma_wait3A_621] : memref<5x128xi32, #tpu.memory_space<vmem>> -> memref<1x128xi32, #tpu.memory_space<vmem>>
          %dma_wait3A_623 = tpu.memref_squeeze %dma_wait3A_622 : memref<1x128xi32, #tpu.memory_space<vmem>> -> memref<128xi32, #tpu.memory_space<vmem>>
          %dma_wait3A_624 = arith.constant 0 : i32
          %dma_wait3A_625 = arith.constant 0 : i32
          %dma_wait3A_626 = tpu.memref_slice %arg8[%dma_wait3A_624, %dma_wait3A_625] : memref<50000x16xf32, #tpu.memory_space<vmem_shared>> -> memref<50000x16xf32, #tpu.memory_space<vmem_shared>>
          tpu.wait_indirect_dma semaphore(%arg23 : memref<!tpu.dma_semaphore, #tpu.memory_space<semaphore_mem>>) src(%arg19 : memref<128x16xf32, #tpu.memory_space<vmem>>) dst(%dma_wait3A_626 : memref<50000x16xf32, #tpu.memory_space<vmem_shared>>)
        } else {
        }
        %mul3A_447 = arith.constant 16 : i32
        %mul3A_448 = arith.muli %add3A_12, %mul3A_447 : i32
        %parallel_loop3A_449 = arith.constant 0 : i32
        %parallel_loop3A_450 = arith.constant 128 : i32
        %parallel_loop3A_451 = arith.constant 1 : i32
        scf.for %parallel_loop3A_613 = %parallel_loop3A_449 to %parallel_loop3A_450 step %parallel_loop3A_451  : i32 {
          %parallel_loop3A_614 = arith.constant 6 : i32
          %parallel_loop3A_615 = arith.shli %parallel_loop3A_613, %parallel_loop3A_614 : i32
          %parallel_loop3A_616 = arith.addi %parallel_loop3A_615, %mul3A_448 : i32
          %parallel_loop3A_617 = arith.constant 7 : i32
          %parallel_loop3A_618 = arith.shrsi %parallel_loop3A_616, %parallel_loop3A_617 : i32
          %parallel_loop3A_619 = arith.constant 127 : i32
          %parallel_loop3A_620 = arith.andi %parallel_loop3A_616, %parallel_loop3A_619 : i32
          %parallel_loop3A_621 = arith.index_cast %parallel_loop3A_618 : i32 to index
          %parallel_loop3A_622 = arith.index_cast %parallel_loop3A_620 : i32 to index
          %parallel_loop3A_623 = tpu.vector_load %arg15[%parallel_loop3A_621, %parallel_loop3A_622] {strides = array<i32>} : memref<64x128xf32, #tpu.memory_space<vmem>>, vector<1x16xf32>,
          %parallel_loop3A_624 = vector.shape_cast %parallel_loop3A_623 : vector<1x16xf32> to vector<16xf32>
          %parallel_loop3A_625 = arith.index_cast %parallel_loop3A_613 : i32 to index
          %parallel_loop3A_626 = arith.constant 0 : index
          %parallel_loop3A_627 = tpu.vector_load %arg13[%parallel_loop3A_625, %parallel_loop3A_626] {strides = array<i32>} : memref<128x16xf32, #tpu.memory_space<vmem>>, vector<1x16xf32>,
          %parallel_loop3A_628 = vector.shape_cast %parallel_loop3A_627 : vector<1x16xf32> to vector<16xf32>
          %parallel_loop3A_629 = arith.addf %parallel_loop3A_628, %parallel_loop3A_624 : vector<16xf32>
          %parallel_loop3A_630 = arith.constant 0.000000e+00 : f32
          %parallel_loop3A_631 = vector.broadcast %parallel_loop3A_630 : f32 to vector<16xf32>
          %parallel_loop3A_632 = arith.maximumf %parallel_loop3A_629, %parallel_loop3A_631 : vector<16xf32>
          %parallel_loop3A_633 = arith.constant 1.000000e-07 : f32
          %parallel_loop3A_634 = vector.broadcast %parallel_loop3A_633 : f32 to vector<16xf32>
          %parallel_loop3A_635 = arith.addf %parallel_loop3A_632, %parallel_loop3A_634 : vector<16xf32>
          %parallel_loop3A_636 = math.exp %parallel_loop3A_635 : vector<16xf32>
          %parallel_loop3A_637 = arith.index_cast %parallel_loop3A_613 : i32 to index
          %parallel_loop3A_638 = arith.constant 0 : index
          %parallel_loop3A_639 = tpu.vector_load %arg17[%parallel_loop3A_637, %parallel_loop3A_638] {strides = array<i32>} : memref<128x16xf32, #tpu.memory_space<vmem>>, vector<1x16xf32>,
          %parallel_loop3A_640 = vector.shape_cast %parallel_loop3A_639 : vector<1x16xf32> to vector<16xf32>
          %parallel_loop3A_641 = vector.shape_cast %parallel_loop3A_636 : vector<16xf32> to vector<1x16xf32>
          tpu.vector_store %arg17[%parallel_loop3A_637, %parallel_loop3A_638], %parallel_loop3A_641 {strides = array<i32>} : memref<128x16xf32, #tpu.memory_space<vmem>>, vector<1x16xf32>,
          %parallel_loop3A_642 = arith.mulf %parallel_loop3A_635, %parallel_loop3A_636 : vector<16xf32>
          %parallel_loop3A_643 = arith.index_cast %parallel_loop3A_613 : i32 to index
          %parallel_loop3A_644 = arith.constant 0 : index
          %parallel_loop3A_645 = tpu.vector_load %arg19[%parallel_loop3A_643, %parallel_loop3A_644] {strides = array<i32>} : memref<128x16xf32, #tpu.memory_space<vmem>>, vector<1x16xf32>,
          %parallel_loop3A_646 = vector.shape_cast %parallel_loop3A_645 : vector<1x16xf32> to vector<16xf32>
          %parallel_loop3A_647 = vector.shape_cast %parallel_loop3A_642 : vector<16xf32> to vector<1x16xf32>
          tpu.vector_store %arg19[%parallel_loop3A_643, %parallel_loop3A_644], %parallel_loop3A_647 {strides = array<i32>} : memref<128x16xf32, #tpu.memory_space<vmem>>, vector<1x16xf32>,
        } {sc.loop_unroll_factor = 8 : i64, sc.parallel_access}
        %dma_start3A_452 = arith.constant 0 : i32
        %dma_start3A_453 = tpu.memref_slice %arg10[%mul3A_316, %dma_start3A_452] : memref<5x128xi32, #tpu.memory_space<vmem>> -> memref<1x128xi32, #tpu.memory_space<vmem>>
        %dma_start3A_454 = tpu.memref_squeeze %dma_start3A_453 : memref<1x128xi32, #tpu.memory_space<vmem>> -> memref<128xi32, #tpu.memory_space<vmem>>
        %dma_start3A_455 = arith.constant 0 : i32
        %dma_start3A_456 = arith.constant 0 : i32
        %dma_start3A_457 = tpu.memref_slice %arg7[%dma_start3A_455, %dma_start3A_456] : memref<50000x16xf32, #tpu.memory_space<vmem_shared>> -> memref<50000x16xf32, #tpu.memory_space<vmem_shared>>
        tpu.enqueue_indirect_dma source(%arg17 : memref<128x16xf32, #tpu.memory_space<vmem>>) target(%dma_start3A_457 : memref<50000x16xf32, #tpu.memory_space<vmem_shared>>) offsets(%dma_start3A_454 : memref<128xi32, #tpu.memory_space<vmem>>) semaphore(%arg23 : memref<!tpu.dma_semaphore, #tpu.memory_space<semaphore_mem>>) {add = true}
        %dma_start3A_458 = arith.constant 0 : i32
        %dma_start3A_459 = tpu.memref_slice %arg10[%mul3A_316, %dma_start3A_458] : memref<5x128xi32, #tpu.memory_space<vmem>> -> memref<1x128xi32, #tpu.memory_space<vmem>>
        %dma_start3A_460 = tpu.memref_squeeze %dma_start3A_459 : memref<1x128xi32, #tpu.memory_space<vmem>> -> memref<128xi32, #tpu.memory_space<vmem>>
        %dma_start3A_461 = arith.constant 0 : i32
        %dma_start3A_462 = arith.constant 0 : i32
        %dma_start3A_463 = tpu.memref_slice %arg8[%dma_start3A_461, %dma_start3A_462] : memref<50000x16xf32, #tpu.memory_space<vmem_shared>> -> memref<50000x16xf32, #tpu.memory_space<vmem_shared>>
        tpu.enqueue_indirect_dma source(%arg19 : memref<128x16xf32, #tpu.memory_space<vmem>>) target(%dma_start3A_463 : memref<50000x16xf32, #tpu.memory_space<vmem_shared>>) offsets(%dma_start3A_460 : memref<128xi32, #tpu.memory_space<vmem>>) semaphore(%arg23 : memref<!tpu.dma_semaphore, #tpu.memory_space<semaphore_mem>>) {add = true}
        %add3A_464 = arith.constant 1 : i32
        %add3A_465 = arith.addi %mul3A_316, %add3A_464 : i32
        %add3A_466 = arith.constant 2 : i32
        %add3A_467 = arith.addi %mul3A_316, %add3A_466 : i32
        %gt3A_468 = arith.constant 0 : i32
        %gt3A_469 = arith.cmpi sgt, %add3A_314, %gt3A_468 : i32
        %get3A_470 = arith.index_cast %add3A_467 : i32 to index
        %get3A_471 = arith.constant 0 : index
        %get3A_472 = tpu.vector_load %arg9[%get3A_470, %get3A_471] {strides = array<i32>} : memref<5x128xi32, #tpu.memory_space<vmem>>, vector<1x16xi32>,
        %get3A_473 = vector.shape_cast %get3A_472 : vector<1x16xi32> to vector<16xi32>
        %mul3A_474 = arith.constant 4 : i32
        %mul3A_475 = vector.broadcast %mul3A_474 : i32 to vector<16xi32>
        %mul3A_476 = arith.muli %get3A_473, %mul3A_475 : vector<16xi32>
        %add3A_477 = vector.broadcast %add3A_12 : i32 to vector<16xi32>
        %add3A_478 = arith.addi %mul3A_476, %add3A_477 : vector<16xi32>
        %swap3A_479 = arith.constant 0 : index
        %swap3A_480 = tpu.vector_load %arg11[%swap3A_479] {strides = array<i32>} : memref<128xi32, #tpu.memory_space<vmem>>, vector<16xi32>,
        %swap3A_481 = vector.shape_cast %swap3A_480 : vector<16xi32> to vector<16xi32>
        %swap3A_482 = vector.shape_cast %add3A_478 : vector<16xi32> to vector<16xi32>
        tpu.vector_store %arg11[%swap3A_479], %swap3A_482 {strides = array<i32>} : memref<128xi32, #tpu.memory_space<vmem>>, vector<16xi32>,
        %get3A_483 = arith.index_cast %add3A_467 : i32 to index
        %get3A_484 = arith.constant 16 : index
        %get3A_485 = tpu.vector_load %arg9[%get3A_483, %get3A_484] {strides = array<i32>} : memref<5x128xi32, #tpu.memory_space<vmem>>, vector<1x16xi32>,
        %get3A_486 = vector.shape_cast %get3A_485 : vector<1x16xi32> to vector<16xi32>
        %mul3A_487 = arith.constant 4 : i32
        %mul3A_488 = vector.broadcast %mul3A_487 : i32 to vector<16xi32>
        %mul3A_489 = arith.muli %get3A_486, %mul3A_488 : vector<16xi32>
        %add3A_490 = vector.broadcast %add3A_12 : i32 to vector<16xi32>
        %add3A_491 = arith.addi %mul3A_489, %add3A_490 : vector<16xi32>
        %swap3A_492 = arith.constant 16 : index
        %swap3A_493 = tpu.vector_load %arg11[%swap3A_492] {strides = array<i32>} : memref<128xi32, #tpu.memory_space<vmem>>, vector<16xi32>,
        %swap3A_494 = vector.shape_cast %swap3A_493 : vector<16xi32> to vector<16xi32>
        %swap3A_495 = vector.shape_cast %add3A_491 : vector<16xi32> to vector<16xi32>
        tpu.vector_store %arg11[%swap3A_492], %swap3A_495 {strides = array<i32>} : memref<128xi32, #tpu.memory_space<vmem>>, vector<16xi32>,
        %get3A_496 = arith.index_cast %add3A_467 : i32 to index
        %get3A_497 = arith.constant 32 : index
        %get3A_498 = tpu.vector_load %arg9[%get3A_496, %get3A_497] {strides = array<i32>} : memref<5x128xi32, #tpu.memory_space<vmem>>, vector<1x16xi32>,
        %get3A_499 = vector.shape_cast %get3A_498 : vector<1x16xi32> to vector<16xi32>
        %mul3A_500 = arith.constant 4 : i32
        %mul3A_501 = vector.broadcast %mul3A_500 : i32 to vector<16xi32>
        %mul3A_502 = arith.muli %get3A_499, %mul3A_501 : vector<16xi32>
        %add3A_503 = vector.broadcast %add3A_12 : i32 to vector<16xi32>
        %add3A_504 = arith.addi %mul3A_502, %add3A_503 : vector<16xi32>
        %swap3A_505 = arith.constant 32 : index
        %swap3A_506 = tpu.vector_load %arg11[%swap3A_505] {strides = array<i32>} : memref<128xi32, #tpu.memory_space<vmem>>, vector<16xi32>,
        %swap3A_507 = vector.shape_cast %swap3A_506 : vector<16xi32> to vector<16xi32>
        %swap3A_508 = vector.shape_cast %add3A_504 : vector<16xi32> to vector<16xi32>
        tpu.vector_store %arg11[%swap3A_505], %swap3A_508 {strides = array<i32>} : memref<128xi32, #tpu.memory_space<vmem>>, vector<16xi32>,
        %get3A_509 = arith.index_cast %add3A_467 : i32 to index
        %get3A_510 = arith.constant 48 : index
        %get3A_511 = tpu.vector_load %arg9[%get3A_509, %get3A_510] {strides = array<i32>} : memref<5x128xi32, #tpu.memory_space<vmem>>, vector<1x16xi32>,
        %get3A_512 = vector.shape_cast %get3A_511 : vector<1x16xi32> to vector<16xi32>
        %mul3A_513 = arith.constant 4 : i32
        %mul3A_514 = vector.broadcast %mul3A_513 : i32 to vector<16xi32>
        %mul3A_515 = arith.muli %get3A_512, %mul3A_514 : vector<16xi32>
        %add3A_516 = vector.broadcast %add3A_12 : i32 to vector<16xi32>
        %add3A_517 = arith.addi %mul3A_515, %add3A_516 : vector<16xi32>
        %swap3A_518 = arith.constant 48 : index
        %swap3A_519 = tpu.vector_load %arg11[%swap3A_518] {strides = array<i32>} : memref<128xi32, #tpu.memory_space<vmem>>, vector<16xi32>,
        %swap3A_520 = vector.shape_cast %swap3A_519 : vector<16xi32> to vector<16xi32>
        %swap3A_521 = vector.shape_cast %add3A_517 : vector<16xi32> to vector<16xi32>
        tpu.vector_store %arg11[%swap3A_518], %swap3A_521 {strides = array<i32>} : memref<128xi32, #tpu.memory_space<vmem>>, vector<16xi32>,
        %get3A_522 = arith.index_cast %add3A_467 : i32 to index
        %get3A_523 = arith.constant 64 : index
        %get3A_524 = tpu.vector_load %arg9[%get3A_522, %get3A_523] {strides = array<i32>} : memref<5x128xi32, #tpu.memory_space<vmem>>, vector<1x16xi32>,
        %get3A_525 = vector.shape_cast %get3A_524 : vector<1x16xi32> to vector<16xi32>
        %mul3A_526 = arith.constant 4 : i32
        %mul3A_527 = vector.broadcast %mul3A_526 : i32 to vector<16xi32>
        %mul3A_528 = arith.muli %get3A_525, %mul3A_527 : vector<16xi32>
        %add3A_529 = vector.broadcast %add3A_12 : i32 to vector<16xi32>
        %add3A_530 = arith.addi %mul3A_528, %add3A_529 : vector<16xi32>
        %swap3A_531 = arith.constant 64 : index
        %swap3A_532 = tpu.vector_load %arg11[%swap3A_531] {strides = array<i32>} : memref<128xi32, #tpu.memory_space<vmem>>, vector<16xi32>,
        %swap3A_533 = vector.shape_cast %swap3A_532 : vector<16xi32> to vector<16xi32>
        %swap3A_534 = vector.shape_cast %add3A_530 : vector<16xi32> to vector<16xi32>
        tpu.vector_store %arg11[%swap3A_531], %swap3A_534 {strides = array<i32>} : memref<128xi32, #tpu.memory_space<vmem>>, vector<16xi32>,
        %get3A_535 = arith.index_cast %add3A_467 : i32 to index
        %get3A_536 = arith.constant 80 : index
        %get3A_537 = tpu.vector_load %arg9[%get3A_535, %get3A_536] {strides = array<i32>} : memref<5x128xi32, #tpu.memory_space<vmem>>, vector<1x16xi32>,
        %get3A_538 = vector.shape_cast %get3A_537 : vector<1x16xi32> to vector<16xi32>
        %mul3A_539 = arith.constant 4 : i32
        %mul3A_540 = vector.broadcast %mul3A_539 : i32 to vector<16xi32>
        %mul3A_541 = arith.muli %get3A_538, %mul3A_540 : vector<16xi32>
        %add3A_542 = vector.broadcast %add3A_12 : i32 to vector<16xi32>
        %add3A_543 = arith.addi %mul3A_541, %add3A_542 : vector<16xi32>
        %swap3A_544 = arith.constant 80 : index
        %swap3A_545 = tpu.vector_load %arg11[%swap3A_544] {strides = array<i32>} : memref<128xi32, #tpu.memory_space<vmem>>, vector<16xi32>,
        %swap3A_546 = vector.shape_cast %swap3A_545 : vector<16xi32> to vector<16xi32>
        %swap3A_547 = vector.shape_cast %add3A_543 : vector<16xi32> to vector<16xi32>
        tpu.vector_store %arg11[%swap3A_544], %swap3A_547 {strides = array<i32>} : memref<128xi32, #tpu.memory_space<vmem>>, vector<16xi32>,
        %get3A_548 = arith.index_cast %add3A_467 : i32 to index
        %get3A_549 = arith.constant 96 : index
        %get3A_550 = tpu.vector_load %arg9[%get3A_548, %get3A_549] {strides = array<i32>} : memref<5x128xi32, #tpu.memory_space<vmem>>, vector<1x16xi32>,
        %get3A_551 = vector.shape_cast %get3A_550 : vector<1x16xi32> to vector<16xi32>
        %mul3A_552 = arith.constant 4 : i32
        %mul3A_553 = vector.broadcast %mul3A_552 : i32 to vector<16xi32>
        %mul3A_554 = arith.muli %get3A_551, %mul3A_553 : vector<16xi32>
        %add3A_555 = vector.broadcast %add3A_12 : i32 to vector<16xi32>
        %add3A_556 = arith.addi %mul3A_554, %add3A_555 : vector<16xi32>
        %swap3A_557 = arith.constant 96 : index
        %swap3A_558 = tpu.vector_load %arg11[%swap3A_557] {strides = array<i32>} : memref<128xi32, #tpu.memory_space<vmem>>, vector<16xi32>,
        %swap3A_559 = vector.shape_cast %swap3A_558 : vector<16xi32> to vector<16xi32>
        %swap3A_560 = vector.shape_cast %add3A_556 : vector<16xi32> to vector<16xi32>
        tpu.vector_store %arg11[%swap3A_557], %swap3A_560 {strides = array<i32>} : memref<128xi32, #tpu.memory_space<vmem>>, vector<16xi32>,
        %get3A_561 = arith.index_cast %add3A_467 : i32 to index
        %get3A_562 = arith.constant 112 : index
        %get3A_563 = tpu.vector_load %arg9[%get3A_561, %get3A_562] {strides = array<i32>} : memref<5x128xi32, #tpu.memory_space<vmem>>, vector<1x16xi32>,
        %get3A_564 = vector.shape_cast %get3A_563 : vector<1x16xi32> to vector<16xi32>
        %mul3A_565 = arith.constant 4 : i32
        %mul3A_566 = vector.broadcast %mul3A_565 : i32 to vector<16xi32>
        %mul3A_567 = arith.muli %get3A_564, %mul3A_566 : vector<16xi32>
        %add3A_568 = vector.broadcast %add3A_12 : i32 to vector<16xi32>
        %add3A_569 = arith.addi %mul3A_567, %add3A_568 : vector<16xi32>
        %swap3A_570 = arith.constant 112 : index
        %swap3A_571 = tpu.vector_load %arg11[%swap3A_570] {strides = array<i32>} : memref<128xi32, #tpu.memory_space<vmem>>, vector<16xi32>,
        %swap3A_572 = vector.shape_cast %swap3A_571 : vector<16xi32> to vector<16xi32>
        %swap3A_573 = vector.shape_cast %add3A_569 : vector<16xi32> to vector<16xi32>
        tpu.vector_store %arg11[%swap3A_570], %swap3A_573 {strides = array<i32>} : memref<128xi32, #tpu.memory_space<vmem>>, vector<16xi32>,
        %dma_start3A_574 = arith.constant 0 : i32
        %dma_start3A_575 = arith.constant 0 : i32
        %dma_start3A_576 = tpu.memref_slice %arg2[%dma_start3A_574, %dma_start3A_575] : memref<200000x16xf32, #tpu.memory_space<hbm>> -> memref<200000x16xf32, #tpu.memory_space<hbm>>
        tpu.enqueue_indirect_dma source(%dma_start3A_576 : memref<200000x16xf32, #tpu.memory_space<hbm>>) target(%arg13 : memref<128x16xf32, #tpu.memory_space<vmem>>) offsets(%arg11 : memref<128xi32, #tpu.memory_space<vmem>>) semaphore(%arg21 : memref<!tpu.dma_semaphore, #tpu.memory_space<semaphore_mem>>)
        %add3A_577 = arith.addi %mul3A_140, %add3A_467 : i32
        %mul3A_578 = arith.constant 64 : i32
        %mul3A_579 = arith.muli %add3A_577, %mul3A_578 : i32
        %dma_start3A_580 = arith.constant 0 : i32
        %dma_start3A_581 = tpu.memref_slice %arg4[%mul3A_579, %dma_start3A_580] : memref<400000x128xf32, #tpu.memory_space<hbm>> -> memref<64x128xf32, #tpu.memory_space<hbm>>
        %dma_start3A_582 = arith.constant 0 : i32
        %dma_start3A_583 = tpu.memref_slice %arg4[%mul3A_579, %dma_start3A_582] : memref<400000x128xf32, #tpu.memory_space<hbm>> -> memref<64x128xf32, #tpu.memory_space<hbm>>
        tpu.enqueue_dma source(%dma_start3A_583 : memref<64x128xf32, #tpu.memory_space<hbm>>) target(%arg15 : memref<64x128xf32, #tpu.memory_space<vmem>>) target_semaphore(%arg21 : memref<!tpu.dma_semaphore, #tpu.memory_space<semaphore_mem>>)
        %dma_wait3A_584 = arith.constant 0 : i32
        %dma_wait3A_585 = arith.constant 0 : i32
        %dma_wait3A_586 = tpu.memref_slice %arg2[%dma_wait3A_584, %dma_wait3A_585] : memref<200000x16xf32, #tpu.memory_space<hbm>> -> memref<200000x16xf32, #tpu.memory_space<hbm>>
        tpu.wait_indirect_dma semaphore(%arg22 : memref<!tpu.dma_semaphore, #tpu.memory_space<semaphore_mem>>) src(%dma_wait3A_586 : memref<200000x16xf32, #tpu.memory_space<hbm>>) dst(%arg14 : memref<128x16xf32, #tpu.memory_space<vmem>>)
        %dma_wait3A_587 = arith.constant 0 : i32
        %dma_wait3A_588 = arith.constant 0 : i32
        %dma_wait3A_589 = tpu.memref_slice %arg4[%dma_wait3A_587, %dma_wait3A_588] : memref<400000x128xf32, #tpu.memory_space<hbm>> -> memref<64x128xf32, #tpu.memory_space<hbm>>
        %dma_wait3A_590 = arith.constant 0 : i32
        %dma_wait3A_591 = arith.constant 0 : i32
        %dma_wait3A_592 = tpu.memref_slice %arg4[%dma_wait3A_590, %dma_wait3A_591] : memref<400000x128xf32, #tpu.memory_space<hbm>> -> memref<64x128xf32, #tpu.memory_space<hbm>>
        tpu.wait_dma2 semaphore(%arg22 : memref<!tpu.dma_semaphore, #tpu.memory_space<semaphore_mem>>) src(%dma_wait3A_592 : memref<64x128xf32, #tpu.memory_space<hbm>>) dst(%arg16 : memref<64x128xf32, #tpu.memory_space<vmem>>)
        %convert_element_type3A_593 = arith.extui %gt3A_469 : i1 to i32
        %cond3A_594 = arith.constant 0 : i32
        %cond3A_595 = arith.cmpi ne, %convert_element_type3A_593, %cond3A_594 : i32
        scf.if %cond3A_595 {
          %dma_wait3A_613 = arith.constant 0 : i32
          %dma_wait3A_614 = arith.constant 0 : i32
          %dma_wait3A_615 = tpu.memref_slice %arg10[%dma_wait3A_613, %dma_wait3A_614] : memref<5x128xi32, #tpu.memory_space<vmem>> -> memref<1x128xi32, #tpu.memory_space<vmem>>
          %dma_wait3A_616 = tpu.memref_squeeze %dma_wait3A_615 : memref<1x128xi32, #tpu.memory_space<vmem>> -> memref<128xi32, #tpu.memory_space<vmem>>
          %dma_wait3A_617 = arith.constant 0 : i32
          %dma_wait3A_618 = arith.constant 0 : i32
          %dma_wait3A_619 = tpu.memref_slice %arg7[%dma_wait3A_617, %dma_wait3A_618] : memref<50000x16xf32, #tpu.memory_space<vmem_shared>> -> memref<50000x16xf32, #tpu.memory_space<vmem_shared>>
          tpu.wait_indirect_dma semaphore(%arg24 : memref<!tpu.dma_semaphore, #tpu.memory_space<semaphore_mem>>) src(%arg18 : memref<128x16xf32, #tpu.memory_space<vmem>>) dst(%dma_wait3A_619 : memref<50000x16xf32, #tpu.memory_space<vmem_shared>>)
          %dma_wait3A_620 = arith.constant 0 : i32
          %dma_wait3A_621 = arith.constant 0 : i32
          %dma_wait3A_622 = tpu.memref_slice %arg10[%dma_wait3A_620, %dma_wait3A_621] : memref<5x128xi32, #tpu.memory_space<vmem>> -> memref<1x128xi32, #tpu.memory_space<vmem>>
          %dma_wait3A_623 = tpu.memref_squeeze %dma_wait3A_622 : memref<1x128xi32, #tpu.memory_space<vmem>> -> memref<128xi32, #tpu.memory_space<vmem>>
          %dma_wait3A_624 = arith.constant 0 : i32
          %dma_wait3A_625 = arith.constant 0 : i32
          %dma_wait3A_626 = tpu.memref_slice %arg8[%dma_wait3A_624, %dma_wait3A_625] : memref<50000x16xf32, #tpu.memory_space<vmem_shared>> -> memref<50000x16xf32, #tpu.memory_space<vmem_shared>>
          tpu.wait_indirect_dma semaphore(%arg24 : memref<!tpu.dma_semaphore, #tpu.memory_space<semaphore_mem>>) src(%arg20 : memref<128x16xf32, #tpu.memory_space<vmem>>) dst(%dma_wait3A_626 : memref<50000x16xf32, #tpu.memory_space<vmem_shared>>)
        } else {
        }
        %mul3A_596 = arith.constant 16 : i32
        %mul3A_597 = arith.muli %add3A_12, %mul3A_596 : i32
        %parallel_loop3A_598 = arith.constant 0 : i32
        %parallel_loop3A_599 = arith.constant 128 : i32
        %parallel_loop3A_600 = arith.constant 1 : i32
        scf.for %parallel_loop3A_613 = %parallel_loop3A_598 to %parallel_loop3A_599 step %parallel_loop3A_600  : i32 {
          %parallel_loop3A_614 = arith.constant 6 : i32
          %parallel_loop3A_615 = arith.shli %parallel_loop3A_613, %parallel_loop3A_614 : i32
          %parallel_loop3A_616 = arith.addi %parallel_loop3A_615, %mul3A_597 : i32
          %parallel_loop3A_617 = arith.constant 7 : i32
          %parallel_loop3A_618 = arith.shrsi %parallel_loop3A_616, %parallel_loop3A_617 : i32
          %parallel_loop3A_619 = arith.constant 127 : i32
          %parallel_loop3A_620 = arith.andi %parallel_loop3A_616, %parallel_loop3A_619 : i32
          %parallel_loop3A_621 = arith.index_cast %parallel_loop3A_618 : i32 to index
          %parallel_loop3A_622 = arith.index_cast %parallel_loop3A_620 : i32 to index
          %parallel_loop3A_623 = tpu.vector_load %arg16[%parallel_loop3A_621, %parallel_loop3A_622] {strides = array<i32>} : memref<64x128xf32, #tpu.memory_space<vmem>>, vector<1x16xf32>,
          %parallel_loop3A_624 = vector.shape_cast %parallel_loop3A_623 : vector<1x16xf32> to vector<16xf32>
          %parallel_loop3A_625 = arith.index_cast %parallel_loop3A_613 : i32 to index
          %parallel_loop3A_626 = arith.constant 0 : index
          %parallel_loop3A_627 = tpu.vector_load %arg14[%parallel_loop3A_625, %parallel_loop3A_626] {strides = array<i32>} : memref<128x16xf32, #tpu.memory_space<vmem>>, vector<1x16xf32>,
          %parallel_loop3A_628 = vector.shape_cast %parallel_loop3A_627 : vector<1x16xf32> to vector<16xf32>
          %parallel_loop3A_629 = arith.addf %parallel_loop3A_628, %parallel_loop3A_624 : vector<16xf32>
          %parallel_loop3A_630 = arith.constant 0.000000e+00 : f32
          %parallel_loop3A_631 = vector.broadcast %parallel_loop3A_630 : f32 to vector<16xf32>
          %parallel_loop3A_632 = arith.maximumf %parallel_loop3A_629, %parallel_loop3A_631 : vector<16xf32>
          %parallel_loop3A_633 = arith.constant 1.000000e-07 : f32
          %parallel_loop3A_634 = vector.broadcast %parallel_loop3A_633 : f32 to vector<16xf32>
          %parallel_loop3A_635 = arith.addf %parallel_loop3A_632, %parallel_loop3A_634 : vector<16xf32>
          %parallel_loop3A_636 = math.exp %parallel_loop3A_635 : vector<16xf32>
          %parallel_loop3A_637 = arith.index_cast %parallel_loop3A_613 : i32 to index
          %parallel_loop3A_638 = arith.constant 0 : index
          %parallel_loop3A_639 = tpu.vector_load %arg18[%parallel_loop3A_637, %parallel_loop3A_638] {strides = array<i32>} : memref<128x16xf32, #tpu.memory_space<vmem>>, vector<1x16xf32>,
          %parallel_loop3A_640 = vector.shape_cast %parallel_loop3A_639 : vector<1x16xf32> to vector<16xf32>
          %parallel_loop3A_641 = vector.shape_cast %parallel_loop3A_636 : vector<16xf32> to vector<1x16xf32>
          tpu.vector_store %arg18[%parallel_loop3A_637, %parallel_loop3A_638], %parallel_loop3A_641 {strides = array<i32>} : memref<128x16xf32, #tpu.memory_space<vmem>>, vector<1x16xf32>,
          %parallel_loop3A_642 = arith.mulf %parallel_loop3A_635, %parallel_loop3A_636 : vector<16xf32>
          %parallel_loop3A_643 = arith.index_cast %parallel_loop3A_613 : i32 to index
          %parallel_loop3A_644 = arith.constant 0 : index
          %parallel_loop3A_645 = tpu.vector_load %arg20[%parallel_loop3A_643, %parallel_loop3A_644] {strides = array<i32>} : memref<128x16xf32, #tpu.memory_space<vmem>>, vector<1x16xf32>,
          %parallel_loop3A_646 = vector.shape_cast %parallel_loop3A_645 : vector<1x16xf32> to vector<16xf32>
          %parallel_loop3A_647 = vector.shape_cast %parallel_loop3A_642 : vector<16xf32> to vector<1x16xf32>
          tpu.vector_store %arg20[%parallel_loop3A_643, %parallel_loop3A_644], %parallel_loop3A_647 {strides = array<i32>} : memref<128x16xf32, #tpu.memory_space<vmem>>, vector<1x16xf32>,
        } {sc.loop_unroll_factor = 8 : i64, sc.parallel_access}
        %dma_start3A_601 = arith.constant 0 : i32
        %dma_start3A_602 = tpu.memref_slice %arg10[%add3A_465, %dma_start3A_601] : memref<5x128xi32, #tpu.memory_space<vmem>> -> memref<1x128xi32, #tpu.memory_space<vmem>>
        %dma_start3A_603 = tpu.memref_squeeze %dma_start3A_602 : memref<1x128xi32, #tpu.memory_space<vmem>> -> memref<128xi32, #tpu.memory_space<vmem>>
        %dma_start3A_604 = arith.constant 0 : i32
        %dma_start3A_605 = arith.constant 0 : i32
        %dma_start3A_606 = tpu.memref_slice %arg7[%dma_start3A_604, %dma_start3A_605] : memref<50000x16xf32, #tpu.memory_space<vmem_shared>> -> memref<50000x16xf32, #tpu.memory_space<vmem_shared>>
        tpu.enqueue_indirect_dma source(%arg18 : memref<128x16xf32, #tpu.memory_space<vmem>>) target(%dma_start3A_606 : memref<50000x16xf32, #tpu.memory_space<vmem_shared>>) offsets(%dma_start3A_603 : memref<128xi32, #tpu.memory_space<vmem>>) semaphore(%arg24 : memref<!tpu.dma_semaphore, #tpu.memory_space<semaphore_mem>>) {add = true}
        %dma_start3A_607 = arith.constant 0 : i32
        %dma_start3A_608 = tpu.memref_slice %arg10[%add3A_465, %dma_start3A_607] : memref<5x128xi32, #tpu.memory_space<vmem>> -> memref<1x128xi32, #tpu.memory_space<vmem>>
        %dma_start3A_609 = tpu.memref_squeeze %dma_start3A_608 : memref<1x128xi32, #tpu.memory_space<vmem>> -> memref<128xi32, #tpu.memory_space<vmem>>
        %dma_start3A_610 = arith.constant 0 : i32
        %dma_start3A_611 = arith.constant 0 : i32
        %dma_start3A_612 = tpu.memref_slice %arg8[%dma_start3A_610, %dma_start3A_611] : memref<50000x16xf32, #tpu.memory_space<vmem_shared>> -> memref<50000x16xf32, #tpu.memory_space<vmem_shared>>
        tpu.enqueue_indirect_dma source(%arg20 : memref<128x16xf32, #tpu.memory_space<vmem>>) target(%dma_start3A_612 : memref<50000x16xf32, #tpu.memory_space<vmem_shared>>) offsets(%dma_start3A_609 : memref<128xi32, #tpu.memory_space<vmem>>) semaphore(%arg24 : memref<!tpu.dma_semaphore, #tpu.memory_space<semaphore_mem>>) {add = true}
      }
      %scan3A_268 = arith.constant 2 : i32
      %dma_wait3A_269 = arith.constant 0 : i32
      %dma_wait3A_270 = arith.constant 0 : i32
      %dma_wait3A_271 = tpu.memref_slice %arg2[%dma_wait3A_269, %dma_wait3A_270] : memref<200000x16xf32, #tpu.memory_space<hbm>> -> memref<200000x16xf32, #tpu.memory_space<hbm>>
      tpu.wait_indirect_dma semaphore(%arg21 : memref<!tpu.dma_semaphore, #tpu.memory_space<semaphore_mem>>) src(%dma_wait3A_271 : memref<200000x16xf32, #tpu.memory_space<hbm>>) dst(%arg13 : memref<128x16xf32, #tpu.memory_space<vmem>>)
      %dma_wait3A_272 = arith.constant 0 : i32
      %dma_wait3A_273 = arith.constant 0 : i32
      %dma_wait3A_274 = tpu.memref_slice %arg4[%dma_wait3A_272, %dma_wait3A_273] : memref<400000x128xf32, #tpu.memory_space<hbm>> -> memref<64x128xf32, #tpu.memory_space<hbm>>
      %dma_wait3A_275 = arith.constant 0 : i32
      %dma_wait3A_276 = arith.constant 0 : i32
      %dma_wait3A_277 = tpu.memref_slice %arg4[%dma_wait3A_275, %dma_wait3A_276] : memref<400000x128xf32, #tpu.memory_space<hbm>> -> memref<64x128xf32, #tpu.memory_space<hbm>>
      tpu.wait_dma2 semaphore(%arg21 : memref<!tpu.dma_semaphore, #tpu.memory_space<semaphore_mem>>) src(%dma_wait3A_277 : memref<64x128xf32, #tpu.memory_space<hbm>>) dst(%arg15 : memref<64x128xf32, #tpu.memory_space<vmem>>)
      %dma_wait3A_278 = arith.constant 0 : i32
      %dma_wait3A_279 = arith.constant 0 : i32
      %dma_wait3A_280 = tpu.memref_slice %arg10[%dma_wait3A_278, %dma_wait3A_279] : memref<5x128xi32, #tpu.memory_space<vmem>> -> memref<1x128xi32, #tpu.memory_space<vmem>>
      %dma_wait3A_281 = tpu.memref_squeeze %dma_wait3A_280 : memref<1x128xi32, #tpu.memory_space<vmem>> -> memref<128xi32, #tpu.memory_space<vmem>>
      %dma_wait3A_282 = arith.constant 0 : i32
      %dma_wait3A_283 = arith.constant 0 : i32
      %dma_wait3A_284 = tpu.memref_slice %arg7[%dma_wait3A_282, %dma_wait3A_283] : memref<50000x16xf32, #tpu.memory_space<vmem_shared>> -> memref<50000x16xf32, #tpu.memory_space<vmem_shared>>
      tpu.wait_indirect_dma semaphore(%arg23 : memref<!tpu.dma_semaphore, #tpu.memory_space<semaphore_mem>>) src(%arg17 : memref<128x16xf32, #tpu.memory_space<vmem>>) dst(%dma_wait3A_284 : memref<50000x16xf32, #tpu.memory_space<vmem_shared>>)
      %dma_wait3A_285 = arith.constant 0 : i32
      %dma_wait3A_286 = arith.constant 0 : i32
      %dma_wait3A_287 = tpu.memref_slice %arg10[%dma_wait3A_285, %dma_wait3A_286] : memref<5x128xi32, #tpu.memory_space<vmem>> -> memref<1x128xi32, #tpu.memory_space<vmem>>
      %dma_wait3A_288 = tpu.memref_squeeze %dma_wait3A_287 : memref<1x128xi32, #tpu.memory_space<vmem>> -> memref<128xi32, #tpu.memory_space<vmem>>
      %dma_wait3A_289 = arith.constant 0 : i32
      %dma_wait3A_290 = arith.constant 0 : i32
      %dma_wait3A_291 = tpu.memref_slice %arg8[%dma_wait3A_289, %dma_wait3A_290] : memref<50000x16xf32, #tpu.memory_space<vmem_shared>> -> memref<50000x16xf32, #tpu.memory_space<vmem_shared>>
      tpu.wait_indirect_dma semaphore(%arg23 : memref<!tpu.dma_semaphore, #tpu.memory_space<semaphore_mem>>) src(%arg19 : memref<128x16xf32, #tpu.memory_space<vmem>>) dst(%dma_wait3A_291 : memref<50000x16xf32, #tpu.memory_space<vmem_shared>>)
      %mul3A_292 = arith.constant 16 : i32
      %mul3A_293 = arith.muli %add3A_12, %mul3A_292 : i32
      %parallel_loop3A = arith.constant 0 : i32
      %parallel_loop3A_294 = arith.constant 128 : i32
      %parallel_loop3A_295 = arith.constant 1 : i32
      scf.for %parallel_loop3A_310 = %parallel_loop3A to %parallel_loop3A_294 step %parallel_loop3A_295  : i32 {
        %parallel_loop3A_311 = arith.constant 6 : i32
        %parallel_loop3A_312 = arith.shli %parallel_loop3A_310, %parallel_loop3A_311 : i32
        %parallel_loop3A_313 = arith.addi %parallel_loop3A_312, %mul3A_293 : i32
        %parallel_loop3A_314 = arith.constant 7 : i32
        %parallel_loop3A_315 = arith.shrsi %parallel_loop3A_313, %parallel_loop3A_314 : i32
        %parallel_loop3A_316 = arith.constant 127 : i32
        %parallel_loop3A_317 = arith.andi %parallel_loop3A_313, %parallel_loop3A_316 : i32
        %parallel_loop3A_318 = arith.index_cast %parallel_loop3A_315 : i32 to index
        %parallel_loop3A_319 = arith.index_cast %parallel_loop3A_317 : i32 to index
        %parallel_loop3A_320 = tpu.vector_load %arg15[%parallel_loop3A_318, %parallel_loop3A_319] {strides = array<i32>} : memref<64x128xf32, #tpu.memory_space<vmem>>, vector<1x16xf32>,
        %parallel_loop3A_321 = vector.shape_cast %parallel_loop3A_320 : vector<1x16xf32> to vector<16xf32>
        %parallel_loop3A_322 = arith.index_cast %parallel_loop3A_310 : i32 to index
        %parallel_loop3A_323 = arith.constant 0 : index
        %parallel_loop3A_324 = tpu.vector_load %arg13[%parallel_loop3A_322, %parallel_loop3A_323] {strides = array<i32>} : memref<128x16xf32, #tpu.memory_space<vmem>>, vector<1x16xf32>,
        %parallel_loop3A_325 = vector.shape_cast %parallel_loop3A_324 : vector<1x16xf32> to vector<16xf32>
        %parallel_loop3A_326 = arith.addf %parallel_loop3A_325, %parallel_loop3A_321 : vector<16xf32>
        %parallel_loop3A_327 = arith.constant 0.000000e+00 : f32
        %parallel_loop3A_328 = vector.broadcast %parallel_loop3A_327 : f32 to vector<16xf32>
        %parallel_loop3A_329 = arith.maximumf %parallel_loop3A_326, %parallel_loop3A_328 : vector<16xf32>
        %parallel_loop3A_330 = arith.constant 1.000000e-07 : f32
        %parallel_loop3A_331 = vector.broadcast %parallel_loop3A_330 : f32 to vector<16xf32>
        %parallel_loop3A_332 = arith.addf %parallel_loop3A_329, %parallel_loop3A_331 : vector<16xf32>
        %parallel_loop3A_333 = math.exp %parallel_loop3A_332 : vector<16xf32>
        %parallel_loop3A_334 = arith.index_cast %parallel_loop3A_310 : i32 to index
        %parallel_loop3A_335 = arith.constant 0 : index
        %parallel_loop3A_336 = tpu.vector_load %arg17[%parallel_loop3A_334, %parallel_loop3A_335] {strides = array<i32>} : memref<128x16xf32, #tpu.memory_space<vmem>>, vector<1x16xf32>,
        %parallel_loop3A_337 = vector.shape_cast %parallel_loop3A_336 : vector<1x16xf32> to vector<16xf32>
        %parallel_loop3A_338 = vector.shape_cast %parallel_loop3A_333 : vector<16xf32> to vector<1x16xf32>
        tpu.vector_store %arg17[%parallel_loop3A_334, %parallel_loop3A_335], %parallel_loop3A_338 {strides = array<i32>} : memref<128x16xf32, #tpu.memory_space<vmem>>, vector<1x16xf32>,
        %parallel_loop3A_339 = arith.mulf %parallel_loop3A_332, %parallel_loop3A_333 : vector<16xf32>
        %parallel_loop3A_340 = arith.index_cast %parallel_loop3A_310 : i32 to index
        %parallel_loop3A_341 = arith.constant 0 : index
        %parallel_loop3A_342 = tpu.vector_load %arg19[%parallel_loop3A_340, %parallel_loop3A_341] {strides = array<i32>} : memref<128x16xf32, #tpu.memory_space<vmem>>, vector<1x16xf32>,
        %parallel_loop3A_343 = vector.shape_cast %parallel_loop3A_342 : vector<1x16xf32> to vector<16xf32>
        %parallel_loop3A_344 = vector.shape_cast %parallel_loop3A_339 : vector<16xf32> to vector<1x16xf32>
        tpu.vector_store %arg19[%parallel_loop3A_340, %parallel_loop3A_341], %parallel_loop3A_344 {strides = array<i32>} : memref<128x16xf32, #tpu.memory_space<vmem>>, vector<1x16xf32>,
      } {sc.loop_unroll_factor = 8 : i64, sc.parallel_access}
      %dma_start3A_296 = arith.constant 4 : i32
      %dma_start3A_297 = arith.constant 0 : i32
      %dma_start3A_298 = tpu.memref_slice %arg10[%dma_start3A_296, %dma_start3A_297] : memref<5x128xi32, #tpu.memory_space<vmem>> -> memref<1x128xi32, #tpu.memory_space<vmem>>
      %dma_start3A_299 = tpu.memref_squeeze %dma_start3A_298 : memref<1x128xi32, #tpu.memory_space<vmem>> -> memref<128xi32, #tpu.memory_space<vmem>>
      %dma_start3A_300 = arith.constant 0 : i32
      %dma_start3A_301 = arith.constant 0 : i32
      %dma_start3A_302 = tpu.memref_slice %arg7[%dma_start3A_300, %dma_start3A_301] : memref<50000x16xf32, #tpu.memory_space<vmem_shared>> -> memref<50000x16xf32, #tpu.memory_space<vmem_shared>>
      tpu.enqueue_indirect_dma source(%arg17 : memref<128x16xf32, #tpu.memory_space<vmem>>) target(%dma_start3A_302 : memref<50000x16xf32, #tpu.memory_space<vmem_shared>>) offsets(%dma_start3A_299 : memref<128xi32, #tpu.memory_space<vmem>>) semaphore(%arg23 : memref<!tpu.dma_semaphore, #tpu.memory_space<semaphore_mem>>) {add = true}
      %dma_start3A_303 = arith.constant 4 : i32
      %dma_start3A_304 = arith.constant 0 : i32
      %dma_start3A_305 = tpu.memref_slice %arg10[%dma_start3A_303, %dma_start3A_304] : memref<5x128xi32, #tpu.memory_space<vmem>> -> memref<1x128xi32, #tpu.memory_space<vmem>>
      %dma_start3A_306 = tpu.memref_squeeze %dma_start3A_305 : memref<1x128xi32, #tpu.memory_space<vmem>> -> memref<128xi32, #tpu.memory_space<vmem>>
      %dma_start3A_307 = arith.constant 0 : i32
      %dma_start3A_308 = arith.constant 0 : i32
      %dma_start3A_309 = tpu.memref_slice %arg8[%dma_start3A_307, %dma_start3A_308] : memref<50000x16xf32, #tpu.memory_space<vmem_shared>> -> memref<50000x16xf32, #tpu.memory_space<vmem_shared>>
      tpu.enqueue_indirect_dma source(%arg19 : memref<128x16xf32, #tpu.memory_space<vmem>>) target(%dma_start3A_309 : memref<50000x16xf32, #tpu.memory_space<vmem_shared>>) offsets(%dma_start3A_306 : memref<128xi32, #tpu.memory_space<vmem>>) semaphore(%arg23 : memref<!tpu.dma_semaphore, #tpu.memory_space<semaphore_mem>>) {add = true}
    }
    %while3A_37 = arith.constant 1 : i32
    scf.for %while3A_135 = %while3A_35 to %while3A_31 step %while3A_37  : i32 {
      %mul3A_136 = arith.muli %while3A_135, %while3A : i32
      %add3A_137 = arith.addi %while3A_28, %mul3A_136 : i32
      %add3A_138 = arith.addi %select_n3A_8, %add3A_137 : i32
      %mul3A_139 = arith.constant 5 : i32
      %mul3A_140 = arith.muli %add3A_138, %mul3A_139 : i32
      %gt3A = arith.constant 0 : i32
      %gt3A_141 = arith.cmpi sgt, %add3A_137, %gt3A : i32
      %convert_element_type3A = arith.extui %gt3A_141 : i1 to i32
      %cond3A = arith.constant 0 : i32
      %cond3A_142 = arith.cmpi ne, %convert_element_type3A, %cond3A : i32
      scf.if %cond3A_142 {
        %dma_wait3A_310 = arith.constant 0 : i32
        %dma_wait3A_311 = arith.constant 0 : i32
        %dma_wait3A_312 = tpu.memref_slice %arg10[%dma_wait3A_310, %dma_wait3A_311] : memref<5x128xi32, #tpu.memory_space<vmem>> -> memref<1x128xi32, #tpu.memory_space<vmem>>
        %dma_wait3A_313 = tpu.memref_squeeze %dma_wait3A_312 : memref<1x128xi32, #tpu.memory_space<vmem>> -> memref<128xi32, #tpu.memory_space<vmem>>
        %dma_wait3A_314 = arith.constant 0 : i32
        %dma_wait3A_315 = arith.constant 0 : i32
        %dma_wait3A_316 = tpu.memref_slice %arg7[%dma_wait3A_314, %dma_wait3A_315] : memref<50000x16xf32, #tpu.memory_space<vmem_shared>> -> memref<50000x16xf32, #tpu.memory_space<vmem_shared>>
        tpu.wait_indirect_dma semaphore(%arg23 : memref<!tpu.dma_semaphore, #tpu.memory_space<semaphore_mem>>) src(%arg17 : memref<128x16xf32, #tpu.memory_space<vmem>>) dst(%dma_wait3A_316 : memref<50000x16xf32, #tpu.memory_space<vmem_shared>>)
        %dma_wait3A_317 = arith.constant 0 : i32
        %dma_wait3A_318 = arith.constant 0 : i32
        %dma_wait3A_319 = tpu.memref_slice %arg10[%dma_wait3A_317, %dma_wait3A_318] : memref<5x128xi32, #tpu.memory_space<vmem>> -> memref<1x128xi32, #tpu.memory_space<vmem>>
        %dma_wait3A_320 = tpu.memref_squeeze %dma_wait3A_319 : memref<1x128xi32, #tpu.memory_space<vmem>> -> memref<128xi32, #tpu.memory_space<vmem>>
        %dma_wait3A_321 = arith.constant 0 : i32
        %dma_wait3A_322 = arith.constant 0 : i32
        %dma_wait3A_323 = tpu.memref_slice %arg8[%dma_wait3A_321, %dma_wait3A_322] : memref<50000x16xf32, #tpu.memory_space<vmem_shared>> -> memref<50000x16xf32, #tpu.memory_space<vmem_shared>>
        tpu.wait_indirect_dma semaphore(%arg23 : memref<!tpu.dma_semaphore, #tpu.memory_space<semaphore_mem>>) src(%arg19 : memref<128x16xf32, #tpu.memory_space<vmem>>) dst(%dma_wait3A_323 : memref<50000x16xf32, #tpu.memory_space<vmem_shared>>)
        %dma_wait3A_324 = arith.constant 0 : i32
        %dma_wait3A_325 = arith.constant 0 : i32
        %dma_wait3A_326 = tpu.memref_slice %arg10[%dma_wait3A_324, %dma_wait3A_325] : memref<5x128xi32, #tpu.memory_space<vmem>> -> memref<1x128xi32, #tpu.memory_space<vmem>>
        %dma_wait3A_327 = tpu.memref_squeeze %dma_wait3A_326 : memref<1x128xi32, #tpu.memory_space<vmem>> -> memref<128xi32, #tpu.memory_space<vmem>>
        %dma_wait3A_328 = arith.constant 0 : i32
        %dma_wait3A_329 = arith.constant 0 : i32
        %dma_wait3A_330 = tpu.memref_slice %arg7[%dma_wait3A_328, %dma_wait3A_329] : memref<50000x16xf32, #tpu.memory_space<vmem_shared>> -> memref<50000x16xf32, #tpu.memory_space<vmem_shared>>
        tpu.wait_indirect_dma semaphore(%arg24 : memref<!tpu.dma_semaphore, #tpu.memory_space<semaphore_mem>>) src(%arg18 : memref<128x16xf32, #tpu.memory_space<vmem>>) dst(%dma_wait3A_330 : memref<50000x16xf32, #tpu.memory_space<vmem_shared>>)
        %dma_wait3A_331 = arith.constant 0 : i32
        %dma_wait3A_332 = arith.constant 0 : i32
        %dma_wait3A_333 = tpu.memref_slice %arg10[%dma_wait3A_331, %dma_wait3A_332] : memref<5x128xi32, #tpu.memory_space<vmem>> -> memref<1x128xi32, #tpu.memory_space<vmem>>
        %dma_wait3A_334 = tpu.memref_squeeze %dma_wait3A_333 : memref<1x128xi32, #tpu.memory_space<vmem>> -> memref<128xi32, #tpu.memory_space<vmem>>
        %dma_wait3A_335 = arith.constant 0 : i32
        %dma_wait3A_336 = arith.constant 0 : i32
        %dma_wait3A_337 = tpu.memref_slice %arg8[%dma_wait3A_335, %dma_wait3A_336] : memref<50000x16xf32, #tpu.memory_space<vmem_shared>> -> memref<50000x16xf32, #tpu.memory_space<vmem_shared>>
        tpu.wait_indirect_dma semaphore(%arg24 : memref<!tpu.dma_semaphore, #tpu.memory_space<semaphore_mem>>) src(%arg20 : memref<128x16xf32, #tpu.memory_space<vmem>>) dst(%dma_wait3A_337 : memref<50000x16xf32, #tpu.memory_space<vmem_shared>>)
      } else {
      }
      %run_scoped3A = arith.constant 0 : i32
      "tpu.region"() ({
        %run_scoped3A_310 = tpu.sem_alloc : memref<!tpu.dma_semaphore, #tpu.memory_space<semaphore_mem>>
        %dma_start3A_311 = arith.constant 0 : i32
        %dma_start3A_312 = tpu.memref_slice %arg3[%run_scoped3A, %mul3A_140, %dma_start3A_311] : memref<2x6250x128xi32, #tpu.memory_space<hbm>> -> memref<1x5x128xi32, #tpu.memory_space<hbm>>
        %dma_start3A_313 = tpu.memref_squeeze %dma_start3A_312 : memref<1x5x128xi32, #tpu.memory_space<hbm>> -> memref<5x128xi32, #tpu.memory_space<hbm>>
        %dma_start3A_314 = arith.constant 0 : i32
        %dma_start3A_315 = tpu.memref_slice %arg3[%run_scoped3A, %mul3A_140, %dma_start3A_314] : memref<2x6250x128xi32, #tpu.memory_space<hbm>> -> memref<1x5x128xi32, #tpu.memory_space<hbm>>
        %dma_start3A_316 = tpu.memref_squeeze %dma_start3A_315 : memref<1x5x128xi32, #tpu.memory_space<hbm>> -> memref<5x128xi32, #tpu.memory_space<hbm>>
        tpu.enqueue_dma source(%dma_start3A_316 : memref<5x128xi32, #tpu.memory_space<hbm>>) target(%arg9 : memref<5x128xi32, #tpu.memory_space<vmem>>) target_semaphore(%run_scoped3A_310 : memref<!tpu.dma_semaphore, #tpu.memory_space<semaphore_mem>>)
        %dma_wait3A_317 = arith.constant 0 : i32
        %dma_wait3A_318 = tpu.memref_slice %arg3[%run_scoped3A, %mul3A_140, %dma_wait3A_317] : memref<2x6250x128xi32, #tpu.memory_space<hbm>> -> memref<1x5x128xi32, #tpu.memory_space<hbm>>
        %dma_wait3A_319 = tpu.memref_squeeze %dma_wait3A_318 : memref<1x5x128xi32, #tpu.memory_space<hbm>> -> memref<5x128xi32, #tpu.memory_space<hbm>>
        %dma_wait3A_320 = arith.constant 0 : i32
        %dma_wait3A_321 = tpu.memref_slice %arg3[%run_scoped3A, %mul3A_140, %dma_wait3A_320] : memref<2x6250x128xi32, #tpu.memory_space<hbm>> -> memref<1x5x128xi32, #tpu.memory_space<hbm>>
        %dma_wait3A_322 = tpu.memref_squeeze %dma_wait3A_321 : memref<1x5x128xi32, #tpu.memory_space<hbm>> -> memref<5x128xi32, #tpu.memory_space<hbm>>
        tpu.wait_dma2 semaphore(%run_scoped3A_310 : memref<!tpu.dma_semaphore, #tpu.memory_space<semaphore_mem>>) src(%dma_wait3A_322 : memref<5x128xi32, #tpu.memory_space<hbm>>) dst(%arg9 : memref<5x128xi32, #tpu.memory_space<vmem>>)
        tpu.yield
      }) : () -> ()
      %run_scoped3A_143 = arith.constant 1 : i32
      "tpu.region"() ({
        %run_scoped3A_310 = tpu.sem_alloc : memref<!tpu.dma_semaphore, #tpu.memory_space<semaphore_mem>>
        %dma_start3A_311 = arith.constant 0 : i32
        %dma_start3A_312 = tpu.memref_slice %arg3[%run_scoped3A_143, %mul3A_140, %dma_start3A_311] : memref<2x6250x128xi32, #tpu.memory_space<hbm>> -> memref<1x5x128xi32, #tpu.memory_space<hbm>>
        %dma_start3A_313 = tpu.memref_squeeze %dma_start3A_312 : memref<1x5x128xi32, #tpu.memory_space<hbm>> -> memref<5x128xi32, #tpu.memory_space<hbm>>
        %dma_start3A_314 = arith.constant 0 : i32
        %dma_start3A_315 = tpu.memref_slice %arg3[%run_scoped3A_143, %mul3A_140, %dma_start3A_314] : memref<2x6250x128xi32, #tpu.memory_space<hbm>> -> memref<1x5x128xi32, #tpu.memory_space<hbm>>
        %dma_start3A_316 = tpu.memref_squeeze %dma_start3A_315 : memref<1x5x128xi32, #tpu.memory_space<hbm>> -> memref<5x128xi32, #tpu.memory_space<hbm>>
        tpu.enqueue_dma source(%dma_start3A_316 : memref<5x128xi32, #tpu.memory_space<hbm>>) target(%arg10 : memref<5x128xi32, #tpu.memory_space<vmem>>) target_semaphore(%run_scoped3A_310 : memref<!tpu.dma_semaphore, #tpu.memory_space<semaphore_mem>>)
        %dma_wait3A_317 = arith.constant 0 : i32
        %dma_wait3A_318 = tpu.memref_slice %arg3[%run_scoped3A_143, %mul3A_140, %dma_wait3A_317] : memref<2x6250x128xi32, #tpu.memory_space<hbm>> -> memref<1x5x128xi32, #tpu.memory_space<hbm>>
        %dma_wait3A_319 = tpu.memref_squeeze %dma_wait3A_318 : memref<1x5x128xi32, #tpu.memory_space<hbm>> -> memref<5x128xi32, #tpu.memory_space<hbm>>
        %dma_wait3A_320 = arith.constant 0 : i32
        %dma_wait3A_321 = tpu.memref_slice %arg3[%run_scoped3A_143, %mul3A_140, %dma_wait3A_320] : memref<2x6250x128xi32, #tpu.memory_space<hbm>> -> memref<1x5x128xi32, #tpu.memory_space<hbm>>
        %dma_wait3A_322 = tpu.memref_squeeze %dma_wait3A_321 : memref<1x5x128xi32, #tpu.memory_space<hbm>> -> memref<5x128xi32, #tpu.memory_space<hbm>>
        tpu.wait_dma2 semaphore(%run_scoped3A_310 : memref<!tpu.dma_semaphore, #tpu.memory_space<semaphore_mem>>) src(%dma_wait3A_322 : memref<5x128xi32, #tpu.memory_space<hbm>>) dst(%arg10 : memref<5x128xi32, #tpu.memory_space<vmem>>)
        tpu.yield
      }) : () -> ()
      %get3A = arith.constant 0 : i32
      %get3A_144 = arith.index_cast %get3A : i32 to index
      %get3A_145 = arith.constant 0 : index
      %get3A_146 = tpu.vector_load %arg9[%get3A_144, %get3A_145] {strides = array<i32>} : memref<5x128xi32, #tpu.memory_space<vmem>>, vector<1x16xi32>,
      %get3A_147 = vector.shape_cast %get3A_146 : vector<1x16xi32> to vector<16xi32>
      %mul3A_148 = arith.constant 4 : i32
      %mul3A_149 = vector.broadcast %mul3A_148 : i32 to vector<16xi32>
      %mul3A_150 = arith.muli %get3A_147, %mul3A_149 : vector<16xi32>
      %add3A_151 = vector.broadcast %add3A_12 : i32 to vector<16xi32>
      %add3A_152 = arith.addi %mul3A_150, %add3A_151 : vector<16xi32>
      %swap3A = arith.constant 0 : index
      %swap3A_153 = tpu.vector_load %arg11[%swap3A] {strides = array<i32>} : memref<128xi32, #tpu.memory_space<vmem>>, vector<16xi32>,
      %swap3A_154 = vector.shape_cast %swap3A_153 : vector<16xi32> to vector<16xi32>
      %swap3A_155 = vector.shape_cast %add3A_152 : vector<16xi32> to vector<16xi32>
      tpu.vector_store %arg11[%swap3A], %swap3A_155 {strides = array<i32>} : memref<128xi32, #tpu.memory_space<vmem>>, vector<16xi32>,
      %get3A_156 = arith.constant 0 : i32
      %get3A_157 = arith.index_cast %get3A_156 : i32 to index
      %get3A_158 = arith.constant 16 : index
      %get3A_159 = tpu.vector_load %arg9[%get3A_157, %get3A_158] {strides = array<i32>} : memref<5x128xi32, #tpu.memory_space<vmem>>, vector<1x16xi32>,
      %get3A_160 = vector.shape_cast %get3A_159 : vector<1x16xi32> to vector<16xi32>
      %mul3A_161 = arith.constant 4 : i32
      %mul3A_162 = vector.broadcast %mul3A_161 : i32 to vector<16xi32>
      %mul3A_163 = arith.muli %get3A_160, %mul3A_162 : vector<16xi32>
      %add3A_164 = vector.broadcast %add3A_12 : i32 to vector<16xi32>
      %add3A_165 = arith.addi %mul3A_163, %add3A_164 : vector<16xi32>
      %swap3A_166 = arith.constant 16 : index
      %swap3A_167 = tpu.vector_load %arg11[%swap3A_166] {strides = array<i32>} : memref<128xi32, #tpu.memory_space<vmem>>, vector<16xi32>,
      %swap3A_168 = vector.shape_cast %swap3A_167 : vector<16xi32> to vector<16xi32>
      %swap3A_169 = vector.shape_cast %add3A_165 : vector<16xi32> to vector<16xi32>
      tpu.vector_store %arg11[%swap3A_166], %swap3A_169 {strides = array<i32>} : memref<128xi32, #tpu.memory_space<vmem>>, vector<16xi32>,
      %get3A_170 = arith.constant 0 : i32
      %get3A_171 = arith.index_cast %get3A_170 : i32 to index
      %get3A_172 = arith.constant 32 : index
      %get3A_173 = tpu.vector_load %arg9[%get3A_171, %get3A_172] {strides = array<i32>} : memref<5x128xi32, #tpu.memory_space<vmem>>, vector<1x16xi32>,
      %get3A_174 = vector.shape_cast %get3A_173 : vector<1x16xi32> to vector<16xi32>
      %mul3A_175 = arith.constant 4 : i32
      %mul3A_176 = vector.broadcast %mul3A_175 : i32 to vector<16xi32>
      %mul3A_177 = arith.muli %get3A_174, %mul3A_176 : vector<16xi32>
      %add3A_178 = vector.broadcast %add3A_12 : i32 to vector<16xi32>
      %add3A_179 = arith.addi %mul3A_177, %add3A_178 : vector<16xi32>
      %swap3A_180 = arith.constant 32 : index
      %swap3A_181 = tpu.vector_load %arg11[%swap3A_180] {strides = array<i32>} : memref<128xi32, #tpu.memory_space<vmem>>, vector<16xi32>,
      %swap3A_182 = vector.shape_cast %swap3A_181 : vector<16xi32> to vector<16xi32>
      %swap3A_183 = vector.shape_cast %add3A_179 : vector<16xi32> to vector<16xi32>
      tpu.vector_store %arg11[%swap3A_180], %swap3A_183 {strides = array<i32>} : memref<128xi32, #tpu.memory_space<vmem>>, vector<16xi32>,
      %get3A_184 = arith.constant 0 : i32
      %get3A_185 = arith.index_cast %get3A_184 : i32 to index
      %get3A_186 = arith.constant 48 : index
      %get3A_187 = tpu.vector_load %arg9[%get3A_185, %get3A_186] {strides = array<i32>} : memref<5x128xi32, #tpu.memory_space<vmem>>, vector<1x16xi32>,
      %get3A_188 = vector.shape_cast %get3A_187 : vector<1x16xi32> to vector<16xi32>
      %mul3A_189 = arith.constant 4 : i32
      %mul3A_190 = vector.broadcast %mul3A_189 : i32 to vector<16xi32>
      %mul3A_191 = arith.muli %get3A_188, %mul3A_190 : vector<16xi32>
      %add3A_192 = vector.broadcast %add3A_12 : i32 to vector<16xi32>
      %add3A_193 = arith.addi %mul3A_191, %add3A_192 : vector<16xi32>
      %swap3A_194 = arith.constant 48 : index
      %swap3A_195 = tpu.vector_load %arg11[%swap3A_194] {strides = array<i32>} : memref<128xi32, #tpu.memory_space<vmem>>, vector<16xi32>,
      %swap3A_196 = vector.shape_cast %swap3A_195 : vector<16xi32> to vector<16xi32>
      %swap3A_197 = vector.shape_cast %add3A_193 : vector<16xi32> to vector<16xi32>
      tpu.vector_store %arg11[%swap3A_194], %swap3A_197 {strides = array<i32>} : memref<128xi32, #tpu.memory_space<vmem>>, vector<16xi32>,
      %get3A_198 = arith.constant 0 : i32
      %get3A_199 = arith.index_cast %get3A_198 : i32 to index
      %get3A_200 = arith.constant 64 : index
      %get3A_201 = tpu.vector_load %arg9[%get3A_199, %get3A_200] {strides = array<i32>} : memref<5x128xi32, #tpu.memory_space<vmem>>, vector<1x16xi32>,
      %get3A_202 = vector.shape_cast %get3A_201 : vector<1x16xi32> to vector<16xi32>
      %mul3A_203 = arith.constant 4 : i32
      %mul3A_204 = vector.broadcast %mul3A_203 : i32 to vector<16xi32>
      %mul3A_205 = arith.muli %get3A_202, %mul3A_204 : vector<16xi32>
      %add3A_206 = vector.broadcast %add3A_12 : i32 to vector<16xi32>
      %add3A_207 = arith.addi %mul3A_205, %add3A_206 : vector<16xi32>
      %swap3A_208 = arith.constant 64 : index
      %swap3A_209 = tpu.vector_load %arg11[%swap3A_208] {strides = array<i32>} : memref<128xi32, #tpu.memory_space<vmem>>, vector<16xi32>,
      %swap3A_210 = vector.shape_cast %swap3A_209 : vector<16xi32> to vector<16xi32>
      %swap3A_211 = vector.shape_cast %add3A_207 : vector<16xi32> to vector<16xi32>
      tpu.vector_store %arg11[%swap3A_208], %swap3A_211 {strides = array<i32>} : memref<128xi32, #tpu.memory_space<vmem>>, vector<16xi32>,
      %get3A_212 = arith.constant 0 : i32
      %get3A_213 = arith.index_cast %get3A_212 : i32 to index
      %get3A_214 = arith.constant 80 : index
      %get3A_215 = tpu.vector_load %arg9[%get3A_213, %get3A_214] {strides = array<i32>} : memref<5x128xi32, #tpu.memory_space<vmem>>, vector<1x16xi32>,
      %get3A_216 = vector.shape_cast %get3A_215 : vector<1x16xi32> to vector<16xi32>
      %mul3A_217 = arith.constant 4 : i32
      %mul3A_218 = vector.broadcast %mul3A_217 : i32 to vector<16xi32>
      %mul3A_219 = arith.muli %get3A_216, %mul3A_218 : vector<16xi32>
      %add3A_220 = vector.broadcast %add3A_12 : i32 to vector<16xi32>
      %add3A_221 = arith.addi %mul3A_219, %add3A_220 : vector<16xi32>
      %swap3A_222 = arith.constant 80 : index
      %swap3A_223 = tpu.vector_load %arg11[%swap3A_222] {strides = array<i32>} : memref<128xi32, #tpu.memory_space<vmem>>, vector<16xi32>,
      %swap3A_224 = vector.shape_cast %swap3A_223 : vector<16xi32> to vector<16xi32>
      %swap3A_225 = vector.shape_cast %add3A_221 : vector<16xi32> to vector<16xi32>
      tpu.vector_store %arg11[%swap3A_222], %swap3A_225 {strides = array<i32>} : memref<128xi32, #tpu.memory_space<vmem>>, vector<16xi32>,
      %get3A_226 = arith.constant 0 : i32
      %get3A_227 = arith.index_cast %get3A_226 : i32 to index
      %get3A_228 = arith.constant 96 : index
      %get3A_229 = tpu.vector_load %arg9[%get3A_227, %get3A_228] {strides = array<i32>} : memref<5x128xi32, #tpu.memory_space<vmem>>, vector<1x16xi32>,
      %get3A_230 = vector.shape_cast %get3A_229 : vector<1x16xi32> to vector<16xi32>
      %mul3A_231 = arith.constant 4 : i32
      %mul3A_232 = vector.broadcast %mul3A_231 : i32 to vector<16xi32>
      %mul3A_233 = arith.muli %get3A_230, %mul3A_232 : vector<16xi32>
      %add3A_234 = vector.broadcast %add3A_12 : i32 to vector<16xi32>
      %add3A_235 = arith.addi %mul3A_233, %add3A_234 : vector<16xi32>
      %swap3A_236 = arith.constant 96 : index
      %swap3A_237 = tpu.vector_load %arg11[%swap3A_236] {strides = array<i32>} : memref<128xi32, #tpu.memory_space<vmem>>, vector<16xi32>,
      %swap3A_238 = vector.shape_cast %swap3A_237 : vector<16xi32> to vector<16xi32>
      %swap3A_239 = vector.shape_cast %add3A_235 : vector<16xi32> to vector<16xi32>
      tpu.vector_store %arg11[%swap3A_236], %swap3A_239 {strides = array<i32>} : memref<128xi32, #tpu.memory_space<vmem>>, vector<16xi32>,
      %get3A_240 = arith.constant 0 : i32
      %get3A_241 = arith.index_cast %get3A_240 : i32 to index
      %get3A_242 = arith.constant 112 : index
      %get3A_243 = tpu.vector_load %arg9[%get3A_241, %get3A_242] {strides = array<i32>} : memref<5x128xi32, #tpu.memory_space<vmem>>, vector<1x16xi32>,
      %get3A_244 = vector.shape_cast %get3A_243 : vector<1x16xi32> to vector<16xi32>
      %mul3A_245 = arith.constant 4 : i32
      %mul3A_246 = vector.broadcast %mul3A_245 : i32 to vector<16xi32>
      %mul3A_247 = arith.muli %get3A_244, %mul3A_246 : vector<16xi32>
      %add3A_248 = vector.broadcast %add3A_12 : i32 to vector<16xi32>
      %add3A_249 = arith.addi %mul3A_247, %add3A_248 : vector<16xi32>
      %swap3A_250 = arith.constant 112 : index
      %swap3A_251 = tpu.vector_load %arg11[%swap3A_250] {strides = array<i32>} : memref<128xi32, #tpu.memory_space<vmem>>, vector<16xi32>,
      %swap3A_252 = vector.shape_cast %swap3A_251 : vector<16xi32> to vector<16xi32>
      %swap3A_253 = vector.shape_cast %add3A_249 : vector<16xi32> to vector<16xi32>
      tpu.vector_store %arg11[%swap3A_250], %swap3A_253 {strides = array<i32>} : memref<128xi32, #tpu.memory_space<vmem>>, vector<16xi32>,
      %dma_start3A = arith.constant 0 : i32
      %dma_start3A_254 = arith.constant 0 : i32
      %dma_start3A_255 = tpu.memref_slice %arg2[%dma_start3A, %dma_start3A_254] : memref<200000x16xf32, #tpu.memory_space<hbm>> -> memref<200000x16xf32, #tpu.memory_space<hbm>>
      tpu.enqueue_indirect_dma source(%dma_start3A_255 : memref<200000x16xf32, #tpu.memory_space<hbm>>) target(%arg13 : memref<128x16xf32, #tpu.memory_space<vmem>>) offsets(%arg11 : memref<128xi32, #tpu.memory_space<vmem>>) semaphore(%arg21 : memref<!tpu.dma_semaphore, #tpu.memory_space<semaphore_mem>>)
      %add3A_256 = arith.constant 0 : i32
      %add3A_257 = arith.addi %mul3A_140, %add3A_256 : i32
      %mul3A_258 = arith.constant 64 : i32
      %mul3A_259 = arith.muli %add3A_257, %mul3A_258 : i32
      %dma_start3A_260 = arith.constant 0 : i32
      %dma_start3A_261 = tpu.memref_slice %arg4[%mul3A_259, %dma_start3A_260] : memref<400000x128xf32, #tpu.memory_space<hbm>> -> memref<64x128xf32, #tpu.memory_space<hbm>>
      %dma_start3A_262 = arith.constant 0 : i32
      %dma_start3A_263 = tpu.memref_slice %arg4[%mul3A_259, %dma_start3A_262] : memref<400000x128xf32, #tpu.memory_space<hbm>> -> memref<64x128xf32, #tpu.memory_space<hbm>>
      tpu.enqueue_dma source(%dma_start3A_263 : memref<64x128xf32, #tpu.memory_space<hbm>>) target(%arg15 : memref<64x128xf32, #tpu.memory_space<vmem>>) target_semaphore(%arg21 : memref<!tpu.dma_semaphore, #tpu.memory_space<semaphore_mem>>)
      %scan3A_264 = arith.constant 0 : i32
      %scan3A_265 = arith.constant 2 : i32
      %scan3A_266 = arith.addi %scan3A_264, %scan3A_265 : i32
      %scan3A_267 = arith.constant 1 : i32
      scf.for %scan3A_310 = %scan3A_264 to %scan3A_266 step %scan3A_267  : i32 {
        %mul3A_311 = arith.constant 1 : i32
        %mul3A_312 = arith.muli %scan3A_310, %mul3A_311 : i32
        %add3A_313 = arith.constant 0 : i32
        %add3A_314 = arith.addi %add3A_313, %mul3A_312 : i32
        %mul3A_315 = arith.constant 2 : i32
        %mul3A_316 = arith.muli %mul3A_315, %add3A_314 : i32
        %add3A_317 = arith.constant 1 : i32
        %add3A_318 = arith.addi %mul3A_316, %add3A_317 : i32
        %gt3A_319 = arith.constant 0 : i32
        %gt3A_320 = arith.cmpi sgt, %add3A_314, %gt3A_319 : i32
        %get3A_321 = arith.index_cast %add3A_318 : i32 to index
        %get3A_322 = arith.constant 0 : index
        %get3A_323 = tpu.vector_load %arg9[%get3A_321, %get3A_322] {strides = array<i32>} : memref<5x128xi32, #tpu.memory_space<vmem>>, vector<1x16xi32>,
        %get3A_324 = vector.shape_cast %get3A_323 : vector<1x16xi32> to vector<16xi32>
        %mul3A_325 = arith.constant 4 : i32
        %mul3A_326 = vector.broadcast %mul3A_325 : i32 to vector<16xi32>
        %mul3A_327 = arith.muli %get3A_324, %mul3A_326 : vector<16xi32>
        %add3A_328 = vector.broadcast %add3A_12 : i32 to vector<16xi32>
        %add3A_329 = arith.addi %mul3A_327, %add3A_328 : vector<16xi32>
        %swap3A_330 = arith.constant 0 : index
        %swap3A_331 = tpu.vector_load %arg12[%swap3A_330] {strides = array<i32>} : memref<128xi32, #tpu.memory_space<vmem>>, vector<16xi32>,
        %swap3A_332 = vector.shape_cast %swap3A_331 : vector<16xi32> to vector<16xi32>
        %swap3A_333 = vector.shape_cast %add3A_329 : vector<16xi32> to vector<16xi32>
        tpu.vector_store %arg12[%swap3A_330], %swap3A_333 {strides = array<i32>} : memref<128xi32, #tpu.memory_space<vmem>>, vector<16xi32>,
        %get3A_334 = arith.index_cast %add3A_318 : i32 to index
        %get3A_335 = arith.constant 16 : index
        %get3A_336 = tpu.vector_load %arg9[%get3A_334, %get3A_335] {strides = array<i32>} : memref<5x128xi32, #tpu.memory_space<vmem>>, vector<1x16xi32>,
        %get3A_337 = vector.shape_cast %get3A_336 : vector<1x16xi32> to vector<16xi32>
        %mul3A_338 = arith.constant 4 : i32
        %mul3A_339 = vector.broadcast %mul3A_338 : i32 to vector<16xi32>
        %mul3A_340 = arith.muli %get3A_337, %mul3A_339 : vector<16xi32>
        %add3A_341 = vector.broadcast %add3A_12 : i32 to vector<16xi32>
        %add3A_342 = arith.addi %mul3A_340, %add3A_341 : vector<16xi32>
        %swap3A_343 = arith.constant 16 : index
        %swap3A_344 = tpu.vector_load %arg12[%swap3A_343] {strides = array<i32>} : memref<128xi32, #tpu.memory_space<vmem>>, vector<16xi32>,
        %swap3A_345 = vector.shape_cast %swap3A_344 : vector<16xi32> to vector<16xi32>
        %swap3A_346 = vector.shape_cast %add3A_342 : vector<16xi32> to vector<16xi32>
        tpu.vector_store %arg12[%swap3A_343], %swap3A_346 {strides = array<i32>} : memref<128xi32, #tpu.memory_space<vmem>>, vector<16xi32>,
        %get3A_347 = arith.index_cast %add3A_318 : i32 to index
        %get3A_348 = arith.constant 32 : index
        %get3A_349 = tpu.vector_load %arg9[%get3A_347, %get3A_348] {strides = array<i32>} : memref<5x128xi32, #tpu.memory_space<vmem>>, vector<1x16xi32>,
        %get3A_350 = vector.shape_cast %get3A_349 : vector<1x16xi32> to vector<16xi32>
        %mul3A_351 = arith.constant 4 : i32
        %mul3A_352 = vector.broadcast %mul3A_351 : i32 to vector<16xi32>
        %mul3A_353 = arith.muli %get3A_350, %mul3A_352 : vector<16xi32>
        %add3A_354 = vector.broadcast %add3A_12 : i32 to vector<16xi32>
        %add3A_355 = arith.addi %mul3A_353, %add3A_354 : vector<16xi32>
        %swap3A_356 = arith.constant 32 : index
        %swap3A_357 = tpu.vector_load %arg12[%swap3A_356] {strides = array<i32>} : memref<128xi32, #tpu.memory_space<vmem>>, vector<16xi32>,
        %swap3A_358 = vector.shape_cast %swap3A_357 : vector<16xi32> to vector<16xi32>
        %swap3A_359 = vector.shape_cast %add3A_355 : vector<16xi32> to vector<16xi32>
        tpu.vector_store %arg12[%swap3A_356], %swap3A_359 {strides = array<i32>} : memref<128xi32, #tpu.memory_space<vmem>>, vector<16xi32>,
        %get3A_360 = arith.index_cast %add3A_318 : i32 to index
        %get3A_361 = arith.constant 48 : index
        %get3A_362 = tpu.vector_load %arg9[%get3A_360, %get3A_361] {strides = array<i32>} : memref<5x128xi32, #tpu.memory_space<vmem>>, vector<1x16xi32>,
        %get3A_363 = vector.shape_cast %get3A_362 : vector<1x16xi32> to vector<16xi32>
        %mul3A_364 = arith.constant 4 : i32
        %mul3A_365 = vector.broadcast %mul3A_364 : i32 to vector<16xi32>
        %mul3A_366 = arith.muli %get3A_363, %mul3A_365 : vector<16xi32>
        %add3A_367 = vector.broadcast %add3A_12 : i32 to vector<16xi32>
        %add3A_368 = arith.addi %mul3A_366, %add3A_367 : vector<16xi32>
        %swap3A_369 = arith.constant 48 : index
        %swap3A_370 = tpu.vector_load %arg12[%swap3A_369] {strides = array<i32>} : memref<128xi32, #tpu.memory_space<vmem>>, vector<16xi32>,
        %swap3A_371 = vector.shape_cast %swap3A_370 : vector<16xi32> to vector<16xi32>
        %swap3A_372 = vector.shape_cast %add3A_368 : vector<16xi32> to vector<16xi32>
        tpu.vector_store %arg12[%swap3A_369], %swap3A_372 {strides = array<i32>} : memref<128xi32, #tpu.memory_space<vmem>>, vector<16xi32>,
        %get3A_373 = arith.index_cast %add3A_318 : i32 to index
        %get3A_374 = arith.constant 64 : index
        %get3A_375 = tpu.vector_load %arg9[%get3A_373, %get3A_374] {strides = array<i32>} : memref<5x128xi32, #tpu.memory_space<vmem>>, vector<1x16xi32>,
        %get3A_376 = vector.shape_cast %get3A_375 : vector<1x16xi32> to vector<16xi32>
        %mul3A_377 = arith.constant 4 : i32
        %mul3A_378 = vector.broadcast %mul3A_377 : i32 to vector<16xi32>
        %mul3A_379 = arith.muli %get3A_376, %mul3A_378 : vector<16xi32>
        %add3A_380 = vector.broadcast %add3A_12 : i32 to vector<16xi32>
        %add3A_381 = arith.addi %mul3A_379, %add3A_380 : vector<16xi32>
        %swap3A_382 = arith.constant 64 : index
        %swap3A_383 = tpu.vector_load %arg12[%swap3A_382] {strides = array<i32>} : memref<128xi32, #tpu.memory_space<vmem>>, vector<16xi32>,
        %swap3A_384 = vector.shape_cast %swap3A_383 : vector<16xi32> to vector<16xi32>
        %swap3A_385 = vector.shape_cast %add3A_381 : vector<16xi32> to vector<16xi32>
        tpu.vector_store %arg12[%swap3A_382], %swap3A_385 {strides = array<i32>} : memref<128xi32, #tpu.memory_space<vmem>>, vector<16xi32>,
        %get3A_386 = arith.index_cast %add3A_318 : i32 to index
        %get3A_387 = arith.constant 80 : index
        %get3A_388 = tpu.vector_load %arg9[%get3A_386, %get3A_387] {strides = array<i32>} : memref<5x128xi32, #tpu.memory_space<vmem>>, vector<1x16xi32>,
        %get3A_389 = vector.shape_cast %get3A_388 : vector<1x16xi32> to vector<16xi32>
        %mul3A_390 = arith.constant 4 : i32
        %mul3A_391 = vector.broadcast %mul3A_390 : i32 to vector<16xi32>
        %mul3A_392 = arith.muli %get3A_389, %mul3A_391 : vector<16xi32>
        %add3A_393 = vector.broadcast %add3A_12 : i32 to vector<16xi32>
        %add3A_394 = arith.addi %mul3A_392, %add3A_393 : vector<16xi32>
        %swap3A_395 = arith.constant 80 : index
        %swap3A_396 = tpu.vector_load %arg12[%swap3A_395] {strides = array<i32>} : memref<128xi32, #tpu.memory_space<vmem>>, vector<16xi32>,
        %swap3A_397 = vector.shape_cast %swap3A_396 : vector<16xi32> to vector<16xi32>
        %swap3A_398 = vector.shape_cast %add3A_394 : vector<16xi32> to vector<16xi32>
        tpu.vector_store %arg12[%swap3A_395], %swap3A_398 {strides = array<i32>} : memref<128xi32, #tpu.memory_space<vmem>>, vector<16xi32>,
        %get3A_399 = arith.index_cast %add3A_318 : i32 to index
        %get3A_400 = arith.constant 96 : index
        %get3A_401 = tpu.vector_load %arg9[%get3A_399, %get3A_400] {strides = array<i32>} : memref<5x128xi32, #tpu.memory_space<vmem>>, vector<1x16xi32>,
        %get3A_402 = vector.shape_cast %get3A_401 : vector<1x16xi32> to vector<16xi32>
        %mul3A_403 = arith.constant 4 : i32
        %mul3A_404 = vector.broadcast %mul3A_403 : i32 to vector<16xi32>
        %mul3A_405 = arith.muli %get3A_402, %mul3A_404 : vector<16xi32>
        %add3A_406 = vector.broadcast %add3A_12 : i32 to vector<16xi32>
        %add3A_407 = arith.addi %mul3A_405, %add3A_406 : vector<16xi32>
        %swap3A_408 = arith.constant 96 : index
        %swap3A_409 = tpu.vector_load %arg12[%swap3A_408] {strides = array<i32>} : memref<128xi32, #tpu.memory_space<vmem>>, vector<16xi32>,
        %swap3A_410 = vector.shape_cast %swap3A_409 : vector<16xi32> to vector<16xi32>
        %swap3A_411 = vector.shape_cast %add3A_407 : vector<16xi32> to vector<16xi32>
        tpu.vector_store %arg12[%swap3A_408], %swap3A_411 {strides = array<i32>} : memref<128xi32, #tpu.memory_space<vmem>>, vector<16xi32>,
        %get3A_412 = arith.index_cast %add3A_318 : i32 to index
        %get3A_413 = arith.constant 112 : index
        %get3A_414 = tpu.vector_load %arg9[%get3A_412, %get3A_413] {strides = array<i32>} : memref<5x128xi32, #tpu.memory_space<vmem>>, vector<1x16xi32>,
        %get3A_415 = vector.shape_cast %get3A_414 : vector<1x16xi32> to vector<16xi32>
        %mul3A_416 = arith.constant 4 : i32
        %mul3A_417 = vector.broadcast %mul3A_416 : i32 to vector<16xi32>
        %mul3A_418 = arith.muli %get3A_415, %mul3A_417 : vector<16xi32>
        %add3A_419 = vector.broadcast %add3A_12 : i32 to vector<16xi32>
        %add3A_420 = arith.addi %mul3A_418, %add3A_419 : vector<16xi32>
        %swap3A_421 = arith.constant 112 : index
        %swap3A_422 = tpu.vector_load %arg12[%swap3A_421] {strides = array<i32>} : memref<128xi32, #tpu.memory_space<vmem>>, vector<16xi32>,
        %swap3A_423 = vector.shape_cast %swap3A_422 : vector<16xi32> to vector<16xi32>
        %swap3A_424 = vector.shape_cast %add3A_420 : vector<16xi32> to vector<16xi32>
        tpu.vector_store %arg12[%swap3A_421], %swap3A_424 {strides = array<i32>} : memref<128xi32, #tpu.memory_space<vmem>>, vector<16xi32>,
        %dma_start3A_425 = arith.constant 0 : i32
        %dma_start3A_426 = arith.constant 0 : i32
        %dma_start3A_427 = tpu.memref_slice %arg2[%dma_start3A_425, %dma_start3A_426] : memref<200000x16xf32, #tpu.memory_space<hbm>> -> memref<200000x16xf32, #tpu.memory_space<hbm>>
        tpu.enqueue_indirect_dma source(%dma_start3A_427 : memref<200000x16xf32, #tpu.memory_space<hbm>>) target(%arg14 : memref<128x16xf32, #tpu.memory_space<vmem>>) offsets(%arg12 : memref<128xi32, #tpu.memory_space<vmem>>) semaphore(%arg22 : memref<!tpu.dma_semaphore, #tpu.memory_space<semaphore_mem>>)
        %add3A_428 = arith.addi %mul3A_140, %add3A_318 : i32
        %mul3A_429 = arith.constant 64 : i32
        %mul3A_430 = arith.muli %add3A_428, %mul3A_429 : i32
        %dma_start3A_431 = arith.constant 0 : i32
        %dma_start3A_432 = tpu.memref_slice %arg4[%mul3A_430, %dma_start3A_431] : memref<400000x128xf32, #tpu.memory_space<hbm>> -> memref<64x128xf32, #tpu.memory_space<hbm>>
        %dma_start3A_433 = arith.constant 0 : i32
        %dma_start3A_434 = tpu.memref_slice %arg4[%mul3A_430, %dma_start3A_433] : memref<400000x128xf32, #tpu.memory_space<hbm>> -> memref<64x128xf32, #tpu.memory_space<hbm>>
        tpu.enqueue_dma source(%dma_start3A_434 : memref<64x128xf32, #tpu.memory_space<hbm>>) target(%arg16 : memref<64x128xf32, #tpu.memory_space<vmem>>) target_semaphore(%arg22 : memref<!tpu.dma_semaphore, #tpu.memory_space<semaphore_mem>>)
        %dma_wait3A_435 = arith.constant 0 : i32
        %dma_wait3A_436 = arith.constant 0 : i32
        %dma_wait3A_437 = tpu.memref_slice %arg2[%dma_wait3A_435, %dma_wait3A_436] : memref<200000x16xf32, #tpu.memory_space<hbm>> -> memref<200000x16xf32, #tpu.memory_space<hbm>>
        tpu.wait_indirect_dma semaphore(%arg21 : memref<!tpu.dma_semaphore, #tpu.memory_space<semaphore_mem>>) src(%dma_wait3A_437 : memref<200000x16xf32, #tpu.memory_space<hbm>>) dst(%arg13 : memref<128x16xf32, #tpu.memory_space<vmem>>)
        %dma_wait3A_438 = arith.constant 0 : i32
        %dma_wait3A_439 = arith.constant 0 : i32
        %dma_wait3A_440 = tpu.memref_slice %arg4[%dma_wait3A_438, %dma_wait3A_439] : memref<400000x128xf32, #tpu.memory_space<hbm>> -> memref<64x128xf32, #tpu.memory_space<hbm>>
        %dma_wait3A_441 = arith.constant 0 : i32
        %dma_wait3A_442 = arith.constant 0 : i32
        %dma_wait3A_443 = tpu.memref_slice %arg4[%dma_wait3A_441, %dma_wait3A_442] : memref<400000x128xf32, #tpu.memory_space<hbm>> -> memref<64x128xf32, #tpu.memory_space<hbm>>
        tpu.wait_dma2 semaphore(%arg21 : memref<!tpu.dma_semaphore, #tpu.memory_space<semaphore_mem>>) src(%dma_wait3A_443 : memref<64x128xf32, #tpu.memory_space<hbm>>) dst(%arg15 : memref<64x128xf32, #tpu.memory_space<vmem>>)
        %convert_element_type3A_444 = arith.extui %gt3A_320 : i1 to i32
        %cond3A_445 = arith.constant 0 : i32
        %cond3A_446 = arith.cmpi ne, %convert_element_type3A_444, %cond3A_445 : i32
        scf.if %cond3A_446 {
          %dma_wait3A_613 = arith.constant 0 : i32
          %dma_wait3A_614 = arith.constant 0 : i32
          %dma_wait3A_615 = tpu.memref_slice %arg10[%dma_wait3A_613, %dma_wait3A_614] : memref<5x128xi32, #tpu.memory_space<vmem>> -> memref<1x128xi32, #tpu.memory_space<vmem>>
          %dma_wait3A_616 = tpu.memref_squeeze %dma_wait3A_615 : memref<1x128xi32, #tpu.memory_space<vmem>> -> memref<128xi32, #tpu.memory_space<vmem>>
          %dma_wait3A_617 = arith.constant 0 : i32
          %dma_wait3A_618 = arith.constant 0 : i32
          %dma_wait3A_619 = tpu.memref_slice %arg7[%dma_wait3A_617, %dma_wait3A_618] : memref<50000x16xf32, #tpu.memory_space<vmem_shared>> -> memref<50000x16xf32, #tpu.memory_space<vmem_shared>>
          tpu.wait_indirect_dma semaphore(%arg23 : memref<!tpu.dma_semaphore, #tpu.memory_space<semaphore_mem>>) src(%arg17 : memref<128x16xf32, #tpu.memory_space<vmem>>) dst(%dma_wait3A_619 : memref<50000x16xf32, #tpu.memory_space<vmem_shared>>)
          %dma_wait3A_620 = arith.constant 0 : i32
          %dma_wait3A_621 = arith.constant 0 : i32
          %dma_wait3A_622 = tpu.memref_slice %arg10[%dma_wait3A_620, %dma_wait3A_621] : memref<5x128xi32, #tpu.memory_space<vmem>> -> memref<1x128xi32, #tpu.memory_space<vmem>>
          %dma_wait3A_623 = tpu.memref_squeeze %dma_wait3A_622 : memref<1x128xi32, #tpu.memory_space<vmem>> -> memref<128xi32, #tpu.memory_space<vmem>>
          %dma_wait3A_624 = arith.constant 0 : i32
          %dma_wait3A_625 = arith.constant 0 : i32
          %dma_wait3A_626 = tpu.memref_slice %arg8[%dma_wait3A_624, %dma_wait3A_625] : memref<50000x16xf32, #tpu.memory_space<vmem_shared>> -> memref<50000x16xf32, #tpu.memory_space<vmem_shared>>
          tpu.wait_indirect_dma semaphore(%arg23 : memref<!tpu.dma_semaphore, #tpu.memory_space<semaphore_mem>>) src(%arg19 : memref<128x16xf32, #tpu.memory_space<vmem>>) dst(%dma_wait3A_626 : memref<50000x16xf32, #tpu.memory_space<vmem_shared>>)
        } else {
        }
        %mul3A_447 = arith.constant 16 : i32
        %mul3A_448 = arith.muli %add3A_12, %mul3A_447 : i32
        %parallel_loop3A_449 = arith.constant 0 : i32
        %parallel_loop3A_450 = arith.constant 128 : i32
        %parallel_loop3A_451 = arith.constant 1 : i32
        scf.for %parallel_loop3A_613 = %parallel_loop3A_449 to %parallel_loop3A_450 step %parallel_loop3A_451  : i32 {
          %parallel_loop3A_614 = arith.constant 6 : i32
          %parallel_loop3A_615 = arith.shli %parallel_loop3A_613, %parallel_loop3A_614 : i32
          %parallel_loop3A_616 = arith.addi %parallel_loop3A_615, %mul3A_448 : i32
          %parallel_loop3A_617 = arith.constant 7 : i32
          %parallel_loop3A_618 = arith.shrsi %parallel_loop3A_616, %parallel_loop3A_617 : i32
          %parallel_loop3A_619 = arith.constant 127 : i32
          %parallel_loop3A_620 = arith.andi %parallel_loop3A_616, %parallel_loop3A_619 : i32
          %parallel_loop3A_621 = arith.index_cast %parallel_loop3A_618 : i32 to index
          %parallel_loop3A_622 = arith.index_cast %parallel_loop3A_620 : i32 to index
          %parallel_loop3A_623 = tpu.vector_load %arg15[%parallel_loop3A_621, %parallel_loop3A_622] {strides = array<i32>} : memref<64x128xf32, #tpu.memory_space<vmem>>, vector<1x16xf32>,
          %parallel_loop3A_624 = vector.shape_cast %parallel_loop3A_623 : vector<1x16xf32> to vector<16xf32>
          %parallel_loop3A_625 = arith.index_cast %parallel_loop3A_613 : i32 to index
          %parallel_loop3A_626 = arith.constant 0 : index
          %parallel_loop3A_627 = tpu.vector_load %arg13[%parallel_loop3A_625, %parallel_loop3A_626] {strides = array<i32>} : memref<128x16xf32, #tpu.memory_space<vmem>>, vector<1x16xf32>,
          %parallel_loop3A_628 = vector.shape_cast %parallel_loop3A_627 : vector<1x16xf32> to vector<16xf32>
          %parallel_loop3A_629 = arith.addf %parallel_loop3A_628, %parallel_loop3A_624 : vector<16xf32>
          %parallel_loop3A_630 = arith.constant 0.000000e+00 : f32
          %parallel_loop3A_631 = vector.broadcast %parallel_loop3A_630 : f32 to vector<16xf32>
          %parallel_loop3A_632 = arith.maximumf %parallel_loop3A_629, %parallel_loop3A_631 : vector<16xf32>
          %parallel_loop3A_633 = arith.constant 1.000000e-07 : f32
          %parallel_loop3A_634 = vector.broadcast %parallel_loop3A_633 : f32 to vector<16xf32>
          %parallel_loop3A_635 = arith.addf %parallel_loop3A_632, %parallel_loop3A_634 : vector<16xf32>
          %parallel_loop3A_636 = math.exp %parallel_loop3A_635 : vector<16xf32>
          %parallel_loop3A_637 = arith.index_cast %parallel_loop3A_613 : i32 to index
          %parallel_loop3A_638 = arith.constant 0 : index
          %parallel_loop3A_639 = tpu.vector_load %arg17[%parallel_loop3A_637, %parallel_loop3A_638] {strides = array<i32>} : memref<128x16xf32, #tpu.memory_space<vmem>>, vector<1x16xf32>,
          %parallel_loop3A_640 = vector.shape_cast %parallel_loop3A_639 : vector<1x16xf32> to vector<16xf32>
          %parallel_loop3A_641 = vector.shape_cast %parallel_loop3A_636 : vector<16xf32> to vector<1x16xf32>
          tpu.vector_store %arg17[%parallel_loop3A_637, %parallel_loop3A_638], %parallel_loop3A_641 {strides = array<i32>} : memref<128x16xf32, #tpu.memory_space<vmem>>, vector<1x16xf32>,
          %parallel_loop3A_642 = arith.mulf %parallel_loop3A_635, %parallel_loop3A_636 : vector<16xf32>
          %parallel_loop3A_643 = arith.index_cast %parallel_loop3A_613 : i32 to index
          %parallel_loop3A_644 = arith.constant 0 : index
          %parallel_loop3A_645 = tpu.vector_load %arg19[%parallel_loop3A_643, %parallel_loop3A_644] {strides = array<i32>} : memref<128x16xf32, #tpu.memory_space<vmem>>, vector<1x16xf32>,
          %parallel_loop3A_646 = vector.shape_cast %parallel_loop3A_645 : vector<1x16xf32> to vector<16xf32>
          %parallel_loop3A_647 = vector.shape_cast %parallel_loop3A_642 : vector<16xf32> to vector<1x16xf32>
          tpu.vector_store %arg19[%parallel_loop3A_643, %parallel_loop3A_644], %parallel_loop3A_647 {strides = array<i32>} : memref<128x16xf32, #tpu.memory_space<vmem>>, vector<1x16xf32>,
        } {sc.loop_unroll_factor = 8 : i64, sc.parallel_access}
        %dma_start3A_452 = arith.constant 0 : i32
        %dma_start3A_453 = tpu.memref_slice %arg10[%mul3A_316, %dma_start3A_452] : memref<5x128xi32, #tpu.memory_space<vmem>> -> memref<1x128xi32, #tpu.memory_space<vmem>>
        %dma_start3A_454 = tpu.memref_squeeze %dma_start3A_453 : memref<1x128xi32, #tpu.memory_space<vmem>> -> memref<128xi32, #tpu.memory_space<vmem>>
        %dma_start3A_455 = arith.constant 0 : i32
        %dma_start3A_456 = arith.constant 0 : i32
        %dma_start3A_457 = tpu.memref_slice %arg7[%dma_start3A_455, %dma_start3A_456] : memref<50000x16xf32, #tpu.memory_space<vmem_shared>> -> memref<50000x16xf32, #tpu.memory_space<vmem_shared>>
        tpu.enqueue_indirect_dma source(%arg17 : memref<128x16xf32, #tpu.memory_space<vmem>>) target(%dma_start3A_457 : memref<50000x16xf32, #tpu.memory_space<vmem_shared>>) offsets(%dma_start3A_454 : memref<128xi32, #tpu.memory_space<vmem>>) semaphore(%arg23 : memref<!tpu.dma_semaphore, #tpu.memory_space<semaphore_mem>>) {add = true}
        %dma_start3A_458 = arith.constant 0 : i32
        %dma_start3A_459 = tpu.memref_slice %arg10[%mul3A_316, %dma_start3A_458] : memref<5x128xi32, #tpu.memory_space<vmem>> -> memref<1x128xi32, #tpu.memory_space<vmem>>
        %dma_start3A_460 = tpu.memref_squeeze %dma_start3A_459 : memref<1x128xi32, #tpu.memory_space<vmem>> -> memref<128xi32, #tpu.memory_space<vmem>>
        %dma_start3A_461 = arith.constant 0 : i32
        %dma_start3A_462 = arith.constant 0 : i32
        %dma_start3A_463 = tpu.memref_slice %arg8[%dma_start3A_461, %dma_start3A_462] : memref<50000x16xf32, #tpu.memory_space<vmem_shared>> -> memref<50000x16xf32, #tpu.memory_space<vmem_shared>>
        tpu.enqueue_indirect_dma source(%arg19 : memref<128x16xf32, #tpu.memory_space<vmem>>) target(%dma_start3A_463 : memref<50000x16xf32, #tpu.memory_space<vmem_shared>>) offsets(%dma_start3A_460 : memref<128xi32, #tpu.memory_space<vmem>>) semaphore(%arg23 : memref<!tpu.dma_semaphore, #tpu.memory_space<semaphore_mem>>) {add = true}
        %add3A_464 = arith.constant 1 : i32
        %add3A_465 = arith.addi %mul3A_316, %add3A_464 : i32
        %add3A_466 = arith.constant 2 : i32
        %add3A_467 = arith.addi %mul3A_316, %add3A_466 : i32
        %gt3A_468 = arith.constant 0 : i32
        %gt3A_469 = arith.cmpi sgt, %add3A_314, %gt3A_468 : i32
        %get3A_470 = arith.index_cast %add3A_467 : i32 to index
        %get3A_471 = arith.constant 0 : index
        %get3A_472 = tpu.vector_load %arg9[%get3A_470, %get3A_471] {strides = array<i32>} : memref<5x128xi32, #tpu.memory_space<vmem>>, vector<1x16xi32>,
        %get3A_473 = vector.shape_cast %get3A_472 : vector<1x16xi32> to vector<16xi32>
        %mul3A_474 = arith.constant 4 : i32
        %mul3A_475 = vector.broadcast %mul3A_474 : i32 to vector<16xi32>
        %mul3A_476 = arith.muli %get3A_473, %mul3A_475 : vector<16xi32>
        %add3A_477 = vector.broadcast %add3A_12 : i32 to vector<16xi32>
        %add3A_478 = arith.addi %mul3A_476, %add3A_477 : vector<16xi32>
        %swap3A_479 = arith.constant 0 : index
        %swap3A_480 = tpu.vector_load %arg11[%swap3A_479] {strides = array<i32>} : memref<128xi32, #tpu.memory_space<vmem>>, vector<16xi32>,
        %swap3A_481 = vector.shape_cast %swap3A_480 : vector<16xi32> to vector<16xi32>
        %swap3A_482 = vector.shape_cast %add3A_478 : vector<16xi32> to vector<16xi32>
        tpu.vector_store %arg11[%swap3A_479], %swap3A_482 {strides = array<i32>} : memref<128xi32, #tpu.memory_space<vmem>>, vector<16xi32>,
        %get3A_483 = arith.index_cast %add3A_467 : i32 to index
        %get3A_484 = arith.constant 16 : index
        %get3A_485 = tpu.vector_load %arg9[%get3A_483, %get3A_484] {strides = array<i32>} : memref<5x128xi32, #tpu.memory_space<vmem>>, vector<1x16xi32>,
        %get3A_486 = vector.shape_cast %get3A_485 : vector<1x16xi32> to vector<16xi32>
        %mul3A_487 = arith.constant 4 : i32
        %mul3A_488 = vector.broadcast %mul3A_487 : i32 to vector<16xi32>
        %mul3A_489 = arith.muli %get3A_486, %mul3A_488 : vector<16xi32>
        %add3A_490 = vector.broadcast %add3A_12 : i32 to vector<16xi32>
        %add3A_491 = arith.addi %mul3A_489, %add3A_490 : vector<16xi32>
        %swap3A_492 = arith.constant 16 : index
        %swap3A_493 = tpu.vector_load %arg11[%swap3A_492] {strides = array<i32>} : memref<128xi32, #tpu.memory_space<vmem>>, vector<16xi32>,
        %swap3A_494 = vector.shape_cast %swap3A_493 : vector<16xi32> to vector<16xi32>
        %swap3A_495 = vector.shape_cast %add3A_491 : vector<16xi32> to vector<16xi32>
        tpu.vector_store %arg11[%swap3A_492], %swap3A_495 {strides = array<i32>} : memref<128xi32, #tpu.memory_space<vmem>>, vector<16xi32>,
        %get3A_496 = arith.index_cast %add3A_467 : i32 to index
        %get3A_497 = arith.constant 32 : index
        %get3A_498 = tpu.vector_load %arg9[%get3A_496, %get3A_497] {strides = array<i32>} : memref<5x128xi32, #tpu.memory_space<vmem>>, vector<1x16xi32>,
        %get3A_499 = vector.shape_cast %get3A_498 : vector<1x16xi32> to vector<16xi32>
        %mul3A_500 = arith.constant 4 : i32
        %mul3A_501 = vector.broadcast %mul3A_500 : i32 to vector<16xi32>
        %mul3A_502 = arith.muli %get3A_499, %mul3A_501 : vector<16xi32>
        %add3A_503 = vector.broadcast %add3A_12 : i32 to vector<16xi32>
        %add3A_504 = arith.addi %mul3A_502, %add3A_503 : vector<16xi32>
        %swap3A_505 = arith.constant 32 : index
        %swap3A_506 = tpu.vector_load %arg11[%swap3A_505] {strides = array<i32>} : memref<128xi32, #tpu.memory_space<vmem>>, vector<16xi32>,
        %swap3A_507 = vector.shape_cast %swap3A_506 : vector<16xi32> to vector<16xi32>
        %swap3A_508 = vector.shape_cast %add3A_504 : vector<16xi32> to vector<16xi32>
        tpu.vector_store %arg11[%swap3A_505], %swap3A_508 {strides = array<i32>} : memref<128xi32, #tpu.memory_space<vmem>>, vector<16xi32>,
        %get3A_509 = arith.index_cast %add3A_467 : i32 to index
        %get3A_510 = arith.constant 48 : index
        %get3A_511 = tpu.vector_load %arg9[%get3A_509, %get3A_510] {strides = array<i32>} : memref<5x128xi32, #tpu.memory_space<vmem>>, vector<1x16xi32>,
        %get3A_512 = vector.shape_cast %get3A_511 : vector<1x16xi32> to vector<16xi32>
        %mul3A_513 = arith.constant 4 : i32
        %mul3A_514 = vector.broadcast %mul3A_513 : i32 to vector<16xi32>
        %mul3A_515 = arith.muli %get3A_512, %mul3A_514 : vector<16xi32>
        %add3A_516 = vector.broadcast %add3A_12 : i32 to vector<16xi32>
        %add3A_517 = arith.addi %mul3A_515, %add3A_516 : vector<16xi32>
        %swap3A_518 = arith.constant 48 : index
        %swap3A_519 = tpu.vector_load %arg11[%swap3A_518] {strides = array<i32>} : memref<128xi32, #tpu.memory_space<vmem>>, vector<16xi32>,
        %swap3A_520 = vector.shape_cast %swap3A_519 : vector<16xi32> to vector<16xi32>
        %swap3A_521 = vector.shape_cast %add3A_517 : vector<16xi32> to vector<16xi32>
        tpu.vector_store %arg11[%swap3A_518], %swap3A_521 {strides = array<i32>} : memref<128xi32, #tpu.memory_space<vmem>>, vector<16xi32>,
        %get3A_522 = arith.index_cast %add3A_467 : i32 to index
        %get3A_523 = arith.constant 64 : index
        %get3A_524 = tpu.vector_load %arg9[%get3A_522, %get3A_523] {strides = array<i32>} : memref<5x128xi32, #tpu.memory_space<vmem>>, vector<1x16xi32>,
        %get3A_525 = vector.shape_cast %get3A_524 : vector<1x16xi32> to vector<16xi32>
        %mul3A_526 = arith.constant 4 : i32
        %mul3A_527 = vector.broadcast %mul3A_526 : i32 to vector<16xi32>
        %mul3A_528 = arith.muli %get3A_525, %mul3A_527 : vector<16xi32>
        %add3A_529 = vector.broadcast %add3A_12 : i32 to vector<16xi32>
        %add3A_530 = arith.addi %mul3A_528, %add3A_529 : vector<16xi32>
        %swap3A_531 = arith.constant 64 : index
        %swap3A_532 = tpu.vector_load %arg11[%swap3A_531] {strides = array<i32>} : memref<128xi32, #tpu.memory_space<vmem>>, vector<16xi32>,
        %swap3A_533 = vector.shape_cast %swap3A_532 : vector<16xi32> to vector<16xi32>
        %swap3A_534 = vector.shape_cast %add3A_530 : vector<16xi32> to vector<16xi32>
        tpu.vector_store %arg11[%swap3A_531], %swap3A_534 {strides = array<i32>} : memref<128xi32, #tpu.memory_space<vmem>>, vector<16xi32>,
        %get3A_535 = arith.index_cast %add3A_467 : i32 to index
        %get3A_536 = arith.constant 80 : index
        %get3A_537 = tpu.vector_load %arg9[%get3A_535, %get3A_536] {strides = array<i32>} : memref<5x128xi32, #tpu.memory_space<vmem>>, vector<1x16xi32>,
        %get3A_538 = vector.shape_cast %get3A_537 : vector<1x16xi32> to vector<16xi32>
        %mul3A_539 = arith.constant 4 : i32
        %mul3A_540 = vector.broadcast %mul3A_539 : i32 to vector<16xi32>
        %mul3A_541 = arith.muli %get3A_538, %mul3A_540 : vector<16xi32>
        %add3A_542 = vector.broadcast %add3A_12 : i32 to vector<16xi32>
        %add3A_543 = arith.addi %mul3A_541, %add3A_542 : vector<16xi32>
        %swap3A_544 = arith.constant 80 : index
        %swap3A_545 = tpu.vector_load %arg11[%swap3A_544] {strides = array<i32>} : memref<128xi32, #tpu.memory_space<vmem>>, vector<16xi32>,
        %swap3A_546 = vector.shape_cast %swap3A_545 : vector<16xi32> to vector<16xi32>
        %swap3A_547 = vector.shape_cast %add3A_543 : vector<16xi32> to vector<16xi32>
        tpu.vector_store %arg11[%swap3A_544], %swap3A_547 {strides = array<i32>} : memref<128xi32, #tpu.memory_space<vmem>>, vector<16xi32>,
        %get3A_548 = arith.index_cast %add3A_467 : i32 to index
        %get3A_549 = arith.constant 96 : index
        %get3A_550 = tpu.vector_load %arg9[%get3A_548, %get3A_549] {strides = array<i32>} : memref<5x128xi32, #tpu.memory_space<vmem>>, vector<1x16xi32>,
        %get3A_551 = vector.shape_cast %get3A_550 : vector<1x16xi32> to vector<16xi32>
        %mul3A_552 = arith.constant 4 : i32
        %mul3A_553 = vector.broadcast %mul3A_552 : i32 to vector<16xi32>
        %mul3A_554 = arith.muli %get3A_551, %mul3A_553 : vector<16xi32>
        %add3A_555 = vector.broadcast %add3A_12 : i32 to vector<16xi32>
        %add3A_556 = arith.addi %mul3A_554, %add3A_555 : vector<16xi32>
        %swap3A_557 = arith.constant 96 : index
        %swap3A_558 = tpu.vector_load %arg11[%swap3A_557] {strides = array<i32>} : memref<128xi32, #tpu.memory_space<vmem>>, vector<16xi32>,
        %swap3A_559 = vector.shape_cast %swap3A_558 : vector<16xi32> to vector<16xi32>
        %swap3A_560 = vector.shape_cast %add3A_556 : vector<16xi32> to vector<16xi32>
        tpu.vector_store %arg11[%swap3A_557], %swap3A_560 {strides = array<i32>} : memref<128xi32, #tpu.memory_space<vmem>>, vector<16xi32>,
        %get3A_561 = arith.index_cast %add3A_467 : i32 to index
        %get3A_562 = arith.constant 112 : index
        %get3A_563 = tpu.vector_load %arg9[%get3A_561, %get3A_562] {strides = array<i32>} : memref<5x128xi32, #tpu.memory_space<vmem>>, vector<1x16xi32>,
        %get3A_564 = vector.shape_cast %get3A_563 : vector<1x16xi32> to vector<16xi32>
        %mul3A_565 = arith.constant 4 : i32
        %mul3A_566 = vector.broadcast %mul3A_565 : i32 to vector<16xi32>
        %mul3A_567 = arith.muli %get3A_564, %mul3A_566 : vector<16xi32>
        %add3A_568 = vector.broadcast %add3A_12 : i32 to vector<16xi32>
        %add3A_569 = arith.addi %mul3A_567, %add3A_568 : vector<16xi32>
        %swap3A_570 = arith.constant 112 : index
        %swap3A_571 = tpu.vector_load %arg11[%swap3A_570] {strides = array<i32>} : memref<128xi32, #tpu.memory_space<vmem>>, vector<16xi32>,
        %swap3A_572 = vector.shape_cast %swap3A_571 : vector<16xi32> to vector<16xi32>
        %swap3A_573 = vector.shape_cast %add3A_569 : vector<16xi32> to vector<16xi32>
        tpu.vector_store %arg11[%swap3A_570], %swap3A_573 {strides = array<i32>} : memref<128xi32, #tpu.memory_space<vmem>>, vector<16xi32>,
        %dma_start3A_574 = arith.constant 0 : i32
        %dma_start3A_575 = arith.constant 0 : i32
        %dma_start3A_576 = tpu.memref_slice %arg2[%dma_start3A_574, %dma_start3A_575] : memref<200000x16xf32, #tpu.memory_space<hbm>> -> memref<200000x16xf32, #tpu.memory_space<hbm>>
        tpu.enqueue_indirect_dma source(%dma_start3A_576 : memref<200000x16xf32, #tpu.memory_space<hbm>>) target(%arg13 : memref<128x16xf32, #tpu.memory_space<vmem>>) offsets(%arg11 : memref<128xi32, #tpu.memory_space<vmem>>) semaphore(%arg21 : memref<!tpu.dma_semaphore, #tpu.memory_space<semaphore_mem>>)
        %add3A_577 = arith.addi %mul3A_140, %add3A_467 : i32
        %mul3A_578 = arith.constant 64 : i32
        %mul3A_579 = arith.muli %add3A_577, %mul3A_578 : i32
        %dma_start3A_580 = arith.constant 0 : i32
        %dma_start3A_581 = tpu.memref_slice %arg4[%mul3A_579, %dma_start3A_580] : memref<400000x128xf32, #tpu.memory_space<hbm>> -> memref<64x128xf32, #tpu.memory_space<hbm>>
        %dma_start3A_582 = arith.constant 0 : i32
        %dma_start3A_583 = tpu.memref_slice %arg4[%mul3A_579, %dma_start3A_582] : memref<400000x128xf32, #tpu.memory_space<hbm>> -> memref<64x128xf32, #tpu.memory_space<hbm>>
        tpu.enqueue_dma source(%dma_start3A_583 : memref<64x128xf32, #tpu.memory_space<hbm>>) target(%arg15 : memref<64x128xf32, #tpu.memory_space<vmem>>) target_semaphore(%arg21 : memref<!tpu.dma_semaphore, #tpu.memory_space<semaphore_mem>>)
        %dma_wait3A_584 = arith.constant 0 : i32
        %dma_wait3A_585 = arith.constant 0 : i32
        %dma_wait3A_586 = tpu.memref_slice %arg2[%dma_wait3A_584, %dma_wait3A_585] : memref<200000x16xf32, #tpu.memory_space<hbm>> -> memref<200000x16xf32, #tpu.memory_space<hbm>>
        tpu.wait_indirect_dma semaphore(%arg22 : memref<!tpu.dma_semaphore, #tpu.memory_space<semaphore_mem>>) src(%dma_wait3A_586 : memref<200000x16xf32, #tpu.memory_space<hbm>>) dst(%arg14 : memref<128x16xf32, #tpu.memory_space<vmem>>)
        %dma_wait3A_587 = arith.constant 0 : i32
        %dma_wait3A_588 = arith.constant 0 : i32
        %dma_wait3A_589 = tpu.memref_slice %arg4[%dma_wait3A_587, %dma_wait3A_588] : memref<400000x128xf32, #tpu.memory_space<hbm>> -> memref<64x128xf32, #tpu.memory_space<hbm>>
        %dma_wait3A_590 = arith.constant 0 : i32
        %dma_wait3A_591 = arith.constant 0 : i32
        %dma_wait3A_592 = tpu.memref_slice %arg4[%dma_wait3A_590, %dma_wait3A_591] : memref<400000x128xf32, #tpu.memory_space<hbm>> -> memref<64x128xf32, #tpu.memory_space<hbm>>
        tpu.wait_dma2 semaphore(%arg22 : memref<!tpu.dma_semaphore, #tpu.memory_space<semaphore_mem>>) src(%dma_wait3A_592 : memref<64x128xf32, #tpu.memory_space<hbm>>) dst(%arg16 : memref<64x128xf32, #tpu.memory_space<vmem>>)
        %convert_element_type3A_593 = arith.extui %gt3A_469 : i1 to i32
        %cond3A_594 = arith.constant 0 : i32
        %cond3A_595 = arith.cmpi ne, %convert_element_type3A_593, %cond3A_594 : i32
        scf.if %cond3A_595 {
          %dma_wait3A_613 = arith.constant 0 : i32
          %dma_wait3A_614 = arith.constant 0 : i32
          %dma_wait3A_615 = tpu.memref_slice %arg10[%dma_wait3A_613, %dma_wait3A_614] : memref<5x128xi32, #tpu.memory_space<vmem>> -> memref<1x128xi32, #tpu.memory_space<vmem>>
          %dma_wait3A_616 = tpu.memref_squeeze %dma_wait3A_615 : memref<1x128xi32, #tpu.memory_space<vmem>> -> memref<128xi32, #tpu.memory_space<vmem>>
          %dma_wait3A_617 = arith.constant 0 : i32
          %dma_wait3A_618 = arith.constant 0 : i32
          %dma_wait3A_619 = tpu.memref_slice %arg7[%dma_wait3A_617, %dma_wait3A_618] : memref<50000x16xf32, #tpu.memory_space<vmem_shared>> -> memref<50000x16xf32, #tpu.memory_space<vmem_shared>>
          tpu.wait_indirect_dma semaphore(%arg24 : memref<!tpu.dma_semaphore, #tpu.memory_space<semaphore_mem>>) src(%arg18 : memref<128x16xf32, #tpu.memory_space<vmem>>) dst(%dma_wait3A_619 : memref<50000x16xf32, #tpu.memory_space<vmem_shared>>)
          %dma_wait3A_620 = arith.constant 0 : i32
          %dma_wait3A_621 = arith.constant 0 : i32
          %dma_wait3A_622 = tpu.memref_slice %arg10[%dma_wait3A_620, %dma_wait3A_621] : memref<5x128xi32, #tpu.memory_space<vmem>> -> memref<1x128xi32, #tpu.memory_space<vmem>>
          %dma_wait3A_623 = tpu.memref_squeeze %dma_wait3A_622 : memref<1x128xi32, #tpu.memory_space<vmem>> -> memref<128xi32, #tpu.memory_space<vmem>>
          %dma_wait3A_624 = arith.constant 0 : i32
          %dma_wait3A_625 = arith.constant 0 : i32
          %dma_wait3A_626 = tpu.memref_slice %arg8[%dma_wait3A_624, %dma_wait3A_625] : memref<50000x16xf32, #tpu.memory_space<vmem_shared>> -> memref<50000x16xf32, #tpu.memory_space<vmem_shared>>
          tpu.wait_indirect_dma semaphore(%arg24 : memref<!tpu.dma_semaphore, #tpu.memory_space<semaphore_mem>>) src(%arg20 : memref<128x16xf32, #tpu.memory_space<vmem>>) dst(%dma_wait3A_626 : memref<50000x16xf32, #tpu.memory_space<vmem_shared>>)
        } else {
        }
        %mul3A_596 = arith.constant 16 : i32
        %mul3A_597 = arith.muli %add3A_12, %mul3A_596 : i32
        %parallel_loop3A_598 = arith.constant 0 : i32
        %parallel_loop3A_599 = arith.constant 128 : i32
        %parallel_loop3A_600 = arith.constant 1 : i32
        scf.for %parallel_loop3A_613 = %parallel_loop3A_598 to %parallel_loop3A_599 step %parallel_loop3A_600  : i32 {
          %parallel_loop3A_614 = arith.constant 6 : i32
          %parallel_loop3A_615 = arith.shli %parallel_loop3A_613, %parallel_loop3A_614 : i32
          %parallel_loop3A_616 = arith.addi %parallel_loop3A_615, %mul3A_597 : i32
          %parallel_loop3A_617 = arith.constant 7 : i32
          %parallel_loop3A_618 = arith.shrsi %parallel_loop3A_616, %parallel_loop3A_617 : i32
          %parallel_loop3A_619 = arith.constant 127 : i32
          %parallel_loop3A_620 = arith.andi %parallel_loop3A_616, %parallel_loop3A_619 : i32
          %parallel_loop3A_621 = arith.index_cast %parallel_loop3A_618 : i32 to index
          %parallel_loop3A_622 = arith.index_cast %parallel_loop3A_620 : i32 to index
          %parallel_loop3A_623 = tpu.vector_load %arg16[%parallel_loop3A_621, %parallel_loop3A_622] {strides = array<i32>} : memref<64x128xf32, #tpu.memory_space<vmem>>, vector<1x16xf32>,
          %parallel_loop3A_624 = vector.shape_cast %parallel_loop3A_623 : vector<1x16xf32> to vector<16xf32>
          %parallel_loop3A_625 = arith.index_cast %parallel_loop3A_613 : i32 to index
          %parallel_loop3A_626 = arith.constant 0 : index
          %parallel_loop3A_627 = tpu.vector_load %arg14[%parallel_loop3A_625, %parallel_loop3A_626] {strides = array<i32>} : memref<128x16xf32, #tpu.memory_space<vmem>>, vector<1x16xf32>,
          %parallel_loop3A_628 = vector.shape_cast %parallel_loop3A_627 : vector<1x16xf32> to vector<16xf32>
          %parallel_loop3A_629 = arith.addf %parallel_loop3A_628, %parallel_loop3A_624 : vector<16xf32>
          %parallel_loop3A_630 = arith.constant 0.000000e+00 : f32
          %parallel_loop3A_631 = vector.broadcast %parallel_loop3A_630 : f32 to vector<16xf32>
          %parallel_loop3A_632 = arith.maximumf %parallel_loop3A_629, %parallel_loop3A_631 : vector<16xf32>
          %parallel_loop3A_633 = arith.constant 1.000000e-07 : f32
          %parallel_loop3A_634 = vector.broadcast %parallel_loop3A_633 : f32 to vector<16xf32>
          %parallel_loop3A_635 = arith.addf %parallel_loop3A_632, %parallel_loop3A_634 : vector<16xf32>
          %parallel_loop3A_636 = math.exp %parallel_loop3A_635 : vector<16xf32>
          %parallel_loop3A_637 = arith.index_cast %parallel_loop3A_613 : i32 to index
          %parallel_loop3A_638 = arith.constant 0 : index
          %parallel_loop3A_639 = tpu.vector_load %arg18[%parallel_loop3A_637, %parallel_loop3A_638] {strides = array<i32>} : memref<128x16xf32, #tpu.memory_space<vmem>>, vector<1x16xf32>,
          %parallel_loop3A_640 = vector.shape_cast %parallel_loop3A_639 : vector<1x16xf32> to vector<16xf32>
          %parallel_loop3A_641 = vector.shape_cast %parallel_loop3A_636 : vector<16xf32> to vector<1x16xf32>
          tpu.vector_store %arg18[%parallel_loop3A_637, %parallel_loop3A_638], %parallel_loop3A_641 {strides = array<i32>} : memref<128x16xf32, #tpu.memory_space<vmem>>, vector<1x16xf32>,
          %parallel_loop3A_642 = arith.mulf %parallel_loop3A_635, %parallel_loop3A_636 : vector<16xf32>
          %parallel_loop3A_643 = arith.index_cast %parallel_loop3A_613 : i32 to index
          %parallel_loop3A_644 = arith.constant 0 : index
          %parallel_loop3A_645 = tpu.vector_load %arg20[%parallel_loop3A_643, %parallel_loop3A_644] {strides = array<i32>} : memref<128x16xf32, #tpu.memory_space<vmem>>, vector<1x16xf32>,
          %parallel_loop3A_646 = vector.shape_cast %parallel_loop3A_645 : vector<1x16xf32> to vector<16xf32>
          %parallel_loop3A_647 = vector.shape_cast %parallel_loop3A_642 : vector<16xf32> to vector<1x16xf32>
          tpu.vector_store %arg20[%parallel_loop3A_643, %parallel_loop3A_644], %parallel_loop3A_647 {strides = array<i32>} : memref<128x16xf32, #tpu.memory_space<vmem>>, vector<1x16xf32>,
        } {sc.loop_unroll_factor = 8 : i64, sc.parallel_access}
        %dma_start3A_601 = arith.constant 0 : i32
        %dma_start3A_602 = tpu.memref_slice %arg10[%add3A_465, %dma_start3A_601] : memref<5x128xi32, #tpu.memory_space<vmem>> -> memref<1x128xi32, #tpu.memory_space<vmem>>
        %dma_start3A_603 = tpu.memref_squeeze %dma_start3A_602 : memref<1x128xi32, #tpu.memory_space<vmem>> -> memref<128xi32, #tpu.memory_space<vmem>>
        %dma_start3A_604 = arith.constant 0 : i32
        %dma_start3A_605 = arith.constant 0 : i32
        %dma_start3A_606 = tpu.memref_slice %arg7[%dma_start3A_604, %dma_start3A_605] : memref<50000x16xf32, #tpu.memory_space<vmem_shared>> -> memref<50000x16xf32, #tpu.memory_space<vmem_shared>>
        tpu.enqueue_indirect_dma source(%arg18 : memref<128x16xf32, #tpu.memory_space<vmem>>) target(%dma_start3A_606 : memref<50000x16xf32, #tpu.memory_space<vmem_shared>>) offsets(%dma_start3A_603 : memref<128xi32, #tpu.memory_space<vmem>>) semaphore(%arg24 : memref<!tpu.dma_semaphore, #tpu.memory_space<semaphore_mem>>) {add = true}
        %dma_start3A_607 = arith.constant 0 : i32
        %dma_start3A_608 = tpu.memref_slice %arg10[%add3A_465, %dma_start3A_607] : memref<5x128xi32, #tpu.memory_space<vmem>> -> memref<1x128xi32, #tpu.memory_space<vmem>>
        %dma_start3A_609 = tpu.memref_squeeze %dma_start3A_608 : memref<1x128xi32, #tpu.memory_space<vmem>> -> memref<128xi32, #tpu.memory_space<vmem>>
        %dma_start3A_610 = arith.constant 0 : i32
        %dma_start3A_611 = arith.constant 0 : i32
        %dma_start3A_612 = tpu.memref_slice %arg8[%dma_start3A_610, %dma_start3A_611] : memref<50000x16xf32, #tpu.memory_space<vmem_shared>> -> memref<50000x16xf32, #tpu.memory_space<vmem_shared>>
        tpu.enqueue_indirect_dma source(%arg20 : memref<128x16xf32, #tpu.memory_space<vmem>>) target(%dma_start3A_612 : memref<50000x16xf32, #tpu.memory_space<vmem_shared>>) offsets(%dma_start3A_609 : memref<128xi32, #tpu.memory_space<vmem>>) semaphore(%arg24 : memref<!tpu.dma_semaphore, #tpu.memory_space<semaphore_mem>>) {add = true}
      }
      %scan3A_268 = arith.constant 2 : i32
      %dma_wait3A_269 = arith.constant 0 : i32
      %dma_wait3A_270 = arith.constant 0 : i32
      %dma_wait3A_271 = tpu.memref_slice %arg2[%dma_wait3A_269, %dma_wait3A_270] : memref<200000x16xf32, #tpu.memory_space<hbm>> -> memref<200000x16xf32, #tpu.memory_space<hbm>>
      tpu.wait_indirect_dma semaphore(%arg21 : memref<!tpu.dma_semaphore, #tpu.memory_space<semaphore_mem>>) src(%dma_wait3A_271 : memref<200000x16xf32, #tpu.memory_space<hbm>>) dst(%arg13 : memref<128x16xf32, #tpu.memory_space<vmem>>)
      %dma_wait3A_272 = arith.constant 0 : i32
      %dma_wait3A_273 = arith.constant 0 : i32
      %dma_wait3A_274 = tpu.memref_slice %arg4[%dma_wait3A_272, %dma_wait3A_273] : memref<400000x128xf32, #tpu.memory_space<hbm>> -> memref<64x128xf32, #tpu.memory_space<hbm>>
      %dma_wait3A_275 = arith.constant 0 : i32
      %dma_wait3A_276 = arith.constant 0 : i32
      %dma_wait3A_277 = tpu.memref_slice %arg4[%dma_wait3A_275, %dma_wait3A_276] : memref<400000x128xf32, #tpu.memory_space<hbm>> -> memref<64x128xf32, #tpu.memory_space<hbm>>
      tpu.wait_dma2 semaphore(%arg21 : memref<!tpu.dma_semaphore, #tpu.memory_space<semaphore_mem>>) src(%dma_wait3A_277 : memref<64x128xf32, #tpu.memory_space<hbm>>) dst(%arg15 : memref<64x128xf32, #tpu.memory_space<vmem>>)
      %dma_wait3A_278 = arith.constant 0 : i32
      %dma_wait3A_279 = arith.constant 0 : i32
      %dma_wait3A_280 = tpu.memref_slice %arg10[%dma_wait3A_278, %dma_wait3A_279] : memref<5x128xi32, #tpu.memory_space<vmem>> -> memref<1x128xi32, #tpu.memory_space<vmem>>
      %dma_wait3A_281 = tpu.memref_squeeze %dma_wait3A_280 : memref<1x128xi32, #tpu.memory_space<vmem>> -> memref<128xi32, #tpu.memory_space<vmem>>
      %dma_wait3A_282 = arith.constant 0 : i32
      %dma_wait3A_283 = arith.constant 0 : i32
      %dma_wait3A_284 = tpu.memref_slice %arg7[%dma_wait3A_282, %dma_wait3A_283] : memref<50000x16xf32, #tpu.memory_space<vmem_shared>> -> memref<50000x16xf32, #tpu.memory_space<vmem_shared>>
      tpu.wait_indirect_dma semaphore(%arg23 : memref<!tpu.dma_semaphore, #tpu.memory_space<semaphore_mem>>) src(%arg17 : memref<128x16xf32, #tpu.memory_space<vmem>>) dst(%dma_wait3A_284 : memref<50000x16xf32, #tpu.memory_space<vmem_shared>>)
      %dma_wait3A_285 = arith.constant 0 : i32
      %dma_wait3A_286 = arith.constant 0 : i32
      %dma_wait3A_287 = tpu.memref_slice %arg10[%dma_wait3A_285, %dma_wait3A_286] : memref<5x128xi32, #tpu.memory_space<vmem>> -> memref<1x128xi32, #tpu.memory_space<vmem>>
      %dma_wait3A_288 = tpu.memref_squeeze %dma_wait3A_287 : memref<1x128xi32, #tpu.memory_space<vmem>> -> memref<128xi32, #tpu.memory_space<vmem>>
      %dma_wait3A_289 = arith.constant 0 : i32
      %dma_wait3A_290 = arith.constant 0 : i32
      %dma_wait3A_291 = tpu.memref_slice %arg8[%dma_wait3A_289, %dma_wait3A_290] : memref<50000x16xf32, #tpu.memory_space<vmem_shared>> -> memref<50000x16xf32, #tpu.memory_space<vmem_shared>>
      tpu.wait_indirect_dma semaphore(%arg23 : memref<!tpu.dma_semaphore, #tpu.memory_space<semaphore_mem>>) src(%arg19 : memref<128x16xf32, #tpu.memory_space<vmem>>) dst(%dma_wait3A_291 : memref<50000x16xf32, #tpu.memory_space<vmem_shared>>)
      %mul3A_292 = arith.constant 16 : i32
      %mul3A_293 = arith.muli %add3A_12, %mul3A_292 : i32
      %parallel_loop3A = arith.constant 0 : i32
      %parallel_loop3A_294 = arith.constant 128 : i32
      %parallel_loop3A_295 = arith.constant 1 : i32
      scf.for %parallel_loop3A_310 = %parallel_loop3A to %parallel_loop3A_294 step %parallel_loop3A_295  : i32 {
        %parallel_loop3A_311 = arith.constant 6 : i32
        %parallel_loop3A_312 = arith.shli %parallel_loop3A_310, %parallel_loop3A_311 : i32
        %parallel_loop3A_313 = arith.addi %parallel_loop3A_312, %mul3A_293 : i32
        %parallel_loop3A_314 = arith.constant 7 : i32
        %parallel_loop3A_315 = arith.shrsi %parallel_loop3A_313, %parallel_loop3A_314 : i32
        %parallel_loop3A_316 = arith.constant 127 : i32
        %parallel_loop3A_317 = arith.andi %parallel_loop3A_313, %parallel_loop3A_316 : i32
        %parallel_loop3A_318 = arith.index_cast %parallel_loop3A_315 : i32 to index
        %parallel_loop3A_319 = arith.index_cast %parallel_loop3A_317 : i32 to index
        %parallel_loop3A_320 = tpu.vector_load %arg15[%parallel_loop3A_318, %parallel_loop3A_319] {strides = array<i32>} : memref<64x128xf32, #tpu.memory_space<vmem>>, vector<1x16xf32>,
        %parallel_loop3A_321 = vector.shape_cast %parallel_loop3A_320 : vector<1x16xf32> to vector<16xf32>
        %parallel_loop3A_322 = arith.index_cast %parallel_loop3A_310 : i32 to index
        %parallel_loop3A_323 = arith.constant 0 : index
        %parallel_loop3A_324 = tpu.vector_load %arg13[%parallel_loop3A_322, %parallel_loop3A_323] {strides = array<i32>} : memref<128x16xf32, #tpu.memory_space<vmem>>, vector<1x16xf32>,
        %parallel_loop3A_325 = vector.shape_cast %parallel_loop3A_324 : vector<1x16xf32> to vector<16xf32>
        %parallel_loop3A_326 = arith.addf %parallel_loop3A_325, %parallel_loop3A_321 : vector<16xf32>
        %parallel_loop3A_327 = arith.constant 0.000000e+00 : f32
        %parallel_loop3A_328 = vector.broadcast %parallel_loop3A_327 : f32 to vector<16xf32>
        %parallel_loop3A_329 = arith.maximumf %parallel_loop3A_326, %parallel_loop3A_328 : vector<16xf32>
        %parallel_loop3A_330 = arith.constant 1.000000e-07 : f32
        %parallel_loop3A_331 = vector.broadcast %parallel_loop3A_330 : f32 to vector<16xf32>
        %parallel_loop3A_332 = arith.addf %parallel_loop3A_329, %parallel_loop3A_331 : vector<16xf32>
        %parallel_loop3A_333 = math.exp %parallel_loop3A_332 : vector<16xf32>
        %parallel_loop3A_334 = arith.index_cast %parallel_loop3A_310 : i32 to index
        %parallel_loop3A_335 = arith.constant 0 : index
        %parallel_loop3A_336 = tpu.vector_load %arg17[%parallel_loop3A_334, %parallel_loop3A_335] {strides = array<i32>} : memref<128x16xf32, #tpu.memory_space<vmem>>, vector<1x16xf32>,
        %parallel_loop3A_337 = vector.shape_cast %parallel_loop3A_336 : vector<1x16xf32> to vector<16xf32>
        %parallel_loop3A_338 = vector.shape_cast %parallel_loop3A_333 : vector<16xf32> to vector<1x16xf32>
        tpu.vector_store %arg17[%parallel_loop3A_334, %parallel_loop3A_335], %parallel_loop3A_338 {strides = array<i32>} : memref<128x16xf32, #tpu.memory_space<vmem>>, vector<1x16xf32>,
        %parallel_loop3A_339 = arith.mulf %parallel_loop3A_332, %parallel_loop3A_333 : vector<16xf32>
        %parallel_loop3A_340 = arith.index_cast %parallel_loop3A_310 : i32 to index
        %parallel_loop3A_341 = arith.constant 0 : index
        %parallel_loop3A_342 = tpu.vector_load %arg19[%parallel_loop3A_340, %parallel_loop3A_341] {strides = array<i32>} : memref<128x16xf32, #tpu.memory_space<vmem>>, vector<1x16xf32>,
        %parallel_loop3A_343 = vector.shape_cast %parallel_loop3A_342 : vector<1x16xf32> to vector<16xf32>
        %parallel_loop3A_344 = vector.shape_cast %parallel_loop3A_339 : vector<16xf32> to vector<1x16xf32>
        tpu.vector_store %arg19[%parallel_loop3A_340, %parallel_loop3A_341], %parallel_loop3A_344 {strides = array<i32>} : memref<128x16xf32, #tpu.memory_space<vmem>>, vector<1x16xf32>,
      } {sc.loop_unroll_factor = 8 : i64, sc.parallel_access}
      %dma_start3A_296 = arith.constant 4 : i32
      %dma_start3A_297 = arith.constant 0 : i32
      %dma_start3A_298 = tpu.memref_slice %arg10[%dma_start3A_296, %dma_start3A_297] : memref<5x128xi32, #tpu.memory_space<vmem>> -> memref<1x128xi32, #tpu.memory_space<vmem>>
      %dma_start3A_299 = tpu.memref_squeeze %dma_start3A_298 : memref<1x128xi32, #tpu.memory_space<vmem>> -> memref<128xi32, #tpu.memory_space<vmem>>
      %dma_start3A_300 = arith.constant 0 : i32
      %dma_start3A_301 = arith.constant 0 : i32
      %dma_start3A_302 = tpu.memref_slice %arg7[%dma_start3A_300, %dma_start3A_301] : memref<50000x16xf32, #tpu.memory_space<vmem_shared>> -> memref<50000x16xf32, #tpu.memory_space<vmem_shared>>
      tpu.enqueue_indirect_dma source(%arg17 : memref<128x16xf32, #tpu.memory_space<vmem>>) target(%dma_start3A_302 : memref<50000x16xf32, #tpu.memory_space<vmem_shared>>) offsets(%dma_start3A_299 : memref<128xi32, #tpu.memory_space<vmem>>) semaphore(%arg23 : memref<!tpu.dma_semaphore, #tpu.memory_space<semaphore_mem>>) {add = true}
      %dma_start3A_303 = arith.constant 4 : i32
      %dma_start3A_304 = arith.constant 0 : i32
      %dma_start3A_305 = tpu.memref_slice %arg10[%dma_start3A_303, %dma_start3A_304] : memref<5x128xi32, #tpu.memory_space<vmem>> -> memref<1x128xi32, #tpu.memory_space<vmem>>
      %dma_start3A_306 = tpu.memref_squeeze %dma_start3A_305 : memref<1x128xi32, #tpu.memory_space<vmem>> -> memref<128xi32, #tpu.memory_space<vmem>>
      %dma_start3A_307 = arith.constant 0 : i32
      %dma_start3A_308 = arith.constant 0 : i32
      %dma_start3A_309 = tpu.memref_slice %arg8[%dma_start3A_307, %dma_start3A_308] : memref<50000x16xf32, #tpu.memory_space<vmem_shared>> -> memref<50000x16xf32, #tpu.memory_space<vmem_shared>>
      tpu.enqueue_indirect_dma source(%arg19 : memref<128x16xf32, #tpu.memory_space<vmem>>) target(%dma_start3A_309 : memref<50000x16xf32, #tpu.memory_space<vmem_shared>>) offsets(%dma_start3A_306 : memref<128xi32, #tpu.memory_space<vmem>>) semaphore(%arg23 : memref<!tpu.dma_semaphore, #tpu.memory_space<semaphore_mem>>) {add = true}
    }
    %dma_wait3A = arith.constant 0 : i32
    %dma_wait3A_38 = arith.constant 0 : i32
    %dma_wait3A_39 = tpu.memref_slice %arg10[%dma_wait3A, %dma_wait3A_38] : memref<5x128xi32, #tpu.memory_space<vmem>> -> memref<1x128xi32, #tpu.memory_space<vmem>>
    %dma_wait3A_40 = tpu.memref_squeeze %dma_wait3A_39 : memref<1x128xi32, #tpu.memory_space<vmem>> -> memref<128xi32, #tpu.memory_space<vmem>>
    %dma_wait3A_41 = arith.constant 0 : i32
    %dma_wait3A_42 = arith.constant 0 : i32
    %dma_wait3A_43 = tpu.memref_slice %arg7[%dma_wait3A_41, %dma_wait3A_42] : memref<50000x16xf32, #tpu.memory_space<vmem_shared>> -> memref<50000x16xf32, #tpu.memory_space<vmem_shared>>
    tpu.wait_indirect_dma semaphore(%arg23 : memref<!tpu.dma_semaphore, #tpu.memory_space<semaphore_mem>>) src(%arg17 : memref<128x16xf32, #tpu.memory_space<vmem>>) dst(%dma_wait3A_43 : memref<50000x16xf32, #tpu.memory_space<vmem_shared>>)
    %dma_wait3A_44 = arith.constant 0 : i32
    %dma_wait3A_45 = arith.constant 0 : i32
    %dma_wait3A_46 = tpu.memref_slice %arg10[%dma_wait3A_44, %dma_wait3A_45] : memref<5x128xi32, #tpu.memory_space<vmem>> -> memref<1x128xi32, #tpu.memory_space<vmem>>
    %dma_wait3A_47 = tpu.memref_squeeze %dma_wait3A_46 : memref<1x128xi32, #tpu.memory_space<vmem>> -> memref<128xi32, #tpu.memory_space<vmem>>
    %dma_wait3A_48 = arith.constant 0 : i32
    %dma_wait3A_49 = arith.constant 0 : i32
    %dma_wait3A_50 = tpu.memref_slice %arg8[%dma_wait3A_48, %dma_wait3A_49] : memref<50000x16xf32, #tpu.memory_space<vmem_shared>> -> memref<50000x16xf32, #tpu.memory_space<vmem_shared>>
    tpu.wait_indirect_dma semaphore(%arg23 : memref<!tpu.dma_semaphore, #tpu.memory_space<semaphore_mem>>) src(%arg19 : memref<128x16xf32, #tpu.memory_space<vmem>>) dst(%dma_wait3A_50 : memref<50000x16xf32, #tpu.memory_space<vmem_shared>>)
    %dma_wait3A_51 = arith.constant 0 : i32
    %dma_wait3A_52 = arith.constant 0 : i32
    %dma_wait3A_53 = tpu.memref_slice %arg10[%dma_wait3A_51, %dma_wait3A_52] : memref<5x128xi32, #tpu.memory_space<vmem>> -> memref<1x128xi32, #tpu.memory_space<vmem>>
    %dma_wait3A_54 = tpu.memref_squeeze %dma_wait3A_53 : memref<1x128xi32, #tpu.memory_space<vmem>> -> memref<128xi32, #tpu.memory_space<vmem>>
    %dma_wait3A_55 = arith.constant 0 : i32
    %dma_wait3A_56 = arith.constant 0 : i32
    %dma_wait3A_57 = tpu.memref_slice %arg7[%dma_wait3A_55, %dma_wait3A_56] : memref<50000x16xf32, #tpu.memory_space<vmem_shared>> -> memref<50000x16xf32, #tpu.memory_space<vmem_shared>>
    tpu.wait_indirect_dma semaphore(%arg24 : memref<!tpu.dma_semaphore, #tpu.memory_space<semaphore_mem>>) src(%arg18 : memref<128x16xf32, #tpu.memory_space<vmem>>) dst(%dma_wait3A_57 : memref<50000x16xf32, #tpu.memory_space<vmem_shared>>)
    %dma_wait3A_58 = arith.constant 0 : i32
    %dma_wait3A_59 = arith.constant 0 : i32
    %dma_wait3A_60 = tpu.memref_slice %arg10[%dma_wait3A_58, %dma_wait3A_59] : memref<5x128xi32, #tpu.memory_space<vmem>> -> memref<1x128xi32, #tpu.memory_space<vmem>>
    %dma_wait3A_61 = tpu.memref_squeeze %dma_wait3A_60 : memref<1x128xi32, #tpu.memory_space<vmem>> -> memref<128xi32, #tpu.memory_space<vmem>>
    %dma_wait3A_62 = arith.constant 0 : i32
    %dma_wait3A_63 = arith.constant 0 : i32
    %dma_wait3A_64 = tpu.memref_slice %arg8[%dma_wait3A_62, %dma_wait3A_63] : memref<50000x16xf32, #tpu.memory_space<vmem_shared>> -> memref<50000x16xf32, #tpu.memory_space<vmem_shared>>
    tpu.wait_indirect_dma semaphore(%arg24 : memref<!tpu.dma_semaphore, #tpu.memory_space<semaphore_mem>>) src(%arg20 : memref<128x16xf32, #tpu.memory_space<vmem>>) dst(%dma_wait3A_64 : memref<50000x16xf32, #tpu.memory_space<vmem_shared>>)
    %barrier3A_65 = arith.constant 0 : index
    tpu.barrier barrier_id(%barrier3A_65)
    %mul3A_66 = arith.constant 3125 : i32
    %mul3A_67 = arith.muli %arg1, %mul3A_66 : i32
    "tpu.region"() ({
      %run_scoped3A = tpu.sem_alloc : memref<!tpu.dma_semaphore, #tpu.memory_space<semaphore_mem>>
      %dma_start3A = arith.constant 0 : i32
      %dma_start3A_135 = tpu.memref_slice %arg5[%add3A_12, %mul3A_67, %dma_start3A] : memref<4x50000x16xf32, #tpu.memory_space<hbm>> -> memref<1x3125x16xf32, #tpu.memory_space<hbm>>
      %dma_start3A_136 = tpu.memref_squeeze %dma_start3A_135 : memref<1x3125x16xf32, #tpu.memory_space<hbm>> -> memref<3125x16xf32, #tpu.memory_space<hbm>>
      %dma_start3A_137 = arith.constant 0 : i32
      %dma_start3A_138 = tpu.memref_slice %arg7[%mul3A_67, %dma_start3A_137] : memref<50000x16xf32, #tpu.memory_space<vmem_shared>> -> memref<3125x16xf32, #tpu.memory_space<vmem_shared>>
      tpu.enqueue_dma source(%dma_start3A_138 : memref<3125x16xf32, #tpu.memory_space<vmem_shared>>) target(%dma_start3A_136 : memref<3125x16xf32, #tpu.memory_space<hbm>>) target_semaphore(%run_scoped3A : memref<!tpu.dma_semaphore, #tpu.memory_space<semaphore_mem>>)
      %dma_wait3A_139 = arith.constant 0 : i32
      %dma_wait3A_140 = tpu.memref_slice %arg5[%add3A_12, %mul3A_67, %dma_wait3A_139] : memref<4x50000x16xf32, #tpu.memory_space<hbm>> -> memref<1x3125x16xf32, #tpu.memory_space<hbm>>
      %dma_wait3A_141 = tpu.memref_squeeze %dma_wait3A_140 : memref<1x3125x16xf32, #tpu.memory_space<hbm>> -> memref<3125x16xf32, #tpu.memory_space<hbm>>
      %dma_wait3A_142 = arith.constant 0 : i32
      %dma_wait3A_143 = tpu.memref_slice %arg7[%mul3A_67, %dma_wait3A_142] : memref<50000x16xf32, #tpu.memory_space<vmem_shared>> -> memref<3125x16xf32, #tpu.memory_space<vmem_shared>>
      tpu.wait_dma2 semaphore(%run_scoped3A : memref<!tpu.dma_semaphore, #tpu.memory_space<semaphore_mem>>) src(%dma_wait3A_143 : memref<3125x16xf32, #tpu.memory_space<vmem_shared>>) dst(%dma_wait3A_141 : memref<3125x16xf32, #tpu.memory_space<hbm>>)
      tpu.yield
    }) : () -> ()
    "tpu.region"() ({
      %run_scoped3A = tpu.sem_alloc : memref<!tpu.dma_semaphore, #tpu.memory_space<semaphore_mem>>
      %dma_start3A = arith.constant 0 : i32
      %dma_start3A_135 = tpu.memref_slice %arg6[%add3A_12, %mul3A_67, %dma_start3A] : memref<4x50000x16xf32, #tpu.memory_space<hbm>> -> memref<1x3125x16xf32, #tpu.memory_space<hbm>>
      %dma_start3A_136 = tpu.memref_squeeze %dma_start3A_135 : memref<1x3125x16xf32, #tpu.memory_space<hbm>> -> memref<3125x16xf32, #tpu.memory_space<hbm>>
      %dma_start3A_137 = arith.constant 0 : i32
      %dma_start3A_138 = tpu.memref_slice %arg8[%mul3A_67, %dma_start3A_137] : memref<50000x16xf32, #tpu.memory_space<vmem_shared>> -> memref<3125x16xf32, #tpu.memory_space<vmem_shared>>
      tpu.enqueue_dma source(%dma_start3A_138 : memref<3125x16xf32, #tpu.memory_space<vmem_shared>>) target(%dma_start3A_136 : memref<3125x16xf32, #tpu.memory_space<hbm>>) target_semaphore(%run_scoped3A : memref<!tpu.dma_semaphore, #tpu.memory_space<semaphore_mem>>)
      %dma_wait3A_139 = arith.constant 0 : i32
      %dma_wait3A_140 = tpu.memref_slice %arg6[%add3A_12, %mul3A_67, %dma_wait3A_139] : memref<4x50000x16xf32, #tpu.memory_space<hbm>> -> memref<1x3125x16xf32, #tpu.memory_space<hbm>>
      %dma_wait3A_141 = tpu.memref_squeeze %dma_wait3A_140 : memref<1x3125x16xf32, #tpu.memory_space<hbm>> -> memref<3125x16xf32, #tpu.memory_space<hbm>>
      %dma_wait3A_142 = arith.constant 0 : i32
      %dma_wait3A_143 = tpu.memref_slice %arg8[%mul3A_67, %dma_wait3A_142] : memref<50000x16xf32, #tpu.memory_space<vmem_shared>> -> memref<3125x16xf32, #tpu.memory_space<vmem_shared>>
      tpu.wait_dma2 semaphore(%run_scoped3A : memref<!tpu.dma_semaphore, #tpu.memory_space<semaphore_mem>>) src(%dma_wait3A_143 : memref<3125x16xf32, #tpu.memory_space<vmem_shared>>) dst(%dma_wait3A_141 : memref<3125x16xf32, #tpu.memory_space<hbm>>)
      tpu.yield
    }) : () -> ()
    %barrier3A_68 = arith.constant 0 : index
    tpu.barrier barrier_id(%barrier3A_68)
    %mul3A_69 = arith.constant 2 : i32
    %mul3A_70 = arith.muli %arg0, %mul3A_69 : i32
    %add3A_71 = arith.constant 1 : i32
    %add3A_72 = arith.addi %mul3A_70, %add3A_71 : i32
    %scan3A_73 = arith.constant 0 : i32
    %scan3A_74 = arith.constant 125 : i32
    %scan3A_75 = arith.addi %scan3A_73, %scan3A_74 : i32
    %scan3A_76 = arith.constant 1 : i32
    scf.for %scan3A_135 = %scan3A_73 to %scan3A_75 step %scan3A_76  : i32 {
      %mul3A_136 = arith.constant 1 : i32
      %mul3A_137 = arith.muli %scan3A_135, %mul3A_136 : i32
      %add3A_138 = arith.constant 0 : i32
      %add3A_139 = arith.addi %add3A_138, %mul3A_137 : i32
      %broadcast_in_dim3A = arith.constant 0.000000e+00 : f32
      %broadcast_in_dim3A_140 = vector.broadcast %broadcast_in_dim3A : f32 to vector<16xf32>
      %swap3A = arith.index_cast %add3A_139 : i32 to index
      %swap3A_141 = arith.constant 0 : index
      %swap3A_142 = tpu.vector_load %arg17[%swap3A, %swap3A_141] {strides = array<i32>} : memref<128x16xf32, #tpu.memory_space<vmem>>, vector<1x16xf32>,
      %swap3A_143 = vector.shape_cast %swap3A_142 : vector<1x16xf32> to vector<16xf32>
      %swap3A_144 = vector.shape_cast %broadcast_in_dim3A_140 : vector<16xf32> to vector<1x16xf32>
      tpu.vector_store %arg17[%swap3A, %swap3A_141], %swap3A_144 {strides = array<i32>} : memref<128x16xf32, #tpu.memory_space<vmem>>, vector<1x16xf32>,
    }
    %scan3A_77 = arith.constant 125 : i32
    %scan3A_78 = arith.constant 0 : i32
    %scan3A_79 = arith.constant 25 : i32
    %scan3A_80 = arith.addi %scan3A_78, %scan3A_79 : i32
    %scan3A_81 = arith.constant 1 : i32
    scf.for %scan3A_135 = %scan3A_78 to %scan3A_80 step %scan3A_81  : i32 {
      %mul3A_136 = arith.constant 1 : i32
      %mul3A_137 = arith.muli %scan3A_135, %mul3A_136 : i32
      %add3A_138 = arith.constant 0 : i32
      %add3A_139 = arith.addi %add3A_138, %mul3A_137 : i32
      %mul3A_140 = arith.constant 3125 : i32
      %mul3A_141 = arith.muli %arg1, %mul3A_140 : i32
      %mul3A_142 = arith.constant 125 : i32
      %mul3A_143 = arith.muli %add3A_139, %mul3A_142 : i32
      %add3A_144 = arith.addi %mul3A_141, %mul3A_143 : i32
      "tpu.region"() ({
        %run_scoped3A = tpu.sem_alloc : memref<!tpu.dma_semaphore, #tpu.memory_space<semaphore_mem>>
        %dma_start3A = arith.constant 0 : i32
        %dma_start3A_145 = arith.constant 0 : i32
        %dma_start3A_146 = tpu.memref_slice %arg17[%dma_start3A, %dma_start3A_145] : memref<128x16xf32, #tpu.memory_space<vmem>> -> memref<125x16xf32, #tpu.memory_space<vmem>>
        %dma_start3A_147 = arith.constant 0 : i32
        %dma_start3A_148 = tpu.memref_slice %arg7[%add3A_144, %dma_start3A_147] : memref<50000x16xf32, #tpu.memory_space<vmem_shared>> -> memref<125x16xf32, #tpu.memory_space<vmem_shared>>
        %dma_start3A_149 = arith.constant 0 : i32
        %dma_start3A_150 = tpu.memref_slice %arg7[%add3A_144, %dma_start3A_149] : memref<50000x16xf32, #tpu.memory_space<vmem_shared>> -> memref<125x16xf32, #tpu.memory_space<vmem_shared>>
        %dma_start3A_151 = arith.constant 0 : i32
        %dma_start3A_152 = arith.constant 0 : i32
        %dma_start3A_153 = tpu.memref_slice %arg17[%dma_start3A_151, %dma_start3A_152] : memref<128x16xf32, #tpu.memory_space<vmem>> -> memref<125x16xf32, #tpu.memory_space<vmem>>
        tpu.enqueue_dma source(%dma_start3A_153 : memref<125x16xf32, #tpu.memory_space<vmem>>) target(%dma_start3A_150 : memref<125x16xf32, #tpu.memory_space<vmem_shared>>) target_semaphore(%run_scoped3A : memref<!tpu.dma_semaphore, #tpu.memory_space<semaphore_mem>>)
        %dma_wait3A_154 = arith.constant 0 : i32
        %dma_wait3A_155 = arith.constant 0 : i32
        %dma_wait3A_156 = tpu.memref_slice %arg17[%dma_wait3A_154, %dma_wait3A_155] : memref<128x16xf32, #tpu.memory_space<vmem>> -> memref<125x16xf32, #tpu.memory_space<vmem>>
        %dma_wait3A_157 = arith.constant 0 : i32
        %dma_wait3A_158 = tpu.memref_slice %arg7[%add3A_144, %dma_wait3A_157] : memref<50000x16xf32, #tpu.memory_space<vmem_shared>> -> memref<125x16xf32, #tpu.memory_space<vmem_shared>>
        %dma_wait3A_159 = arith.constant 0 : i32
        %dma_wait3A_160 = tpu.memref_slice %arg7[%add3A_144, %dma_wait3A_159] : memref<50000x16xf32, #tpu.memory_space<vmem_shared>> -> memref<125x16xf32, #tpu.memory_space<vmem_shared>>
        %dma_wait3A_161 = arith.constant 0 : i32
        %dma_wait3A_162 = arith.constant 0 : i32
        %dma_wait3A_163 = tpu.memref_slice %arg17[%dma_wait3A_161, %dma_wait3A_162] : memref<128x16xf32, #tpu.memory_space<vmem>> -> memref<125x16xf32, #tpu.memory_space<vmem>>
        tpu.wait_dma2 semaphore(%run_scoped3A : memref<!tpu.dma_semaphore, #tpu.memory_space<semaphore_mem>>) src(%dma_wait3A_163 : memref<125x16xf32, #tpu.memory_space<vmem>>) dst(%dma_wait3A_160 : memref<125x16xf32, #tpu.memory_space<vmem_shared>>)
        tpu.yield
      }) : () -> ()
      "tpu.region"() ({
        %run_scoped3A = tpu.sem_alloc : memref<!tpu.dma_semaphore, #tpu.memory_space<semaphore_mem>>
        %dma_start3A = arith.constant 0 : i32
        %dma_start3A_145 = arith.constant 0 : i32
        %dma_start3A_146 = tpu.memref_slice %arg17[%dma_start3A, %dma_start3A_145] : memref<128x16xf32, #tpu.memory_space<vmem>> -> memref<125x16xf32, #tpu.memory_space<vmem>>
        %dma_start3A_147 = arith.constant 0 : i32
        %dma_start3A_148 = tpu.memref_slice %arg8[%add3A_144, %dma_start3A_147] : memref<50000x16xf32, #tpu.memory_space<vmem_shared>> -> memref<125x16xf32, #tpu.memory_space<vmem_shared>>
        %dma_start3A_149 = arith.constant 0 : i32
        %dma_start3A_150 = tpu.memref_slice %arg8[%add3A_144, %dma_start3A_149] : memref<50000x16xf32, #tpu.memory_space<vmem_shared>> -> memref<125x16xf32, #tpu.memory_space<vmem_shared>>
        %dma_start3A_151 = arith.constant 0 : i32
        %dma_start3A_152 = arith.constant 0 : i32
        %dma_start3A_153 = tpu.memref_slice %arg17[%dma_start3A_151, %dma_start3A_152] : memref<128x16xf32, #tpu.memory_space<vmem>> -> memref<125x16xf32, #tpu.memory_space<vmem>>
        tpu.enqueue_dma source(%dma_start3A_153 : memref<125x16xf32, #tpu.memory_space<vmem>>) target(%dma_start3A_150 : memref<125x16xf32, #tpu.memory_space<vmem_shared>>) target_semaphore(%run_scoped3A : memref<!tpu.dma_semaphore, #tpu.memory_space<semaphore_mem>>)
        %dma_wait3A_154 = arith.constant 0 : i32
        %dma_wait3A_155 = arith.constant 0 : i32
        %dma_wait3A_156 = tpu.memref_slice %arg17[%dma_wait3A_154, %dma_wait3A_155] : memref<128x16xf32, #tpu.memory_space<vmem>> -> memref<125x16xf32, #tpu.memory_space<vmem>>
        %dma_wait3A_157 = arith.constant 0 : i32
        %dma_wait3A_158 = tpu.memref_slice %arg8[%add3A_144, %dma_wait3A_157] : memref<50000x16xf32, #tpu.memory_space<vmem_shared>> -> memref<125x16xf32, #tpu.memory_space<vmem_shared>>
        %dma_wait3A_159 = arith.constant 0 : i32
        %dma_wait3A_160 = tpu.memref_slice %arg8[%add3A_144, %dma_wait3A_159] : memref<50000x16xf32, #tpu.memory_space<vmem_shared>> -> memref<125x16xf32, #tpu.memory_space<vmem_shared>>
        %dma_wait3A_161 = arith.constant 0 : i32
        %dma_wait3A_162 = arith.constant 0 : i32
        %dma_wait3A_163 = tpu.memref_slice %arg17[%dma_wait3A_161, %dma_wait3A_162] : memref<128x16xf32, #tpu.memory_space<vmem>> -> memref<125x16xf32, #tpu.memory_space<vmem>>
        tpu.wait_dma2 semaphore(%run_scoped3A : memref<!tpu.dma_semaphore, #tpu.memory_space<semaphore_mem>>) src(%dma_wait3A_163 : memref<125x16xf32, #tpu.memory_space<vmem>>) dst(%dma_wait3A_160 : memref<125x16xf32, #tpu.memory_space<vmem_shared>>)
        tpu.yield
      }) : () -> ()
    }
    %scan3A_82 = arith.constant 25 : i32
    %barrier3A_83 = arith.constant 0 : index
    tpu.barrier barrier_id(%barrier3A_83)
    %sub3A_84 = arith.constant 0 : i32
    %sub3A_85 = arith.subi %select_n3A, %sub3A_84 : i32
    %sub3A_86 = arith.constant 1 : i32
    %sub3A_87 = arith.constant 1 : i32
    %sub3A_88 = arith.subi %sub3A_86, %sub3A_87 : i32
    %add3A_89 = arith.addi %sub3A_85, %sub3A_88 : i32
    %div3A_90 = arith.constant 1 : i32
    %div3A_91 = arith.divsi %add3A_89, %div3A_90 : i32
    %while3A_92 = arith.constant 1 : i32
    %while3A_93 = arith.constant 0 : i32
    %while3A_94 = arith.constant 0 : i32
    %while3A_95 = arith.subi %div3A_91, %while3A_94 : i32
    %while3A_96 = arith.addi %while3A_94, %while3A_95 : i32
    %while3A_97 = arith.constant 1 : i32
    %while3A_98 = arith.divsi %while3A_95, %while3A_97 : i32
    %while3A_99 = arith.muli %while3A_98, %while3A_97 : i32
    %while3A_100 = arith.addi %while3A_94, %while3A_99 : i32
    %while3A_101 = arith.constant 1 : i32
    scf.for %while3A_135 = %while3A_94 to %while3A_100 step %while3A_101  : i32 {
      %mul3A_136 = arith.muli %while3A_135, %while3A_92 : i32
      %add3A_137 = arith.addi %while3A_93, %mul3A_136 : i32
      %add3A_138 = arith.addi %select_n3A_8, %add3A_137 : i32
      %mul3A_139 = arith.constant 5 : i32
      %mul3A_140 = arith.muli %add3A_138, %mul3A_139 : i32
      %gt3A = arith.constant 0 : i32
      %gt3A_141 = arith.cmpi sgt, %add3A_137, %gt3A : i32
      %convert_element_type3A = arith.extui %gt3A_141 : i1 to i32
      %cond3A = arith.constant 0 : i32
      %cond3A_142 = arith.cmpi ne, %convert_element_type3A, %cond3A : i32
      scf.if %cond3A_142 {
        %dma_wait3A_310 = arith.constant 0 : i32
        %dma_wait3A_311 = arith.constant 0 : i32
        %dma_wait3A_312 = tpu.memref_slice %arg10[%dma_wait3A_310, %dma_wait3A_311] : memref<5x128xi32, #tpu.memory_space<vmem>> -> memref<1x128xi32, #tpu.memory_space<vmem>>
        %dma_wait3A_313 = tpu.memref_squeeze %dma_wait3A_312 : memref<1x128xi32, #tpu.memory_space<vmem>> -> memref<128xi32, #tpu.memory_space<vmem>>
        %dma_wait3A_314 = arith.constant 0 : i32
        %dma_wait3A_315 = arith.constant 0 : i32
        %dma_wait3A_316 = tpu.memref_slice %arg7[%dma_wait3A_314, %dma_wait3A_315] : memref<50000x16xf32, #tpu.memory_space<vmem_shared>> -> memref<50000x16xf32, #tpu.memory_space<vmem_shared>>
        tpu.wait_indirect_dma semaphore(%arg23 : memref<!tpu.dma_semaphore, #tpu.memory_space<semaphore_mem>>) src(%arg17 : memref<128x16xf32, #tpu.memory_space<vmem>>) dst(%dma_wait3A_316 : memref<50000x16xf32, #tpu.memory_space<vmem_shared>>)
        %dma_wait3A_317 = arith.constant 0 : i32
        %dma_wait3A_318 = arith.constant 0 : i32
        %dma_wait3A_319 = tpu.memref_slice %arg10[%dma_wait3A_317, %dma_wait3A_318] : memref<5x128xi32, #tpu.memory_space<vmem>> -> memref<1x128xi32, #tpu.memory_space<vmem>>
        %dma_wait3A_320 = tpu.memref_squeeze %dma_wait3A_319 : memref<1x128xi32, #tpu.memory_space<vmem>> -> memref<128xi32, #tpu.memory_space<vmem>>
        %dma_wait3A_321 = arith.constant 0 : i32
        %dma_wait3A_322 = arith.constant 0 : i32
        %dma_wait3A_323 = tpu.memref_slice %arg8[%dma_wait3A_321, %dma_wait3A_322] : memref<50000x16xf32, #tpu.memory_space<vmem_shared>> -> memref<50000x16xf32, #tpu.memory_space<vmem_shared>>
        tpu.wait_indirect_dma semaphore(%arg23 : memref<!tpu.dma_semaphore, #tpu.memory_space<semaphore_mem>>) src(%arg19 : memref<128x16xf32, #tpu.memory_space<vmem>>) dst(%dma_wait3A_323 : memref<50000x16xf32, #tpu.memory_space<vmem_shared>>)
        %dma_wait3A_324 = arith.constant 0 : i32
        %dma_wait3A_325 = arith.constant 0 : i32
        %dma_wait3A_326 = tpu.memref_slice %arg10[%dma_wait3A_324, %dma_wait3A_325] : memref<5x128xi32, #tpu.memory_space<vmem>> -> memref<1x128xi32, #tpu.memory_space<vmem>>
        %dma_wait3A_327 = tpu.memref_squeeze %dma_wait3A_326 : memref<1x128xi32, #tpu.memory_space<vmem>> -> memref<128xi32, #tpu.memory_space<vmem>>
        %dma_wait3A_328 = arith.constant 0 : i32
        %dma_wait3A_329 = arith.constant 0 : i32
        %dma_wait3A_330 = tpu.memref_slice %arg7[%dma_wait3A_328, %dma_wait3A_329] : memref<50000x16xf32, #tpu.memory_space<vmem_shared>> -> memref<50000x16xf32, #tpu.memory_space<vmem_shared>>
        tpu.wait_indirect_dma semaphore(%arg24 : memref<!tpu.dma_semaphore, #tpu.memory_space<semaphore_mem>>) src(%arg18 : memref<128x16xf32, #tpu.memory_space<vmem>>) dst(%dma_wait3A_330 : memref<50000x16xf32, #tpu.memory_space<vmem_shared>>)
        %dma_wait3A_331 = arith.constant 0 : i32
        %dma_wait3A_332 = arith.constant 0 : i32
        %dma_wait3A_333 = tpu.memref_slice %arg10[%dma_wait3A_331, %dma_wait3A_332] : memref<5x128xi32, #tpu.memory_space<vmem>> -> memref<1x128xi32, #tpu.memory_space<vmem>>
        %dma_wait3A_334 = tpu.memref_squeeze %dma_wait3A_333 : memref<1x128xi32, #tpu.memory_space<vmem>> -> memref<128xi32, #tpu.memory_space<vmem>>
        %dma_wait3A_335 = arith.constant 0 : i32
        %dma_wait3A_336 = arith.constant 0 : i32
        %dma_wait3A_337 = tpu.memref_slice %arg8[%dma_wait3A_335, %dma_wait3A_336] : memref<50000x16xf32, #tpu.memory_space<vmem_shared>> -> memref<50000x16xf32, #tpu.memory_space<vmem_shared>>
        tpu.wait_indirect_dma semaphore(%arg24 : memref<!tpu.dma_semaphore, #tpu.memory_space<semaphore_mem>>) src(%arg20 : memref<128x16xf32, #tpu.memory_space<vmem>>) dst(%dma_wait3A_337 : memref<50000x16xf32, #tpu.memory_space<vmem_shared>>)
      } else {
      }
      %run_scoped3A = arith.constant 0 : i32
      "tpu.region"() ({
        %run_scoped3A_310 = tpu.sem_alloc : memref<!tpu.dma_semaphore, #tpu.memory_space<semaphore_mem>>
        %dma_start3A_311 = arith.constant 0 : i32
        %dma_start3A_312 = tpu.memref_slice %arg3[%run_scoped3A, %mul3A_140, %dma_start3A_311] : memref<2x6250x128xi32, #tpu.memory_space<hbm>> -> memref<1x5x128xi32, #tpu.memory_space<hbm>>
        %dma_start3A_313 = tpu.memref_squeeze %dma_start3A_312 : memref<1x5x128xi32, #tpu.memory_space<hbm>> -> memref<5x128xi32, #tpu.memory_space<hbm>>
        %dma_start3A_314 = arith.constant 0 : i32
        %dma_start3A_315 = tpu.memref_slice %arg3[%run_scoped3A, %mul3A_140, %dma_start3A_314] : memref<2x6250x128xi32, #tpu.memory_space<hbm>> -> memref<1x5x128xi32, #tpu.memory_space<hbm>>
        %dma_start3A_316 = tpu.memref_squeeze %dma_start3A_315 : memref<1x5x128xi32, #tpu.memory_space<hbm>> -> memref<5x128xi32, #tpu.memory_space<hbm>>
        tpu.enqueue_dma source(%dma_start3A_316 : memref<5x128xi32, #tpu.memory_space<hbm>>) target(%arg9 : memref<5x128xi32, #tpu.memory_space<vmem>>) target_semaphore(%run_scoped3A_310 : memref<!tpu.dma_semaphore, #tpu.memory_space<semaphore_mem>>)
        %dma_wait3A_317 = arith.constant 0 : i32
        %dma_wait3A_318 = tpu.memref_slice %arg3[%run_scoped3A, %mul3A_140, %dma_wait3A_317] : memref<2x6250x128xi32, #tpu.memory_space<hbm>> -> memref<1x5x128xi32, #tpu.memory_space<hbm>>
        %dma_wait3A_319 = tpu.memref_squeeze %dma_wait3A_318 : memref<1x5x128xi32, #tpu.memory_space<hbm>> -> memref<5x128xi32, #tpu.memory_space<hbm>>
        %dma_wait3A_320 = arith.constant 0 : i32
        %dma_wait3A_321 = tpu.memref_slice %arg3[%run_scoped3A, %mul3A_140, %dma_wait3A_320] : memref<2x6250x128xi32, #tpu.memory_space<hbm>> -> memref<1x5x128xi32, #tpu.memory_space<hbm>>
        %dma_wait3A_322 = tpu.memref_squeeze %dma_wait3A_321 : memref<1x5x128xi32, #tpu.memory_space<hbm>> -> memref<5x128xi32, #tpu.memory_space<hbm>>
        tpu.wait_dma2 semaphore(%run_scoped3A_310 : memref<!tpu.dma_semaphore, #tpu.memory_space<semaphore_mem>>) src(%dma_wait3A_322 : memref<5x128xi32, #tpu.memory_space<hbm>>) dst(%arg9 : memref<5x128xi32, #tpu.memory_space<vmem>>)
        tpu.yield
      }) : () -> ()
      %run_scoped3A_143 = arith.constant 1 : i32
      "tpu.region"() ({
        %run_scoped3A_310 = tpu.sem_alloc : memref<!tpu.dma_semaphore, #tpu.memory_space<semaphore_mem>>
        %dma_start3A_311 = arith.constant 0 : i32
        %dma_start3A_312 = tpu.memref_slice %arg3[%run_scoped3A_143, %mul3A_140, %dma_start3A_311] : memref<2x6250x128xi32, #tpu.memory_space<hbm>> -> memref<1x5x128xi32, #tpu.memory_space<hbm>>
        %dma_start3A_313 = tpu.memref_squeeze %dma_start3A_312 : memref<1x5x128xi32, #tpu.memory_space<hbm>> -> memref<5x128xi32, #tpu.memory_space<hbm>>
        %dma_start3A_314 = arith.constant 0 : i32
        %dma_start3A_315 = tpu.memref_slice %arg3[%run_scoped3A_143, %mul3A_140, %dma_start3A_314] : memref<2x6250x128xi32, #tpu.memory_space<hbm>> -> memref<1x5x128xi32, #tpu.memory_space<hbm>>
        %dma_start3A_316 = tpu.memref_squeeze %dma_start3A_315 : memref<1x5x128xi32, #tpu.memory_space<hbm>> -> memref<5x128xi32, #tpu.memory_space<hbm>>
        tpu.enqueue_dma source(%dma_start3A_316 : memref<5x128xi32, #tpu.memory_space<hbm>>) target(%arg10 : memref<5x128xi32, #tpu.memory_space<vmem>>) target_semaphore(%run_scoped3A_310 : memref<!tpu.dma_semaphore, #tpu.memory_space<semaphore_mem>>)
        %dma_wait3A_317 = arith.constant 0 : i32
        %dma_wait3A_318 = tpu.memref_slice %arg3[%run_scoped3A_143, %mul3A_140, %dma_wait3A_317] : memref<2x6250x128xi32, #tpu.memory_space<hbm>> -> memref<1x5x128xi32, #tpu.memory_space<hbm>>
        %dma_wait3A_319 = tpu.memref_squeeze %dma_wait3A_318 : memref<1x5x128xi32, #tpu.memory_space<hbm>> -> memref<5x128xi32, #tpu.memory_space<hbm>>
        %dma_wait3A_320 = arith.constant 0 : i32
        %dma_wait3A_321 = tpu.memref_slice %arg3[%run_scoped3A_143, %mul3A_140, %dma_wait3A_320] : memref<2x6250x128xi32, #tpu.memory_space<hbm>> -> memref<1x5x128xi32, #tpu.memory_space<hbm>>
        %dma_wait3A_322 = tpu.memref_squeeze %dma_wait3A_321 : memref<1x5x128xi32, #tpu.memory_space<hbm>> -> memref<5x128xi32, #tpu.memory_space<hbm>>
        tpu.wait_dma2 semaphore(%run_scoped3A_310 : memref<!tpu.dma_semaphore, #tpu.memory_space<semaphore_mem>>) src(%dma_wait3A_322 : memref<5x128xi32, #tpu.memory_space<hbm>>) dst(%arg10 : memref<5x128xi32, #tpu.memory_space<vmem>>)
        tpu.yield
      }) : () -> ()
      %get3A = arith.constant 0 : i32
      %get3A_144 = arith.index_cast %get3A : i32 to index
      %get3A_145 = arith.constant 0 : index
      %get3A_146 = tpu.vector_load %arg9[%get3A_144, %get3A_145] {strides = array<i32>} : memref<5x128xi32, #tpu.memory_space<vmem>>, vector<1x16xi32>,
      %get3A_147 = vector.shape_cast %get3A_146 : vector<1x16xi32> to vector<16xi32>
      %mul3A_148 = arith.constant 4 : i32
      %mul3A_149 = vector.broadcast %mul3A_148 : i32 to vector<16xi32>
      %mul3A_150 = arith.muli %get3A_147, %mul3A_149 : vector<16xi32>
      %add3A_151 = vector.broadcast %add3A_72 : i32 to vector<16xi32>
      %add3A_152 = arith.addi %mul3A_150, %add3A_151 : vector<16xi32>
      %swap3A = arith.constant 0 : index
      %swap3A_153 = tpu.vector_load %arg11[%swap3A] {strides = array<i32>} : memref<128xi32, #tpu.memory_space<vmem>>, vector<16xi32>,
      %swap3A_154 = vector.shape_cast %swap3A_153 : vector<16xi32> to vector<16xi32>
      %swap3A_155 = vector.shape_cast %add3A_152 : vector<16xi32> to vector<16xi32>
      tpu.vector_store %arg11[%swap3A], %swap3A_155 {strides = array<i32>} : memref<128xi32, #tpu.memory_space<vmem>>, vector<16xi32>,
      %get3A_156 = arith.constant 0 : i32
      %get3A_157 = arith.index_cast %get3A_156 : i32 to index
      %get3A_158 = arith.constant 16 : index
      %get3A_159 = tpu.vector_load %arg9[%get3A_157, %get3A_158] {strides = array<i32>} : memref<5x128xi32, #tpu.memory_space<vmem>>, vector<1x16xi32>,
      %get3A_160 = vector.shape_cast %get3A_159 : vector<1x16xi32> to vector<16xi32>
      %mul3A_161 = arith.constant 4 : i32
      %mul3A_162 = vector.broadcast %mul3A_161 : i32 to vector<16xi32>
      %mul3A_163 = arith.muli %get3A_160, %mul3A_162 : vector<16xi32>
      %add3A_164 = vector.broadcast %add3A_72 : i32 to vector<16xi32>
      %add3A_165 = arith.addi %mul3A_163, %add3A_164 : vector<16xi32>
      %swap3A_166 = arith.constant 16 : index
      %swap3A_167 = tpu.vector_load %arg11[%swap3A_166] {strides = array<i32>} : memref<128xi32, #tpu.memory_space<vmem>>, vector<16xi32>,
      %swap3A_168 = vector.shape_cast %swap3A_167 : vector<16xi32> to vector<16xi32>
      %swap3A_169 = vector.shape_cast %add3A_165 : vector<16xi32> to vector<16xi32>
      tpu.vector_store %arg11[%swap3A_166], %swap3A_169 {strides = array<i32>} : memref<128xi32, #tpu.memory_space<vmem>>, vector<16xi32>,
      %get3A_170 = arith.constant 0 : i32
      %get3A_171 = arith.index_cast %get3A_170 : i32 to index
      %get3A_172 = arith.constant 32 : index
      %get3A_173 = tpu.vector_load %arg9[%get3A_171, %get3A_172] {strides = array<i32>} : memref<5x128xi32, #tpu.memory_space<vmem>>, vector<1x16xi32>,
      %get3A_174 = vector.shape_cast %get3A_173 : vector<1x16xi32> to vector<16xi32>
      %mul3A_175 = arith.constant 4 : i32
      %mul3A_176 = vector.broadcast %mul3A_175 : i32 to vector<16xi32>
      %mul3A_177 = arith.muli %get3A_174, %mul3A_176 : vector<16xi32>
      %add3A_178 = vector.broadcast %add3A_72 : i32 to vector<16xi32>
      %add3A_179 = arith.addi %mul3A_177, %add3A_178 : vector<16xi32>
      %swap3A_180 = arith.constant 32 : index
      %swap3A_181 = tpu.vector_load %arg11[%swap3A_180] {strides = array<i32>} : memref<128xi32, #tpu.memory_space<vmem>>, vector<16xi32>,
      %swap3A_182 = vector.shape_cast %swap3A_181 : vector<16xi32> to vector<16xi32>
      %swap3A_183 = vector.shape_cast %add3A_179 : vector<16xi32> to vector<16xi32>
      tpu.vector_store %arg11[%swap3A_180], %swap3A_183 {strides = array<i32>} : memref<128xi32, #tpu.memory_space<vmem>>, vector<16xi32>,
      %get3A_184 = arith.constant 0 : i32
      %get3A_185 = arith.index_cast %get3A_184 : i32 to index
      %get3A_186 = arith.constant 48 : index
      %get3A_187 = tpu.vector_load %arg9[%get3A_185, %get3A_186] {strides = array<i32>} : memref<5x128xi32, #tpu.memory_space<vmem>>, vector<1x16xi32>,
      %get3A_188 = vector.shape_cast %get3A_187 : vector<1x16xi32> to vector<16xi32>
      %mul3A_189 = arith.constant 4 : i32
      %mul3A_190 = vector.broadcast %mul3A_189 : i32 to vector<16xi32>
      %mul3A_191 = arith.muli %get3A_188, %mul3A_190 : vector<16xi32>
      %add3A_192 = vector.broadcast %add3A_72 : i32 to vector<16xi32>
      %add3A_193 = arith.addi %mul3A_191, %add3A_192 : vector<16xi32>
      %swap3A_194 = arith.constant 48 : index
      %swap3A_195 = tpu.vector_load %arg11[%swap3A_194] {strides = array<i32>} : memref<128xi32, #tpu.memory_space<vmem>>, vector<16xi32>,
      %swap3A_196 = vector.shape_cast %swap3A_195 : vector<16xi32> to vector<16xi32>
      %swap3A_197 = vector.shape_cast %add3A_193 : vector<16xi32> to vector<16xi32>
      tpu.vector_store %arg11[%swap3A_194], %swap3A_197 {strides = array<i32>} : memref<128xi32, #tpu.memory_space<vmem>>, vector<16xi32>,
      %get3A_198 = arith.constant 0 : i32
      %get3A_199 = arith.index_cast %get3A_198 : i32 to index
      %get3A_200 = arith.constant 64 : index
      %get3A_201 = tpu.vector_load %arg9[%get3A_199, %get3A_200] {strides = array<i32>} : memref<5x128xi32, #tpu.memory_space<vmem>>, vector<1x16xi32>,
      %get3A_202 = vector.shape_cast %get3A_201 : vector<1x16xi32> to vector<16xi32>
      %mul3A_203 = arith.constant 4 : i32
      %mul3A_204 = vector.broadcast %mul3A_203 : i32 to vector<16xi32>
      %mul3A_205 = arith.muli %get3A_202, %mul3A_204 : vector<16xi32>
      %add3A_206 = vector.broadcast %add3A_72 : i32 to vector<16xi32>
      %add3A_207 = arith.addi %mul3A_205, %add3A_206 : vector<16xi32>
      %swap3A_208 = arith.constant 64 : index
      %swap3A_209 = tpu.vector_load %arg11[%swap3A_208] {strides = array<i32>} : memref<128xi32, #tpu.memory_space<vmem>>, vector<16xi32>,
      %swap3A_210 = vector.shape_cast %swap3A_209 : vector<16xi32> to vector<16xi32>
      %swap3A_211 = vector.shape_cast %add3A_207 : vector<16xi32> to vector<16xi32>
      tpu.vector_store %arg11[%swap3A_208], %swap3A_211 {strides = array<i32>} : memref<128xi32, #tpu.memory_space<vmem>>, vector<16xi32>,
      %get3A_212 = arith.constant 0 : i32
      %get3A_213 = arith.index_cast %get3A_212 : i32 to index
      %get3A_214 = arith.constant 80 : index
      %get3A_215 = tpu.vector_load %arg9[%get3A_213, %get3A_214] {strides = array<i32>} : memref<5x128xi32, #tpu.memory_space<vmem>>, vector<1x16xi32>,
      %get3A_216 = vector.shape_cast %get3A_215 : vector<1x16xi32> to vector<16xi32>
      %mul3A_217 = arith.constant 4 : i32
      %mul3A_218 = vector.broadcast %mul3A_217 : i32 to vector<16xi32>
      %mul3A_219 = arith.muli %get3A_216, %mul3A_218 : vector<16xi32>
      %add3A_220 = vector.broadcast %add3A_72 : i32 to vector<16xi32>
      %add3A_221 = arith.addi %mul3A_219, %add3A_220 : vector<16xi32>
      %swap3A_222 = arith.constant 80 : index
      %swap3A_223 = tpu.vector_load %arg11[%swap3A_222] {strides = array<i32>} : memref<128xi32, #tpu.memory_space<vmem>>, vector<16xi32>,
      %swap3A_224 = vector.shape_cast %swap3A_223 : vector<16xi32> to vector<16xi32>
      %swap3A_225 = vector.shape_cast %add3A_221 : vector<16xi32> to vector<16xi32>
      tpu.vector_store %arg11[%swap3A_222], %swap3A_225 {strides = array<i32>} : memref<128xi32, #tpu.memory_space<vmem>>, vector<16xi32>,
      %get3A_226 = arith.constant 0 : i32
      %get3A_227 = arith.index_cast %get3A_226 : i32 to index
      %get3A_228 = arith.constant 96 : index
      %get3A_229 = tpu.vector_load %arg9[%get3A_227, %get3A_228] {strides = array<i32>} : memref<5x128xi32, #tpu.memory_space<vmem>>, vector<1x16xi32>,
      %get3A_230 = vector.shape_cast %get3A_229 : vector<1x16xi32> to vector<16xi32>
      %mul3A_231 = arith.constant 4 : i32
      %mul3A_232 = vector.broadcast %mul3A_231 : i32 to vector<16xi32>
      %mul3A_233 = arith.muli %get3A_230, %mul3A_232 : vector<16xi32>
      %add3A_234 = vector.broadcast %add3A_72 : i32 to vector<16xi32>
      %add3A_235 = arith.addi %mul3A_233, %add3A_234 : vector<16xi32>
      %swap3A_236 = arith.constant 96 : index
      %swap3A_237 = tpu.vector_load %arg11[%swap3A_236] {strides = array<i32>} : memref<128xi32, #tpu.memory_space<vmem>>, vector<16xi32>,
      %swap3A_238 = vector.shape_cast %swap3A_237 : vector<16xi32> to vector<16xi32>
      %swap3A_239 = vector.shape_cast %add3A_235 : vector<16xi32> to vector<16xi32>
      tpu.vector_store %arg11[%swap3A_236], %swap3A_239 {strides = array<i32>} : memref<128xi32, #tpu.memory_space<vmem>>, vector<16xi32>,
      %get3A_240 = arith.constant 0 : i32
      %get3A_241 = arith.index_cast %get3A_240 : i32 to index
      %get3A_242 = arith.constant 112 : index
      %get3A_243 = tpu.vector_load %arg9[%get3A_241, %get3A_242] {strides = array<i32>} : memref<5x128xi32, #tpu.memory_space<vmem>>, vector<1x16xi32>,
      %get3A_244 = vector.shape_cast %get3A_243 : vector<1x16xi32> to vector<16xi32>
      %mul3A_245 = arith.constant 4 : i32
      %mul3A_246 = vector.broadcast %mul3A_245 : i32 to vector<16xi32>
      %mul3A_247 = arith.muli %get3A_244, %mul3A_246 : vector<16xi32>
      %add3A_248 = vector.broadcast %add3A_72 : i32 to vector<16xi32>
      %add3A_249 = arith.addi %mul3A_247, %add3A_248 : vector<16xi32>
      %swap3A_250 = arith.constant 112 : index
      %swap3A_251 = tpu.vector_load %arg11[%swap3A_250] {strides = array<i32>} : memref<128xi32, #tpu.memory_space<vmem>>, vector<16xi32>,
      %swap3A_252 = vector.shape_cast %swap3A_251 : vector<16xi32> to vector<16xi32>
      %swap3A_253 = vector.shape_cast %add3A_249 : vector<16xi32> to vector<16xi32>
      tpu.vector_store %arg11[%swap3A_250], %swap3A_253 {strides = array<i32>} : memref<128xi32, #tpu.memory_space<vmem>>, vector<16xi32>,
      %dma_start3A = arith.constant 0 : i32
      %dma_start3A_254 = arith.constant 0 : i32
      %dma_start3A_255 = tpu.memref_slice %arg2[%dma_start3A, %dma_start3A_254] : memref<200000x16xf32, #tpu.memory_space<hbm>> -> memref<200000x16xf32, #tpu.memory_space<hbm>>
      tpu.enqueue_indirect_dma source(%dma_start3A_255 : memref<200000x16xf32, #tpu.memory_space<hbm>>) target(%arg13 : memref<128x16xf32, #tpu.memory_space<vmem>>) offsets(%arg11 : memref<128xi32, #tpu.memory_space<vmem>>) semaphore(%arg21 : memref<!tpu.dma_semaphore, #tpu.memory_space<semaphore_mem>>)
      %add3A_256 = arith.constant 0 : i32
      %add3A_257 = arith.addi %mul3A_140, %add3A_256 : i32
      %mul3A_258 = arith.constant 64 : i32
      %mul3A_259 = arith.muli %add3A_257, %mul3A_258 : i32
      %dma_start3A_260 = arith.constant 0 : i32
      %dma_start3A_261 = tpu.memref_slice %arg4[%mul3A_259, %dma_start3A_260] : memref<400000x128xf32, #tpu.memory_space<hbm>> -> memref<64x128xf32, #tpu.memory_space<hbm>>
      %dma_start3A_262 = arith.constant 0 : i32
      %dma_start3A_263 = tpu.memref_slice %arg4[%mul3A_259, %dma_start3A_262] : memref<400000x128xf32, #tpu.memory_space<hbm>> -> memref<64x128xf32, #tpu.memory_space<hbm>>
      tpu.enqueue_dma source(%dma_start3A_263 : memref<64x128xf32, #tpu.memory_space<hbm>>) target(%arg15 : memref<64x128xf32, #tpu.memory_space<vmem>>) target_semaphore(%arg21 : memref<!tpu.dma_semaphore, #tpu.memory_space<semaphore_mem>>)
      %scan3A_264 = arith.constant 0 : i32
      %scan3A_265 = arith.constant 2 : i32
      %scan3A_266 = arith.addi %scan3A_264, %scan3A_265 : i32
      %scan3A_267 = arith.constant 1 : i32
      scf.for %scan3A_310 = %scan3A_264 to %scan3A_266 step %scan3A_267  : i32 {
        %mul3A_311 = arith.constant 1 : i32
        %mul3A_312 = arith.muli %scan3A_310, %mul3A_311 : i32
        %add3A_313 = arith.constant 0 : i32
        %add3A_314 = arith.addi %add3A_313, %mul3A_312 : i32
        %mul3A_315 = arith.constant 2 : i32
        %mul3A_316 = arith.muli %mul3A_315, %add3A_314 : i32
        %add3A_317 = arith.constant 1 : i32
        %add3A_318 = arith.addi %mul3A_316, %add3A_317 : i32
        %gt3A_319 = arith.constant 0 : i32
        %gt3A_320 = arith.cmpi sgt, %add3A_314, %gt3A_319 : i32
        %get3A_321 = arith.index_cast %add3A_318 : i32 to index
        %get3A_322 = arith.constant 0 : index
        %get3A_323 = tpu.vector_load %arg9[%get3A_321, %get3A_322] {strides = array<i32>} : memref<5x128xi32, #tpu.memory_space<vmem>>, vector<1x16xi32>,
        %get3A_324 = vector.shape_cast %get3A_323 : vector<1x16xi32> to vector<16xi32>
        %mul3A_325 = arith.constant 4 : i32
        %mul3A_326 = vector.broadcast %mul3A_325 : i32 to vector<16xi32>
        %mul3A_327 = arith.muli %get3A_324, %mul3A_326 : vector<16xi32>
        %add3A_328 = vector.broadcast %add3A_72 : i32 to vector<16xi32>
        %add3A_329 = arith.addi %mul3A_327, %add3A_328 : vector<16xi32>
        %swap3A_330 = arith.constant 0 : index
        %swap3A_331 = tpu.vector_load %arg12[%swap3A_330] {strides = array<i32>} : memref<128xi32, #tpu.memory_space<vmem>>, vector<16xi32>,
        %swap3A_332 = vector.shape_cast %swap3A_331 : vector<16xi32> to vector<16xi32>
        %swap3A_333 = vector.shape_cast %add3A_329 : vector<16xi32> to vector<16xi32>
        tpu.vector_store %arg12[%swap3A_330], %swap3A_333 {strides = array<i32>} : memref<128xi32, #tpu.memory_space<vmem>>, vector<16xi32>,
        %get3A_334 = arith.index_cast %add3A_318 : i32 to index
        %get3A_335 = arith.constant 16 : index
        %get3A_336 = tpu.vector_load %arg9[%get3A_334, %get3A_335] {strides = array<i32>} : memref<5x128xi32, #tpu.memory_space<vmem>>, vector<1x16xi32>,
        %get3A_337 = vector.shape_cast %get3A_336 : vector<1x16xi32> to vector<16xi32>
        %mul3A_338 = arith.constant 4 : i32
        %mul3A_339 = vector.broadcast %mul3A_338 : i32 to vector<16xi32>
        %mul3A_340 = arith.muli %get3A_337, %mul3A_339 : vector<16xi32>
        %add3A_341 = vector.broadcast %add3A_72 : i32 to vector<16xi32>
        %add3A_342 = arith.addi %mul3A_340, %add3A_341 : vector<16xi32>
        %swap3A_343 = arith.constant 16 : index
        %swap3A_344 = tpu.vector_load %arg12[%swap3A_343] {strides = array<i32>} : memref<128xi32, #tpu.memory_space<vmem>>, vector<16xi32>,
        %swap3A_345 = vector.shape_cast %swap3A_344 : vector<16xi32> to vector<16xi32>
        %swap3A_346 = vector.shape_cast %add3A_342 : vector<16xi32> to vector<16xi32>
        tpu.vector_store %arg12[%swap3A_343], %swap3A_346 {strides = array<i32>} : memref<128xi32, #tpu.memory_space<vmem>>, vector<16xi32>,
        %get3A_347 = arith.index_cast %add3A_318 : i32 to index
        %get3A_348 = arith.constant 32 : index
        %get3A_349 = tpu.vector_load %arg9[%get3A_347, %get3A_348] {strides = array<i32>} : memref<5x128xi32, #tpu.memory_space<vmem>>, vector<1x16xi32>,
        %get3A_350 = vector.shape_cast %get3A_349 : vector<1x16xi32> to vector<16xi32>
        %mul3A_351 = arith.constant 4 : i32
        %mul3A_352 = vector.broadcast %mul3A_351 : i32 to vector<16xi32>
        %mul3A_353 = arith.muli %get3A_350, %mul3A_352 : vector<16xi32>
        %add3A_354 = vector.broadcast %add3A_72 : i32 to vector<16xi32>
        %add3A_355 = arith.addi %mul3A_353, %add3A_354 : vector<16xi32>
        %swap3A_356 = arith.constant 32 : index
        %swap3A_357 = tpu.vector_load %arg12[%swap3A_356] {strides = array<i32>} : memref<128xi32, #tpu.memory_space<vmem>>, vector<16xi32>,
        %swap3A_358 = vector.shape_cast %swap3A_357 : vector<16xi32> to vector<16xi32>
        %swap3A_359 = vector.shape_cast %add3A_355 : vector<16xi32> to vector<16xi32>
        tpu.vector_store %arg12[%swap3A_356], %swap3A_359 {strides = array<i32>} : memref<128xi32, #tpu.memory_space<vmem>>, vector<16xi32>,
        %get3A_360 = arith.index_cast %add3A_318 : i32 to index
        %get3A_361 = arith.constant 48 : index
        %get3A_362 = tpu.vector_load %arg9[%get3A_360, %get3A_361] {strides = array<i32>} : memref<5x128xi32, #tpu.memory_space<vmem>>, vector<1x16xi32>,
        %get3A_363 = vector.shape_cast %get3A_362 : vector<1x16xi32> to vector<16xi32>
        %mul3A_364 = arith.constant 4 : i32
        %mul3A_365 = vector.broadcast %mul3A_364 : i32 to vector<16xi32>
        %mul3A_366 = arith.muli %get3A_363, %mul3A_365 : vector<16xi32>
        %add3A_367 = vector.broadcast %add3A_72 : i32 to vector<16xi32>
        %add3A_368 = arith.addi %mul3A_366, %add3A_367 : vector<16xi32>
        %swap3A_369 = arith.constant 48 : index
        %swap3A_370 = tpu.vector_load %arg12[%swap3A_369] {strides = array<i32>} : memref<128xi32, #tpu.memory_space<vmem>>, vector<16xi32>,
        %swap3A_371 = vector.shape_cast %swap3A_370 : vector<16xi32> to vector<16xi32>
        %swap3A_372 = vector.shape_cast %add3A_368 : vector<16xi32> to vector<16xi32>
        tpu.vector_store %arg12[%swap3A_369], %swap3A_372 {strides = array<i32>} : memref<128xi32, #tpu.memory_space<vmem>>, vector<16xi32>,
        %get3A_373 = arith.index_cast %add3A_318 : i32 to index
        %get3A_374 = arith.constant 64 : index
        %get3A_375 = tpu.vector_load %arg9[%get3A_373, %get3A_374] {strides = array<i32>} : memref<5x128xi32, #tpu.memory_space<vmem>>, vector<1x16xi32>,
        %get3A_376 = vector.shape_cast %get3A_375 : vector<1x16xi32> to vector<16xi32>
        %mul3A_377 = arith.constant 4 : i32
        %mul3A_378 = vector.broadcast %mul3A_377 : i32 to vector<16xi32>
        %mul3A_379 = arith.muli %get3A_376, %mul3A_378 : vector<16xi32>
        %add3A_380 = vector.broadcast %add3A_72 : i32 to vector<16xi32>
        %add3A_381 = arith.addi %mul3A_379, %add3A_380 : vector<16xi32>
        %swap3A_382 = arith.constant 64 : index
        %swap3A_383 = tpu.vector_load %arg12[%swap3A_382] {strides = array<i32>} : memref<128xi32, #tpu.memory_space<vmem>>, vector<16xi32>,
        %swap3A_384 = vector.shape_cast %swap3A_383 : vector<16xi32> to vector<16xi32>
        %swap3A_385 = vector.shape_cast %add3A_381 : vector<16xi32> to vector<16xi32>
        tpu.vector_store %arg12[%swap3A_382], %swap3A_385 {strides = array<i32>} : memref<128xi32, #tpu.memory_space<vmem>>, vector<16xi32>,
        %get3A_386 = arith.index_cast %add3A_318 : i32 to index
        %get3A_387 = arith.constant 80 : index
        %get3A_388 = tpu.vector_load %arg9[%get3A_386, %get3A_387] {strides = array<i32>} : memref<5x128xi32, #tpu.memory_space<vmem>>, vector<1x16xi32>,
        %get3A_389 = vector.shape_cast %get3A_388 : vector<1x16xi32> to vector<16xi32>
        %mul3A_390 = arith.constant 4 : i32
        %mul3A_391 = vector.broadcast %mul3A_390 : i32 to vector<16xi32>
        %mul3A_392 = arith.muli %get3A_389, %mul3A_391 : vector<16xi32>
        %add3A_393 = vector.broadcast %add3A_72 : i32 to vector<16xi32>
        %add3A_394 = arith.addi %mul3A_392, %add3A_393 : vector<16xi32>
        %swap3A_395 = arith.constant 80 : index
        %swap3A_396 = tpu.vector_load %arg12[%swap3A_395] {strides = array<i32>} : memref<128xi32, #tpu.memory_space<vmem>>, vector<16xi32>,
        %swap3A_397 = vector.shape_cast %swap3A_396 : vector<16xi32> to vector<16xi32>
        %swap3A_398 = vector.shape_cast %add3A_394 : vector<16xi32> to vector<16xi32>
        tpu.vector_store %arg12[%swap3A_395], %swap3A_398 {strides = array<i32>} : memref<128xi32, #tpu.memory_space<vmem>>, vector<16xi32>,
        %get3A_399 = arith.index_cast %add3A_318 : i32 to index
        %get3A_400 = arith.constant 96 : index
        %get3A_401 = tpu.vector_load %arg9[%get3A_399, %get3A_400] {strides = array<i32>} : memref<5x128xi32, #tpu.memory_space<vmem>>, vector<1x16xi32>,
        %get3A_402 = vector.shape_cast %get3A_401 : vector<1x16xi32> to vector<16xi32>
        %mul3A_403 = arith.constant 4 : i32
        %mul3A_404 = vector.broadcast %mul3A_403 : i32 to vector<16xi32>
        %mul3A_405 = arith.muli %get3A_402, %mul3A_404 : vector<16xi32>
        %add3A_406 = vector.broadcast %add3A_72 : i32 to vector<16xi32>
        %add3A_407 = arith.addi %mul3A_405, %add3A_406 : vector<16xi32>
        %swap3A_408 = arith.constant 96 : index
        %swap3A_409 = tpu.vector_load %arg12[%swap3A_408] {strides = array<i32>} : memref<128xi32, #tpu.memory_space<vmem>>, vector<16xi32>,
        %swap3A_410 = vector.shape_cast %swap3A_409 : vector<16xi32> to vector<16xi32>
        %swap3A_411 = vector.shape_cast %add3A_407 : vector<16xi32> to vector<16xi32>
        tpu.vector_store %arg12[%swap3A_408], %swap3A_411 {strides = array<i32>} : memref<128xi32, #tpu.memory_space<vmem>>, vector<16xi32>,
        %get3A_412 = arith.index_cast %add3A_318 : i32 to index
        %get3A_413 = arith.constant 112 : index
        %get3A_414 = tpu.vector_load %arg9[%get3A_412, %get3A_413] {strides = array<i32>} : memref<5x128xi32, #tpu.memory_space<vmem>>, vector<1x16xi32>,
        %get3A_415 = vector.shape_cast %get3A_414 : vector<1x16xi32> to vector<16xi32>
        %mul3A_416 = arith.constant 4 : i32
        %mul3A_417 = vector.broadcast %mul3A_416 : i32 to vector<16xi32>
        %mul3A_418 = arith.muli %get3A_415, %mul3A_417 : vector<16xi32>
        %add3A_419 = vector.broadcast %add3A_72 : i32 to vector<16xi32>
        %add3A_420 = arith.addi %mul3A_418, %add3A_419 : vector<16xi32>
        %swap3A_421 = arith.constant 112 : index
        %swap3A_422 = tpu.vector_load %arg12[%swap3A_421] {strides = array<i32>} : memref<128xi32, #tpu.memory_space<vmem>>, vector<16xi32>,
        %swap3A_423 = vector.shape_cast %swap3A_422 : vector<16xi32> to vector<16xi32>
        %swap3A_424 = vector.shape_cast %add3A_420 : vector<16xi32> to vector<16xi32>
        tpu.vector_store %arg12[%swap3A_421], %swap3A_424 {strides = array<i32>} : memref<128xi32, #tpu.memory_space<vmem>>, vector<16xi32>,
        %dma_start3A_425 = arith.constant 0 : i32
        %dma_start3A_426 = arith.constant 0 : i32
        %dma_start3A_427 = tpu.memref_slice %arg2[%dma_start3A_425, %dma_start3A_426] : memref<200000x16xf32, #tpu.memory_space<hbm>> -> memref<200000x16xf32, #tpu.memory_space<hbm>>
        tpu.enqueue_indirect_dma source(%dma_start3A_427 : memref<200000x16xf32, #tpu.memory_space<hbm>>) target(%arg14 : memref<128x16xf32, #tpu.memory_space<vmem>>) offsets(%arg12 : memref<128xi32, #tpu.memory_space<vmem>>) semaphore(%arg22 : memref<!tpu.dma_semaphore, #tpu.memory_space<semaphore_mem>>)
        %add3A_428 = arith.addi %mul3A_140, %add3A_318 : i32
        %mul3A_429 = arith.constant 64 : i32
        %mul3A_430 = arith.muli %add3A_428, %mul3A_429 : i32
        %dma_start3A_431 = arith.constant 0 : i32
        %dma_start3A_432 = tpu.memref_slice %arg4[%mul3A_430, %dma_start3A_431] : memref<400000x128xf32, #tpu.memory_space<hbm>> -> memref<64x128xf32, #tpu.memory_space<hbm>>
        %dma_start3A_433 = arith.constant 0 : i32
        %dma_start3A_434 = tpu.memref_slice %arg4[%mul3A_430, %dma_start3A_433] : memref<400000x128xf32, #tpu.memory_space<hbm>> -> memref<64x128xf32, #tpu.memory_space<hbm>>
        tpu.enqueue_dma source(%dma_start3A_434 : memref<64x128xf32, #tpu.memory_space<hbm>>) target(%arg16 : memref<64x128xf32, #tpu.memory_space<vmem>>) target_semaphore(%arg22 : memref<!tpu.dma_semaphore, #tpu.memory_space<semaphore_mem>>)
        %dma_wait3A_435 = arith.constant 0 : i32
        %dma_wait3A_436 = arith.constant 0 : i32
        %dma_wait3A_437 = tpu.memref_slice %arg2[%dma_wait3A_435, %dma_wait3A_436] : memref<200000x16xf32, #tpu.memory_space<hbm>> -> memref<200000x16xf32, #tpu.memory_space<hbm>>
        tpu.wait_indirect_dma semaphore(%arg21 : memref<!tpu.dma_semaphore, #tpu.memory_space<semaphore_mem>>) src(%dma_wait3A_437 : memref<200000x16xf32, #tpu.memory_space<hbm>>) dst(%arg13 : memref<128x16xf32, #tpu.memory_space<vmem>>)
        %dma_wait3A_438 = arith.constant 0 : i32
        %dma_wait3A_439 = arith.constant 0 : i32
        %dma_wait3A_440 = tpu.memref_slice %arg4[%dma_wait3A_438, %dma_wait3A_439] : memref<400000x128xf32, #tpu.memory_space<hbm>> -> memref<64x128xf32, #tpu.memory_space<hbm>>
        %dma_wait3A_441 = arith.constant 0 : i32
        %dma_wait3A_442 = arith.constant 0 : i32
        %dma_wait3A_443 = tpu.memref_slice %arg4[%dma_wait3A_441, %dma_wait3A_442] : memref<400000x128xf32, #tpu.memory_space<hbm>> -> memref<64x128xf32, #tpu.memory_space<hbm>>
        tpu.wait_dma2 semaphore(%arg21 : memref<!tpu.dma_semaphore, #tpu.memory_space<semaphore_mem>>) src(%dma_wait3A_443 : memref<64x128xf32, #tpu.memory_space<hbm>>) dst(%arg15 : memref<64x128xf32, #tpu.memory_space<vmem>>)
        %convert_element_type3A_444 = arith.extui %gt3A_320 : i1 to i32
        %cond3A_445 = arith.constant 0 : i32
        %cond3A_446 = arith.cmpi ne, %convert_element_type3A_444, %cond3A_445 : i32
        scf.if %cond3A_446 {
          %dma_wait3A_613 = arith.constant 0 : i32
          %dma_wait3A_614 = arith.constant 0 : i32
          %dma_wait3A_615 = tpu.memref_slice %arg10[%dma_wait3A_613, %dma_wait3A_614] : memref<5x128xi32, #tpu.memory_space<vmem>> -> memref<1x128xi32, #tpu.memory_space<vmem>>
          %dma_wait3A_616 = tpu.memref_squeeze %dma_wait3A_615 : memref<1x128xi32, #tpu.memory_space<vmem>> -> memref<128xi32, #tpu.memory_space<vmem>>
          %dma_wait3A_617 = arith.constant 0 : i32
          %dma_wait3A_618 = arith.constant 0 : i32
          %dma_wait3A_619 = tpu.memref_slice %arg7[%dma_wait3A_617, %dma_wait3A_618] : memref<50000x16xf32, #tpu.memory_space<vmem_shared>> -> memref<50000x16xf32, #tpu.memory_space<vmem_shared>>
          tpu.wait_indirect_dma semaphore(%arg23 : memref<!tpu.dma_semaphore, #tpu.memory_space<semaphore_mem>>) src(%arg17 : memref<128x16xf32, #tpu.memory_space<vmem>>) dst(%dma_wait3A_619 : memref<50000x16xf32, #tpu.memory_space<vmem_shared>>)
          %dma_wait3A_620 = arith.constant 0 : i32
          %dma_wait3A_621 = arith.constant 0 : i32
          %dma_wait3A_622 = tpu.memref_slice %arg10[%dma_wait3A_620, %dma_wait3A_621] : memref<5x128xi32, #tpu.memory_space<vmem>> -> memref<1x128xi32, #tpu.memory_space<vmem>>
          %dma_wait3A_623 = tpu.memref_squeeze %dma_wait3A_622 : memref<1x128xi32, #tpu.memory_space<vmem>> -> memref<128xi32, #tpu.memory_space<vmem>>
          %dma_wait3A_624 = arith.constant 0 : i32
          %dma_wait3A_625 = arith.constant 0 : i32
          %dma_wait3A_626 = tpu.memref_slice %arg8[%dma_wait3A_624, %dma_wait3A_625] : memref<50000x16xf32, #tpu.memory_space<vmem_shared>> -> memref<50000x16xf32, #tpu.memory_space<vmem_shared>>
          tpu.wait_indirect_dma semaphore(%arg23 : memref<!tpu.dma_semaphore, #tpu.memory_space<semaphore_mem>>) src(%arg19 : memref<128x16xf32, #tpu.memory_space<vmem>>) dst(%dma_wait3A_626 : memref<50000x16xf32, #tpu.memory_space<vmem_shared>>)
        } else {
        }
        %mul3A_447 = arith.constant 16 : i32
        %mul3A_448 = arith.muli %add3A_72, %mul3A_447 : i32
        %parallel_loop3A_449 = arith.constant 0 : i32
        %parallel_loop3A_450 = arith.constant 128 : i32
        %parallel_loop3A_451 = arith.constant 1 : i32
        scf.for %parallel_loop3A_613 = %parallel_loop3A_449 to %parallel_loop3A_450 step %parallel_loop3A_451  : i32 {
          %parallel_loop3A_614 = arith.constant 6 : i32
          %parallel_loop3A_615 = arith.shli %parallel_loop3A_613, %parallel_loop3A_614 : i32
          %parallel_loop3A_616 = arith.addi %parallel_loop3A_615, %mul3A_448 : i32
          %parallel_loop3A_617 = arith.constant 7 : i32
          %parallel_loop3A_618 = arith.shrsi %parallel_loop3A_616, %parallel_loop3A_617 : i32
          %parallel_loop3A_619 = arith.constant 127 : i32
          %parallel_loop3A_620 = arith.andi %parallel_loop3A_616, %parallel_loop3A_619 : i32
          %parallel_loop3A_621 = arith.index_cast %parallel_loop3A_618 : i32 to index
          %parallel_loop3A_622 = arith.index_cast %parallel_loop3A_620 : i32 to index
          %parallel_loop3A_623 = tpu.vector_load %arg15[%parallel_loop3A_621, %parallel_loop3A_622] {strides = array<i32>} : memref<64x128xf32, #tpu.memory_space<vmem>>, vector<1x16xf32>,
          %parallel_loop3A_624 = vector.shape_cast %parallel_loop3A_623 : vector<1x16xf32> to vector<16xf32>
          %parallel_loop3A_625 = arith.index_cast %parallel_loop3A_613 : i32 to index
          %parallel_loop3A_626 = arith.constant 0 : index
          %parallel_loop3A_627 = tpu.vector_load %arg13[%parallel_loop3A_625, %parallel_loop3A_626] {strides = array<i32>} : memref<128x16xf32, #tpu.memory_space<vmem>>, vector<1x16xf32>,
          %parallel_loop3A_628 = vector.shape_cast %parallel_loop3A_627 : vector<1x16xf32> to vector<16xf32>
          %parallel_loop3A_629 = arith.addf %parallel_loop3A_628, %parallel_loop3A_624 : vector<16xf32>
          %parallel_loop3A_630 = arith.constant 0.000000e+00 : f32
          %parallel_loop3A_631 = vector.broadcast %parallel_loop3A_630 : f32 to vector<16xf32>
          %parallel_loop3A_632 = arith.maximumf %parallel_loop3A_629, %parallel_loop3A_631 : vector<16xf32>
          %parallel_loop3A_633 = arith.constant 1.000000e-07 : f32
          %parallel_loop3A_634 = vector.broadcast %parallel_loop3A_633 : f32 to vector<16xf32>
          %parallel_loop3A_635 = arith.addf %parallel_loop3A_632, %parallel_loop3A_634 : vector<16xf32>
          %parallel_loop3A_636 = math.exp %parallel_loop3A_635 : vector<16xf32>
          %parallel_loop3A_637 = arith.index_cast %parallel_loop3A_613 : i32 to index
          %parallel_loop3A_638 = arith.constant 0 : index
          %parallel_loop3A_639 = tpu.vector_load %arg17[%parallel_loop3A_637, %parallel_loop3A_638] {strides = array<i32>} : memref<128x16xf32, #tpu.memory_space<vmem>>, vector<1x16xf32>,
          %parallel_loop3A_640 = vector.shape_cast %parallel_loop3A_639 : vector<1x16xf32> to vector<16xf32>
          %parallel_loop3A_641 = vector.shape_cast %parallel_loop3A_636 : vector<16xf32> to vector<1x16xf32>
          tpu.vector_store %arg17[%parallel_loop3A_637, %parallel_loop3A_638], %parallel_loop3A_641 {strides = array<i32>} : memref<128x16xf32, #tpu.memory_space<vmem>>, vector<1x16xf32>,
          %parallel_loop3A_642 = arith.mulf %parallel_loop3A_635, %parallel_loop3A_636 : vector<16xf32>
          %parallel_loop3A_643 = arith.index_cast %parallel_loop3A_613 : i32 to index
          %parallel_loop3A_644 = arith.constant 0 : index
          %parallel_loop3A_645 = tpu.vector_load %arg19[%parallel_loop3A_643, %parallel_loop3A_644] {strides = array<i32>} : memref<128x16xf32, #tpu.memory_space<vmem>>, vector<1x16xf32>,
          %parallel_loop3A_646 = vector.shape_cast %parallel_loop3A_645 : vector<1x16xf32> to vector<16xf32>
          %parallel_loop3A_647 = vector.shape_cast %parallel_loop3A_642 : vector<16xf32> to vector<1x16xf32>
          tpu.vector_store %arg19[%parallel_loop3A_643, %parallel_loop3A_644], %parallel_loop3A_647 {strides = array<i32>} : memref<128x16xf32, #tpu.memory_space<vmem>>, vector<1x16xf32>,
        } {sc.loop_unroll_factor = 8 : i64, sc.parallel_access}
        %dma_start3A_452 = arith.constant 0 : i32
        %dma_start3A_453 = tpu.memref_slice %arg10[%mul3A_316, %dma_start3A_452] : memref<5x128xi32, #tpu.memory_space<vmem>> -> memref<1x128xi32, #tpu.memory_space<vmem>>
        %dma_start3A_454 = tpu.memref_squeeze %dma_start3A_453 : memref<1x128xi32, #tpu.memory_space<vmem>> -> memref<128xi32, #tpu.memory_space<vmem>>
        %dma_start3A_455 = arith.constant 0 : i32
        %dma_start3A_456 = arith.constant 0 : i32
        %dma_start3A_457 = tpu.memref_slice %arg7[%dma_start3A_455, %dma_start3A_456] : memref<50000x16xf32, #tpu.memory_space<vmem_shared>> -> memref<50000x16xf32, #tpu.memory_space<vmem_shared>>
        tpu.enqueue_indirect_dma source(%arg17 : memref<128x16xf32, #tpu.memory_space<vmem>>) target(%dma_start3A_457 : memref<50000x16xf32, #tpu.memory_space<vmem_shared>>) offsets(%dma_start3A_454 : memref<128xi32, #tpu.memory_space<vmem>>) semaphore(%arg23 : memref<!tpu.dma_semaphore, #tpu.memory_space<semaphore_mem>>) {add = true}
        %dma_start3A_458 = arith.constant 0 : i32
        %dma_start3A_459 = tpu.memref_slice %arg10[%mul3A_316, %dma_start3A_458] : memref<5x128xi32, #tpu.memory_space<vmem>> -> memref<1x128xi32, #tpu.memory_space<vmem>>
        %dma_start3A_460 = tpu.memref_squeeze %dma_start3A_459 : memref<1x128xi32, #tpu.memory_space<vmem>> -> memref<128xi32, #tpu.memory_space<vmem>>
        %dma_start3A_461 = arith.constant 0 : i32
        %dma_start3A_462 = arith.constant 0 : i32
        %dma_start3A_463 = tpu.memref_slice %arg8[%dma_start3A_461, %dma_start3A_462] : memref<50000x16xf32, #tpu.memory_space<vmem_shared>> -> memref<50000x16xf32, #tpu.memory_space<vmem_shared>>
        tpu.enqueue_indirect_dma source(%arg19 : memref<128x16xf32, #tpu.memory_space<vmem>>) target(%dma_start3A_463 : memref<50000x16xf32, #tpu.memory_space<vmem_shared>>) offsets(%dma_start3A_460 : memref<128xi32, #tpu.memory_space<vmem>>) semaphore(%arg23 : memref<!tpu.dma_semaphore, #tpu.memory_space<semaphore_mem>>) {add = true}
        %add3A_464 = arith.constant 1 : i32
        %add3A_465 = arith.addi %mul3A_316, %add3A_464 : i32
        %add3A_466 = arith.constant 2 : i32
        %add3A_467 = arith.addi %mul3A_316, %add3A_466 : i32
        %gt3A_468 = arith.constant 0 : i32
        %gt3A_469 = arith.cmpi sgt, %add3A_314, %gt3A_468 : i32
        %get3A_470 = arith.index_cast %add3A_467 : i32 to index
        %get3A_471 = arith.constant 0 : index
        %get3A_472 = tpu.vector_load %arg9[%get3A_470, %get3A_471] {strides = array<i32>} : memref<5x128xi32, #tpu.memory_space<vmem>>, vector<1x16xi32>,
        %get3A_473 = vector.shape_cast %get3A_472 : vector<1x16xi32> to vector<16xi32>
        %mul3A_474 = arith.constant 4 : i32
        %mul3A_475 = vector.broadcast %mul3A_474 : i32 to vector<16xi32>
        %mul3A_476 = arith.muli %get3A_473, %mul3A_475 : vector<16xi32>
        %add3A_477 = vector.broadcast %add3A_72 : i32 to vector<16xi32>
        %add3A_478 = arith.addi %mul3A_476, %add3A_477 : vector<16xi32>
        %swap3A_479 = arith.constant 0 : index
        %swap3A_480 = tpu.vector_load %arg11[%swap3A_479] {strides = array<i32>} : memref<128xi32, #tpu.memory_space<vmem>>, vector<16xi32>,
        %swap3A_481 = vector.shape_cast %swap3A_480 : vector<16xi32> to vector<16xi32>
        %swap3A_482 = vector.shape_cast %add3A_478 : vector<16xi32> to vector<16xi32>
        tpu.vector_store %arg11[%swap3A_479], %swap3A_482 {strides = array<i32>} : memref<128xi32, #tpu.memory_space<vmem>>, vector<16xi32>,
        %get3A_483 = arith.index_cast %add3A_467 : i32 to index
        %get3A_484 = arith.constant 16 : index
        %get3A_485 = tpu.vector_load %arg9[%get3A_483, %get3A_484] {strides = array<i32>} : memref<5x128xi32, #tpu.memory_space<vmem>>, vector<1x16xi32>,
        %get3A_486 = vector.shape_cast %get3A_485 : vector<1x16xi32> to vector<16xi32>
        %mul3A_487 = arith.constant 4 : i32
        %mul3A_488 = vector.broadcast %mul3A_487 : i32 to vector<16xi32>
        %mul3A_489 = arith.muli %get3A_486, %mul3A_488 : vector<16xi32>
        %add3A_490 = vector.broadcast %add3A_72 : i32 to vector<16xi32>
        %add3A_491 = arith.addi %mul3A_489, %add3A_490 : vector<16xi32>
        %swap3A_492 = arith.constant 16 : index
        %swap3A_493 = tpu.vector_load %arg11[%swap3A_492] {strides = array<i32>} : memref<128xi32, #tpu.memory_space<vmem>>, vector<16xi32>,
        %swap3A_494 = vector.shape_cast %swap3A_493 : vector<16xi32> to vector<16xi32>
        %swap3A_495 = vector.shape_cast %add3A_491 : vector<16xi32> to vector<16xi32>
        tpu.vector_store %arg11[%swap3A_492], %swap3A_495 {strides = array<i32>} : memref<128xi32, #tpu.memory_space<vmem>>, vector<16xi32>,
        %get3A_496 = arith.index_cast %add3A_467 : i32 to index
        %get3A_497 = arith.constant 32 : index
        %get3A_498 = tpu.vector_load %arg9[%get3A_496, %get3A_497] {strides = array<i32>} : memref<5x128xi32, #tpu.memory_space<vmem>>, vector<1x16xi32>,
        %get3A_499 = vector.shape_cast %get3A_498 : vector<1x16xi32> to vector<16xi32>
        %mul3A_500 = arith.constant 4 : i32
        %mul3A_501 = vector.broadcast %mul3A_500 : i32 to vector<16xi32>
        %mul3A_502 = arith.muli %get3A_499, %mul3A_501 : vector<16xi32>
        %add3A_503 = vector.broadcast %add3A_72 : i32 to vector<16xi32>
        %add3A_504 = arith.addi %mul3A_502, %add3A_503 : vector<16xi32>
        %swap3A_505 = arith.constant 32 : index
        %swap3A_506 = tpu.vector_load %arg11[%swap3A_505] {strides = array<i32>} : memref<128xi32, #tpu.memory_space<vmem>>, vector<16xi32>,
        %swap3A_507 = vector.shape_cast %swap3A_506 : vector<16xi32> to vector<16xi32>
        %swap3A_508 = vector.shape_cast %add3A_504 : vector<16xi32> to vector<16xi32>
        tpu.vector_store %arg11[%swap3A_505], %swap3A_508 {strides = array<i32>} : memref<128xi32, #tpu.memory_space<vmem>>, vector<16xi32>,
        %get3A_509 = arith.index_cast %add3A_467 : i32 to index
        %get3A_510 = arith.constant 48 : index
        %get3A_511 = tpu.vector_load %arg9[%get3A_509, %get3A_510] {strides = array<i32>} : memref<5x128xi32, #tpu.memory_space<vmem>>, vector<1x16xi32>,
        %get3A_512 = vector.shape_cast %get3A_511 : vector<1x16xi32> to vector<16xi32>
        %mul3A_513 = arith.constant 4 : i32
        %mul3A_514 = vector.broadcast %mul3A_513 : i32 to vector<16xi32>
        %mul3A_515 = arith.muli %get3A_512, %mul3A_514 : vector<16xi32>
        %add3A_516 = vector.broadcast %add3A_72 : i32 to vector<16xi32>
        %add3A_517 = arith.addi %mul3A_515, %add3A_516 : vector<16xi32>
        %swap3A_518 = arith.constant 48 : index
        %swap3A_519 = tpu.vector_load %arg11[%swap3A_518] {strides = array<i32>} : memref<128xi32, #tpu.memory_space<vmem>>, vector<16xi32>,
        %swap3A_520 = vector.shape_cast %swap3A_519 : vector<16xi32> to vector<16xi32>
        %swap3A_521 = vector.shape_cast %add3A_517 : vector<16xi32> to vector<16xi32>
        tpu.vector_store %arg11[%swap3A_518], %swap3A_521 {strides = array<i32>} : memref<128xi32, #tpu.memory_space<vmem>>, vector<16xi32>,
        %get3A_522 = arith.index_cast %add3A_467 : i32 to index
        %get3A_523 = arith.constant 64 : index
        %get3A_524 = tpu.vector_load %arg9[%get3A_522, %get3A_523] {strides = array<i32>} : memref<5x128xi32, #tpu.memory_space<vmem>>, vector<1x16xi32>,
        %get3A_525 = vector.shape_cast %get3A_524 : vector<1x16xi32> to vector<16xi32>
        %mul3A_526 = arith.constant 4 : i32
        %mul3A_527 = vector.broadcast %mul3A_526 : i32 to vector<16xi32>
        %mul3A_528 = arith.muli %get3A_525, %mul3A_527 : vector<16xi32>
        %add3A_529 = vector.broadcast %add3A_72 : i32 to vector<16xi32>
        %add3A_530 = arith.addi %mul3A_528, %add3A_529 : vector<16xi32>
        %swap3A_531 = arith.constant 64 : index
        %swap3A_532 = tpu.vector_load %arg11[%swap3A_531] {strides = array<i32>} : memref<128xi32, #tpu.memory_space<vmem>>, vector<16xi32>,
        %swap3A_533 = vector.shape_cast %swap3A_532 : vector<16xi32> to vector<16xi32>
        %swap3A_534 = vector.shape_cast %add3A_530 : vector<16xi32> to vector<16xi32>
        tpu.vector_store %arg11[%swap3A_531], %swap3A_534 {strides = array<i32>} : memref<128xi32, #tpu.memory_space<vmem>>, vector<16xi32>,
        %get3A_535 = arith.index_cast %add3A_467 : i32 to index
        %get3A_536 = arith.constant 80 : index
        %get3A_537 = tpu.vector_load %arg9[%get3A_535, %get3A_536] {strides = array<i32>} : memref<5x128xi32, #tpu.memory_space<vmem>>, vector<1x16xi32>,
        %get3A_538 = vector.shape_cast %get3A_537 : vector<1x16xi32> to vector<16xi32>
        %mul3A_539 = arith.constant 4 : i32
        %mul3A_540 = vector.broadcast %mul3A_539 : i32 to vector<16xi32>
        %mul3A_541 = arith.muli %get3A_538, %mul3A_540 : vector<16xi32>
        %add3A_542 = vector.broadcast %add3A_72 : i32 to vector<16xi32>
        %add3A_543 = arith.addi %mul3A_541, %add3A_542 : vector<16xi32>
        %swap3A_544 = arith.constant 80 : index
        %swap3A_545 = tpu.vector_load %arg11[%swap3A_544] {strides = array<i32>} : memref<128xi32, #tpu.memory_space<vmem>>, vector<16xi32>,
        %swap3A_546 = vector.shape_cast %swap3A_545 : vector<16xi32> to vector<16xi32>
        %swap3A_547 = vector.shape_cast %add3A_543 : vector<16xi32> to vector<16xi32>
        tpu.vector_store %arg11[%swap3A_544], %swap3A_547 {strides = array<i32>} : memref<128xi32, #tpu.memory_space<vmem>>, vector<16xi32>,
        %get3A_548 = arith.index_cast %add3A_467 : i32 to index
        %get3A_549 = arith.constant 96 : index
        %get3A_550 = tpu.vector_load %arg9[%get3A_548, %get3A_549] {strides = array<i32>} : memref<5x128xi32, #tpu.memory_space<vmem>>, vector<1x16xi32>,
        %get3A_551 = vector.shape_cast %get3A_550 : vector<1x16xi32> to vector<16xi32>
        %mul3A_552 = arith.constant 4 : i32
        %mul3A_553 = vector.broadcast %mul3A_552 : i32 to vector<16xi32>
        %mul3A_554 = arith.muli %get3A_551, %mul3A_553 : vector<16xi32>
        %add3A_555 = vector.broadcast %add3A_72 : i32 to vector<16xi32>
        %add3A_556 = arith.addi %mul3A_554, %add3A_555 : vector<16xi32>
        %swap3A_557 = arith.constant 96 : index
        %swap3A_558 = tpu.vector_load %arg11[%swap3A_557] {strides = array<i32>} : memref<128xi32, #tpu.memory_space<vmem>>, vector<16xi32>,
        %swap3A_559 = vector.shape_cast %swap3A_558 : vector<16xi32> to vector<16xi32>
        %swap3A_560 = vector.shape_cast %add3A_556 : vector<16xi32> to vector<16xi32>
        tpu.vector_store %arg11[%swap3A_557], %swap3A_560 {strides = array<i32>} : memref<128xi32, #tpu.memory_space<vmem>>, vector<16xi32>,
        %get3A_561 = arith.index_cast %add3A_467 : i32 to index
        %get3A_562 = arith.constant 112 : index
        %get3A_563 = tpu.vector_load %arg9[%get3A_561, %get3A_562] {strides = array<i32>} : memref<5x128xi32, #tpu.memory_space<vmem>>, vector<1x16xi32>,
        %get3A_564 = vector.shape_cast %get3A_563 : vector<1x16xi32> to vector<16xi32>
        %mul3A_565 = arith.constant 4 : i32
        %mul3A_566 = vector.broadcast %mul3A_565 : i32 to vector<16xi32>
        %mul3A_567 = arith.muli %get3A_564, %mul3A_566 : vector<16xi32>
        %add3A_568 = vector.broadcast %add3A_72 : i32 to vector<16xi32>
        %add3A_569 = arith.addi %mul3A_567, %add3A_568 : vector<16xi32>
        %swap3A_570 = arith.constant 112 : index
        %swap3A_571 = tpu.vector_load %arg11[%swap3A_570] {strides = array<i32>} : memref<128xi32, #tpu.memory_space<vmem>>, vector<16xi32>,
        %swap3A_572 = vector.shape_cast %swap3A_571 : vector<16xi32> to vector<16xi32>
        %swap3A_573 = vector.shape_cast %add3A_569 : vector<16xi32> to vector<16xi32>
        tpu.vector_store %arg11[%swap3A_570], %swap3A_573 {strides = array<i32>} : memref<128xi32, #tpu.memory_space<vmem>>, vector<16xi32>,
        %dma_start3A_574 = arith.constant 0 : i32
        %dma_start3A_575 = arith.constant 0 : i32
        %dma_start3A_576 = tpu.memref_slice %arg2[%dma_start3A_574, %dma_start3A_575] : memref<200000x16xf32, #tpu.memory_space<hbm>> -> memref<200000x16xf32, #tpu.memory_space<hbm>>
        tpu.enqueue_indirect_dma source(%dma_start3A_576 : memref<200000x16xf32, #tpu.memory_space<hbm>>) target(%arg13 : memref<128x16xf32, #tpu.memory_space<vmem>>) offsets(%arg11 : memref<128xi32, #tpu.memory_space<vmem>>) semaphore(%arg21 : memref<!tpu.dma_semaphore, #tpu.memory_space<semaphore_mem>>)
        %add3A_577 = arith.addi %mul3A_140, %add3A_467 : i32
        %mul3A_578 = arith.constant 64 : i32
        %mul3A_579 = arith.muli %add3A_577, %mul3A_578 : i32
        %dma_start3A_580 = arith.constant 0 : i32
        %dma_start3A_581 = tpu.memref_slice %arg4[%mul3A_579, %dma_start3A_580] : memref<400000x128xf32, #tpu.memory_space<hbm>> -> memref<64x128xf32, #tpu.memory_space<hbm>>
        %dma_start3A_582 = arith.constant 0 : i32
        %dma_start3A_583 = tpu.memref_slice %arg4[%mul3A_579, %dma_start3A_582] : memref<400000x128xf32, #tpu.memory_space<hbm>> -> memref<64x128xf32, #tpu.memory_space<hbm>>
        tpu.enqueue_dma source(%dma_start3A_583 : memref<64x128xf32, #tpu.memory_space<hbm>>) target(%arg15 : memref<64x128xf32, #tpu.memory_space<vmem>>) target_semaphore(%arg21 : memref<!tpu.dma_semaphore, #tpu.memory_space<semaphore_mem>>)
        %dma_wait3A_584 = arith.constant 0 : i32
        %dma_wait3A_585 = arith.constant 0 : i32
        %dma_wait3A_586 = tpu.memref_slice %arg2[%dma_wait3A_584, %dma_wait3A_585] : memref<200000x16xf32, #tpu.memory_space<hbm>> -> memref<200000x16xf32, #tpu.memory_space<hbm>>
        tpu.wait_indirect_dma semaphore(%arg22 : memref<!tpu.dma_semaphore, #tpu.memory_space<semaphore_mem>>) src(%dma_wait3A_586 : memref<200000x16xf32, #tpu.memory_space<hbm>>) dst(%arg14 : memref<128x16xf32, #tpu.memory_space<vmem>>)
        %dma_wait3A_587 = arith.constant 0 : i32
        %dma_wait3A_588 = arith.constant 0 : i32
        %dma_wait3A_589 = tpu.memref_slice %arg4[%dma_wait3A_587, %dma_wait3A_588] : memref<400000x128xf32, #tpu.memory_space<hbm>> -> memref<64x128xf32, #tpu.memory_space<hbm>>
        %dma_wait3A_590 = arith.constant 0 : i32
        %dma_wait3A_591 = arith.constant 0 : i32
        %dma_wait3A_592 = tpu.memref_slice %arg4[%dma_wait3A_590, %dma_wait3A_591] : memref<400000x128xf32, #tpu.memory_space<hbm>> -> memref<64x128xf32, #tpu.memory_space<hbm>>
        tpu.wait_dma2 semaphore(%arg22 : memref<!tpu.dma_semaphore, #tpu.memory_space<semaphore_mem>>) src(%dma_wait3A_592 : memref<64x128xf32, #tpu.memory_space<hbm>>) dst(%arg16 : memref<64x128xf32, #tpu.memory_space<vmem>>)
        %convert_element_type3A_593 = arith.extui %gt3A_469 : i1 to i32
        %cond3A_594 = arith.constant 0 : i32
        %cond3A_595 = arith.cmpi ne, %convert_element_type3A_593, %cond3A_594 : i32
        scf.if %cond3A_595 {
          %dma_wait3A_613 = arith.constant 0 : i32
          %dma_wait3A_614 = arith.constant 0 : i32
          %dma_wait3A_615 = tpu.memref_slice %arg10[%dma_wait3A_613, %dma_wait3A_614] : memref<5x128xi32, #tpu.memory_space<vmem>> -> memref<1x128xi32, #tpu.memory_space<vmem>>
          %dma_wait3A_616 = tpu.memref_squeeze %dma_wait3A_615 : memref<1x128xi32, #tpu.memory_space<vmem>> -> memref<128xi32, #tpu.memory_space<vmem>>
          %dma_wait3A_617 = arith.constant 0 : i32
          %dma_wait3A_618 = arith.constant 0 : i32
          %dma_wait3A_619 = tpu.memref_slice %arg7[%dma_wait3A_617, %dma_wait3A_618] : memref<50000x16xf32, #tpu.memory_space<vmem_shared>> -> memref<50000x16xf32, #tpu.memory_space<vmem_shared>>
          tpu.wait_indirect_dma semaphore(%arg24 : memref<!tpu.dma_semaphore, #tpu.memory_space<semaphore_mem>>) src(%arg18 : memref<128x16xf32, #tpu.memory_space<vmem>>) dst(%dma_wait3A_619 : memref<50000x16xf32, #tpu.memory_space<vmem_shared>>)
          %dma_wait3A_620 = arith.constant 0 : i32
          %dma_wait3A_621 = arith.constant 0 : i32
          %dma_wait3A_622 = tpu.memref_slice %arg10[%dma_wait3A_620, %dma_wait3A_621] : memref<5x128xi32, #tpu.memory_space<vmem>> -> memref<1x128xi32, #tpu.memory_space<vmem>>
          %dma_wait3A_623 = tpu.memref_squeeze %dma_wait3A_622 : memref<1x128xi32, #tpu.memory_space<vmem>> -> memref<128xi32, #tpu.memory_space<vmem>>
          %dma_wait3A_624 = arith.constant 0 : i32
          %dma_wait3A_625 = arith.constant 0 : i32
          %dma_wait3A_626 = tpu.memref_slice %arg8[%dma_wait3A_624, %dma_wait3A_625] : memref<50000x16xf32, #tpu.memory_space<vmem_shared>> -> memref<50000x16xf32, #tpu.memory_space<vmem_shared>>
          tpu.wait_indirect_dma semaphore(%arg24 : memref<!tpu.dma_semaphore, #tpu.memory_space<semaphore_mem>>) src(%arg20 : memref<128x16xf32, #tpu.memory_space<vmem>>) dst(%dma_wait3A_626 : memref<50000x16xf32, #tpu.memory_space<vmem_shared>>)
        } else {
        }
        %mul3A_596 = arith.constant 16 : i32
        %mul3A_597 = arith.muli %add3A_72, %mul3A_596 : i32
        %parallel_loop3A_598 = arith.constant 0 : i32
        %parallel_loop3A_599 = arith.constant 128 : i32
        %parallel_loop3A_600 = arith.constant 1 : i32
        scf.for %parallel_loop3A_613 = %parallel_loop3A_598 to %parallel_loop3A_599 step %parallel_loop3A_600  : i32 {
          %parallel_loop3A_614 = arith.constant 6 : i32
          %parallel_loop3A_615 = arith.shli %parallel_loop3A_613, %parallel_loop3A_614 : i32
          %parallel_loop3A_616 = arith.addi %parallel_loop3A_615, %mul3A_597 : i32
          %parallel_loop3A_617 = arith.constant 7 : i32
          %parallel_loop3A_618 = arith.shrsi %parallel_loop3A_616, %parallel_loop3A_617 : i32
          %parallel_loop3A_619 = arith.constant 127 : i32
          %parallel_loop3A_620 = arith.andi %parallel_loop3A_616, %parallel_loop3A_619 : i32
          %parallel_loop3A_621 = arith.index_cast %parallel_loop3A_618 : i32 to index
          %parallel_loop3A_622 = arith.index_cast %parallel_loop3A_620 : i32 to index
          %parallel_loop3A_623 = tpu.vector_load %arg16[%parallel_loop3A_621, %parallel_loop3A_622] {strides = array<i32>} : memref<64x128xf32, #tpu.memory_space<vmem>>, vector<1x16xf32>,
          %parallel_loop3A_624 = vector.shape_cast %parallel_loop3A_623 : vector<1x16xf32> to vector<16xf32>
          %parallel_loop3A_625 = arith.index_cast %parallel_loop3A_613 : i32 to index
          %parallel_loop3A_626 = arith.constant 0 : index
          %parallel_loop3A_627 = tpu.vector_load %arg14[%parallel_loop3A_625, %parallel_loop3A_626] {strides = array<i32>} : memref<128x16xf32, #tpu.memory_space<vmem>>, vector<1x16xf32>,
          %parallel_loop3A_628 = vector.shape_cast %parallel_loop3A_627 : vector<1x16xf32> to vector<16xf32>
          %parallel_loop3A_629 = arith.addf %parallel_loop3A_628, %parallel_loop3A_624 : vector<16xf32>
          %parallel_loop3A_630 = arith.constant 0.000000e+00 : f32
          %parallel_loop3A_631 = vector.broadcast %parallel_loop3A_630 : f32 to vector<16xf32>
          %parallel_loop3A_632 = arith.maximumf %parallel_loop3A_629, %parallel_loop3A_631 : vector<16xf32>
          %parallel_loop3A_633 = arith.constant 1.000000e-07 : f32
          %parallel_loop3A_634 = vector.broadcast %parallel_loop3A_633 : f32 to vector<16xf32>
          %parallel_loop3A_635 = arith.addf %parallel_loop3A_632, %parallel_loop3A_634 : vector<16xf32>
          %parallel_loop3A_636 = math.exp %parallel_loop3A_635 : vector<16xf32>
          %parallel_loop3A_637 = arith.index_cast %parallel_loop3A_613 : i32 to index
          %parallel_loop3A_638 = arith.constant 0 : index
          %parallel_loop3A_639 = tpu.vector_load %arg18[%parallel_loop3A_637, %parallel_loop3A_638] {strides = array<i32>} : memref<128x16xf32, #tpu.memory_space<vmem>>, vector<1x16xf32>,
          %parallel_loop3A_640 = vector.shape_cast %parallel_loop3A_639 : vector<1x16xf32> to vector<16xf32>
          %parallel_loop3A_641 = vector.shape_cast %parallel_loop3A_636 : vector<16xf32> to vector<1x16xf32>
          tpu.vector_store %arg18[%parallel_loop3A_637, %parallel_loop3A_638], %parallel_loop3A_641 {strides = array<i32>} : memref<128x16xf32, #tpu.memory_space<vmem>>, vector<1x16xf32>,
          %parallel_loop3A_642 = arith.mulf %parallel_loop3A_635, %parallel_loop3A_636 : vector<16xf32>
          %parallel_loop3A_643 = arith.index_cast %parallel_loop3A_613 : i32 to index
          %parallel_loop3A_644 = arith.constant 0 : index
          %parallel_loop3A_645 = tpu.vector_load %arg20[%parallel_loop3A_643, %parallel_loop3A_644] {strides = array<i32>} : memref<128x16xf32, #tpu.memory_space<vmem>>, vector<1x16xf32>,
          %parallel_loop3A_646 = vector.shape_cast %parallel_loop3A_645 : vector<1x16xf32> to vector<16xf32>
          %parallel_loop3A_647 = vector.shape_cast %parallel_loop3A_642 : vector<16xf32> to vector<1x16xf32>
          tpu.vector_store %arg20[%parallel_loop3A_643, %parallel_loop3A_644], %parallel_loop3A_647 {strides = array<i32>} : memref<128x16xf32, #tpu.memory_space<vmem>>, vector<1x16xf32>,
        } {sc.loop_unroll_factor = 8 : i64, sc.parallel_access}
        %dma_start3A_601 = arith.constant 0 : i32
        %dma_start3A_602 = tpu.memref_slice %arg10[%add3A_465, %dma_start3A_601] : memref<5x128xi32, #tpu.memory_space<vmem>> -> memref<1x128xi32, #tpu.memory_space<vmem>>
        %dma_start3A_603 = tpu.memref_squeeze %dma_start3A_602 : memref<1x128xi32, #tpu.memory_space<vmem>> -> memref<128xi32, #tpu.memory_space<vmem>>
        %dma_start3A_604 = arith.constant 0 : i32
        %dma_start3A_605 = arith.constant 0 : i32
        %dma_start3A_606 = tpu.memref_slice %arg7[%dma_start3A_604, %dma_start3A_605] : memref<50000x16xf32, #tpu.memory_space<vmem_shared>> -> memref<50000x16xf32, #tpu.memory_space<vmem_shared>>
        tpu.enqueue_indirect_dma source(%arg18 : memref<128x16xf32, #tpu.memory_space<vmem>>) target(%dma_start3A_606 : memref<50000x16xf32, #tpu.memory_space<vmem_shared>>) offsets(%dma_start3A_603 : memref<128xi32, #tpu.memory_space<vmem>>) semaphore(%arg24 : memref<!tpu.dma_semaphore, #tpu.memory_space<semaphore_mem>>) {add = true}
        %dma_start3A_607 = arith.constant 0 : i32
        %dma_start3A_608 = tpu.memref_slice %arg10[%add3A_465, %dma_start3A_607] : memref<5x128xi32, #tpu.memory_space<vmem>> -> memref<1x128xi32, #tpu.memory_space<vmem>>
        %dma_start3A_609 = tpu.memref_squeeze %dma_start3A_608 : memref<1x128xi32, #tpu.memory_space<vmem>> -> memref<128xi32, #tpu.memory_space<vmem>>
        %dma_start3A_610 = arith.constant 0 : i32
        %dma_start3A_611 = arith.constant 0 : i32
        %dma_start3A_612 = tpu.memref_slice %arg8[%dma_start3A_610, %dma_start3A_611] : memref<50000x16xf32, #tpu.memory_space<vmem_shared>> -> memref<50000x16xf32, #tpu.memory_space<vmem_shared>>
        tpu.enqueue_indirect_dma source(%arg20 : memref<128x16xf32, #tpu.memory_space<vmem>>) target(%dma_start3A_612 : memref<50000x16xf32, #tpu.memory_space<vmem_shared>>) offsets(%dma_start3A_609 : memref<128xi32, #tpu.memory_space<vmem>>) semaphore(%arg24 : memref<!tpu.dma_semaphore, #tpu.memory_space<semaphore_mem>>) {add = true}
      }
      %scan3A_268 = arith.constant 2 : i32
      %dma_wait3A_269 = arith.constant 0 : i32
      %dma_wait3A_270 = arith.constant 0 : i32
      %dma_wait3A_271 = tpu.memref_slice %arg2[%dma_wait3A_269, %dma_wait3A_270] : memref<200000x16xf32, #tpu.memory_space<hbm>> -> memref<200000x16xf32, #tpu.memory_space<hbm>>
      tpu.wait_indirect_dma semaphore(%arg21 : memref<!tpu.dma_semaphore, #tpu.memory_space<semaphore_mem>>) src(%dma_wait3A_271 : memref<200000x16xf32, #tpu.memory_space<hbm>>) dst(%arg13 : memref<128x16xf32, #tpu.memory_space<vmem>>)
      %dma_wait3A_272 = arith.constant 0 : i32
      %dma_wait3A_273 = arith.constant 0 : i32
      %dma_wait3A_274 = tpu.memref_slice %arg4[%dma_wait3A_272, %dma_wait3A_273] : memref<400000x128xf32, #tpu.memory_space<hbm>> -> memref<64x128xf32, #tpu.memory_space<hbm>>
      %dma_wait3A_275 = arith.constant 0 : i32
      %dma_wait3A_276 = arith.constant 0 : i32
      %dma_wait3A_277 = tpu.memref_slice %arg4[%dma_wait3A_275, %dma_wait3A_276] : memref<400000x128xf32, #tpu.memory_space<hbm>> -> memref<64x128xf32, #tpu.memory_space<hbm>>
      tpu.wait_dma2 semaphore(%arg21 : memref<!tpu.dma_semaphore, #tpu.memory_space<semaphore_mem>>) src(%dma_wait3A_277 : memref<64x128xf32, #tpu.memory_space<hbm>>) dst(%arg15 : memref<64x128xf32, #tpu.memory_space<vmem>>)
      %dma_wait3A_278 = arith.constant 0 : i32
      %dma_wait3A_279 = arith.constant 0 : i32
      %dma_wait3A_280 = tpu.memref_slice %arg10[%dma_wait3A_278, %dma_wait3A_279] : memref<5x128xi32, #tpu.memory_space<vmem>> -> memref<1x128xi32, #tpu.memory_space<vmem>>
      %dma_wait3A_281 = tpu.memref_squeeze %dma_wait3A_280 : memref<1x128xi32, #tpu.memory_space<vmem>> -> memref<128xi32, #tpu.memory_space<vmem>>
      %dma_wait3A_282 = arith.constant 0 : i32
      %dma_wait3A_283 = arith.constant 0 : i32
      %dma_wait3A_284 = tpu.memref_slice %arg7[%dma_wait3A_282, %dma_wait3A_283] : memref<50000x16xf32, #tpu.memory_space<vmem_shared>> -> memref<50000x16xf32, #tpu.memory_space<vmem_shared>>
      tpu.wait_indirect_dma semaphore(%arg23 : memref<!tpu.dma_semaphore, #tpu.memory_space<semaphore_mem>>) src(%arg17 : memref<128x16xf32, #tpu.memory_space<vmem>>) dst(%dma_wait3A_284 : memref<50000x16xf32, #tpu.memory_space<vmem_shared>>)
      %dma_wait3A_285 = arith.constant 0 : i32
      %dma_wait3A_286 = arith.constant 0 : i32
      %dma_wait3A_287 = tpu.memref_slice %arg10[%dma_wait3A_285, %dma_wait3A_286] : memref<5x128xi32, #tpu.memory_space<vmem>> -> memref<1x128xi32, #tpu.memory_space<vmem>>
      %dma_wait3A_288 = tpu.memref_squeeze %dma_wait3A_287 : memref<1x128xi32, #tpu.memory_space<vmem>> -> memref<128xi32, #tpu.memory_space<vmem>>
      %dma_wait3A_289 = arith.constant 0 : i32
      %dma_wait3A_290 = arith.constant 0 : i32
      %dma_wait3A_291 = tpu.memref_slice %arg8[%dma_wait3A_289, %dma_wait3A_290] : memref<50000x16xf32, #tpu.memory_space<vmem_shared>> -> memref<50000x16xf32, #tpu.memory_space<vmem_shared>>
      tpu.wait_indirect_dma semaphore(%arg23 : memref<!tpu.dma_semaphore, #tpu.memory_space<semaphore_mem>>) src(%arg19 : memref<128x16xf32, #tpu.memory_space<vmem>>) dst(%dma_wait3A_291 : memref<50000x16xf32, #tpu.memory_space<vmem_shared>>)
      %mul3A_292 = arith.constant 16 : i32
      %mul3A_293 = arith.muli %add3A_72, %mul3A_292 : i32
      %parallel_loop3A = arith.constant 0 : i32
      %parallel_loop3A_294 = arith.constant 128 : i32
      %parallel_loop3A_295 = arith.constant 1 : i32
      scf.for %parallel_loop3A_310 = %parallel_loop3A to %parallel_loop3A_294 step %parallel_loop3A_295  : i32 {
        %parallel_loop3A_311 = arith.constant 6 : i32
        %parallel_loop3A_312 = arith.shli %parallel_loop3A_310, %parallel_loop3A_311 : i32
        %parallel_loop3A_313 = arith.addi %parallel_loop3A_312, %mul3A_293 : i32
        %parallel_loop3A_314 = arith.constant 7 : i32
        %parallel_loop3A_315 = arith.shrsi %parallel_loop3A_313, %parallel_loop3A_314 : i32
        %parallel_loop3A_316 = arith.constant 127 : i32
        %parallel_loop3A_317 = arith.andi %parallel_loop3A_313, %parallel_loop3A_316 : i32
        %parallel_loop3A_318 = arith.index_cast %parallel_loop3A_315 : i32 to index
        %parallel_loop3A_319 = arith.index_cast %parallel_loop3A_317 : i32 to index
        %parallel_loop3A_320 = tpu.vector_load %arg15[%parallel_loop3A_318, %parallel_loop3A_319] {strides = array<i32>} : memref<64x128xf32, #tpu.memory_space<vmem>>, vector<1x16xf32>,
        %parallel_loop3A_321 = vector.shape_cast %parallel_loop3A_320 : vector<1x16xf32> to vector<16xf32>
        %parallel_loop3A_322 = arith.index_cast %parallel_loop3A_310 : i32 to index
        %parallel_loop3A_323 = arith.constant 0 : index
        %parallel_loop3A_324 = tpu.vector_load %arg13[%parallel_loop3A_322, %parallel_loop3A_323] {strides = array<i32>} : memref<128x16xf32, #tpu.memory_space<vmem>>, vector<1x16xf32>,
        %parallel_loop3A_325 = vector.shape_cast %parallel_loop3A_324 : vector<1x16xf32> to vector<16xf32>
        %parallel_loop3A_326 = arith.addf %parallel_loop3A_325, %parallel_loop3A_321 : vector<16xf32>
        %parallel_loop3A_327 = arith.constant 0.000000e+00 : f32
        %parallel_loop3A_328 = vector.broadcast %parallel_loop3A_327 : f32 to vector<16xf32>
        %parallel_loop3A_329 = arith.maximumf %parallel_loop3A_326, %parallel_loop3A_328 : vector<16xf32>
        %parallel_loop3A_330 = arith.constant 1.000000e-07 : f32
        %parallel_loop3A_331 = vector.broadcast %parallel_loop3A_330 : f32 to vector<16xf32>
        %parallel_loop3A_332 = arith.addf %parallel_loop3A_329, %parallel_loop3A_331 : vector<16xf32>
        %parallel_loop3A_333 = math.exp %parallel_loop3A_332 : vector<16xf32>
        %parallel_loop3A_334 = arith.index_cast %parallel_loop3A_310 : i32 to index
        %parallel_loop3A_335 = arith.constant 0 : index
        %parallel_loop3A_336 = tpu.vector_load %arg17[%parallel_loop3A_334, %parallel_loop3A_335] {strides = array<i32>} : memref<128x16xf32, #tpu.memory_space<vmem>>, vector<1x16xf32>,
        %parallel_loop3A_337 = vector.shape_cast %parallel_loop3A_336 : vector<1x16xf32> to vector<16xf32>
        %parallel_loop3A_338 = vector.shape_cast %parallel_loop3A_333 : vector<16xf32> to vector<1x16xf32>
        tpu.vector_store %arg17[%parallel_loop3A_334, %parallel_loop3A_335], %parallel_loop3A_338 {strides = array<i32>} : memref<128x16xf32, #tpu.memory_space<vmem>>, vector<1x16xf32>,
        %parallel_loop3A_339 = arith.mulf %parallel_loop3A_332, %parallel_loop3A_333 : vector<16xf32>
        %parallel_loop3A_340 = arith.index_cast %parallel_loop3A_310 : i32 to index
        %parallel_loop3A_341 = arith.constant 0 : index
        %parallel_loop3A_342 = tpu.vector_load %arg19[%parallel_loop3A_340, %parallel_loop3A_341] {strides = array<i32>} : memref<128x16xf32, #tpu.memory_space<vmem>>, vector<1x16xf32>,
        %parallel_loop3A_343 = vector.shape_cast %parallel_loop3A_342 : vector<1x16xf32> to vector<16xf32>
        %parallel_loop3A_344 = vector.shape_cast %parallel_loop3A_339 : vector<16xf32> to vector<1x16xf32>
        tpu.vector_store %arg19[%parallel_loop3A_340, %parallel_loop3A_341], %parallel_loop3A_344 {strides = array<i32>} : memref<128x16xf32, #tpu.memory_space<vmem>>, vector<1x16xf32>,
      } {sc.loop_unroll_factor = 8 : i64, sc.parallel_access}
      %dma_start3A_296 = arith.constant 4 : i32
      %dma_start3A_297 = arith.constant 0 : i32
      %dma_start3A_298 = tpu.memref_slice %arg10[%dma_start3A_296, %dma_start3A_297] : memref<5x128xi32, #tpu.memory_space<vmem>> -> memref<1x128xi32, #tpu.memory_space<vmem>>
      %dma_start3A_299 = tpu.memref_squeeze %dma_start3A_298 : memref<1x128xi32, #tpu.memory_space<vmem>> -> memref<128xi32, #tpu.memory_space<vmem>>
      %dma_start3A_300 = arith.constant 0 : i32
      %dma_start3A_301 = arith.constant 0 : i32
      %dma_start3A_302 = tpu.memref_slice %arg7[%dma_start3A_300, %dma_start3A_301] : memref<50000x16xf32, #tpu.memory_space<vmem_shared>> -> memref<50000x16xf32, #tpu.memory_space<vmem_shared>>
      tpu.enqueue_indirect_dma source(%arg17 : memref<128x16xf32, #tpu.memory_space<vmem>>) target(%dma_start3A_302 : memref<50000x16xf32, #tpu.memory_space<vmem_shared>>) offsets(%dma_start3A_299 : memref<128xi32, #tpu.memory_space<vmem>>) semaphore(%arg23 : memref<!tpu.dma_semaphore, #tpu.memory_space<semaphore_mem>>) {add = true}
      %dma_start3A_303 = arith.constant 4 : i32
      %dma_start3A_304 = arith.constant 0 : i32
      %dma_start3A_305 = tpu.memref_slice %arg10[%dma_start3A_303, %dma_start3A_304] : memref<5x128xi32, #tpu.memory_space<vmem>> -> memref<1x128xi32, #tpu.memory_space<vmem>>
      %dma_start3A_306 = tpu.memref_squeeze %dma_start3A_305 : memref<1x128xi32, #tpu.memory_space<vmem>> -> memref<128xi32, #tpu.memory_space<vmem>>
      %dma_start3A_307 = arith.constant 0 : i32
      %dma_start3A_308 = arith.constant 0 : i32
      %dma_start3A_309 = tpu.memref_slice %arg8[%dma_start3A_307, %dma_start3A_308] : memref<50000x16xf32, #tpu.memory_space<vmem_shared>> -> memref<50000x16xf32, #tpu.memory_space<vmem_shared>>
      tpu.enqueue_indirect_dma source(%arg19 : memref<128x16xf32, #tpu.memory_space<vmem>>) target(%dma_start3A_309 : memref<50000x16xf32, #tpu.memory_space<vmem_shared>>) offsets(%dma_start3A_306 : memref<128xi32, #tpu.memory_space<vmem>>) semaphore(%arg23 : memref<!tpu.dma_semaphore, #tpu.memory_space<semaphore_mem>>) {add = true}
    }
    %while3A_102 = arith.constant 1 : i32
    scf.for %while3A_135 = %while3A_100 to %while3A_96 step %while3A_102  : i32 {
      %mul3A_136 = arith.muli %while3A_135, %while3A_92 : i32
      %add3A_137 = arith.addi %while3A_93, %mul3A_136 : i32
      %add3A_138 = arith.addi %select_n3A_8, %add3A_137 : i32
      %mul3A_139 = arith.constant 5 : i32
      %mul3A_140 = arith.muli %add3A_138, %mul3A_139 : i32
      %gt3A = arith.constant 0 : i32
      %gt3A_141 = arith.cmpi sgt, %add3A_137, %gt3A : i32
      %convert_element_type3A = arith.extui %gt3A_141 : i1 to i32
      %cond3A = arith.constant 0 : i32
      %cond3A_142 = arith.cmpi ne, %convert_element_type3A, %cond3A : i32
      scf.if %cond3A_142 {
        %dma_wait3A_310 = arith.constant 0 : i32
        %dma_wait3A_311 = arith.constant 0 : i32
        %dma_wait3A_312 = tpu.memref_slice %arg10[%dma_wait3A_310, %dma_wait3A_311] : memref<5x128xi32, #tpu.memory_space<vmem>> -> memref<1x128xi32, #tpu.memory_space<vmem>>
        %dma_wait3A_313 = tpu.memref_squeeze %dma_wait3A_312 : memref<1x128xi32, #tpu.memory_space<vmem>> -> memref<128xi32, #tpu.memory_space<vmem>>
        %dma_wait3A_314 = arith.constant 0 : i32
        %dma_wait3A_315 = arith.constant 0 : i32
        %dma_wait3A_316 = tpu.memref_slice %arg7[%dma_wait3A_314, %dma_wait3A_315] : memref<50000x16xf32, #tpu.memory_space<vmem_shared>> -> memref<50000x16xf32, #tpu.memory_space<vmem_shared>>
        tpu.wait_indirect_dma semaphore(%arg23 : memref<!tpu.dma_semaphore, #tpu.memory_space<semaphore_mem>>) src(%arg17 : memref<128x16xf32, #tpu.memory_space<vmem>>) dst(%dma_wait3A_316 : memref<50000x16xf32, #tpu.memory_space<vmem_shared>>)
        %dma_wait3A_317 = arith.constant 0 : i32
        %dma_wait3A_318 = arith.constant 0 : i32
        %dma_wait3A_319 = tpu.memref_slice %arg10[%dma_wait3A_317, %dma_wait3A_318] : memref<5x128xi32, #tpu.memory_space<vmem>> -> memref<1x128xi32, #tpu.memory_space<vmem>>
        %dma_wait3A_320 = tpu.memref_squeeze %dma_wait3A_319 : memref<1x128xi32, #tpu.memory_space<vmem>> -> memref<128xi32, #tpu.memory_space<vmem>>
        %dma_wait3A_321 = arith.constant 0 : i32
        %dma_wait3A_322 = arith.constant 0 : i32
        %dma_wait3A_323 = tpu.memref_slice %arg8[%dma_wait3A_321, %dma_wait3A_322] : memref<50000x16xf32, #tpu.memory_space<vmem_shared>> -> memref<50000x16xf32, #tpu.memory_space<vmem_shared>>
        tpu.wait_indirect_dma semaphore(%arg23 : memref<!tpu.dma_semaphore, #tpu.memory_space<semaphore_mem>>) src(%arg19 : memref<128x16xf32, #tpu.memory_space<vmem>>) dst(%dma_wait3A_323 : memref<50000x16xf32, #tpu.memory_space<vmem_shared>>)
        %dma_wait3A_324 = arith.constant 0 : i32
        %dma_wait3A_325 = arith.constant 0 : i32
        %dma_wait3A_326 = tpu.memref_slice %arg10[%dma_wait3A_324, %dma_wait3A_325] : memref<5x128xi32, #tpu.memory_space<vmem>> -> memref<1x128xi32, #tpu.memory_space<vmem>>
        %dma_wait3A_327 = tpu.memref_squeeze %dma_wait3A_326 : memref<1x128xi32, #tpu.memory_space<vmem>> -> memref<128xi32, #tpu.memory_space<vmem>>
        %dma_wait3A_328 = arith.constant 0 : i32
        %dma_wait3A_329 = arith.constant 0 : i32
        %dma_wait3A_330 = tpu.memref_slice %arg7[%dma_wait3A_328, %dma_wait3A_329] : memref<50000x16xf32, #tpu.memory_space<vmem_shared>> -> memref<50000x16xf32, #tpu.memory_space<vmem_shared>>
        tpu.wait_indirect_dma semaphore(%arg24 : memref<!tpu.dma_semaphore, #tpu.memory_space<semaphore_mem>>) src(%arg18 : memref<128x16xf32, #tpu.memory_space<vmem>>) dst(%dma_wait3A_330 : memref<50000x16xf32, #tpu.memory_space<vmem_shared>>)
        %dma_wait3A_331 = arith.constant 0 : i32
        %dma_wait3A_332 = arith.constant 0 : i32
        %dma_wait3A_333 = tpu.memref_slice %arg10[%dma_wait3A_331, %dma_wait3A_332] : memref<5x128xi32, #tpu.memory_space<vmem>> -> memref<1x128xi32, #tpu.memory_space<vmem>>
        %dma_wait3A_334 = tpu.memref_squeeze %dma_wait3A_333 : memref<1x128xi32, #tpu.memory_space<vmem>> -> memref<128xi32, #tpu.memory_space<vmem>>
        %dma_wait3A_335 = arith.constant 0 : i32
        %dma_wait3A_336 = arith.constant 0 : i32
        %dma_wait3A_337 = tpu.memref_slice %arg8[%dma_wait3A_335, %dma_wait3A_336] : memref<50000x16xf32, #tpu.memory_space<vmem_shared>> -> memref<50000x16xf32, #tpu.memory_space<vmem_shared>>
        tpu.wait_indirect_dma semaphore(%arg24 : memref<!tpu.dma_semaphore, #tpu.memory_space<semaphore_mem>>) src(%arg20 : memref<128x16xf32, #tpu.memory_space<vmem>>) dst(%dma_wait3A_337 : memref<50000x16xf32, #tpu.memory_space<vmem_shared>>)
      } else {
      }
      %run_scoped3A = arith.constant 0 : i32
      "tpu.region"() ({
        %run_scoped3A_310 = tpu.sem_alloc : memref<!tpu.dma_semaphore, #tpu.memory_space<semaphore_mem>>
        %dma_start3A_311 = arith.constant 0 : i32
        %dma_start3A_312 = tpu.memref_slice %arg3[%run_scoped3A, %mul3A_140, %dma_start3A_311] : memref<2x6250x128xi32, #tpu.memory_space<hbm>> -> memref<1x5x128xi32, #tpu.memory_space<hbm>>
        %dma_start3A_313 = tpu.memref_squeeze %dma_start3A_312 : memref<1x5x128xi32, #tpu.memory_space<hbm>> -> memref<5x128xi32, #tpu.memory_space<hbm>>
        %dma_start3A_314 = arith.constant 0 : i32
        %dma_start3A_315 = tpu.memref_slice %arg3[%run_scoped3A, %mul3A_140, %dma_start3A_314] : memref<2x6250x128xi32, #tpu.memory_space<hbm>> -> memref<1x5x128xi32, #tpu.memory_space<hbm>>
        %dma_start3A_316 = tpu.memref_squeeze %dma_start3A_315 : memref<1x5x128xi32, #tpu.memory_space<hbm>> -> memref<5x128xi32, #tpu.memory_space<hbm>>
        tpu.enqueue_dma source(%dma_start3A_316 : memref<5x128xi32, #tpu.memory_space<hbm>>) target(%arg9 : memref<5x128xi32, #tpu.memory_space<vmem>>) target_semaphore(%run_scoped3A_310 : memref<!tpu.dma_semaphore, #tpu.memory_space<semaphore_mem>>)
        %dma_wait3A_317 = arith.constant 0 : i32
        %dma_wait3A_318 = tpu.memref_slice %arg3[%run_scoped3A, %mul3A_140, %dma_wait3A_317] : memref<2x6250x128xi32, #tpu.memory_space<hbm>> -> memref<1x5x128xi32, #tpu.memory_space<hbm>>
        %dma_wait3A_319 = tpu.memref_squeeze %dma_wait3A_318 : memref<1x5x128xi32, #tpu.memory_space<hbm>> -> memref<5x128xi32, #tpu.memory_space<hbm>>
        %dma_wait3A_320 = arith.constant 0 : i32
        %dma_wait3A_321 = tpu.memref_slice %arg3[%run_scoped3A, %mul3A_140, %dma_wait3A_320] : memref<2x6250x128xi32, #tpu.memory_space<hbm>> -> memref<1x5x128xi32, #tpu.memory_space<hbm>>
        %dma_wait3A_322 = tpu.memref_squeeze %dma_wait3A_321 : memref<1x5x128xi32, #tpu.memory_space<hbm>> -> memref<5x128xi32, #tpu.memory_space<hbm>>
        tpu.wait_dma2 semaphore(%run_scoped3A_310 : memref<!tpu.dma_semaphore, #tpu.memory_space<semaphore_mem>>) src(%dma_wait3A_322 : memref<5x128xi32, #tpu.memory_space<hbm>>) dst(%arg9 : memref<5x128xi32, #tpu.memory_space<vmem>>)
        tpu.yield
      }) : () -> ()
      %run_scoped3A_143 = arith.constant 1 : i32
      "tpu.region"() ({
        %run_scoped3A_310 = tpu.sem_alloc : memref<!tpu.dma_semaphore, #tpu.memory_space<semaphore_mem>>
        %dma_start3A_311 = arith.constant 0 : i32
        %dma_start3A_312 = tpu.memref_slice %arg3[%run_scoped3A_143, %mul3A_140, %dma_start3A_311] : memref<2x6250x128xi32, #tpu.memory_space<hbm>> -> memref<1x5x128xi32, #tpu.memory_space<hbm>>
        %dma_start3A_313 = tpu.memref_squeeze %dma_start3A_312 : memref<1x5x128xi32, #tpu.memory_space<hbm>> -> memref<5x128xi32, #tpu.memory_space<hbm>>
        %dma_start3A_314 = arith.constant 0 : i32
        %dma_start3A_315 = tpu.memref_slice %arg3[%run_scoped3A_143, %mul3A_140, %dma_start3A_314] : memref<2x6250x128xi32, #tpu.memory_space<hbm>> -> memref<1x5x128xi32, #tpu.memory_space<hbm>>
        %dma_start3A_316 = tpu.memref_squeeze %dma_start3A_315 : memref<1x5x128xi32, #tpu.memory_space<hbm>> -> memref<5x128xi32, #tpu.memory_space<hbm>>
        tpu.enqueue_dma source(%dma_start3A_316 : memref<5x128xi32, #tpu.memory_space<hbm>>) target(%arg10 : memref<5x128xi32, #tpu.memory_space<vmem>>) target_semaphore(%run_scoped3A_310 : memref<!tpu.dma_semaphore, #tpu.memory_space<semaphore_mem>>)
        %dma_wait3A_317 = arith.constant 0 : i32
        %dma_wait3A_318 = tpu.memref_slice %arg3[%run_scoped3A_143, %mul3A_140, %dma_wait3A_317] : memref<2x6250x128xi32, #tpu.memory_space<hbm>> -> memref<1x5x128xi32, #tpu.memory_space<hbm>>
        %dma_wait3A_319 = tpu.memref_squeeze %dma_wait3A_318 : memref<1x5x128xi32, #tpu.memory_space<hbm>> -> memref<5x128xi32, #tpu.memory_space<hbm>>
        %dma_wait3A_320 = arith.constant 0 : i32
        %dma_wait3A_321 = tpu.memref_slice %arg3[%run_scoped3A_143, %mul3A_140, %dma_wait3A_320] : memref<2x6250x128xi32, #tpu.memory_space<hbm>> -> memref<1x5x128xi32, #tpu.memory_space<hbm>>
        %dma_wait3A_322 = tpu.memref_squeeze %dma_wait3A_321 : memref<1x5x128xi32, #tpu.memory_space<hbm>> -> memref<5x128xi32, #tpu.memory_space<hbm>>
        tpu.wait_dma2 semaphore(%run_scoped3A_310 : memref<!tpu.dma_semaphore, #tpu.memory_space<semaphore_mem>>) src(%dma_wait3A_322 : memref<5x128xi32, #tpu.memory_space<hbm>>) dst(%arg10 : memref<5x128xi32, #tpu.memory_space<vmem>>)
        tpu.yield
      }) : () -> ()
      %get3A = arith.constant 0 : i32
      %get3A_144 = arith.index_cast %get3A : i32 to index
      %get3A_145 = arith.constant 0 : index
      %get3A_146 = tpu.vector_load %arg9[%get3A_144, %get3A_145] {strides = array<i32>} : memref<5x128xi32, #tpu.memory_space<vmem>>, vector<1x16xi32>,
      %get3A_147 = vector.shape_cast %get3A_146 : vector<1x16xi32> to vector<16xi32>
      %mul3A_148 = arith.constant 4 : i32
      %mul3A_149 = vector.broadcast %mul3A_148 : i32 to vector<16xi32>
      %mul3A_150 = arith.muli %get3A_147, %mul3A_149 : vector<16xi32>
      %add3A_151 = vector.broadcast %add3A_72 : i32 to vector<16xi32>
      %add3A_152 = arith.addi %mul3A_150, %add3A_151 : vector<16xi32>
      %swap3A = arith.constant 0 : index
      %swap3A_153 = tpu.vector_load %arg11[%swap3A] {strides = array<i32>} : memref<128xi32, #tpu.memory_space<vmem>>, vector<16xi32>,
      %swap3A_154 = vector.shape_cast %swap3A_153 : vector<16xi32> to vector<16xi32>
      %swap3A_155 = vector.shape_cast %add3A_152 : vector<16xi32> to vector<16xi32>
      tpu.vector_store %arg11[%swap3A], %swap3A_155 {strides = array<i32>} : memref<128xi32, #tpu.memory_space<vmem>>, vector<16xi32>,
      %get3A_156 = arith.constant 0 : i32
      %get3A_157 = arith.index_cast %get3A_156 : i32 to index
      %get3A_158 = arith.constant 16 : index
      %get3A_159 = tpu.vector_load %arg9[%get3A_157, %get3A_158] {strides = array<i32>} : memref<5x128xi32, #tpu.memory_space<vmem>>, vector<1x16xi32>,
      %get3A_160 = vector.shape_cast %get3A_159 : vector<1x16xi32> to vector<16xi32>
      %mul3A_161 = arith.constant 4 : i32
      %mul3A_162 = vector.broadcast %mul3A_161 : i32 to vector<16xi32>
      %mul3A_163 = arith.muli %get3A_160, %mul3A_162 : vector<16xi32>
      %add3A_164 = vector.broadcast %add3A_72 : i32 to vector<16xi32>
      %add3A_165 = arith.addi %mul3A_163, %add3A_164 : vector<16xi32>
      %swap3A_166 = arith.constant 16 : index
      %swap3A_167 = tpu.vector_load %arg11[%swap3A_166] {strides = array<i32>} : memref<128xi32, #tpu.memory_space<vmem>>, vector<16xi32>,
      %swap3A_168 = vector.shape_cast %swap3A_167 : vector<16xi32> to vector<16xi32>
      %swap3A_169 = vector.shape_cast %add3A_165 : vector<16xi32> to vector<16xi32>
      tpu.vector_store %arg11[%swap3A_166], %swap3A_169 {strides = array<i32>} : memref<128xi32, #tpu.memory_space<vmem>>, vector<16xi32>,
      %get3A_170 = arith.constant 0 : i32
      %get3A_171 = arith.index_cast %get3A_170 : i32 to index
      %get3A_172 = arith.constant 32 : index
      %get3A_173 = tpu.vector_load %arg9[%get3A_171, %get3A_172] {strides = array<i32>} : memref<5x128xi32, #tpu.memory_space<vmem>>, vector<1x16xi32>,
      %get3A_174 = vector.shape_cast %get3A_173 : vector<1x16xi32> to vector<16xi32>
      %mul3A_175 = arith.constant 4 : i32
      %mul3A_176 = vector.broadcast %mul3A_175 : i32 to vector<16xi32>
      %mul3A_177 = arith.muli %get3A_174, %mul3A_176 : vector<16xi32>
      %add3A_178 = vector.broadcast %add3A_72 : i32 to vector<16xi32>
      %add3A_179 = arith.addi %mul3A_177, %add3A_178 : vector<16xi32>
      %swap3A_180 = arith.constant 32 : index
      %swap3A_181 = tpu.vector_load %arg11[%swap3A_180] {strides = array<i32>} : memref<128xi32, #tpu.memory_space<vmem>>, vector<16xi32>,
      %swap3A_182 = vector.shape_cast %swap3A_181 : vector<16xi32> to vector<16xi32>
      %swap3A_183 = vector.shape_cast %add3A_179 : vector<16xi32> to vector<16xi32>
      tpu.vector_store %arg11[%swap3A_180], %swap3A_183 {strides = array<i32>} : memref<128xi32, #tpu.memory_space<vmem>>, vector<16xi32>,
      %get3A_184 = arith.constant 0 : i32
      %get3A_185 = arith.index_cast %get3A_184 : i32 to index
      %get3A_186 = arith.constant 48 : index
      %get3A_187 = tpu.vector_load %arg9[%get3A_185, %get3A_186] {strides = array<i32>} : memref<5x128xi32, #tpu.memory_space<vmem>>, vector<1x16xi32>,
      %get3A_188 = vector.shape_cast %get3A_187 : vector<1x16xi32> to vector<16xi32>
      %mul3A_189 = arith.constant 4 : i32
      %mul3A_190 = vector.broadcast %mul3A_189 : i32 to vector<16xi32>
      %mul3A_191 = arith.muli %get3A_188, %mul3A_190 : vector<16xi32>
      %add3A_192 = vector.broadcast %add3A_72 : i32 to vector<16xi32>
      %add3A_193 = arith.addi %mul3A_191, %add3A_192 : vector<16xi32>
      %swap3A_194 = arith.constant 48 : index
      %swap3A_195 = tpu.vector_load %arg11[%swap3A_194] {strides = array<i32>} : memref<128xi32, #tpu.memory_space<vmem>>, vector<16xi32>,
      %swap3A_196 = vector.shape_cast %swap3A_195 : vector<16xi32> to vector<16xi32>
      %swap3A_197 = vector.shape_cast %add3A_193 : vector<16xi32> to vector<16xi32>
      tpu.vector_store %arg11[%swap3A_194], %swap3A_197 {strides = array<i32>} : memref<128xi32, #tpu.memory_space<vmem>>, vector<16xi32>,
      %get3A_198 = arith.constant 0 : i32
      %get3A_199 = arith.index_cast %get3A_198 : i32 to index
      %get3A_200 = arith.constant 64 : index
      %get3A_201 = tpu.vector_load %arg9[%get3A_199, %get3A_200] {strides = array<i32>} : memref<5x128xi32, #tpu.memory_space<vmem>>, vector<1x16xi32>,
      %get3A_202 = vector.shape_cast %get3A_201 : vector<1x16xi32> to vector<16xi32>
      %mul3A_203 = arith.constant 4 : i32
      %mul3A_204 = vector.broadcast %mul3A_203 : i32 to vector<16xi32>
      %mul3A_205 = arith.muli %get3A_202, %mul3A_204 : vector<16xi32>
      %add3A_206 = vector.broadcast %add3A_72 : i32 to vector<16xi32>
      %add3A_207 = arith.addi %mul3A_205, %add3A_206 : vector<16xi32>
      %swap3A_208 = arith.constant 64 : index
      %swap3A_209 = tpu.vector_load %arg11[%swap3A_208] {strides = array<i32>} : memref<128xi32, #tpu.memory_space<vmem>>, vector<16xi32>,
      %swap3A_210 = vector.shape_cast %swap3A_209 : vector<16xi32> to vector<16xi32>
      %swap3A_211 = vector.shape_cast %add3A_207 : vector<16xi32> to vector<16xi32>
      tpu.vector_store %arg11[%swap3A_208], %swap3A_211 {strides = array<i32>} : memref<128xi32, #tpu.memory_space<vmem>>, vector<16xi32>,
      %get3A_212 = arith.constant 0 : i32
      %get3A_213 = arith.index_cast %get3A_212 : i32 to index
      %get3A_214 = arith.constant 80 : index
      %get3A_215 = tpu.vector_load %arg9[%get3A_213, %get3A_214] {strides = array<i32>} : memref<5x128xi32, #tpu.memory_space<vmem>>, vector<1x16xi32>,
      %get3A_216 = vector.shape_cast %get3A_215 : vector<1x16xi32> to vector<16xi32>
      %mul3A_217 = arith.constant 4 : i32
      %mul3A_218 = vector.broadcast %mul3A_217 : i32 to vector<16xi32>
      %mul3A_219 = arith.muli %get3A_216, %mul3A_218 : vector<16xi32>
      %add3A_220 = vector.broadcast %add3A_72 : i32 to vector<16xi32>
      %add3A_221 = arith.addi %mul3A_219, %add3A_220 : vector<16xi32>
      %swap3A_222 = arith.constant 80 : index
      %swap3A_223 = tpu.vector_load %arg11[%swap3A_222] {strides = array<i32>} : memref<128xi32, #tpu.memory_space<vmem>>, vector<16xi32>,
      %swap3A_224 = vector.shape_cast %swap3A_223 : vector<16xi32> to vector<16xi32>
      %swap3A_225 = vector.shape_cast %add3A_221 : vector<16xi32> to vector<16xi32>
      tpu.vector_store %arg11[%swap3A_222], %swap3A_225 {strides = array<i32>} : memref<128xi32, #tpu.memory_space<vmem>>, vector<16xi32>,
      %get3A_226 = arith.constant 0 : i32
      %get3A_227 = arith.index_cast %get3A_226 : i32 to index
      %get3A_228 = arith.constant 96 : index
      %get3A_229 = tpu.vector_load %arg9[%get3A_227, %get3A_228] {strides = array<i32>} : memref<5x128xi32, #tpu.memory_space<vmem>>, vector<1x16xi32>,
      %get3A_230 = vector.shape_cast %get3A_229 : vector<1x16xi32> to vector<16xi32>
      %mul3A_231 = arith.constant 4 : i32
      %mul3A_232 = vector.broadcast %mul3A_231 : i32 to vector<16xi32>
      %mul3A_233 = arith.muli %get3A_230, %mul3A_232 : vector<16xi32>
      %add3A_234 = vector.broadcast %add3A_72 : i32 to vector<16xi32>
      %add3A_235 = arith.addi %mul3A_233, %add3A_234 : vector<16xi32>
      %swap3A_236 = arith.constant 96 : index
      %swap3A_237 = tpu.vector_load %arg11[%swap3A_236] {strides = array<i32>} : memref<128xi32, #tpu.memory_space<vmem>>, vector<16xi32>,
      %swap3A_238 = vector.shape_cast %swap3A_237 : vector<16xi32> to vector<16xi32>
      %swap3A_239 = vector.shape_cast %add3A_235 : vector<16xi32> to vector<16xi32>
      tpu.vector_store %arg11[%swap3A_236], %swap3A_239 {strides = array<i32>} : memref<128xi32, #tpu.memory_space<vmem>>, vector<16xi32>,
      %get3A_240 = arith.constant 0 : i32
      %get3A_241 = arith.index_cast %get3A_240 : i32 to index
      %get3A_242 = arith.constant 112 : index
      %get3A_243 = tpu.vector_load %arg9[%get3A_241, %get3A_242] {strides = array<i32>} : memref<5x128xi32, #tpu.memory_space<vmem>>, vector<1x16xi32>,
      %get3A_244 = vector.shape_cast %get3A_243 : vector<1x16xi32> to vector<16xi32>
      %mul3A_245 = arith.constant 4 : i32
      %mul3A_246 = vector.broadcast %mul3A_245 : i32 to vector<16xi32>
      %mul3A_247 = arith.muli %get3A_244, %mul3A_246 : vector<16xi32>
      %add3A_248 = vector.broadcast %add3A_72 : i32 to vector<16xi32>
      %add3A_249 = arith.addi %mul3A_247, %add3A_248 : vector<16xi32>
      %swap3A_250 = arith.constant 112 : index
      %swap3A_251 = tpu.vector_load %arg11[%swap3A_250] {strides = array<i32>} : memref<128xi32, #tpu.memory_space<vmem>>, vector<16xi32>,
      %swap3A_252 = vector.shape_cast %swap3A_251 : vector<16xi32> to vector<16xi32>
      %swap3A_253 = vector.shape_cast %add3A_249 : vector<16xi32> to vector<16xi32>
      tpu.vector_store %arg11[%swap3A_250], %swap3A_253 {strides = array<i32>} : memref<128xi32, #tpu.memory_space<vmem>>, vector<16xi32>,
      %dma_start3A = arith.constant 0 : i32
      %dma_start3A_254 = arith.constant 0 : i32
      %dma_start3A_255 = tpu.memref_slice %arg2[%dma_start3A, %dma_start3A_254] : memref<200000x16xf32, #tpu.memory_space<hbm>> -> memref<200000x16xf32, #tpu.memory_space<hbm>>
      tpu.enqueue_indirect_dma source(%dma_start3A_255 : memref<200000x16xf32, #tpu.memory_space<hbm>>) target(%arg13 : memref<128x16xf32, #tpu.memory_space<vmem>>) offsets(%arg11 : memref<128xi32, #tpu.memory_space<vmem>>) semaphore(%arg21 : memref<!tpu.dma_semaphore, #tpu.memory_space<semaphore_mem>>)
      %add3A_256 = arith.constant 0 : i32
      %add3A_257 = arith.addi %mul3A_140, %add3A_256 : i32
      %mul3A_258 = arith.constant 64 : i32
      %mul3A_259 = arith.muli %add3A_257, %mul3A_258 : i32
      %dma_start3A_260 = arith.constant 0 : i32
      %dma_start3A_261 = tpu.memref_slice %arg4[%mul3A_259, %dma_start3A_260] : memref<400000x128xf32, #tpu.memory_space<hbm>> -> memref<64x128xf32, #tpu.memory_space<hbm>>
      %dma_start3A_262 = arith.constant 0 : i32
      %dma_start3A_263 = tpu.memref_slice %arg4[%mul3A_259, %dma_start3A_262] : memref<400000x128xf32, #tpu.memory_space<hbm>> -> memref<64x128xf32, #tpu.memory_space<hbm>>
      tpu.enqueue_dma source(%dma_start3A_263 : memref<64x128xf32, #tpu.memory_space<hbm>>) target(%arg15 : memref<64x128xf32, #tpu.memory_space<vmem>>) target_semaphore(%arg21 : memref<!tpu.dma_semaphore, #tpu.memory_space<semaphore_mem>>)
      %scan3A_264 = arith.constant 0 : i32
      %scan3A_265 = arith.constant 2 : i32
      %scan3A_266 = arith.addi %scan3A_264, %scan3A_265 : i32
      %scan3A_267 = arith.constant 1 : i32
      scf.for %scan3A_310 = %scan3A_264 to %scan3A_266 step %scan3A_267  : i32 {
        %mul3A_311 = arith.constant 1 : i32
        %mul3A_312 = arith.muli %scan3A_310, %mul3A_311 : i32
        %add3A_313 = arith.constant 0 : i32
        %add3A_314 = arith.addi %add3A_313, %mul3A_312 : i32
        %mul3A_315 = arith.constant 2 : i32
        %mul3A_316 = arith.muli %mul3A_315, %add3A_314 : i32
        %add3A_317 = arith.constant 1 : i32
        %add3A_318 = arith.addi %mul3A_316, %add3A_317 : i32
        %gt3A_319 = arith.constant 0 : i32
        %gt3A_320 = arith.cmpi sgt, %add3A_314, %gt3A_319 : i32
        %get3A_321 = arith.index_cast %add3A_318 : i32 to index
        %get3A_322 = arith.constant 0 : index
        %get3A_323 = tpu.vector_load %arg9[%get3A_321, %get3A_322] {strides = array<i32>} : memref<5x128xi32, #tpu.memory_space<vmem>>, vector<1x16xi32>,
        %get3A_324 = vector.shape_cast %get3A_323 : vector<1x16xi32> to vector<16xi32>
        %mul3A_325 = arith.constant 4 : i32
        %mul3A_326 = vector.broadcast %mul3A_325 : i32 to vector<16xi32>
        %mul3A_327 = arith.muli %get3A_324, %mul3A_326 : vector<16xi32>
        %add3A_328 = vector.broadcast %add3A_72 : i32 to vector<16xi32>
        %add3A_329 = arith.addi %mul3A_327, %add3A_328 : vector<16xi32>
        %swap3A_330 = arith.constant 0 : index
        %swap3A_331 = tpu.vector_load %arg12[%swap3A_330] {strides = array<i32>} : memref<128xi32, #tpu.memory_space<vmem>>, vector<16xi32>,
        %swap3A_332 = vector.shape_cast %swap3A_331 : vector<16xi32> to vector<16xi32>
        %swap3A_333 = vector.shape_cast %add3A_329 : vector<16xi32> to vector<16xi32>
        tpu.vector_store %arg12[%swap3A_330], %swap3A_333 {strides = array<i32>} : memref<128xi32, #tpu.memory_space<vmem>>, vector<16xi32>,
        %get3A_334 = arith.index_cast %add3A_318 : i32 to index
        %get3A_335 = arith.constant 16 : index
        %get3A_336 = tpu.vector_load %arg9[%get3A_334, %get3A_335] {strides = array<i32>} : memref<5x128xi32, #tpu.memory_space<vmem>>, vector<1x16xi32>,
        %get3A_337 = vector.shape_cast %get3A_336 : vector<1x16xi32> to vector<16xi32>
        %mul3A_338 = arith.constant 4 : i32
        %mul3A_339 = vector.broadcast %mul3A_338 : i32 to vector<16xi32>
        %mul3A_340 = arith.muli %get3A_337, %mul3A_339 : vector<16xi32>
        %add3A_341 = vector.broadcast %add3A_72 : i32 to vector<16xi32>
        %add3A_342 = arith.addi %mul3A_340, %add3A_341 : vector<16xi32>
        %swap3A_343 = arith.constant 16 : index
        %swap3A_344 = tpu.vector_load %arg12[%swap3A_343] {strides = array<i32>} : memref<128xi32, #tpu.memory_space<vmem>>, vector<16xi32>,
        %swap3A_345 = vector.shape_cast %swap3A_344 : vector<16xi32> to vector<16xi32>
        %swap3A_346 = vector.shape_cast %add3A_342 : vector<16xi32> to vector<16xi32>
        tpu.vector_store %arg12[%swap3A_343], %swap3A_346 {strides = array<i32>} : memref<128xi32, #tpu.memory_space<vmem>>, vector<16xi32>,
        %get3A_347 = arith.index_cast %add3A_318 : i32 to index
        %get3A_348 = arith.constant 32 : index
        %get3A_349 = tpu.vector_load %arg9[%get3A_347, %get3A_348] {strides = array<i32>} : memref<5x128xi32, #tpu.memory_space<vmem>>, vector<1x16xi32>,
        %get3A_350 = vector.shape_cast %get3A_349 : vector<1x16xi32> to vector<16xi32>
        %mul3A_351 = arith.constant 4 : i32
        %mul3A_352 = vector.broadcast %mul3A_351 : i32 to vector<16xi32>
        %mul3A_353 = arith.muli %get3A_350, %mul3A_352 : vector<16xi32>
        %add3A_354 = vector.broadcast %add3A_72 : i32 to vector<16xi32>
        %add3A_355 = arith.addi %mul3A_353, %add3A_354 : vector<16xi32>
        %swap3A_356 = arith.constant 32 : index
        %swap3A_357 = tpu.vector_load %arg12[%swap3A_356] {strides = array<i32>} : memref<128xi32, #tpu.memory_space<vmem>>, vector<16xi32>,
        %swap3A_358 = vector.shape_cast %swap3A_357 : vector<16xi32> to vector<16xi32>
        %swap3A_359 = vector.shape_cast %add3A_355 : vector<16xi32> to vector<16xi32>
        tpu.vector_store %arg12[%swap3A_356], %swap3A_359 {strides = array<i32>} : memref<128xi32, #tpu.memory_space<vmem>>, vector<16xi32>,
        %get3A_360 = arith.index_cast %add3A_318 : i32 to index
        %get3A_361 = arith.constant 48 : index
        %get3A_362 = tpu.vector_load %arg9[%get3A_360, %get3A_361] {strides = array<i32>} : memref<5x128xi32, #tpu.memory_space<vmem>>, vector<1x16xi32>,
        %get3A_363 = vector.shape_cast %get3A_362 : vector<1x16xi32> to vector<16xi32>
        %mul3A_364 = arith.constant 4 : i32
        %mul3A_365 = vector.broadcast %mul3A_364 : i32 to vector<16xi32>
        %mul3A_366 = arith.muli %get3A_363, %mul3A_365 : vector<16xi32>
        %add3A_367 = vector.broadcast %add3A_72 : i32 to vector<16xi32>
        %add3A_368 = arith.addi %mul3A_366, %add3A_367 : vector<16xi32>
        %swap3A_369 = arith.constant 48 : index
        %swap3A_370 = tpu.vector_load %arg12[%swap3A_369] {strides = array<i32>} : memref<128xi32, #tpu.memory_space<vmem>>, vector<16xi32>,
        %swap3A_371 = vector.shape_cast %swap3A_370 : vector<16xi32> to vector<16xi32>
        %swap3A_372 = vector.shape_cast %add3A_368 : vector<16xi32> to vector<16xi32>
        tpu.vector_store %arg12[%swap3A_369], %swap3A_372 {strides = array<i32>} : memref<128xi32, #tpu.memory_space<vmem>>, vector<16xi32>,
        %get3A_373 = arith.index_cast %add3A_318 : i32 to index
        %get3A_374 = arith.constant 64 : index
        %get3A_375 = tpu.vector_load %arg9[%get3A_373, %get3A_374] {strides = array<i32>} : memref<5x128xi32, #tpu.memory_space<vmem>>, vector<1x16xi32>,
        %get3A_376 = vector.shape_cast %get3A_375 : vector<1x16xi32> to vector<16xi32>
        %mul3A_377 = arith.constant 4 : i32
        %mul3A_378 = vector.broadcast %mul3A_377 : i32 to vector<16xi32>
        %mul3A_379 = arith.muli %get3A_376, %mul3A_378 : vector<16xi32>
        %add3A_380 = vector.broadcast %add3A_72 : i32 to vector<16xi32>
        %add3A_381 = arith.addi %mul3A_379, %add3A_380 : vector<16xi32>
        %swap3A_382 = arith.constant 64 : index
        %swap3A_383 = tpu.vector_load %arg12[%swap3A_382] {strides = array<i32>} : memref<128xi32, #tpu.memory_space<vmem>>, vector<16xi32>,
        %swap3A_384 = vector.shape_cast %swap3A_383 : vector<16xi32> to vector<16xi32>
        %swap3A_385 = vector.shape_cast %add3A_381 : vector<16xi32> to vector<16xi32>
        tpu.vector_store %arg12[%swap3A_382], %swap3A_385 {strides = array<i32>} : memref<128xi32, #tpu.memory_space<vmem>>, vector<16xi32>,
        %get3A_386 = arith.index_cast %add3A_318 : i32 to index
        %get3A_387 = arith.constant 80 : index
        %get3A_388 = tpu.vector_load %arg9[%get3A_386, %get3A_387] {strides = array<i32>} : memref<5x128xi32, #tpu.memory_space<vmem>>, vector<1x16xi32>,
        %get3A_389 = vector.shape_cast %get3A_388 : vector<1x16xi32> to vector<16xi32>
        %mul3A_390 = arith.constant 4 : i32
        %mul3A_391 = vector.broadcast %mul3A_390 : i32 to vector<16xi32>
        %mul3A_392 = arith.muli %get3A_389, %mul3A_391 : vector<16xi32>
        %add3A_393 = vector.broadcast %add3A_72 : i32 to vector<16xi32>
        %add3A_394 = arith.addi %mul3A_392, %add3A_393 : vector<16xi32>
        %swap3A_395 = arith.constant 80 : index
        %swap3A_396 = tpu.vector_load %arg12[%swap3A_395] {strides = array<i32>} : memref<128xi32, #tpu.memory_space<vmem>>, vector<16xi32>,
        %swap3A_397 = vector.shape_cast %swap3A_396 : vector<16xi32> to vector<16xi32>
        %swap3A_398 = vector.shape_cast %add3A_394 : vector<16xi32> to vector<16xi32>
        tpu.vector_store %arg12[%swap3A_395], %swap3A_398 {strides = array<i32>} : memref<128xi32, #tpu.memory_space<vmem>>, vector<16xi32>,
        %get3A_399 = arith.index_cast %add3A_318 : i32 to index
        %get3A_400 = arith.constant 96 : index
        %get3A_401 = tpu.vector_load %arg9[%get3A_399, %get3A_400] {strides = array<i32>} : memref<5x128xi32, #tpu.memory_space<vmem>>, vector<1x16xi32>,
        %get3A_402 = vector.shape_cast %get3A_401 : vector<1x16xi32> to vector<16xi32>
        %mul3A_403 = arith.constant 4 : i32
        %mul3A_404 = vector.broadcast %mul3A_403 : i32 to vector<16xi32>
        %mul3A_405 = arith.muli %get3A_402, %mul3A_404 : vector<16xi32>
        %add3A_406 = vector.broadcast %add3A_72 : i32 to vector<16xi32>
        %add3A_407 = arith.addi %mul3A_405, %add3A_406 : vector<16xi32>
        %swap3A_408 = arith.constant 96 : index
        %swap3A_409 = tpu.vector_load %arg12[%swap3A_408] {strides = array<i32>} : memref<128xi32, #tpu.memory_space<vmem>>, vector<16xi32>,
        %swap3A_410 = vector.shape_cast %swap3A_409 : vector<16xi32> to vector<16xi32>
        %swap3A_411 = vector.shape_cast %add3A_407 : vector<16xi32> to vector<16xi32>
        tpu.vector_store %arg12[%swap3A_408], %swap3A_411 {strides = array<i32>} : memref<128xi32, #tpu.memory_space<vmem>>, vector<16xi32>,
        %get3A_412 = arith.index_cast %add3A_318 : i32 to index
        %get3A_413 = arith.constant 112 : index
        %get3A_414 = tpu.vector_load %arg9[%get3A_412, %get3A_413] {strides = array<i32>} : memref<5x128xi32, #tpu.memory_space<vmem>>, vector<1x16xi32>,
        %get3A_415 = vector.shape_cast %get3A_414 : vector<1x16xi32> to vector<16xi32>
        %mul3A_416 = arith.constant 4 : i32
        %mul3A_417 = vector.broadcast %mul3A_416 : i32 to vector<16xi32>
        %mul3A_418 = arith.muli %get3A_415, %mul3A_417 : vector<16xi32>
        %add3A_419 = vector.broadcast %add3A_72 : i32 to vector<16xi32>
        %add3A_420 = arith.addi %mul3A_418, %add3A_419 : vector<16xi32>
        %swap3A_421 = arith.constant 112 : index
        %swap3A_422 = tpu.vector_load %arg12[%swap3A_421] {strides = array<i32>} : memref<128xi32, #tpu.memory_space<vmem>>, vector<16xi32>,
        %swap3A_423 = vector.shape_cast %swap3A_422 : vector<16xi32> to vector<16xi32>
        %swap3A_424 = vector.shape_cast %add3A_420 : vector<16xi32> to vector<16xi32>
        tpu.vector_store %arg12[%swap3A_421], %swap3A_424 {strides = array<i32>} : memref<128xi32, #tpu.memory_space<vmem>>, vector<16xi32>,
        %dma_start3A_425 = arith.constant 0 : i32
        %dma_start3A_426 = arith.constant 0 : i32
        %dma_start3A_427 = tpu.memref_slice %arg2[%dma_start3A_425, %dma_start3A_426] : memref<200000x16xf32, #tpu.memory_space<hbm>> -> memref<200000x16xf32, #tpu.memory_space<hbm>>
        tpu.enqueue_indirect_dma source(%dma_start3A_427 : memref<200000x16xf32, #tpu.memory_space<hbm>>) target(%arg14 : memref<128x16xf32, #tpu.memory_space<vmem>>) offsets(%arg12 : memref<128xi32, #tpu.memory_space<vmem>>) semaphore(%arg22 : memref<!tpu.dma_semaphore, #tpu.memory_space<semaphore_mem>>)
        %add3A_428 = arith.addi %mul3A_140, %add3A_318 : i32
        %mul3A_429 = arith.constant 64 : i32
        %mul3A_430 = arith.muli %add3A_428, %mul3A_429 : i32
        %dma_start3A_431 = arith.constant 0 : i32
        %dma_start3A_432 = tpu.memref_slice %arg4[%mul3A_430, %dma_start3A_431] : memref<400000x128xf32, #tpu.memory_space<hbm>> -> memref<64x128xf32, #tpu.memory_space<hbm>>
        %dma_start3A_433 = arith.constant 0 : i32
        %dma_start3A_434 = tpu.memref_slice %arg4[%mul3A_430, %dma_start3A_433] : memref<400000x128xf32, #tpu.memory_space<hbm>> -> memref<64x128xf32, #tpu.memory_space<hbm>>
        tpu.enqueue_dma source(%dma_start3A_434 : memref<64x128xf32, #tpu.memory_space<hbm>>) target(%arg16 : memref<64x128xf32, #tpu.memory_space<vmem>>) target_semaphore(%arg22 : memref<!tpu.dma_semaphore, #tpu.memory_space<semaphore_mem>>)
        %dma_wait3A_435 = arith.constant 0 : i32
        %dma_wait3A_436 = arith.constant 0 : i32
        %dma_wait3A_437 = tpu.memref_slice %arg2[%dma_wait3A_435, %dma_wait3A_436] : memref<200000x16xf32, #tpu.memory_space<hbm>> -> memref<200000x16xf32, #tpu.memory_space<hbm>>
        tpu.wait_indirect_dma semaphore(%arg21 : memref<!tpu.dma_semaphore, #tpu.memory_space<semaphore_mem>>) src(%dma_wait3A_437 : memref<200000x16xf32, #tpu.memory_space<hbm>>) dst(%arg13 : memref<128x16xf32, #tpu.memory_space<vmem>>)
        %dma_wait3A_438 = arith.constant 0 : i32
        %dma_wait3A_439 = arith.constant 0 : i32
        %dma_wait3A_440 = tpu.memref_slice %arg4[%dma_wait3A_438, %dma_wait3A_439] : memref<400000x128xf32, #tpu.memory_space<hbm>> -> memref<64x128xf32, #tpu.memory_space<hbm>>
        %dma_wait3A_441 = arith.constant 0 : i32
        %dma_wait3A_442 = arith.constant 0 : i32
        %dma_wait3A_443 = tpu.memref_slice %arg4[%dma_wait3A_441, %dma_wait3A_442] : memref<400000x128xf32, #tpu.memory_space<hbm>> -> memref<64x128xf32, #tpu.memory_space<hbm>>
        tpu.wait_dma2 semaphore(%arg21 : memref<!tpu.dma_semaphore, #tpu.memory_space<semaphore_mem>>) src(%dma_wait3A_443 : memref<64x128xf32, #tpu.memory_space<hbm>>) dst(%arg15 : memref<64x128xf32, #tpu.memory_space<vmem>>)
        %convert_element_type3A_444 = arith.extui %gt3A_320 : i1 to i32
        %cond3A_445 = arith.constant 0 : i32
        %cond3A_446 = arith.cmpi ne, %convert_element_type3A_444, %cond3A_445 : i32
        scf.if %cond3A_446 {
          %dma_wait3A_613 = arith.constant 0 : i32
          %dma_wait3A_614 = arith.constant 0 : i32
          %dma_wait3A_615 = tpu.memref_slice %arg10[%dma_wait3A_613, %dma_wait3A_614] : memref<5x128xi32, #tpu.memory_space<vmem>> -> memref<1x128xi32, #tpu.memory_space<vmem>>
          %dma_wait3A_616 = tpu.memref_squeeze %dma_wait3A_615 : memref<1x128xi32, #tpu.memory_space<vmem>> -> memref<128xi32, #tpu.memory_space<vmem>>
          %dma_wait3A_617 = arith.constant 0 : i32
          %dma_wait3A_618 = arith.constant 0 : i32
          %dma_wait3A_619 = tpu.memref_slice %arg7[%dma_wait3A_617, %dma_wait3A_618] : memref<50000x16xf32, #tpu.memory_space<vmem_shared>> -> memref<50000x16xf32, #tpu.memory_space<vmem_shared>>
          tpu.wait_indirect_dma semaphore(%arg23 : memref<!tpu.dma_semaphore, #tpu.memory_space<semaphore_mem>>) src(%arg17 : memref<128x16xf32, #tpu.memory_space<vmem>>) dst(%dma_wait3A_619 : memref<50000x16xf32, #tpu.memory_space<vmem_shared>>)
          %dma_wait3A_620 = arith.constant 0 : i32
          %dma_wait3A_621 = arith.constant 0 : i32
          %dma_wait3A_622 = tpu.memref_slice %arg10[%dma_wait3A_620, %dma_wait3A_621] : memref<5x128xi32, #tpu.memory_space<vmem>> -> memref<1x128xi32, #tpu.memory_space<vmem>>
          %dma_wait3A_623 = tpu.memref_squeeze %dma_wait3A_622 : memref<1x128xi32, #tpu.memory_space<vmem>> -> memref<128xi32, #tpu.memory_space<vmem>>
          %dma_wait3A_624 = arith.constant 0 : i32
          %dma_wait3A_625 = arith.constant 0 : i32
          %dma_wait3A_626 = tpu.memref_slice %arg8[%dma_wait3A_624, %dma_wait3A_625] : memref<50000x16xf32, #tpu.memory_space<vmem_shared>> -> memref<50000x16xf32, #tpu.memory_space<vmem_shared>>
          tpu.wait_indirect_dma semaphore(%arg23 : memref<!tpu.dma_semaphore, #tpu.memory_space<semaphore_mem>>) src(%arg19 : memref<128x16xf32, #tpu.memory_space<vmem>>) dst(%dma_wait3A_626 : memref<50000x16xf32, #tpu.memory_space<vmem_shared>>)
        } else {
        }
        %mul3A_447 = arith.constant 16 : i32
        %mul3A_448 = arith.muli %add3A_72, %mul3A_447 : i32
        %parallel_loop3A_449 = arith.constant 0 : i32
        %parallel_loop3A_450 = arith.constant 128 : i32
        %parallel_loop3A_451 = arith.constant 1 : i32
        scf.for %parallel_loop3A_613 = %parallel_loop3A_449 to %parallel_loop3A_450 step %parallel_loop3A_451  : i32 {
          %parallel_loop3A_614 = arith.constant 6 : i32
          %parallel_loop3A_615 = arith.shli %parallel_loop3A_613, %parallel_loop3A_614 : i32
          %parallel_loop3A_616 = arith.addi %parallel_loop3A_615, %mul3A_448 : i32
          %parallel_loop3A_617 = arith.constant 7 : i32
          %parallel_loop3A_618 = arith.shrsi %parallel_loop3A_616, %parallel_loop3A_617 : i32
          %parallel_loop3A_619 = arith.constant 127 : i32
          %parallel_loop3A_620 = arith.andi %parallel_loop3A_616, %parallel_loop3A_619 : i32
          %parallel_loop3A_621 = arith.index_cast %parallel_loop3A_618 : i32 to index
          %parallel_loop3A_622 = arith.index_cast %parallel_loop3A_620 : i32 to index
          %parallel_loop3A_623 = tpu.vector_load %arg15[%parallel_loop3A_621, %parallel_loop3A_622] {strides = array<i32>} : memref<64x128xf32, #tpu.memory_space<vmem>>, vector<1x16xf32>,
          %parallel_loop3A_624 = vector.shape_cast %parallel_loop3A_623 : vector<1x16xf32> to vector<16xf32>
          %parallel_loop3A_625 = arith.index_cast %parallel_loop3A_613 : i32 to index
          %parallel_loop3A_626 = arith.constant 0 : index
          %parallel_loop3A_627 = tpu.vector_load %arg13[%parallel_loop3A_625, %parallel_loop3A_626] {strides = array<i32>} : memref<128x16xf32, #tpu.memory_space<vmem>>, vector<1x16xf32>,
          %parallel_loop3A_628 = vector.shape_cast %parallel_loop3A_627 : vector<1x16xf32> to vector<16xf32>
          %parallel_loop3A_629 = arith.addf %parallel_loop3A_628, %parallel_loop3A_624 : vector<16xf32>
          %parallel_loop3A_630 = arith.constant 0.000000e+00 : f32
          %parallel_loop3A_631 = vector.broadcast %parallel_loop3A_630 : f32 to vector<16xf32>
          %parallel_loop3A_632 = arith.maximumf %parallel_loop3A_629, %parallel_loop3A_631 : vector<16xf32>
          %parallel_loop3A_633 = arith.constant 1.000000e-07 : f32
          %parallel_loop3A_634 = vector.broadcast %parallel_loop3A_633 : f32 to vector<16xf32>
          %parallel_loop3A_635 = arith.addf %parallel_loop3A_632, %parallel_loop3A_634 : vector<16xf32>
          %parallel_loop3A_636 = math.exp %parallel_loop3A_635 : vector<16xf32>
          %parallel_loop3A_637 = arith.index_cast %parallel_loop3A_613 : i32 to index
          %parallel_loop3A_638 = arith.constant 0 : index
          %parallel_loop3A_639 = tpu.vector_load %arg17[%parallel_loop3A_637, %parallel_loop3A_638] {strides = array<i32>} : memref<128x16xf32, #tpu.memory_space<vmem>>, vector<1x16xf32>,
          %parallel_loop3A_640 = vector.shape_cast %parallel_loop3A_639 : vector<1x16xf32> to vector<16xf32>
          %parallel_loop3A_641 = vector.shape_cast %parallel_loop3A_636 : vector<16xf32> to vector<1x16xf32>
          tpu.vector_store %arg17[%parallel_loop3A_637, %parallel_loop3A_638], %parallel_loop3A_641 {strides = array<i32>} : memref<128x16xf32, #tpu.memory_space<vmem>>, vector<1x16xf32>,
          %parallel_loop3A_642 = arith.mulf %parallel_loop3A_635, %parallel_loop3A_636 : vector<16xf32>
          %parallel_loop3A_643 = arith.index_cast %parallel_loop3A_613 : i32 to index
          %parallel_loop3A_644 = arith.constant 0 : index
          %parallel_loop3A_645 = tpu.vector_load %arg19[%parallel_loop3A_643, %parallel_loop3A_644] {strides = array<i32>} : memref<128x16xf32, #tpu.memory_space<vmem>>, vector<1x16xf32>,
          %parallel_loop3A_646 = vector.shape_cast %parallel_loop3A_645 : vector<1x16xf32> to vector<16xf32>
          %parallel_loop3A_647 = vector.shape_cast %parallel_loop3A_642 : vector<16xf32> to vector<1x16xf32>
          tpu.vector_store %arg19[%parallel_loop3A_643, %parallel_loop3A_644], %parallel_loop3A_647 {strides = array<i32>} : memref<128x16xf32, #tpu.memory_space<vmem>>, vector<1x16xf32>,
        } {sc.loop_unroll_factor = 8 : i64, sc.parallel_access}
        %dma_start3A_452 = arith.constant 0 : i32
        %dma_start3A_453 = tpu.memref_slice %arg10[%mul3A_316, %dma_start3A_452] : memref<5x128xi32, #tpu.memory_space<vmem>> -> memref<1x128xi32, #tpu.memory_space<vmem>>
        %dma_start3A_454 = tpu.memref_squeeze %dma_start3A_453 : memref<1x128xi32, #tpu.memory_space<vmem>> -> memref<128xi32, #tpu.memory_space<vmem>>
        %dma_start3A_455 = arith.constant 0 : i32
        %dma_start3A_456 = arith.constant 0 : i32
        %dma_start3A_457 = tpu.memref_slice %arg7[%dma_start3A_455, %dma_start3A_456] : memref<50000x16xf32, #tpu.memory_space<vmem_shared>> -> memref<50000x16xf32, #tpu.memory_space<vmem_shared>>
        tpu.enqueue_indirect_dma source(%arg17 : memref<128x16xf32, #tpu.memory_space<vmem>>) target(%dma_start3A_457 : memref<50000x16xf32, #tpu.memory_space<vmem_shared>>) offsets(%dma_start3A_454 : memref<128xi32, #tpu.memory_space<vmem>>) semaphore(%arg23 : memref<!tpu.dma_semaphore, #tpu.memory_space<semaphore_mem>>) {add = true}
        %dma_start3A_458 = arith.constant 0 : i32
        %dma_start3A_459 = tpu.memref_slice %arg10[%mul3A_316, %dma_start3A_458] : memref<5x128xi32, #tpu.memory_space<vmem>> -> memref<1x128xi32, #tpu.memory_space<vmem>>
        %dma_start3A_460 = tpu.memref_squeeze %dma_start3A_459 : memref<1x128xi32, #tpu.memory_space<vmem>> -> memref<128xi32, #tpu.memory_space<vmem>>
        %dma_start3A_461 = arith.constant 0 : i32
        %dma_start3A_462 = arith.constant 0 : i32
        %dma_start3A_463 = tpu.memref_slice %arg8[%dma_start3A_461, %dma_start3A_462] : memref<50000x16xf32, #tpu.memory_space<vmem_shared>> -> memref<50000x16xf32, #tpu.memory_space<vmem_shared>>
        tpu.enqueue_indirect_dma source(%arg19 : memref<128x16xf32, #tpu.memory_space<vmem>>) target(%dma_start3A_463 : memref<50000x16xf32, #tpu.memory_space<vmem_shared>>) offsets(%dma_start3A_460 : memref<128xi32, #tpu.memory_space<vmem>>) semaphore(%arg23 : memref<!tpu.dma_semaphore, #tpu.memory_space<semaphore_mem>>) {add = true}
        %add3A_464 = arith.constant 1 : i32
        %add3A_465 = arith.addi %mul3A_316, %add3A_464 : i32
        %add3A_466 = arith.constant 2 : i32
        %add3A_467 = arith.addi %mul3A_316, %add3A_466 : i32
        %gt3A_468 = arith.constant 0 : i32
        %gt3A_469 = arith.cmpi sgt, %add3A_314, %gt3A_468 : i32
        %get3A_470 = arith.index_cast %add3A_467 : i32 to index
        %get3A_471 = arith.constant 0 : index
        %get3A_472 = tpu.vector_load %arg9[%get3A_470, %get3A_471] {strides = array<i32>} : memref<5x128xi32, #tpu.memory_space<vmem>>, vector<1x16xi32>,
        %get3A_473 = vector.shape_cast %get3A_472 : vector<1x16xi32> to vector<16xi32>
        %mul3A_474 = arith.constant 4 : i32
        %mul3A_475 = vector.broadcast %mul3A_474 : i32 to vector<16xi32>
        %mul3A_476 = arith.muli %get3A_473, %mul3A_475 : vector<16xi32>
        %add3A_477 = vector.broadcast %add3A_72 : i32 to vector<16xi32>
        %add3A_478 = arith.addi %mul3A_476, %add3A_477 : vector<16xi32>
        %swap3A_479 = arith.constant 0 : index
        %swap3A_480 = tpu.vector_load %arg11[%swap3A_479] {strides = array<i32>} : memref<128xi32, #tpu.memory_space<vmem>>, vector<16xi32>,
        %swap3A_481 = vector.shape_cast %swap3A_480 : vector<16xi32> to vector<16xi32>
        %swap3A_482 = vector.shape_cast %add3A_478 : vector<16xi32> to vector<16xi32>
        tpu.vector_store %arg11[%swap3A_479], %swap3A_482 {strides = array<i32>} : memref<128xi32, #tpu.memory_space<vmem>>, vector<16xi32>,
        %get3A_483 = arith.index_cast %add3A_467 : i32 to index
        %get3A_484 = arith.constant 16 : index
        %get3A_485 = tpu.vector_load %arg9[%get3A_483, %get3A_484] {strides = array<i32>} : memref<5x128xi32, #tpu.memory_space<vmem>>, vector<1x16xi32>,
        %get3A_486 = vector.shape_cast %get3A_485 : vector<1x16xi32> to vector<16xi32>
        %mul3A_487 = arith.constant 4 : i32
        %mul3A_488 = vector.broadcast %mul3A_487 : i32 to vector<16xi32>
        %mul3A_489 = arith.muli %get3A_486, %mul3A_488 : vector<16xi32>
        %add3A_490 = vector.broadcast %add3A_72 : i32 to vector<16xi32>
        %add3A_491 = arith.addi %mul3A_489, %add3A_490 : vector<16xi32>
        %swap3A_492 = arith.constant 16 : index
        %swap3A_493 = tpu.vector_load %arg11[%swap3A_492] {strides = array<i32>} : memref<128xi32, #tpu.memory_space<vmem>>, vector<16xi32>,
        %swap3A_494 = vector.shape_cast %swap3A_493 : vector<16xi32> to vector<16xi32>
        %swap3A_495 = vector.shape_cast %add3A_491 : vector<16xi32> to vector<16xi32>
        tpu.vector_store %arg11[%swap3A_492], %swap3A_495 {strides = array<i32>} : memref<128xi32, #tpu.memory_space<vmem>>, vector<16xi32>,
        %get3A_496 = arith.index_cast %add3A_467 : i32 to index
        %get3A_497 = arith.constant 32 : index
        %get3A_498 = tpu.vector_load %arg9[%get3A_496, %get3A_497] {strides = array<i32>} : memref<5x128xi32, #tpu.memory_space<vmem>>, vector<1x16xi32>,
        %get3A_499 = vector.shape_cast %get3A_498 : vector<1x16xi32> to vector<16xi32>
        %mul3A_500 = arith.constant 4 : i32
        %mul3A_501 = vector.broadcast %mul3A_500 : i32 to vector<16xi32>
        %mul3A_502 = arith.muli %get3A_499, %mul3A_501 : vector<16xi32>
        %add3A_503 = vector.broadcast %add3A_72 : i32 to vector<16xi32>
        %add3A_504 = arith.addi %mul3A_502, %add3A_503 : vector<16xi32>
        %swap3A_505 = arith.constant 32 : index
        %swap3A_506 = tpu.vector_load %arg11[%swap3A_505] {strides = array<i32>} : memref<128xi32, #tpu.memory_space<vmem>>, vector<16xi32>,
        %swap3A_507 = vector.shape_cast %swap3A_506 : vector<16xi32> to vector<16xi32>
        %swap3A_508 = vector.shape_cast %add3A_504 : vector<16xi32> to vector<16xi32>
        tpu.vector_store %arg11[%swap3A_505], %swap3A_508 {strides = array<i32>} : memref<128xi32, #tpu.memory_space<vmem>>, vector<16xi32>,
        %get3A_509 = arith.index_cast %add3A_467 : i32 to index
        %get3A_510 = arith.constant 48 : index
        %get3A_511 = tpu.vector_load %arg9[%get3A_509, %get3A_510] {strides = array<i32>} : memref<5x128xi32, #tpu.memory_space<vmem>>, vector<1x16xi32>,
        %get3A_512 = vector.shape_cast %get3A_511 : vector<1x16xi32> to vector<16xi32>
        %mul3A_513 = arith.constant 4 : i32
        %mul3A_514 = vector.broadcast %mul3A_513 : i32 to vector<16xi32>
        %mul3A_515 = arith.muli %get3A_512, %mul3A_514 : vector<16xi32>
        %add3A_516 = vector.broadcast %add3A_72 : i32 to vector<16xi32>
        %add3A_517 = arith.addi %mul3A_515, %add3A_516 : vector<16xi32>
        %swap3A_518 = arith.constant 48 : index
        %swap3A_519 = tpu.vector_load %arg11[%swap3A_518] {strides = array<i32>} : memref<128xi32, #tpu.memory_space<vmem>>, vector<16xi32>,
        %swap3A_520 = vector.shape_cast %swap3A_519 : vector<16xi32> to vector<16xi32>
        %swap3A_521 = vector.shape_cast %add3A_517 : vector<16xi32> to vector<16xi32>
        tpu.vector_store %arg11[%swap3A_518], %swap3A_521 {strides = array<i32>} : memref<128xi32, #tpu.memory_space<vmem>>, vector<16xi32>,
        %get3A_522 = arith.index_cast %add3A_467 : i32 to index
        %get3A_523 = arith.constant 64 : index
        %get3A_524 = tpu.vector_load %arg9[%get3A_522, %get3A_523] {strides = array<i32>} : memref<5x128xi32, #tpu.memory_space<vmem>>, vector<1x16xi32>,
        %get3A_525 = vector.shape_cast %get3A_524 : vector<1x16xi32> to vector<16xi32>
        %mul3A_526 = arith.constant 4 : i32
        %mul3A_527 = vector.broadcast %mul3A_526 : i32 to vector<16xi32>
        %mul3A_528 = arith.muli %get3A_525, %mul3A_527 : vector<16xi32>
        %add3A_529 = vector.broadcast %add3A_72 : i32 to vector<16xi32>
        %add3A_530 = arith.addi %mul3A_528, %add3A_529 : vector<16xi32>
        %swap3A_531 = arith.constant 64 : index
        %swap3A_532 = tpu.vector_load %arg11[%swap3A_531] {strides = array<i32>} : memref<128xi32, #tpu.memory_space<vmem>>, vector<16xi32>,
        %swap3A_533 = vector.shape_cast %swap3A_532 : vector<16xi32> to vector<16xi32>
        %swap3A_534 = vector.shape_cast %add3A_530 : vector<16xi32> to vector<16xi32>
        tpu.vector_store %arg11[%swap3A_531], %swap3A_534 {strides = array<i32>} : memref<128xi32, #tpu.memory_space<vmem>>, vector<16xi32>,
        %get3A_535 = arith.index_cast %add3A_467 : i32 to index
        %get3A_536 = arith.constant 80 : index
        %get3A_537 = tpu.vector_load %arg9[%get3A_535, %get3A_536] {strides = array<i32>} : memref<5x128xi32, #tpu.memory_space<vmem>>, vector<1x16xi32>,
        %get3A_538 = vector.shape_cast %get3A_537 : vector<1x16xi32> to vector<16xi32>
        %mul3A_539 = arith.constant 4 : i32
        %mul3A_540 = vector.broadcast %mul3A_539 : i32 to vector<16xi32>
        %mul3A_541 = arith.muli %get3A_538, %mul3A_540 : vector<16xi32>
        %add3A_542 = vector.broadcast %add3A_72 : i32 to vector<16xi32>
        %add3A_543 = arith.addi %mul3A_541, %add3A_542 : vector<16xi32>
        %swap3A_544 = arith.constant 80 : index
        %swap3A_545 = tpu.vector_load %arg11[%swap3A_544] {strides = array<i32>} : memref<128xi32, #tpu.memory_space<vmem>>, vector<16xi32>,
        %swap3A_546 = vector.shape_cast %swap3A_545 : vector<16xi32> to vector<16xi32>
        %swap3A_547 = vector.shape_cast %add3A_543 : vector<16xi32> to vector<16xi32>
        tpu.vector_store %arg11[%swap3A_544], %swap3A_547 {strides = array<i32>} : memref<128xi32, #tpu.memory_space<vmem>>, vector<16xi32>,
        %get3A_548 = arith.index_cast %add3A_467 : i32 to index
        %get3A_549 = arith.constant 96 : index
        %get3A_550 = tpu.vector_load %arg9[%get3A_548, %get3A_549] {strides = array<i32>} : memref<5x128xi32, #tpu.memory_space<vmem>>, vector<1x16xi32>,
        %get3A_551 = vector.shape_cast %get3A_550 : vector<1x16xi32> to vector<16xi32>
        %mul3A_552 = arith.constant 4 : i32
        %mul3A_553 = vector.broadcast %mul3A_552 : i32 to vector<16xi32>
        %mul3A_554 = arith.muli %get3A_551, %mul3A_553 : vector<16xi32>
        %add3A_555 = vector.broadcast %add3A_72 : i32 to vector<16xi32>
        %add3A_556 = arith.addi %mul3A_554, %add3A_555 : vector<16xi32>
        %swap3A_557 = arith.constant 96 : index
        %swap3A_558 = tpu.vector_load %arg11[%swap3A_557] {strides = array<i32>} : memref<128xi32, #tpu.memory_space<vmem>>, vector<16xi32>,
        %swap3A_559 = vector.shape_cast %swap3A_558 : vector<16xi32> to vector<16xi32>
        %swap3A_560 = vector.shape_cast %add3A_556 : vector<16xi32> to vector<16xi32>
        tpu.vector_store %arg11[%swap3A_557], %swap3A_560 {strides = array<i32>} : memref<128xi32, #tpu.memory_space<vmem>>, vector<16xi32>,
        %get3A_561 = arith.index_cast %add3A_467 : i32 to index
        %get3A_562 = arith.constant 112 : index
        %get3A_563 = tpu.vector_load %arg9[%get3A_561, %get3A_562] {strides = array<i32>} : memref<5x128xi32, #tpu.memory_space<vmem>>, vector<1x16xi32>,
        %get3A_564 = vector.shape_cast %get3A_563 : vector<1x16xi32> to vector<16xi32>
        %mul3A_565 = arith.constant 4 : i32
        %mul3A_566 = vector.broadcast %mul3A_565 : i32 to vector<16xi32>
        %mul3A_567 = arith.muli %get3A_564, %mul3A_566 : vector<16xi32>
        %add3A_568 = vector.broadcast %add3A_72 : i32 to vector<16xi32>
        %add3A_569 = arith.addi %mul3A_567, %add3A_568 : vector<16xi32>
        %swap3A_570 = arith.constant 112 : index
        %swap3A_571 = tpu.vector_load %arg11[%swap3A_570] {strides = array<i32>} : memref<128xi32, #tpu.memory_space<vmem>>, vector<16xi32>,
        %swap3A_572 = vector.shape_cast %swap3A_571 : vector<16xi32> to vector<16xi32>
        %swap3A_573 = vector.shape_cast %add3A_569 : vector<16xi32> to vector<16xi32>
        tpu.vector_store %arg11[%swap3A_570], %swap3A_573 {strides = array<i32>} : memref<128xi32, #tpu.memory_space<vmem>>, vector<16xi32>,
        %dma_start3A_574 = arith.constant 0 : i32
        %dma_start3A_575 = arith.constant 0 : i32
        %dma_start3A_576 = tpu.memref_slice %arg2[%dma_start3A_574, %dma_start3A_575] : memref<200000x16xf32, #tpu.memory_space<hbm>> -> memref<200000x16xf32, #tpu.memory_space<hbm>>
        tpu.enqueue_indirect_dma source(%dma_start3A_576 : memref<200000x16xf32, #tpu.memory_space<hbm>>) target(%arg13 : memref<128x16xf32, #tpu.memory_space<vmem>>) offsets(%arg11 : memref<128xi32, #tpu.memory_space<vmem>>) semaphore(%arg21 : memref<!tpu.dma_semaphore, #tpu.memory_space<semaphore_mem>>)
        %add3A_577 = arith.addi %mul3A_140, %add3A_467 : i32
        %mul3A_578 = arith.constant 64 : i32
        %mul3A_579 = arith.muli %add3A_577, %mul3A_578 : i32
        %dma_start3A_580 = arith.constant 0 : i32
        %dma_start3A_581 = tpu.memref_slice %arg4[%mul3A_579, %dma_start3A_580] : memref<400000x128xf32, #tpu.memory_space<hbm>> -> memref<64x128xf32, #tpu.memory_space<hbm>>
        %dma_start3A_582 = arith.constant 0 : i32
        %dma_start3A_583 = tpu.memref_slice %arg4[%mul3A_579, %dma_start3A_582] : memref<400000x128xf32, #tpu.memory_space<hbm>> -> memref<64x128xf32, #tpu.memory_space<hbm>>
        tpu.enqueue_dma source(%dma_start3A_583 : memref<64x128xf32, #tpu.memory_space<hbm>>) target(%arg15 : memref<64x128xf32, #tpu.memory_space<vmem>>) target_semaphore(%arg21 : memref<!tpu.dma_semaphore, #tpu.memory_space<semaphore_mem>>)
        %dma_wait3A_584 = arith.constant 0 : i32
        %dma_wait3A_585 = arith.constant 0 : i32
        %dma_wait3A_586 = tpu.memref_slice %arg2[%dma_wait3A_584, %dma_wait3A_585] : memref<200000x16xf32, #tpu.memory_space<hbm>> -> memref<200000x16xf32, #tpu.memory_space<hbm>>
        tpu.wait_indirect_dma semaphore(%arg22 : memref<!tpu.dma_semaphore, #tpu.memory_space<semaphore_mem>>) src(%dma_wait3A_586 : memref<200000x16xf32, #tpu.memory_space<hbm>>) dst(%arg14 : memref<128x16xf32, #tpu.memory_space<vmem>>)
        %dma_wait3A_587 = arith.constant 0 : i32
        %dma_wait3A_588 = arith.constant 0 : i32
        %dma_wait3A_589 = tpu.memref_slice %arg4[%dma_wait3A_587, %dma_wait3A_588] : memref<400000x128xf32, #tpu.memory_space<hbm>> -> memref<64x128xf32, #tpu.memory_space<hbm>>
        %dma_wait3A_590 = arith.constant 0 : i32
        %dma_wait3A_591 = arith.constant 0 : i32
        %dma_wait3A_592 = tpu.memref_slice %arg4[%dma_wait3A_590, %dma_wait3A_591] : memref<400000x128xf32, #tpu.memory_space<hbm>> -> memref<64x128xf32, #tpu.memory_space<hbm>>
        tpu.wait_dma2 semaphore(%arg22 : memref<!tpu.dma_semaphore, #tpu.memory_space<semaphore_mem>>) src(%dma_wait3A_592 : memref<64x128xf32, #tpu.memory_space<hbm>>) dst(%arg16 : memref<64x128xf32, #tpu.memory_space<vmem>>)
        %convert_element_type3A_593 = arith.extui %gt3A_469 : i1 to i32
        %cond3A_594 = arith.constant 0 : i32
        %cond3A_595 = arith.cmpi ne, %convert_element_type3A_593, %cond3A_594 : i32
        scf.if %cond3A_595 {
          %dma_wait3A_613 = arith.constant 0 : i32
          %dma_wait3A_614 = arith.constant 0 : i32
          %dma_wait3A_615 = tpu.memref_slice %arg10[%dma_wait3A_613, %dma_wait3A_614] : memref<5x128xi32, #tpu.memory_space<vmem>> -> memref<1x128xi32, #tpu.memory_space<vmem>>
          %dma_wait3A_616 = tpu.memref_squeeze %dma_wait3A_615 : memref<1x128xi32, #tpu.memory_space<vmem>> -> memref<128xi32, #tpu.memory_space<vmem>>
          %dma_wait3A_617 = arith.constant 0 : i32
          %dma_wait3A_618 = arith.constant 0 : i32
          %dma_wait3A_619 = tpu.memref_slice %arg7[%dma_wait3A_617, %dma_wait3A_618] : memref<50000x16xf32, #tpu.memory_space<vmem_shared>> -> memref<50000x16xf32, #tpu.memory_space<vmem_shared>>
          tpu.wait_indirect_dma semaphore(%arg24 : memref<!tpu.dma_semaphore, #tpu.memory_space<semaphore_mem>>) src(%arg18 : memref<128x16xf32, #tpu.memory_space<vmem>>) dst(%dma_wait3A_619 : memref<50000x16xf32, #tpu.memory_space<vmem_shared>>)
          %dma_wait3A_620 = arith.constant 0 : i32
          %dma_wait3A_621 = arith.constant 0 : i32
          %dma_wait3A_622 = tpu.memref_slice %arg10[%dma_wait3A_620, %dma_wait3A_621] : memref<5x128xi32, #tpu.memory_space<vmem>> -> memref<1x128xi32, #tpu.memory_space<vmem>>
          %dma_wait3A_623 = tpu.memref_squeeze %dma_wait3A_622 : memref<1x128xi32, #tpu.memory_space<vmem>> -> memref<128xi32, #tpu.memory_space<vmem>>
          %dma_wait3A_624 = arith.constant 0 : i32
          %dma_wait3A_625 = arith.constant 0 : i32
          %dma_wait3A_626 = tpu.memref_slice %arg8[%dma_wait3A_624, %dma_wait3A_625] : memref<50000x16xf32, #tpu.memory_space<vmem_shared>> -> memref<50000x16xf32, #tpu.memory_space<vmem_shared>>
          tpu.wait_indirect_dma semaphore(%arg24 : memref<!tpu.dma_semaphore, #tpu.memory_space<semaphore_mem>>) src(%arg20 : memref<128x16xf32, #tpu.memory_space<vmem>>) dst(%dma_wait3A_626 : memref<50000x16xf32, #tpu.memory_space<vmem_shared>>)
        } else {
        }
        %mul3A_596 = arith.constant 16 : i32
        %mul3A_597 = arith.muli %add3A_72, %mul3A_596 : i32
        %parallel_loop3A_598 = arith.constant 0 : i32
        %parallel_loop3A_599 = arith.constant 128 : i32
        %parallel_loop3A_600 = arith.constant 1 : i32
        scf.for %parallel_loop3A_613 = %parallel_loop3A_598 to %parallel_loop3A_599 step %parallel_loop3A_600  : i32 {
          %parallel_loop3A_614 = arith.constant 6 : i32
          %parallel_loop3A_615 = arith.shli %parallel_loop3A_613, %parallel_loop3A_614 : i32
          %parallel_loop3A_616 = arith.addi %parallel_loop3A_615, %mul3A_597 : i32
          %parallel_loop3A_617 = arith.constant 7 : i32
          %parallel_loop3A_618 = arith.shrsi %parallel_loop3A_616, %parallel_loop3A_617 : i32
          %parallel_loop3A_619 = arith.constant 127 : i32
          %parallel_loop3A_620 = arith.andi %parallel_loop3A_616, %parallel_loop3A_619 : i32
          %parallel_loop3A_621 = arith.index_cast %parallel_loop3A_618 : i32 to index
          %parallel_loop3A_622 = arith.index_cast %parallel_loop3A_620 : i32 to index
          %parallel_loop3A_623 = tpu.vector_load %arg16[%parallel_loop3A_621, %parallel_loop3A_622] {strides = array<i32>} : memref<64x128xf32, #tpu.memory_space<vmem>>, vector<1x16xf32>,
          %parallel_loop3A_624 = vector.shape_cast %parallel_loop3A_623 : vector<1x16xf32> to vector<16xf32>
          %parallel_loop3A_625 = arith.index_cast %parallel_loop3A_613 : i32 to index
          %parallel_loop3A_626 = arith.constant 0 : index
          %parallel_loop3A_627 = tpu.vector_load %arg14[%parallel_loop3A_625, %parallel_loop3A_626] {strides = array<i32>} : memref<128x16xf32, #tpu.memory_space<vmem>>, vector<1x16xf32>,
          %parallel_loop3A_628 = vector.shape_cast %parallel_loop3A_627 : vector<1x16xf32> to vector<16xf32>
          %parallel_loop3A_629 = arith.addf %parallel_loop3A_628, %parallel_loop3A_624 : vector<16xf32>
          %parallel_loop3A_630 = arith.constant 0.000000e+00 : f32
          %parallel_loop3A_631 = vector.broadcast %parallel_loop3A_630 : f32 to vector<16xf32>
          %parallel_loop3A_632 = arith.maximumf %parallel_loop3A_629, %parallel_loop3A_631 : vector<16xf32>
          %parallel_loop3A_633 = arith.constant 1.000000e-07 : f32
          %parallel_loop3A_634 = vector.broadcast %parallel_loop3A_633 : f32 to vector<16xf32>
          %parallel_loop3A_635 = arith.addf %parallel_loop3A_632, %parallel_loop3A_634 : vector<16xf32>
          %parallel_loop3A_636 = math.exp %parallel_loop3A_635 : vector<16xf32>
          %parallel_loop3A_637 = arith.index_cast %parallel_loop3A_613 : i32 to index
          %parallel_loop3A_638 = arith.constant 0 : index
          %parallel_loop3A_639 = tpu.vector_load %arg18[%parallel_loop3A_637, %parallel_loop3A_638] {strides = array<i32>} : memref<128x16xf32, #tpu.memory_space<vmem>>, vector<1x16xf32>,
          %parallel_loop3A_640 = vector.shape_cast %parallel_loop3A_639 : vector<1x16xf32> to vector<16xf32>
          %parallel_loop3A_641 = vector.shape_cast %parallel_loop3A_636 : vector<16xf32> to vector<1x16xf32>
          tpu.vector_store %arg18[%parallel_loop3A_637, %parallel_loop3A_638], %parallel_loop3A_641 {strides = array<i32>} : memref<128x16xf32, #tpu.memory_space<vmem>>, vector<1x16xf32>,
          %parallel_loop3A_642 = arith.mulf %parallel_loop3A_635, %parallel_loop3A_636 : vector<16xf32>
          %parallel_loop3A_643 = arith.index_cast %parallel_loop3A_613 : i32 to index
          %parallel_loop3A_644 = arith.constant 0 : index
          %parallel_loop3A_645 = tpu.vector_load %arg20[%parallel_loop3A_643, %parallel_loop3A_644] {strides = array<i32>} : memref<128x16xf32, #tpu.memory_space<vmem>>, vector<1x16xf32>,
          %parallel_loop3A_646 = vector.shape_cast %parallel_loop3A_645 : vector<1x16xf32> to vector<16xf32>
          %parallel_loop3A_647 = vector.shape_cast %parallel_loop3A_642 : vector<16xf32> to vector<1x16xf32>
          tpu.vector_store %arg20[%parallel_loop3A_643, %parallel_loop3A_644], %parallel_loop3A_647 {strides = array<i32>} : memref<128x16xf32, #tpu.memory_space<vmem>>, vector<1x16xf32>,
        } {sc.loop_unroll_factor = 8 : i64, sc.parallel_access}
        %dma_start3A_601 = arith.constant 0 : i32
        %dma_start3A_602 = tpu.memref_slice %arg10[%add3A_465, %dma_start3A_601] : memref<5x128xi32, #tpu.memory_space<vmem>> -> memref<1x128xi32, #tpu.memory_space<vmem>>
        %dma_start3A_603 = tpu.memref_squeeze %dma_start3A_602 : memref<1x128xi32, #tpu.memory_space<vmem>> -> memref<128xi32, #tpu.memory_space<vmem>>
        %dma_start3A_604 = arith.constant 0 : i32
        %dma_start3A_605 = arith.constant 0 : i32
        %dma_start3A_606 = tpu.memref_slice %arg7[%dma_start3A_604, %dma_start3A_605] : memref<50000x16xf32, #tpu.memory_space<vmem_shared>> -> memref<50000x16xf32, #tpu.memory_space<vmem_shared>>
        tpu.enqueue_indirect_dma source(%arg18 : memref<128x16xf32, #tpu.memory_space<vmem>>) target(%dma_start3A_606 : memref<50000x16xf32, #tpu.memory_space<vmem_shared>>) offsets(%dma_start3A_603 : memref<128xi32, #tpu.memory_space<vmem>>) semaphore(%arg24 : memref<!tpu.dma_semaphore, #tpu.memory_space<semaphore_mem>>) {add = true}
        %dma_start3A_607 = arith.constant 0 : i32
        %dma_start3A_608 = tpu.memref_slice %arg10[%add3A_465, %dma_start3A_607] : memref<5x128xi32, #tpu.memory_space<vmem>> -> memref<1x128xi32, #tpu.memory_space<vmem>>
        %dma_start3A_609 = tpu.memref_squeeze %dma_start3A_608 : memref<1x128xi32, #tpu.memory_space<vmem>> -> memref<128xi32, #tpu.memory_space<vmem>>
        %dma_start3A_610 = arith.constant 0 : i32
        %dma_start3A_611 = arith.constant 0 : i32
        %dma_start3A_612 = tpu.memref_slice %arg8[%dma_start3A_610, %dma_start3A_611] : memref<50000x16xf32, #tpu.memory_space<vmem_shared>> -> memref<50000x16xf32, #tpu.memory_space<vmem_shared>>
        tpu.enqueue_indirect_dma source(%arg20 : memref<128x16xf32, #tpu.memory_space<vmem>>) target(%dma_start3A_612 : memref<50000x16xf32, #tpu.memory_space<vmem_shared>>) offsets(%dma_start3A_609 : memref<128xi32, #tpu.memory_space<vmem>>) semaphore(%arg24 : memref<!tpu.dma_semaphore, #tpu.memory_space<semaphore_mem>>) {add = true}
      }
      %scan3A_268 = arith.constant 2 : i32
      %dma_wait3A_269 = arith.constant 0 : i32
      %dma_wait3A_270 = arith.constant 0 : i32
      %dma_wait3A_271 = tpu.memref_slice %arg2[%dma_wait3A_269, %dma_wait3A_270] : memref<200000x16xf32, #tpu.memory_space<hbm>> -> memref<200000x16xf32, #tpu.memory_space<hbm>>
      tpu.wait_indirect_dma semaphore(%arg21 : memref<!tpu.dma_semaphore, #tpu.memory_space<semaphore_mem>>) src(%dma_wait3A_271 : memref<200000x16xf32, #tpu.memory_space<hbm>>) dst(%arg13 : memref<128x16xf32, #tpu.memory_space<vmem>>)
      %dma_wait3A_272 = arith.constant 0 : i32
      %dma_wait3A_273 = arith.constant 0 : i32
      %dma_wait3A_274 = tpu.memref_slice %arg4[%dma_wait3A_272, %dma_wait3A_273] : memref<400000x128xf32, #tpu.memory_space<hbm>> -> memref<64x128xf32, #tpu.memory_space<hbm>>
      %dma_wait3A_275 = arith.constant 0 : i32
      %dma_wait3A_276 = arith.constant 0 : i32
      %dma_wait3A_277 = tpu.memref_slice %arg4[%dma_wait3A_275, %dma_wait3A_276] : memref<400000x128xf32, #tpu.memory_space<hbm>> -> memref<64x128xf32, #tpu.memory_space<hbm>>
      tpu.wait_dma2 semaphore(%arg21 : memref<!tpu.dma_semaphore, #tpu.memory_space<semaphore_mem>>) src(%dma_wait3A_277 : memref<64x128xf32, #tpu.memory_space<hbm>>) dst(%arg15 : memref<64x128xf32, #tpu.memory_space<vmem>>)
      %dma_wait3A_278 = arith.constant 0 : i32
      %dma_wait3A_279 = arith.constant 0 : i32
      %dma_wait3A_280 = tpu.memref_slice %arg10[%dma_wait3A_278, %dma_wait3A_279] : memref<5x128xi32, #tpu.memory_space<vmem>> -> memref<1x128xi32, #tpu.memory_space<vmem>>
      %dma_wait3A_281 = tpu.memref_squeeze %dma_wait3A_280 : memref<1x128xi32, #tpu.memory_space<vmem>> -> memref<128xi32, #tpu.memory_space<vmem>>
      %dma_wait3A_282 = arith.constant 0 : i32
      %dma_wait3A_283 = arith.constant 0 : i32
      %dma_wait3A_284 = tpu.memref_slice %arg7[%dma_wait3A_282, %dma_wait3A_283] : memref<50000x16xf32, #tpu.memory_space<vmem_shared>> -> memref<50000x16xf32, #tpu.memory_space<vmem_shared>>
      tpu.wait_indirect_dma semaphore(%arg23 : memref<!tpu.dma_semaphore, #tpu.memory_space<semaphore_mem>>) src(%arg17 : memref<128x16xf32, #tpu.memory_space<vmem>>) dst(%dma_wait3A_284 : memref<50000x16xf32, #tpu.memory_space<vmem_shared>>)
      %dma_wait3A_285 = arith.constant 0 : i32
      %dma_wait3A_286 = arith.constant 0 : i32
      %dma_wait3A_287 = tpu.memref_slice %arg10[%dma_wait3A_285, %dma_wait3A_286] : memref<5x128xi32, #tpu.memory_space<vmem>> -> memref<1x128xi32, #tpu.memory_space<vmem>>
      %dma_wait3A_288 = tpu.memref_squeeze %dma_wait3A_287 : memref<1x128xi32, #tpu.memory_space<vmem>> -> memref<128xi32, #tpu.memory_space<vmem>>
      %dma_wait3A_289 = arith.constant 0 : i32
      %dma_wait3A_290 = arith.constant 0 : i32
      %dma_wait3A_291 = tpu.memref_slice %arg8[%dma_wait3A_289, %dma_wait3A_290] : memref<50000x16xf32, #tpu.memory_space<vmem_shared>> -> memref<50000x16xf32, #tpu.memory_space<vmem_shared>>
      tpu.wait_indirect_dma semaphore(%arg23 : memref<!tpu.dma_semaphore, #tpu.memory_space<semaphore_mem>>) src(%arg19 : memref<128x16xf32, #tpu.memory_space<vmem>>) dst(%dma_wait3A_291 : memref<50000x16xf32, #tpu.memory_space<vmem_shared>>)
      %mul3A_292 = arith.constant 16 : i32
      %mul3A_293 = arith.muli %add3A_72, %mul3A_292 : i32
      %parallel_loop3A = arith.constant 0 : i32
      %parallel_loop3A_294 = arith.constant 128 : i32
      %parallel_loop3A_295 = arith.constant 1 : i32
      scf.for %parallel_loop3A_310 = %parallel_loop3A to %parallel_loop3A_294 step %parallel_loop3A_295  : i32 {
        %parallel_loop3A_311 = arith.constant 6 : i32
        %parallel_loop3A_312 = arith.shli %parallel_loop3A_310, %parallel_loop3A_311 : i32
        %parallel_loop3A_313 = arith.addi %parallel_loop3A_312, %mul3A_293 : i32
        %parallel_loop3A_314 = arith.constant 7 : i32
        %parallel_loop3A_315 = arith.shrsi %parallel_loop3A_313, %parallel_loop3A_314 : i32
        %parallel_loop3A_316 = arith.constant 127 : i32
        %parallel_loop3A_317 = arith.andi %parallel_loop3A_313, %parallel_loop3A_316 : i32
        %parallel_loop3A_318 = arith.index_cast %parallel_loop3A_315 : i32 to index
        %parallel_loop3A_319 = arith.index_cast %parallel_loop3A_317 : i32 to index
        %parallel_loop3A_320 = tpu.vector_load %arg15[%parallel_loop3A_318, %parallel_loop3A_319] {strides = array<i32>} : memref<64x128xf32, #tpu.memory_space<vmem>>, vector<1x16xf32>,
        %parallel_loop3A_321 = vector.shape_cast %parallel_loop3A_320 : vector<1x16xf32> to vector<16xf32>
        %parallel_loop3A_322 = arith.index_cast %parallel_loop3A_310 : i32 to index
        %parallel_loop3A_323 = arith.constant 0 : index
        %parallel_loop3A_324 = tpu.vector_load %arg13[%parallel_loop3A_322, %parallel_loop3A_323] {strides = array<i32>} : memref<128x16xf32, #tpu.memory_space<vmem>>, vector<1x16xf32>,
        %parallel_loop3A_325 = vector.shape_cast %parallel_loop3A_324 : vector<1x16xf32> to vector<16xf32>
        %parallel_loop3A_326 = arith.addf %parallel_loop3A_325, %parallel_loop3A_321 : vector<16xf32>
        %parallel_loop3A_327 = arith.constant 0.000000e+00 : f32
        %parallel_loop3A_328 = vector.broadcast %parallel_loop3A_327 : f32 to vector<16xf32>
        %parallel_loop3A_329 = arith.maximumf %parallel_loop3A_326, %parallel_loop3A_328 : vector<16xf32>
        %parallel_loop3A_330 = arith.constant 1.000000e-07 : f32
        %parallel_loop3A_331 = vector.broadcast %parallel_loop3A_330 : f32 to vector<16xf32>
        %parallel_loop3A_332 = arith.addf %parallel_loop3A_329, %parallel_loop3A_331 : vector<16xf32>
        %parallel_loop3A_333 = math.exp %parallel_loop3A_332 : vector<16xf32>
        %parallel_loop3A_334 = arith.index_cast %parallel_loop3A_310 : i32 to index
        %parallel_loop3A_335 = arith.constant 0 : index
        %parallel_loop3A_336 = tpu.vector_load %arg17[%parallel_loop3A_334, %parallel_loop3A_335] {strides = array<i32>} : memref<128x16xf32, #tpu.memory_space<vmem>>, vector<1x16xf32>,
        %parallel_loop3A_337 = vector.shape_cast %parallel_loop3A_336 : vector<1x16xf32> to vector<16xf32>
        %parallel_loop3A_338 = vector.shape_cast %parallel_loop3A_333 : vector<16xf32> to vector<1x16xf32>
        tpu.vector_store %arg17[%parallel_loop3A_334, %parallel_loop3A_335], %parallel_loop3A_338 {strides = array<i32>} : memref<128x16xf32, #tpu.memory_space<vmem>>, vector<1x16xf32>,
        %parallel_loop3A_339 = arith.mulf %parallel_loop3A_332, %parallel_loop3A_333 : vector<16xf32>
        %parallel_loop3A_340 = arith.index_cast %parallel_loop3A_310 : i32 to index
        %parallel_loop3A_341 = arith.constant 0 : index
        %parallel_loop3A_342 = tpu.vector_load %arg19[%parallel_loop3A_340, %parallel_loop3A_341] {strides = array<i32>} : memref<128x16xf32, #tpu.memory_space<vmem>>, vector<1x16xf32>,
        %parallel_loop3A_343 = vector.shape_cast %parallel_loop3A_342 : vector<1x16xf32> to vector<16xf32>
        %parallel_loop3A_344 = vector.shape_cast %parallel_loop3A_339 : vector<16xf32> to vector<1x16xf32>
        tpu.vector_store %arg19[%parallel_loop3A_340, %parallel_loop3A_341], %parallel_loop3A_344 {strides = array<i32>} : memref<128x16xf32, #tpu.memory_space<vmem>>, vector<1x16xf32>,
      } {sc.loop_unroll_factor = 8 : i64, sc.parallel_access}
      %dma_start3A_296 = arith.constant 4 : i32
      %dma_start3A_297 = arith.constant 0 : i32
      %dma_start3A_298 = tpu.memref_slice %arg10[%dma_start3A_296, %dma_start3A_297] : memref<5x128xi32, #tpu.memory_space<vmem>> -> memref<1x128xi32, #tpu.memory_space<vmem>>
      %dma_start3A_299 = tpu.memref_squeeze %dma_start3A_298 : memref<1x128xi32, #tpu.memory_space<vmem>> -> memref<128xi32, #tpu.memory_space<vmem>>
      %dma_start3A_300 = arith.constant 0 : i32
      %dma_start3A_301 = arith.constant 0 : i32
      %dma_start3A_302 = tpu.memref_slice %arg7[%dma_start3A_300, %dma_start3A_301] : memref<50000x16xf32, #tpu.memory_space<vmem_shared>> -> memref<50000x16xf32, #tpu.memory_space<vmem_shared>>
      tpu.enqueue_indirect_dma source(%arg17 : memref<128x16xf32, #tpu.memory_space<vmem>>) target(%dma_start3A_302 : memref<50000x16xf32, #tpu.memory_space<vmem_shared>>) offsets(%dma_start3A_299 : memref<128xi32, #tpu.memory_space<vmem>>) semaphore(%arg23 : memref<!tpu.dma_semaphore, #tpu.memory_space<semaphore_mem>>) {add = true}
      %dma_start3A_303 = arith.constant 4 : i32
      %dma_start3A_304 = arith.constant 0 : i32
      %dma_start3A_305 = tpu.memref_slice %arg10[%dma_start3A_303, %dma_start3A_304] : memref<5x128xi32, #tpu.memory_space<vmem>> -> memref<1x128xi32, #tpu.memory_space<vmem>>
      %dma_start3A_306 = tpu.memref_squeeze %dma_start3A_305 : memref<1x128xi32, #tpu.memory_space<vmem>> -> memref<128xi32, #tpu.memory_space<vmem>>
      %dma_start3A_307 = arith.constant 0 : i32
      %dma_start3A_308 = arith.constant 0 : i32
      %dma_start3A_309 = tpu.memref_slice %arg8[%dma_start3A_307, %dma_start3A_308] : memref<50000x16xf32, #tpu.memory_space<vmem_shared>> -> memref<50000x16xf32, #tpu.memory_space<vmem_shared>>
      tpu.enqueue_indirect_dma source(%arg19 : memref<128x16xf32, #tpu.memory_space<vmem>>) target(%dma_start3A_309 : memref<50000x16xf32, #tpu.memory_space<vmem_shared>>) offsets(%dma_start3A_306 : memref<128xi32, #tpu.memory_space<vmem>>) semaphore(%arg23 : memref<!tpu.dma_semaphore, #tpu.memory_space<semaphore_mem>>) {add = true}
    }
    %dma_wait3A_103 = arith.constant 0 : i32
    %dma_wait3A_104 = arith.constant 0 : i32
    %dma_wait3A_105 = tpu.memref_slice %arg10[%dma_wait3A_103, %dma_wait3A_104] : memref<5x128xi32, #tpu.memory_space<vmem>> -> memref<1x128xi32, #tpu.memory_space<vmem>>
    %dma_wait3A_106 = tpu.memref_squeeze %dma_wait3A_105 : memref<1x128xi32, #tpu.memory_space<vmem>> -> memref<128xi32, #tpu.memory_space<vmem>>
    %dma_wait3A_107 = arith.constant 0 : i32
    %dma_wait3A_108 = arith.constant 0 : i32
    %dma_wait3A_109 = tpu.memref_slice %arg7[%dma_wait3A_107, %dma_wait3A_108] : memref<50000x16xf32, #tpu.memory_space<vmem_shared>> -> memref<50000x16xf32, #tpu.memory_space<vmem_shared>>
    tpu.wait_indirect_dma semaphore(%arg23 : memref<!tpu.dma_semaphore, #tpu.memory_space<semaphore_mem>>) src(%arg17 : memref<128x16xf32, #tpu.memory_space<vmem>>) dst(%dma_wait3A_109 : memref<50000x16xf32, #tpu.memory_space<vmem_shared>>)
    %dma_wait3A_110 = arith.constant 0 : i32
    %dma_wait3A_111 = arith.constant 0 : i32
    %dma_wait3A_112 = tpu.memref_slice %arg10[%dma_wait3A_110, %dma_wait3A_111] : memref<5x128xi32, #tpu.memory_space<vmem>> -> memref<1x128xi32, #tpu.memory_space<vmem>>
    %dma_wait3A_113 = tpu.memref_squeeze %dma_wait3A_112 : memref<1x128xi32, #tpu.memory_space<vmem>> -> memref<128xi32, #tpu.memory_space<vmem>>
    %dma_wait3A_114 = arith.constant 0 : i32
    %dma_wait3A_115 = arith.constant 0 : i32
    %dma_wait3A_116 = tpu.memref_slice %arg8[%dma_wait3A_114, %dma_wait3A_115] : memref<50000x16xf32, #tpu.memory_space<vmem_shared>> -> memref<50000x16xf32, #tpu.memory_space<vmem_shared>>
    tpu.wait_indirect_dma semaphore(%arg23 : memref<!tpu.dma_semaphore, #tpu.memory_space<semaphore_mem>>) src(%arg19 : memref<128x16xf32, #tpu.memory_space<vmem>>) dst(%dma_wait3A_116 : memref<50000x16xf32, #tpu.memory_space<vmem_shared>>)
    %dma_wait3A_117 = arith.constant 0 : i32
    %dma_wait3A_118 = arith.constant 0 : i32
    %dma_wait3A_119 = tpu.memref_slice %arg10[%dma_wait3A_117, %dma_wait3A_118] : memref<5x128xi32, #tpu.memory_space<vmem>> -> memref<1x128xi32, #tpu.memory_space<vmem>>
    %dma_wait3A_120 = tpu.memref_squeeze %dma_wait3A_119 : memref<1x128xi32, #tpu.memory_space<vmem>> -> memref<128xi32, #tpu.memory_space<vmem>>
    %dma_wait3A_121 = arith.constant 0 : i32
    %dma_wait3A_122 = arith.constant 0 : i32
    %dma_wait3A_123 = tpu.memref_slice %arg7[%dma_wait3A_121, %dma_wait3A_122] : memref<50000x16xf32, #tpu.memory_space<vmem_shared>> -> memref<50000x16xf32, #tpu.memory_space<vmem_shared>>
    tpu.wait_indirect_dma semaphore(%arg24 : memref<!tpu.dma_semaphore, #tpu.memory_space<semaphore_mem>>) src(%arg18 : memref<128x16xf32, #tpu.memory_space<vmem>>) dst(%dma_wait3A_123 : memref<50000x16xf32, #tpu.memory_space<vmem_shared>>)
    %dma_wait3A_124 = arith.constant 0 : i32
    %dma_wait3A_125 = arith.constant 0 : i32
    %dma_wait3A_126 = tpu.memref_slice %arg10[%dma_wait3A_124, %dma_wait3A_125] : memref<5x128xi32, #tpu.memory_space<vmem>> -> memref<1x128xi32, #tpu.memory_space<vmem>>
    %dma_wait3A_127 = tpu.memref_squeeze %dma_wait3A_126 : memref<1x128xi32, #tpu.memory_space<vmem>> -> memref<128xi32, #tpu.memory_space<vmem>>
    %dma_wait3A_128 = arith.constant 0 : i32
    %dma_wait3A_129 = arith.constant 0 : i32
    %dma_wait3A_130 = tpu.memref_slice %arg8[%dma_wait3A_128, %dma_wait3A_129] : memref<50000x16xf32, #tpu.memory_space<vmem_shared>> -> memref<50000x16xf32, #tpu.memory_space<vmem_shared>>
    tpu.wait_indirect_dma semaphore(%arg24 : memref<!tpu.dma_semaphore, #tpu.memory_space<semaphore_mem>>) src(%arg20 : memref<128x16xf32, #tpu.memory_space<vmem>>) dst(%dma_wait3A_130 : memref<50000x16xf32, #tpu.memory_space<vmem_shared>>)
    %barrier3A_131 = arith.constant 0 : index
    tpu.barrier barrier_id(%barrier3A_131)
    %mul3A_132 = arith.constant 3125 : i32
    %mul3A_133 = arith.muli %arg1, %mul3A_132 : i32
    "tpu.region"() ({
      %run_scoped3A = tpu.sem_alloc : memref<!tpu.dma_semaphore, #tpu.memory_space<semaphore_mem>>
      %dma_start3A = arith.constant 0 : i32
      %dma_start3A_135 = tpu.memref_slice %arg5[%add3A_72, %mul3A_133, %dma_start3A] : memref<4x50000x16xf32, #tpu.memory_space<hbm>> -> memref<1x3125x16xf32, #tpu.memory_space<hbm>>
      %dma_start3A_136 = tpu.memref_squeeze %dma_start3A_135 : memref<1x3125x16xf32, #tpu.memory_space<hbm>> -> memref<3125x16xf32, #tpu.memory_space<hbm>>
      %dma_start3A_137 = arith.constant 0 : i32
      %dma_start3A_138 = tpu.memref_slice %arg7[%mul3A_133, %dma_start3A_137] : memref<50000x16xf32, #tpu.memory_space<vmem_shared>> -> memref<3125x16xf32, #tpu.memory_space<vmem_shared>>
      tpu.enqueue_dma source(%dma_start3A_138 : memref<3125x16xf32, #tpu.memory_space<vmem_shared>>) target(%dma_start3A_136 : memref<3125x16xf32, #tpu.memory_space<hbm>>) target_semaphore(%run_scoped3A : memref<!tpu.dma_semaphore, #tpu.memory_space<semaphore_mem>>)
      %dma_wait3A_139 = arith.constant 0 : i32
      %dma_wait3A_140 = tpu.memref_slice %arg5[%add3A_72, %mul3A_133, %dma_wait3A_139] : memref<4x50000x16xf32, #tpu.memory_space<hbm>> -> memref<1x3125x16xf32, #tpu.memory_space<hbm>>
      %dma_wait3A_141 = tpu.memref_squeeze %dma_wait3A_140 : memref<1x3125x16xf32, #tpu.memory_space<hbm>> -> memref<3125x16xf32, #tpu.memory_space<hbm>>
      %dma_wait3A_142 = arith.constant 0 : i32
      %dma_wait3A_143 = tpu.memref_slice %arg7[%mul3A_133, %dma_wait3A_142] : memref<50000x16xf32, #tpu.memory_space<vmem_shared>> -> memref<3125x16xf32, #tpu.memory_space<vmem_shared>>
      tpu.wait_dma2 semaphore(%run_scoped3A : memref<!tpu.dma_semaphore, #tpu.memory_space<semaphore_mem>>) src(%dma_wait3A_143 : memref<3125x16xf32, #tpu.memory_space<vmem_shared>>) dst(%dma_wait3A_141 : memref<3125x16xf32, #tpu.memory_space<hbm>>)
      tpu.yield
    }) : () -> ()
    "tpu.region"() ({
      %run_scoped3A = tpu.sem_alloc : memref<!tpu.dma_semaphore, #tpu.memory_space<semaphore_mem>>
      %dma_start3A = arith.constant 0 : i32
      %dma_start3A_135 = tpu.memref_slice %arg6[%add3A_72, %mul3A_133, %dma_start3A] : memref<4x50000x16xf32, #tpu.memory_space<hbm>> -> memref<1x3125x16xf32, #tpu.memory_space<hbm>>
      %dma_start3A_136 = tpu.memref_squeeze %dma_start3A_135 : memref<1x3125x16xf32, #tpu.memory_space<hbm>> -> memref<3125x16xf32, #tpu.memory_space<hbm>>
      %dma_start3A_137 = arith.constant 0 : i32
      %dma_start3A_138 = tpu.memref_slice %arg8[%mul3A_133, %dma_start3A_137] : memref<50000x16xf32, #tpu.memory_space<vmem_shared>> -> memref<3125x16xf32, #tpu.memory_space<vmem_shared>>
      tpu.enqueue_dma source(%dma_start3A_138 : memref<3125x16xf32, #tpu.memory_space<vmem_shared>>) target(%dma_start3A_136 : memref<3125x16xf32, #tpu.memory_space<hbm>>) target_semaphore(%run_scoped3A : memref<!tpu.dma_semaphore, #tpu.memory_space<semaphore_mem>>)
      %dma_wait3A_139 = arith.constant 0 : i32
      %dma_wait3A_140 = tpu.memref_slice %arg6[%add3A_72, %mul3A_133, %dma_wait3A_139] : memref<4x50000x16xf32, #tpu.memory_space<hbm>> -> memref<1x3125x16xf32, #tpu.memory_space<hbm>>
      %dma_wait3A_141 = tpu.memref_squeeze %dma_wait3A_140 : memref<1x3125x16xf32, #tpu.memory_space<hbm>> -> memref<3125x16xf32, #tpu.memory_space<hbm>>
      %dma_wait3A_142 = arith.constant 0 : i32
      %dma_wait3A_143 = tpu.memref_slice %arg8[%mul3A_133, %dma_wait3A_142] : memref<50000x16xf32, #tpu.memory_space<vmem_shared>> -> memref<3125x16xf32, #tpu.memory_space<vmem_shared>>
      tpu.wait_dma2 semaphore(%run_scoped3A : memref<!tpu.dma_semaphore, #tpu.memory_space<semaphore_mem>>) src(%dma_wait3A_143 : memref<3125x16xf32, #tpu.memory_space<vmem_shared>>) dst(%dma_wait3A_141 : memref<3125x16xf32, #tpu.memory_space<hbm>>)
      tpu.yield
    }) : () -> ()
    %barrier3A_134 = arith.constant 0 : index
    tpu.barrier barrier_id(%barrier3A_134)
    return
  }
}

module attributes {stable_mosaic.version = 14 : i64} {
  func.func @body(%arg0: i32, %arg1: memref<4x2000x16xf32, #tpu.memory_space<vmem>>, %arg2: memref<4x2000x16xf32, #tpu.memory_space<vmem>>, %arg3: memref<2000x64xf32, #tpu.memory_space<vmem>>, %arg4: memref<64x128xf32, #tpu.memory_space<vmem>>, %arg5: memref<1x128xf32, #tpu.memory_space<vmem>>, %arg6: memref<1x128xf32, #tpu.memory_space<vmem>>, %arg7: memref<1x128xf32, #tpu.memory_space<vmem>>, %arg8: memref<128x64xf32, #tpu.memory_space<vmem>>, %arg9: memref<1x64xf32, #tpu.memory_space<vmem>>, %arg10: memref<2000x64xf32, #tpu.memory_space<vmem>>) attributes {dimension_semantics = [#tpu.dimension_semantics<arbitrary>], iteration_bounds = array<i64: 25>, scalar_prefetch = 0 : i64, scratch_operands = 0 : i64, tpu.core_type = #tpu.core_type<tc>, window_params = [{transform_indices = @transform_0, window_bounds = array<i64: 4, 2000, 16>}, {transform_indices = @transform_1, window_bounds = array<i64: 4, 2000, 16>}, {transform_indices = @transform_2, window_bounds = array<i64: 2000, 64>}, {pipeline_mode = #tpu.pipeline_mode<synchronous>, transform_indices = @transform_3, window_bounds = array<i64: 64, 128>}, {pipeline_mode = #tpu.pipeline_mode<synchronous>, transform_indices = @transform_4, window_bounds = array<i64: 1, 128>}, {pipeline_mode = #tpu.pipeline_mode<synchronous>, transform_indices = @transform_5, window_bounds = array<i64: 1, 128>}, {pipeline_mode = #tpu.pipeline_mode<synchronous>, transform_indices = @transform_6, window_bounds = array<i64: 1, 128>}, {pipeline_mode = #tpu.pipeline_mode<synchronous>, transform_indices = @transform_7, window_bounds = array<i64: 128, 64>}, {pipeline_mode = #tpu.pipeline_mode<synchronous>, transform_indices = @transform_8, window_bounds = array<i64: 1, 64>}, {transform_indices = @transform_9, window_bounds = array<i64: 2000, 64>}]} {
    %get3A = arith.constant 0 : index
    %get3A_0 = arith.constant 0 : index
    %get3A_1 = arith.constant 0 : index
    %get3A_2 = vector.load %arg1[%get3A, %get3A_0, %get3A_1] : memref<4x2000x16xf32, #tpu.memory_space<vmem>>, vector<4x2000x16xf32>
    %get3A_3 = arith.constant 0 : index
    %get3A_4 = arith.constant 0 : index
    %get3A_5 = arith.constant 0 : index
    %get3A_6 = vector.load %arg2[%get3A_3, %get3A_4, %get3A_5] : memref<4x2000x16xf32, #tpu.memory_space<vmem>>, vector<4x2000x16xf32>
    %slice3A = vector.extract_strided_slice %get3A_2 {offsets = [0, 0, 0], sizes = [1, 2000, 16], strides = [1, 1, 1]} : vector<4x2000x16xf32> to vector<1x2000x16xf32>
    %squeeze3A = vector.shape_cast %slice3A : vector<1x2000x16xf32> to vector<2000x16xf32>
    %slice3A_7 = vector.extract_strided_slice %get3A_2 {offsets = [1, 0, 0], sizes = [1, 2000, 16], strides = [1, 1, 1]} : vector<4x2000x16xf32> to vector<1x2000x16xf32>
    %squeeze3A_8 = vector.shape_cast %slice3A_7 : vector<1x2000x16xf32> to vector<2000x16xf32>
    %slice3A_9 = vector.extract_strided_slice %get3A_2 {offsets = [2, 0, 0], sizes = [1, 2000, 16], strides = [1, 1, 1]} : vector<4x2000x16xf32> to vector<1x2000x16xf32>
    %squeeze3A_10 = vector.shape_cast %slice3A_9 : vector<1x2000x16xf32> to vector<2000x16xf32>
    %slice3A_11 = vector.extract_strided_slice %get3A_2 {offsets = [3, 0, 0], sizes = [1, 2000, 16], strides = [1, 1, 1]} : vector<4x2000x16xf32> to vector<1x2000x16xf32>
    %squeeze3A_12 = vector.shape_cast %slice3A_11 : vector<1x2000x16xf32> to vector<2000x16xf32>
    %concatenate3A = tpu.concatenate %squeeze3A, %squeeze3A_8, %squeeze3A_10, %squeeze3A_12 in 1 : vector<2000x16xf32>, vector<2000x16xf32>, vector<2000x16xf32>, vector<2000x16xf32> -> vector<2000x64xf32>
    %slice3A_13 = vector.extract_strided_slice %get3A_6 {offsets = [0, 0, 0], sizes = [1, 2000, 16], strides = [1, 1, 1]} : vector<4x2000x16xf32> to vector<1x2000x16xf32>
    %squeeze3A_14 = vector.shape_cast %slice3A_13 : vector<1x2000x16xf32> to vector<2000x16xf32>
    %slice3A_15 = vector.extract_strided_slice %get3A_6 {offsets = [1, 0, 0], sizes = [1, 2000, 16], strides = [1, 1, 1]} : vector<4x2000x16xf32> to vector<1x2000x16xf32>
    %squeeze3A_16 = vector.shape_cast %slice3A_15 : vector<1x2000x16xf32> to vector<2000x16xf32>
    %slice3A_17 = vector.extract_strided_slice %get3A_6 {offsets = [2, 0, 0], sizes = [1, 2000, 16], strides = [1, 1, 1]} : vector<4x2000x16xf32> to vector<1x2000x16xf32>
    %squeeze3A_18 = vector.shape_cast %slice3A_17 : vector<1x2000x16xf32> to vector<2000x16xf32>
    %slice3A_19 = vector.extract_strided_slice %get3A_6 {offsets = [3, 0, 0], sizes = [1, 2000, 16], strides = [1, 1, 1]} : vector<4x2000x16xf32> to vector<1x2000x16xf32>
    %squeeze3A_20 = vector.shape_cast %slice3A_19 : vector<1x2000x16xf32> to vector<2000x16xf32>
    %concatenate3A_21 = tpu.concatenate %squeeze3A_14, %squeeze3A_16, %squeeze3A_18, %squeeze3A_20 in 1 : vector<2000x16xf32>, vector<2000x16xf32>, vector<2000x16xf32>, vector<2000x16xf32> -> vector<2000x64xf32>
    %add3A = arith.constant 1.000000e-16 : f32
    %add3A_22 = vector.broadcast %add3A : f32 to vector<2000x64xf32>
    %add3A_23 = arith.addf %concatenate3A, %add3A_22 : vector<2000x64xf32>
    %div3A = arith.divf %concatenate3A_21, %add3A_23 : vector<2000x64xf32>
    %get3A_24 = arith.constant 0 : index
    %get3A_25 = arith.constant 0 : index
    %get3A_26 = vector.load %arg3[%get3A_24, %get3A_25] : memref<2000x64xf32, #tpu.memory_space<vmem>>, vector<2000x64xf32>
    %add3A_27 = arith.addf %div3A, %get3A_26 : vector<2000x64xf32>
    %get3A_28 = arith.constant 0 : index
    %get3A_29 = arith.constant 0 : index
    %get3A_30 = vector.load %arg4[%get3A_28, %get3A_29] : memref<64x128xf32, #tpu.memory_space<vmem>>, vector<64x128xf32>
    %dot_general3A = arith.constant dense<0.000000e+00> : vector<2000x128xf32>
    %dot_general3A_31 = tpu.matmul %add3A_27, %get3A_30, %dot_general3A {dimension_numbers = #tpu.dot_dimension_numbers<[1], [0], [0], [1], [0, 0, 1, 1], [], []>, transpose_lhs_hint = false} : vector<2000x64xf32>, vector<64x128xf32>, vector<2000x128xf32> -> vector<2000x128xf32>
    %get3A_32 = arith.constant 0 : index
    %get3A_33 = arith.constant 0 : index
    %get3A_34 = vector.load %arg5[%get3A_32, %get3A_33] : memref<1x128xf32, #tpu.memory_space<vmem>>, vector<1x128xf32>
    %add3A_35 = vector.broadcast %get3A_34 : vector<1x128xf32> to vector<2000x128xf32>
    %add3A_36 = arith.addf %dot_general3A_31, %add3A_35 : vector<2000x128xf32>
    %reduce_sum3A = arith.constant dense<0.000000e+00> : vector<2000xf32>
    %reduce_sum3A_37 = vector.multi_reduction <add>, %add3A_36, %reduce_sum3A [1] : vector<2000x128xf32> to vector<2000xf32>
    %broadcast_in_dim3A = vector.shape_cast %reduce_sum3A_37 : vector<2000xf32> to vector<2000x1xf32>
    %div3A_38 = arith.constant 1.280000e+02 : f32
    %div3A_39 = vector.broadcast %div3A_38 : f32 to vector<2000x1xf32>
    %div3A_40 = arith.divf %broadcast_in_dim3A, %div3A_39 : vector<2000x1xf32>
    %sub3A = vector.broadcast %div3A_40 : vector<2000x1xf32> to vector<2000x128xf32>
    %sub3A_41 = arith.subf %add3A_36, %sub3A : vector<2000x128xf32>
    %integer_pow3A = arith.mulf %sub3A_41, %sub3A_41 : vector<2000x128xf32>
    %reduce_sum3A_42 = arith.constant dense<0.000000e+00> : vector<2000xf32>
    %reduce_sum3A_43 = vector.multi_reduction <add>, %integer_pow3A, %reduce_sum3A_42 [1] : vector<2000x128xf32> to vector<2000xf32>
    %broadcast_in_dim3A_44 = vector.shape_cast %reduce_sum3A_43 : vector<2000xf32> to vector<2000x1xf32>
    %div3A_45 = arith.constant 1.280000e+02 : f32
    %div3A_46 = vector.broadcast %div3A_45 : f32 to vector<2000x1xf32>
    %div3A_47 = arith.divf %broadcast_in_dim3A_44, %div3A_46 : vector<2000x1xf32>
    %sub3A_48 = vector.broadcast %div3A_40 : vector<2000x1xf32> to vector<2000x128xf32>
    %sub3A_49 = arith.subf %add3A_36, %sub3A_48 : vector<2000x128xf32>
    %add3A_50 = arith.constant 9.99999974E-6 : f32
    %add3A_51 = vector.broadcast %add3A_50 : f32 to vector<2000x1xf32>
    %add3A_52 = arith.addf %div3A_47, %add3A_51 : vector<2000x1xf32>
    %sqrt3A = math.sqrt %add3A_52 : vector<2000x1xf32>
    %div3A_53 = vector.broadcast %sqrt3A : vector<2000x1xf32> to vector<2000x128xf32>
    %div3A_54 = arith.divf %sub3A_49, %div3A_53 : vector<2000x128xf32>
    %get3A_55 = arith.constant 0 : index
    %get3A_56 = arith.constant 0 : index
    %get3A_57 = vector.load %arg6[%get3A_55, %get3A_56] : memref<1x128xf32, #tpu.memory_space<vmem>>, vector<1x128xf32>
    %mul3A = vector.broadcast %get3A_57 : vector<1x128xf32> to vector<2000x128xf32>
    %mul3A_58 = arith.mulf %div3A_54, %mul3A : vector<2000x128xf32>
    %get3A_59 = arith.constant 0 : index
    %get3A_60 = arith.constant 0 : index
    %get3A_61 = vector.load %arg7[%get3A_59, %get3A_60] : memref<1x128xf32, #tpu.memory_space<vmem>>, vector<1x128xf32>
    %add3A_62 = vector.broadcast %get3A_61 : vector<1x128xf32> to vector<2000x128xf32>
    %add3A_63 = arith.addf %mul3A_58, %add3A_62 : vector<2000x128xf32>
    %max3A = arith.constant 0.000000e+00 : f32
    %max3A_64 = vector.broadcast %max3A : f32 to vector<2000x128xf32>
    %max3A_65 = arith.maximumf %add3A_63, %max3A_64 : vector<2000x128xf32>
    %get3A_66 = arith.constant 0 : index
    %get3A_67 = arith.constant 0 : index
    %get3A_68 = vector.load %arg8[%get3A_66, %get3A_67] : memref<128x64xf32, #tpu.memory_space<vmem>>, vector<128x64xf32>
    %dot_general3A_69 = arith.constant dense<0.000000e+00> : vector<2000x64xf32>
    %dot_general3A_70 = tpu.matmul %max3A_65, %get3A_68, %dot_general3A_69 {dimension_numbers = #tpu.dot_dimension_numbers<[1], [0], [0], [1], [0, 0, 1, 1], [], []>, transpose_lhs_hint = false} : vector<2000x128xf32>, vector<128x64xf32>, vector<2000x64xf32> -> vector<2000x64xf32>
    %get3A_71 = arith.constant 0 : index
    %get3A_72 = arith.constant 0 : index
    %get3A_73 = vector.load %arg9[%get3A_71, %get3A_72] : memref<1x64xf32, #tpu.memory_space<vmem>>, vector<1x64xf32>
    %add3A_74 = vector.broadcast %get3A_73 : vector<1x64xf32> to vector<2000x64xf32>
    %add3A_75 = arith.addf %dot_general3A_70, %add3A_74 : vector<2000x64xf32>
    %swap3A = arith.constant 0 : index
    %swap3A_76 = arith.constant 0 : index
    %swap3A_77 = vector.load %arg10[%swap3A, %swap3A_76] : memref<2000x64xf32, #tpu.memory_space<vmem>>, vector<2000x64xf32>
    tpu.vector_store %arg10[%swap3A, %swap3A_76], %add3A_75 {strides = array<i32>} : memref<2000x64xf32, #tpu.memory_space<vmem>>, vector<2000x64xf32>,
    return
  }
  func.func @transform_0(%arg0: i32) -> (i32, i32, i32) {
    %c0_i32 = arith.constant 0 : i32
    %c0_i32_0 = arith.constant 0 : i32
    %c0_i32_1 = arith.constant 0 : i32
    return %c0_i32, %arg0, %c0_i32_0 : i32, i32, i32
  }
  func.func @transform_1(%arg0: i32) -> (i32, i32, i32) {
    %c0_i32 = arith.constant 0 : i32
    %c0_i32_0 = arith.constant 0 : i32
    %c0_i32_1 = arith.constant 0 : i32
    return %c0_i32, %arg0, %c0_i32_0 : i32, i32, i32
  }
  func.func @transform_2(%arg0: i32) -> (i32, i32) {
    %c0_i32 = arith.constant 0 : i32
    %c0_i32_0 = arith.constant 0 : i32
    return %arg0, %c0_i32 : i32, i32
  }
  func.func @transform_3(%arg0: i32) -> (i32, i32) {
    %c0_i32 = arith.constant 0 : i32
    %c0_i32_0 = arith.constant 0 : i32
    %c0_i32_1 = arith.constant 0 : i32
    return %c0_i32, %c0_i32_0 : i32, i32
  }
  func.func @transform_4(%arg0: i32) -> (i32, i32) {
    %c0_i32 = arith.constant 0 : i32
    %c0_i32_0 = arith.constant 0 : i32
    %c0_i32_1 = arith.constant 0 : i32
    return %c0_i32, %c0_i32_0 : i32, i32
  }
  func.func @transform_5(%arg0: i32) -> (i32, i32) {
    %c0_i32 = arith.constant 0 : i32
    %c0_i32_0 = arith.constant 0 : i32
    %c0_i32_1 = arith.constant 0 : i32
    return %c0_i32, %c0_i32_0 : i32, i32
  }
  func.func @transform_6(%arg0: i32) -> (i32, i32) {
    %c0_i32 = arith.constant 0 : i32
    %c0_i32_0 = arith.constant 0 : i32
    %c0_i32_1 = arith.constant 0 : i32
    return %c0_i32, %c0_i32_0 : i32, i32
  }
  func.func @transform_7(%arg0: i32) -> (i32, i32) {
    %c0_i32 = arith.constant 0 : i32
    %c0_i32_0 = arith.constant 0 : i32
    %c0_i32_1 = arith.constant 0 : i32
    return %c0_i32, %c0_i32_0 : i32, i32
  }
  func.func @transform_8(%arg0: i32) -> (i32, i32) {
    %c0_i32 = arith.constant 0 : i32
    %c0_i32_0 = arith.constant 0 : i32
    %c0_i32_1 = arith.constant 0 : i32
    return %c0_i32, %c0_i32_0 : i32, i32
  }
  func.func @transform_9(%arg0: i32) -> (i32, i32) {
    %c0_i32 = arith.constant 0 : i32
    %c0_i32_0 = arith.constant 0 : i32
    return %arg0, %c0_i32 : i32, i32
  }
}

</mosaic_0001>

<sc_bundles>
// kernel: kernel.4.cloned.1.call-start
scs
__scs_entry_jumppad:
0x0: {  	(pc) =	sbr.rel $0x88, $3  }
0x1: {  	(tag) =	ssettag $0x0;
	lr =	simm.s32 $0x1  }
0x2: {  	[smem:$0x3F98] =	sst lr;
	_ =	strace $0xD0000000  }
0x3: {  	_ = 	snop  }
0x4: {  	_ = 	snop  }
0x5: {  	_ = 	snop  }
0x6: {  	_ = 	snop  }
0x7: {  	_ = 	snop  }
__scs_overlays_trampoline_lowered:
0x8: {  	[smem:$0x3FA7] =	sst s0  }
0x9: {  	[smem:$0x3FA8] =	sst s1  }
0xa: {  	[smem:$0x3FA9] =	sst s2  }
0xb: {  	[smem:$0x3FAA] =	sst s3  }
0xc: {  	[smem:$0x3FAB] =	sst s4  }
0xd: {  	[smem:$0x3FAC] =	sst s5  }
0xe: {  	[smem:$0x3FAD] =	sst s6  }
0xf: {  	[smem:$0x3FAE] =	sst s7  }
0x10: {  	[smem:$0x3FAF] =	sst s8  }
0x11: {  	[smem:$0x3FB0] =	sst s9;
	s0 =	simm.s32 @!p0 $0x0  }
0x12: {  	s1 =	sld [smem:$0x3F96];
	s0 =	simm.s32 @p0 $0x1  }
0x13: {  	[smem:$0x3FB1] =	sst s0;
	s0 =	simm.s32 @!p1 $0x0  }
0x14: {  	s2 =	sld [smem:$0x3F95];
	s0 =	simm.s32 @p1 $0x1  }
0x15: {  	[smem:$0x3FB2] =	sst s0;
	s0 =	simm.s32 @!p2 $0x0  }
0x16: {  	s3 =	sld [smem:$0x3FDB];
	s0 =	simm.s32 @p2 $0x1  }
0x17: {  	s4 =	simm.s32 $0x1BF5;
	[smem:$0x3FB4] =	sst s0  }
0x18: {  	s0 =	sld [smem:$0x3F97];
	_ =	swait.ge [sflag:s4], $0x0  }
0x19: {  	s7 =	sld [smem:$0x3F98]  }
0x1a: {  	s8 =	sadd.s32 $0xFFFFE003, lr  }
0x1b: {  	s9 =	sadd.s32 $0xFFFFFEF7, lr;
	s5 =	simm.s32 $0xFFFFFFFF;
	p2 =	slt.u32 s8, $0xFFFFF086  }
0x1c: {  	p1 =	slt.u32 s9, $0xF7A;
	s5 =	simm.s32 @!p2 $0x0  }
0x1d: {  	s5 =	simm.s32 @p1 $0x1;
	p0 =	seq.s32 s7, s2  }
0x1e: {  	s7 =	smul.u32 @!p0 $0xF7A, s2;
	p2 =	seq.s32 @!p0 s5, $0x0  }
0x1f: {  	s9 =	smul.u32 $0xF7A, s1;
	s8 =	simm.s32 @!p0 $0x1BF5;
	p2 =	por !p2, p0  }
0x20: {  	[sflag:s8] =	ssyncset.s32 @!p0 $0xFFFFF086;
	s6 =	sadd.s32 @!p0 s3, s7;
	s7 =	simm.s32 @!p0 $0x108  }
0x21: {  	s3 =	sadd.s32 s3, s9;
	s6 =	sadd.s32 @!p0 $0x88, s6;
	s7 =	simm.s32 @p2 $0x1082  }
0x22: {  	[simem:s7], [sflag:s8] =	dma.local @!p0 [hbm:s6], $0xF7A  }
0x23: {  	s9 =	sor.u32 $0xD0000000, s2;
	s6 =	simm.s32 $0x108;
	_ =	swait.ge @!p0 [sflag:s8], $0x0  }
0x24: {  	s3 =	sadd.s32 $0x88, s3;
	s6 =	simm.s32 @!p1 $0x1082;
	[sflag:s4] =	ssyncset.s32 $0xFFFFF086  }
0x25: {  	[simem:s6], [sflag:s4] =	dma.local [hbm:s3], $0xF7A  }
0x26: {  	[smem:$0x3F98] =	sst s1;
	(tag) =	ssettag s2;
	_ =	strace s9  }
0x27: {  	s1 =	sld [smem:$0x3FA8]  }
0x28: {  	s2 =	sld [smem:$0x3FA9]  }
0x29: {  	s4 =	sld [smem:$0x3FAB]  }
0x2a: {  	p0 =	seq.s32 s5, $0x0;
	s5 =	sld [smem:$0x3FAC]  }
0x2b: {  	s6 =	sld [smem:$0x3FAD]  }
0x2c: {  	s7 =	sld [smem:$0x3FAE]  }
0x2d: {  	s3 =	simm.s32 $0x108;
	s8 =	sld [smem:$0x3FAF]  }
0x2e: {  	s3 =	simm.s32 @!p0 $0x1082;
	s9 =	sld [smem:$0x3FB0]  }
0x2f: {  	lr =	sadd.s32 s0, s3;
	s0 =	sld [smem:$0x3FA7]  }
0x30: {  	s3 =	sld [smem:$0x3FAA]  }
0x31: {  	[smem:$0x3FB3] =	sst s10  }
0x32: {  	s10 =	sld [smem:$0x3FB1];
	_ =	sdelay $0x3  }
0x33: {  	p0 =	seq.s32 s10, $0x1;
	s10 =	sld [smem:$0x3FB3];
	_ =	sdelay $0x3  }
0x34: {  	[smem:$0x3FB3] =	sst s10  }
0x35: {  	s10 =	sld [smem:$0x3FB2];
	_ =	sdelay $0x3  }
0x36: {  	p1 =	seq.s32 s10, $0x1;
	s10 =	sld [smem:$0x3FB3];
	_ =	sdelay $0x3  }
0x37: {  	[smem:$0x3FB3] =	sst s10  }
0x38: {  	s10 =	sld [smem:$0x3FB4]  }
0x39: {  	_ = 	snop;
	(pc) =	sbr.ind lr, $3  }
0x3a: {  	_ = 	snop  }
0x3b: {  	_ = 	snop  }
0x3c: {  	p2 =	seq.s32 s10, $0x1;
	s10 =	sld [smem:$0x3FB3]  }
0x3d: {  	_ =	shalt  }
0x3e: {  	_ =	shalt  }
0x3f: {  	_ =	shalt  }
0x40: {  	_ =	shalt  }
0x41: {  	_ =	shalt  }
0x42: {  	_ =	shalt  }
0x43: {  	_ =	shalt  }
0x44: {  	_ =	shalt  }
0x45: {  	_ =	shalt  }
0x46: {  	_ =	shalt  }
0x47: {  	_ =	shalt  }
0x48: {  	_ =	shalt  }
0x49: {  	_ =	shalt  }
0x4a: {  	_ =	shalt  }
0x4b: {  	_ =	shalt  }
0x4c: {  	_ =	shalt  }
0x4d: {  	_ =	shalt  }
0x4e: {  	_ =	shalt  }
0x4f: {  	_ =	shalt  }
0x50: {  	_ =	shalt  }
0x51: {  	_ =	shalt  }
0x52: {  	_ =	shalt  }
0x53: {  	_ =	shalt  }
0x54: {  	_ =	shalt  }
0x55: {  	_ =	shalt  }
0x56: {  	_ =	shalt  }
0x57: {  	_ =	shalt  }
0x58: {  	_ =	shalt  }
0x59: {  	_ =	shalt  }
0x5a: {  	_ =	shalt  }
0x5b: {  	_ =	shalt  }
0x5c: {  	_ =	shalt  }
0x5d: {  	_ =	shalt  }
0x5e: {  	_ =	shalt  }
0x5f: {  	_ =	shalt  }
0x60: {  	_ =	shalt  }
0x61: {  	_ =	shalt  }
0x62: {  	_ =	shalt  }
0x63: {  	_ =	shalt  }
0x64: {  	_ =	shalt  }
0x65: {  	_ =	shalt  }
0x66: {  	_ =	shalt  }
0x67: {  	_ =	shalt  }
0x68: {  	_ =	shalt  }
0x69: {  	_ =	shalt  }
0x6a: {  	_ =	shalt  }
0x6b: {  	_ =	shalt  }
0x6c: {  	_ =	shalt  }
0x6d: {  	_ =	shalt  }
0x6e: {  	_ =	shalt  }
0x6f: {  	_ =	shalt  }
0x70: {  	_ =	shalt  }
0x71: {  	_ =	shalt  }
0x72: {  	_ =	shalt  }
0x73: {  	_ =	shalt  }
0x74: {  	_ =	shalt  }
0x75: {  	_ =	shalt  }
0x76: {  	_ =	shalt  }
0x77: {  	_ =	shalt  }
0x78: {  	_ =	shalt  }
0x79: {  	_ =	shalt  }
0x7a: {  	_ =	shalt  }
0x7b: {  	_ =	shalt  }
0x7c: {  	_ =	shalt  }
0x7d: {  	_ =	shalt  }
0x7e: {  	_ =	shalt  }
0x7f: {  	_ =	shalt  }
0x80: {  	_ =	shalt  }
0x81: {  	_ =	shalt  }
0x82: {  	_ =	shalt  }
0x83: {  	_ =	shalt  }
0x84: {  	_ =	shalt  }
0x85: {  	_ =	shalt  }
0x86: {  	_ =	shalt  }
0x87: {  	_ =	shalt  }
.Lfunc_end0:
.L_simem_size_0:
called_computation_lowered:
.L_overlay_start_0:
0x88: {  	s2 =	sld [smem:$0x3FD9]  }
0x89: {  	s3 =	sld [smem:$0x3FFE];
	_ =	sdelay $0x1  }
0x8a: {  	s1 =	srdreg.scid  }
0x8b: {  	s0 =	sand.u32 $0x1, s1  }
0x8c: {  	s17 =	sshll.u32 s0, $0xA;
	s2 =	sadd.s32 s3, s2  }
0x8d: {  	s2 =	sadd.s32 s2, s17  }
0x8e: {  	[smem:$0x3FBF] =	sst s2  }
0x8f: {  	_ = 	snop  }
0x90: {  	s2 =	sld [smem:$0x3FD0];
	(tm) =	ssettm $0x1  }
0x91: {  	s18 =	sld [smem:$0x3FFB];
	_ =	sdelay $0x3  }
0x92: {  	_ =	strace s18  }
0x93: {  	s3 =	sld [smem:$0x3FFC];
	_ =	sdelay $0x3  }
0x94: {  	_ =	strace s3  }
0x95: {  	s3 =	sld [smem:$0x3FFD];
	_ =	sdelay $0x3  }
0x96: {  	_ =	strace s3  }
0x97: {  	_ =	strace $0x8FFFFFFF  }
0x98: {  	s19 =	sld [smem:$0x3FDB];
	_ =	sdelay $0x1  }
0x99: {  	s4 =	simm.s32 $_scs_section_size  }
0x9a: {  	s5 =	simm.s32 $_size__tile_overlayer_lowered;
	s6 =	simm.s32 $_tile_overlayer_lowered  }
0x9b: {  	s22 =	simm.s32 $0x1BFF;
	s21 =	sshll.u32 s6, $0x1;
	s3 =	sadd.s32 s4, s19  }
0x9c: {  	s7 =	simm.s32 $0x0;
	s20 =	sshll.u32 s5, $0x1;
	s5 =	sadd.s32 s21, s3  }
0x9d: {  	[timem:s7], [sflag:s22] =	dma.local [hbm:s5], s20  }
0x9e: {  	_ =	swait.ge [sflag:s22], s20  }
0x9f: {  	s4 =	ssub.s32 $0x0, s20;
	[sflag:s22] =	ssyncset.done $0x0  }
0xa0: {  	[sflag:s22] =	ssyncadd.s32 s4;
	_ =	sdelay $0x1  }
0xa1: {  	s23 =	simm.s32 $0x1B8B  }
0xa2: {  	_ =	swait.ge [sflag:s23], $0x1  }
0xa3: {  	[sflag:s23] =	ssyncset.done $0x0  }
0xa4: {  	s25 =	simm.s32 $0x1B8E;
	s24 =	sld [smem:$0x3FFE];
	[sflag:s23] =	ssyncadd.s32 $0xFFFFFFFF  }
0xa5: {  	s26 =	simm.s32 $execute0_lowered;
	[smem:$0x3FD2] =	sst s25  }
0xa6: {  	s5 =	sshll.u32 s26, $0x1;
	_ =	strace $0x80000046;
	[dreg:$0x1] =	wrdreg $0xFFFFFFFF  }
0xa7: {  	s28 =	simm.s32 $_size_execute0_lowered;
	s3 =	sadd.s32 s3, s5;
	[dreg:$0x0] =	wrdreg $0x0  }
0xa8: {  	s5 =	sshll.u32 s28, $0x1;
	[dreg:$0x2] =	wrdreg s3  }
0xa9: {  	[dreg:$0x3] =	wrdreg s5  }
0xaa: {  	[dreg:$0x4] =	wrdreg $0xC0  }
0xab: {  	_ =	task [dreg:s7], $0x5FFFF  }
0xac: {  	[dreg:$0x1] =	wrdreg $0xFFFFFFFF  }
0xad: {  	[dreg:$0x0] =	wrdreg $0x60  }
0xae: {  	[dreg:$0x2] =	wrdreg s2  }
0xaf: {  	[dreg:$0x3] =	wrdreg s24  }
0xb0: {  	[dreg:$0x4] =	wrdreg $0x0  }
0xb1: {  	[dreg:$0x5] =	wrdreg $0xC3500  }
0xb2: {  	[dreg:$0x6] =	wrdreg $0x9  }
0xb3: {  	_ =	task.clear_ibuf [dreg:s7], $0x7FFFF;
	_ =	strace $0x90000046  }
0xb4: {  	s29 =	simm.s32 $0x9;
	_ =	strace $0x80000048  }
0xb5: {  	_ =	swait.ge [sflag:s29], $0x1  }
0xb6: {  	[sflag:s29] =	ssyncadd.s32 $0xFFFFFFFF  }
0xb7: {  	_ =	strace $0x90000048  }
0xb8: {  	_ =	sfence  }
0xb9: {  	s30 =	sld [smem:$0x0];
	_ =	sdelay $0x2  }
0xba: {  	s31 =	sshll.u32 s1, $0xD;
	s1 =	sshrl.u32 s1, $0x2  }
0xbb: {  	s3 =	sand.u32 $0x4000, s31;
	s1 =	sadd.s32 s1, s30  }
0xbc: {  	s0 =	sor.u32 s3, s0;
	s1 =	sshll.u32 s1, $0x11  }
0xbd: {  	s0 =	sor.u32 s1, s0  }
0xbe: {  	s0 =	sadd.s32 $0x8F2B, s0  }
0xbf: {  	[sflag:s0] =	ssyncadd.remote.s32 $0x1  }
0xc0: {  	_ =	sfence.sel $0xFFFF  }
0xc1: {  	[dreg:$0x0] =	wrdreg $0xFFFFFFFF;
	(pc) =	sbr.abs _section_cstart, $3  }
0xc2: {  	[dreg:$0x1] =	wrdreg $0xFFFFFFFF  }
0xc3: {  	_ =	task.clear_ibuf [dreg:s7], $0x2FFFF;
	_ =	strace $0x9FFFFFFF  }
0xc4: {  	(tm) =	ssettm $0x7FFFFFFF  }
0xc5: {  	_ =	shalt  }
tec
execute0_lowered:
.L_overlay_start_1:
0x0: {  	(tag) =	ssettag $0x1  }
0x1: {  	s1 =	rddreg [dreg:$0x0]  }
0x2: {  	s0 =	rddreg [dreg:$0x1]  }
0x3: {  	s2 =	rddreg [dreg:$0x2]  }
0x4: {  	s3 =	rddreg [dreg:$0x3];
	s4 =	simm.s32 $0x0;
	s26 =	srdreg.scid  }
0x5: {  	s13 =	stileid.u32;
	s15 =	simm.s32 $0x4F;
	s28 =	simm.s32 $0x80  }
0x6: {  	[smem:$0x7FF] =	sst s4;
	s5 =	sadd.s32 $0xC5000, s0;
	s9 =	smul.u32 $0x4E, s13  }
0x7: {  	s7 =	sadd.s32 $0xCFA000, s0;
	s6 =	sadd.s32 $0x157A00, s0;
	s11 =	smul.u32 $0xC350, s13  }
0x8: {  	s0 =	sadd.s32 $0xF5E00, s0;
	p0 =	slt.u32 s13, $0x2;
	s12 =	smul.u32 $0x4F, s13  }
0x9: {  	s25 =	smul.u32 $0x30D40, s13;
	s13 =	simm.s32 $0x2;
	_ =	strace $0x80000047  }
0xa: {  	[dreg:$0x5] =	wrdreg s5;
	s5 =	sand.u32 $0x1, s26;
	s15 =	simm.s32 @!p0 $0x4E  }
0xb: {  	s8 =	ssub.s32 $0x2, s5;
	s29 =	smul.u32 $0x186A00, s5;
	s14 =	sshllo.u32 s5, $0x1  }
0xc: {  	s16 =	sadd.s32 $0x2, s9;
	[dreg:$0x6] =	wrdreg s15;
	s24 =	sadd.s32 s11, s2  }
0xd: {  	s26 =	sadd.s32 s11, s3;
	s10 =	sshrl.u32 s8, $0x1;
	[dreg:$0x9] =	wrdreg s24  }
0xe: {  	s31 =	smul.u32 $0xC3500, s14;
	s16 =	smov.u32 @p0 s12;
	[dreg:$0xb] =	wrdreg s26  }
0xf: {  	s24 =	simm.s32 $0x5;
	s12 =	simm.s32 $0x1ECA0;
	s8 =	ssub.s32 s8, s10  }
0x10: {  	s30 =	sadd.s32 s11, s29;
	[dreg:$0x7] =	wrdreg s16;
	s16 =	sshll.u32 s5, $0x1  }
0x11: {  	s9 =	sshrl.u32 s30, $0x3;
	s10 =	sadd.s32 s11, s31;
	s29 =	smax.u32 s8, $0x1  }
0x12: {  	s30 =	sshrl.u32 s25, $0x2;
	s31 =	sshll.u32 s5, $0x5;
	s11 =	simm.s32 $0x1  }
0x13: {  	s5 =	simm.s32 $0x0;
	s23 =	sadd.s32 s6, s9;
	s10 =	sshrl.u32 s10, $0x3  }
0x14: {  	s9 =	sadd.s32 s0, s9;
	[dreg:$0xe] =	wrdreg s29;
	s17 =	sadd.s32 s30, s2  }
0x15: {  	s18 =	sadd.s32 s30, s3;
	s19 =	sadd.s32 $0x19DA0, s31;
	[dreg:$0x8] =	wrdreg s23  }
0x16: {  	s20 =	sadd.s32 $0x1BDA0, s31;
	[dreg:$0xa] =	wrdreg s9;
	s6 =	sadd.s32 s6, s10  }
0x17: {  	s21 =	sadd.s32 $0x19DB0, s31;
	s0 =	sadd.s32 s0, s10;
	[dreg:$0xc] =	wrdreg s6  }
0x18: {  	v2 =	vimm.f32 $0.0e+00;
	v1 =	vmov s14;
	v0 =	vmov s16;
	s22 =	sadd.s32 $0x1BDB0, s31;
	s23 =	simm.s32 $0x1DCA0;
	[dreg:$0xd] =	wrdreg s0  }
.LBB2_1:
0x19: {  	[dreg:$0xf] =	wrdreg s5;
	s0 =	simm.s32 $0x0  }
.LBB2_2:
0x1a: {  	p0 =	sne.s32 s0, $0x1F00  }
.Ltmp0:
0x1b: {  	_ = 	snop;
	(pc) =	sbr.rel @p0 .LBB2_2-.Ltmp0, $3  }
0x1c: {  	_ =	sdelay $0x1  }
0x1d: {  	s5 =	sshra.s32 s0, $0x2  }
0x1e: {  	s0 =	sadd.s32 $0x40, s0;
	[tilespmem:s5+$0x1DCA0] =	vst v2  }
0x1f: {  	s0 =	sadd.s32 $0x0, s17  }
0x20: {  	[spmem:s0] =	stream.linear.scatter [tilespmem:s23], [sflag:$0x5], $0x7D0, $0x38;
	[tilespmem:$0x1FCA0] =	vst v63  }
0x21: {  	_ =	swait.ge [sflag:s24], $0x7D0  }
0x22: {  	[sflag:s24] =	ssyncset.done $0x0  }
0x23: {  	s31 =	sadd.s32 $0x0, s18;
	[sflag:s24] =	ssyncadd.s32 $0xFFFFF830  }
0x24: {  	[spmem:s31] =	stream.linear.scatter [tilespmem:s23], [sflag:$0x5], $0x7D0, $0x38;
	[tilespmem:$0x1FCA0] =	vst v63  }
0x25: {  	_ =	swait.ge [sflag:s24], $0x7D0  }
0x26: {  	s5 =	simm.s32 $0x3E80;
	s0 =	simm.s32 $0x7D0;
	[sflag:s24] =	ssyncset.done $0x0  }
.LBB2_4:
0x27: {  	s6 =	sadd.s32 s0, s17  }
0x28: {  	[sflag:s24] =	ssyncadd.s32 $0xFFFFF830;
	s8 =	smov.u32 s5;
	s9 =	sadd.s32 $0x1F40, s5  }
0x29: {  	[spmem:s6] =	stream.linear.scatter [tilespmem:s23], [sflag:$0x5], $0x7D0, $0x38;
	[tilespmem:$0x1FCA0] =	vst v63  }
0x2a: {  	p0 =	sne.s32 s5, $0x2EE00;
	_ =	swait.ge [sflag:s24], $0x7D0  }
.Ltmp1:
0x2b: {  	[sflag:s24] =	ssyncset.done $0x0;
	(pc) =	sbr.rel @p0 .LBB2_4-.Ltmp1, $4  }
0x2c: {  	s0 =	sadd.s32 s0, s18;
	[sflag:s24] =	ssyncadd.s32 $0xFFFFF830  }
0x2d: {  	[spmem:s0] =	stream.linear.scatter [tilespmem:s23], [sflag:$0x5], $0x7D0, $0x38;
	[tilespmem:$0x1FCA0] =	vst v63  }
0x2e: {  	_ =	swait.ge [sflag:s24], $0x7D0  }
0x2f: {  	s5 =	smov.u32 s9;
	s0 =	sshra.s32 s8, $0x2;
	[sflag:s24] =	ssyncset.done $0x0  }
0x30: {  	s5 =	sadd.s32 s0, s17;
	[sflag:s24] =	ssyncadd.s32 $0xFFFFF830  }
0x31: {  	[spmem:s5] =	stream.linear.scatter [tilespmem:s23], [sflag:$0x5], $0x7D0, $0x38;
	[tilespmem:$0x1FCA0] =	vst v63  }
0x32: {  	_ =	swait.ge [sflag:s24], $0x7D0  }
0x33: {  	[sflag:s24] =	ssyncset.done $0x0  }
0x34: {  	s31 =	sadd.s32 s0, s18;
	[sflag:s24] =	ssyncadd.s32 $0xFFFFF830  }
0x35: {  	[spmem:s31] =	stream.linear.scatter [tilespmem:s23], [sflag:$0x5], $0x7D0, $0x38;
	[tilespmem:$0x1FCA0] =	vst v63  }
0x36: {  	_ =	swait.ge [sflag:s24], $0x7D0  }
0x37: {  	[sflag:s24] =	ssyncset.done $0x0  }
0x38: {  	[sflag:s24] =	ssyncadd.s32 $0xFFFFF830  }
0x39: {  	s6 =	simm.s32 $0x0;
	[bflag:$0x0] =	sbarrier.arrive $0xFFFF  }
.LBB2_6:
0x3a: {  	p0 =	seq.s32 s6, $0x0  }
0x3b: {  	s0 =	simm.s32 @!p0 $0x3  }
0x3c: {  	_ =	swait.ge @!p0 [sflag:s0], $0x800  }
0x3d: {  	[sflag:s0] =	ssyncset.done @!p0 $0x0  }
0x3e: {  	[sflag:s0] =	ssyncadd.s32 @!p0 $0xFFFFF800  }
0x3f: {  	_ =	swait.ge @!p0 [sflag:s0], $0x800  }
0x40: {  	[sflag:s0] =	ssyncset.done @!p0 $0x0  }
0x41: {  	[sflag:s0] =	ssyncadd.s32 @!p0 $0xFFFFF800;
	s0 =	simm.s32 @!p0 $0x4  }
0x42: {  	_ =	swait.ge @!p0 [sflag:s0], $0x800  }
0x43: {  	s5 =	rddreg [dreg:$0x7]  }
0x44: {  	[sflag:s0] =	ssyncset.done @!p0 $0x0;
	s5 =	sadd.s32 s5, s6  }
0x45: {  	[dreg:$0x13] =	wrdreg s6;
	[sflag:s0] =	ssyncadd.s32 @!p0 $0xFFFFF800;
	s6 =	smul.u32 $0x280, s5  }
0x46: {  	s25 =	simm.s32 $0x186A0;
	_ =	swait.ge @!p0 [sflag:s0], $0x800  }
0x47: {  	[sflag:s0] =	ssyncset.done @!p0 $0x0;
	s16 =	rddreg [dreg:$0x5];
	s6 =	sshrl.u32 s6, $0x3  }
0x48: {  	s9 =	simm.s32 $0x0;
	[sflag:s0] =	ssyncadd.s32 @!p0 $0xFFFFF800;
	s0 =	sadd.s32 s16, s6  }
0x49: {  	[tilespmem:s25], [sflag:$0x5] =	stream.linear.gather [hbm4b:s0+s9], $0x280, $0x38;
	[tilespmem:$0x1FCA0] =	vst v63  }
0x4a: {  	_ =	swait.ge [sflag:s24], $0x280  }
0x4b: {  	[sflag:s24] =	ssyncset.done $0x0  }
0x4c: {  	s26 =	simm.s32 $0x18920;
	s0 =	sadd.s32 $0x186A0, s0;
	[sflag:s24] =	ssyncadd.s32 $0xFFFFFD80  }
0x4d: {  	[tilespmem:s26], [sflag:$0x5] =	stream.linear.gather [hbm4b:s0+s9], $0x280, $0x38;
	[tilespmem:$0x1FCA0] =	vst v63  }
0x4e: {  	_ =	swait.ge [sflag:s24], $0x280  }
0x4f: {  	[sflag:s24] =	ssyncset.done $0x0  }
0x50: {  	[sflag:s24] =	ssyncadd.s32 $0xFFFFFD80  }
0x51: {  	v3 =	vld [tilespmem:$0x186A0]  }
0x52: {  	v4 =	vld [tilespmem:$0x186B0]  }
0x53: {  	v5 =	vld [tilespmem:$0x186C0]  }
0x54: {  	v6 =	vld [tilespmem:$0x186D0]  }
0x55: {  	v7 =	vld [tilespmem:$0x186E0]  }
0x56: {  	v8 =	vld [tilespmem:$0x186F0];
	v3 =	vshll.u32 v3, $0x2  }
0x57: {  	v9 =	vld [tilespmem:$0x18700];
	v4 =	vshll.u32 v4, $0x2;
	v3 =	vor.u32 v0, v3  }
0x58: {  	v58 =	vld [tilespmem:$0x18710];
	v57 =	vshll.u32 v5, $0x2;
	[tilespmem:$0x18BA0] =	vst v3;
	v3 =	vor.u32 v0, v4  }
0x59: {  	v59 =	vshll.u32 v6, $0x2;
	[tilespmem:$0x18BB0] =	vst v3;
	v3 =	vor.u32 v0, v57  }
0x5a: {  	v60 =	vshll.u32 v7, $0x2;
	[tilespmem:$0x18BC0] =	vst v3;
	v3 =	vor.u32 v0, v59  }
0x5b: {  	v61 =	vshll.u32 v8, $0x2;
	[tilespmem:$0x18BD0] =	vst v3;
	v3 =	vor.u32 v0, v60  }
0x5c: {  	v62 =	vshll.u32 v9, $0x2;
	[tilespmem:$0x18BE0] =	vst v3;
	v3 =	vor.u32 v0, v61  }
0x5d: {  	s29 =	smul.u32 $0xA000, s5;
	v63 =	vshll.u32 v58, $0x2;
	[tilespmem:$0x18BF0] =	vst v3;
	v3 =	vor.u32 v0, v62  }
0x5e: {  	[tilespmem:$0x18C00] =	vst v3;
	v3 =	vor.u32 v0, v63  }
0x5f: {  	s30 =	simm.s32 $0x18BA0;
	s8 =	simm.s32 $0x18CA0;
	s0 =	sshrl.u32 s29, $0x3;
	[tilespmem:$0x18C10] =	vst v3  }
0x60: {  	[tilespmem:s8], [sflag:$0x1] =	stream.indirect.gather [hbm4b:s1+s28], $0x10, s30, s28, $0xb8;
	[tilespmem:$0x1FCA0] =	vst v63  }
0x61: {  	s31 =	simm.s32 $0x19CA0;
	p2 =	por $0x1, $0x1;
	s0 =	sadd.s32 s7, s0  }
0x62: {  	[tilespmem:s31], [sflag:$0x1] =	stream.linear.gather [hbm4b:s0+s9], $0x2000, $0x38;
	[tilespmem:$0x1FCA0] =	vst v63  }
0x63: {  	p1 =	por $0x0, $0x0;
	s26 =	simm.s32 $0x0;
	s9 =	smul.u32 $0x5, s5  }
.LBB2_7:
0x64: {  	s0 =	sshllo.u32 s26, $0x1  }
0x65: {  	s25 =	sshll.u32 s0, $0x7  }
0x66: {  	v3 =	vld [tilespmem:s25+$0x186A0];
	_ =	sdelay $0x4  }
0x67: {  	v3 =	vshll.u32 v3, $0x2  }
0x68: {  	v3 =	vor.u32 v0, v3  }
0x69: {  	[tilespmem:$0x18C20] =	vst v3  }
0x6a: {  	v3 =	vld [tilespmem:s25+$0x186B0];
	_ =	sdelay $0x4  }
0x6b: {  	v3 =	vshll.u32 v3, $0x2  }
0x6c: {  	v3 =	vor.u32 v0, v3  }
0x6d: {  	[tilespmem:$0x18C30] =	vst v3  }
0x6e: {  	v3 =	vld [tilespmem:s25+$0x186C0];
	_ =	sdelay $0x4  }
0x6f: {  	v3 =	vshll.u32 v3, $0x2  }
0x70: {  	v3 =	vor.u32 v0, v3  }
0x71: {  	[tilespmem:$0x18C40] =	vst v3  }
0x72: {  	v3 =	vld [tilespmem:s25+$0x186D0];
	_ =	sdelay $0x4  }
0x73: {  	v3 =	vshll.u32 v3, $0x2  }
0x74: {  	v3 =	vor.u32 v0, v3  }
0x75: {  	[tilespmem:$0x18C50] =	vst v3  }
0x76: {  	v3 =	vld [tilespmem:s25+$0x186E0];
	_ =	sdelay $0x4  }
0x77: {  	v3 =	vshll.u32 v3, $0x2  }
0x78: {  	v3 =	vor.u32 v0, v3  }
0x79: {  	[tilespmem:$0x18C60] =	vst v3  }
0x7a: {  	v3 =	vld [tilespmem:s25+$0x186F0];
	_ =	sdelay $0x4  }
0x7b: {  	v3 =	vshll.u32 v3, $0x2  }
0x7c: {  	v3 =	vor.u32 v0, v3  }
0x7d: {  	[tilespmem:$0x18C70] =	vst v3  }
0x7e: {  	v3 =	vld [tilespmem:s25+$0x18700];
	_ =	sdelay $0x4  }
0x7f: {  	v3 =	vshll.u32 v3, $0x2  }
0x80: {  	v3 =	vor.u32 v0, v3  }
0x81: {  	[tilespmem:$0x18C80] =	vst v3  }
0x82: {  	v3 =	vld [tilespmem:s25+$0x18710];
	_ =	sdelay $0x4  }
0x83: {  	s0 =	sadd.s32 s9, s0;
	v3 =	vshll.u32 v3, $0x2  }
0x84: {  	s0 =	sshll.u32 s0, $0xA;
	v3 =	vor.u32 v0, v3  }
0x85: {  	s5 =	simm.s32 $0x18C20;
	s6 =	simm.s32 $0x194A0;
	s0 =	sand.u32 $0x1FFFFC00, s0;
	[tilespmem:$0x18C90] =	vst v3  }
0x86: {  	[tilespmem:s6], [sflag:$0x2] =	stream.indirect.gather [hbm4b:s1+s28], $0x10, s5, s28, $0xb8;
	[tilespmem:$0x1FCA0] =	vst v63  }
0x87: {  	s16 =	simm.s32 $0x1BCA0;
	s0 =	sadd.s32 s7, s0  }
0x88: {  	[tilespmem:s16], [sflag:$0x2] =	stream.linear.gather [hbm4b:s0+s4], $0x2000, $0x38;
	[tilespmem:$0x1FCA0] =	vst v63  }
0x89: {  	_ =	swait.ge [sflag:s11], $0x800  }
0x8a: {  	[sflag:s11] =	ssyncset.done $0x0  }
0x8b: {  	[sflag:s11] =	ssyncadd.s32 $0xFFFFF800  }
0x8c: {  	_ =	swait.ge [sflag:s11], $0x2000  }
0x8d: {  	[sflag:s11] =	ssyncset.done $0x0  }
0x8e: {  	s0 =	simm.s32 @p1 $0x3;
	[sflag:s11] =	ssyncadd.s32 $0xFFFFE000  }
0x8f: {  	_ =	swait.ge @p1 [sflag:s0], $0x800  }
0x90: {  	[sflag:s0] =	ssyncset.done @p1 $0x0  }
0x91: {  	[sflag:s0] =	ssyncadd.s32 @p1 $0xFFFFF800  }
0x92: {  	_ =	swait.ge @p1 [sflag:s0], $0x800  }
0x93: {  	[sflag:s0] =	ssyncset.done @p1 $0x0  }
0x94: {  	s5 =	simm.s32 $0x18CE0;
	[sflag:s0] =	ssyncadd.s32 @p1 $0xFFFFF800  }
0x95: {  	v3 =	vld [tilespmem:s5+$0x0]  }
0x96: {  	v4 =	vld [tilespmem:s5+$0xFFFFFFC0]  }
0x97: {  	v5 =	vld [tilespmem:s5+$0x30]  }
0x98: {  	v6 =	vld [tilespmem:s19+$0xFFFFFF40]  }
0x99: {  	v7 =	vld [tilespmem:s19+$0x0]  }
0x9a: {  	v8 =	vld [tilespmem:s19+$0xC0]  }
0x9b: {  	v9 =	vld [tilespmem:s19+$0x80]  }
0x9c: {  	v10 =	vld [tilespmem:s5+$0x20]  }
0x9d: {  	v11 =	vld [tilespmem:s19+$0xFFFFFF00]  }
0x9e: {  	v12 =	vld [tilespmem:s5+$0xFFFFFFD0]  }
0x9f: {  	v14 =	vld [tilespmem:s5+$0x10]  }
0xa0: {  	v15 =	vld [tilespmem:s19+$0x40]  }
0xa1: {  	v13 =	vld [tilespmem:s19+$0xFFFFFFC0]  }
0xa2: {  	s8 =	sadd.s32 $0x200, s19;
	v16 =	vld [tilespmem:s5+$0xFFFFFFE0]  }
0xa3: {  	s14 =	sadd.s32 $0x200, s8;
	v17 =	vld [tilespmem:s5+$0xFFFFFFF0]  }
0xa4: {  	s10 =	simm.s32 $0x18DE0;
	v29 =	vld [tilespmem:s14+$0xFFFFFF40]  }
0xa5: {  	v61 =	vld [tilespmem:s10+$0xFFFFFFD0]  }
0xa6: {  	s6 =	simm.s32 $0x18D60;
	v18 =	vld [tilespmem:s19+$0xFFFFFF80]  }
0xa7: {  	v19 =	vld [tilespmem:s6+$0x0];
	v5 =	vadd.f32 v5, v8  }
0xa8: {  	v20 =	vld [tilespmem:s6+$0xFFFFFFC0];
	v4 =	vadd.f32 v4, v11;
	v3 =	vadd.f32 v3, v7  }
0xa9: {  	v8 =	vld [tilespmem:s6+$0x30];
	v7 =	vadd.f32 v10, v9;
	v6 =	vadd.f32 v12, v6  }
0xaa: {  	v9 =	vld [tilespmem:s8+$0xFFFFFF40];
	v29 =	vadd.f32 v61, v29;
	v5 =	vmax.f32 v5, $0.0e+00;
	v4 =	vmax.f32 v4, $0.0e+00  }
0xab: {  	v10 =	vld [tilespmem:s8+$0x0];
	v6 =	vmax.f32 v6, $0.0e+00;
	v3 =	vmax.f32 v3, $0.0e+00;
	v11 =	vadd.f32 $1.000000010e-07, v5  }
0xac: {  	v12 =	vadd.f32 $1.000000010e-07, v4;
	v4 =	vmax.f32 v7, $0.0e+00;
	v5 =	vld [tilespmem:s8+$0xC0];
	v7 =	vadd.f32 v17, v13  }
0xad: {  	v17 =	vld [tilespmem:s8+$0x80];
	v23 =	vadd.f32 $1.000000010e-07, v3;
	v31 =	vadd.f32 $1.000000010e-07, v6  }
0xae: {  	v3 =	vadd.f32 v16, v18;
	v18 =	vld [tilespmem:s6+$0xFFFFFFD0];
	v24 =	vadd.f32 $1.000000010e-07, v4  }
0xaf: {  	v4 =	vld [tilespmem:s6+$0x20];
	v21 =	vmul.f32 $1.442695020e+00, v12;
	v6 =	vmax.f32 v7, $0.0e+00;
	v13 =	vmul.f32 $1.442695020e+00, v11  }
0xb0: {  	v7 =	vld [tilespmem:s8+$0xFFFFFF00];
	v22 =	vmul.f32 $1.442695020e+00, v31;
	v25 =	vmul.f32 $1.442695020e+00, v23;
	v6 =	vadd.f32 $1.000000010e-07, v6  }
0xb1: {  	v26 =	vld [tilespmem:s6+$0x10];
	v3 =	vmax.f32 v3, $0.0e+00;
	v16 =	vmul.f32 $1.442695020e+00, v24;
	(erf) = vpow2.f32 v13  }
0xb2: {  	v30 =	vld [tilespmem:s14+$0xC0];
	v13 =	vadd.f32 $1.000000010e-07, v3;
	v27 =	vmul.f32 $1.442695020e+00, v6;
	v3 =	vadd.f32 v8, v5  }
0xb3: {  	(erf) = vpow2.f32 v21;
	v8 =	vld [tilespmem:s8+$0xFFFFFFC0];
	v5 =	vadd.f32 v19, v10;
	v10 =	vadd.f32 v14, v15  }
0xb4: {  	v19 =	vld [tilespmem:s6+$0xFFFFFFF0];
	v9 =	vadd.f32 v18, v9;
	(erf) = vpow2.f32 v22;
	v15 =	vmul.f32 $1.442695020e+00, v13  }
0xb5: {  	v14 =	vld [tilespmem:s6+$0xFFFFFFE0];
	v4 =	vadd.f32 v4, v17;
	v3 =	vmax.f32 v3, $0.0e+00;
	v7 =	vadd.f32 v20, v7  }
0xb6: {  	(erf) = vpow2.f32 v16;
	v16 =	vld [tilespmem:s8+$0xFFFFFF80];
	v10 =	vmax.f32 v10, $0.0e+00;
	v5 =	vmax.f32 v5, $0.0e+00  }
0xb7: {  	v39 =	vld [tilespmem:s14+$0xFFFFFF00];
	v9 =	vmax.f32 v9, $0.0e+00;
	v3 =	vadd.f32 $1.000000010e-07, v3;
	(erf) = vpow2.f32 v27  }
0xb8: {  	v20 =	vld [tilespmem:s10+$0x30];
	v4 =	vmax.f32 v4, $0.0e+00;
	v5 =	vadd.f32 $1.000000010e-07, v5;
	v7 =	vmax.f32 v7, $0.0e+00  }
0xb9: {  	v27 =	vld [tilespmem:s10+$0xFFFFFFC0];
	(erf) = vpow2.f32 v25;
	v7 =	vadd.f32 $1.000000010e-07, v7;
	v17 =	vadd.f32 v19, v8  }
0xba: {  	v18 =	vld [tilespmem:s10+$0x0];
	v8 =	vadd.f32 $1.000000010e-07, v4;
	v4 =	vadd.f32 $1.000000010e-07, v9;
	(erf) = vpow2.f32 v15  }
0xbb: {  	v22 =	vld [tilespmem:s14+$0x0];
	v33 =	vmul.f32 $1.442695020e+00, v3;
	v19 =	vmul.f32 $1.442695020e+00, v7;
	v16 =	vadd.f32 v14, v16  }
0xbc: {  	v28 =	vld [tilespmem:s8+$0x40];
	s5 =	simm.s32 $0x1DCE0;
	v9 =	vmax.f32 v17, $0.0e+00;
	v32 =	vmul.f32 $1.442695020e+00, v8;
	v35 =	vmul.f32 $1.442695020e+00, v4;
	v25 =	vpop (erf)  }
0xbd: {  	v34 =	vld [tilespmem:s14+$0x80];
	v17 =	vmul.f32 $1.442695020e+00, v5;
	v14 =	vadd.f32 $1.000000010e-07, v10;
	v20 =	vadd.f32 v20, v30;
	v15 =	vpop (erf);
	[tilespmem:s5+$0x30] =	vst v25  }
0xbe: {  	v38 =	vld [tilespmem:s10+$0x20];
	v9 =	vadd.f32 $1.000000010e-07, v9;
	(erf) = vpow2.f32 v33;
	v62 =	vadd.f32 v27, v39;
	v36 =	vpop (erf);
	[tilespmem:s5+$0xFFFFFFC0] =	vst v15  }
0xbf: {  	v25 =	vmul.f32 v25, v11;
	v37 =	vmul.f32 v15, v12;
	v12 =	vmax.f32 v16, $0.0e+00;
	v10 =	vpop (erf);
	[tilespmem:s5+$0xFFFFFFD0] =	vst v36  }
0xc0: {  	s29 =	simm.s32 $0x1ECE0;
	v11 =	vld [tilespmem:s14+$0x40];
	v15 =	vadd.f32 v18, v22;
	v18 =	vmul.f32 $1.442695020e+00, v14;
	(erf) = vpow2.f32 v19;
	[tilespmem:s5+$0x20] =	vst v10  }
0xc1: {  	v16 =	vld [tilespmem:s10+$0x10];
	v19 =	vadd.f32 v26, v28;
	(erf) = vpow2.f32 v35;
	v22 =	vpop (erf);
	[tilespmem:s29+$0xFFFFFFC0] =	vst v37;
	v26 =	vmul.f32 v10, v24  }
0xc2: {  	v21 =	vmul.f32 $1.442695020e+00, v9;
	v12 =	vadd.f32 $1.000000010e-07, v12;
	v24 =	vld [tilespmem:s14+$0xFFFFFFC0];
	(erf) = vpow2.f32 v18;
	[tilespmem:s5+$0xFFFFFFF0] =	vst v22;
	v30 =	vpop (erf)  }
0xc3: {  	s30 =	simm.s32 $0x10;
	s15 =	simm.s32 $0x1DD60;
	v28 =	vadd.f32 v38, v34;
	v31 =	vmul.f32 v36, v31;
	v18 =	vld [tilespmem:s10+$0xFFFFFFE0];
	v63 =	vmul.f32 v30, v23;
	[tilespmem:s29+$0x20] =	vst v26  }
0xc4: {  	p0 =	por p2, p2;
	s31 =	simm.s32 $0x18E60;
	s0 =	simm.s32 $0x1ED60;
	v10 =	vmax.f32 v20, $0.0e+00;
	v20 =	vmul.f32 $1.442695020e+00, v12;
	(erf) = vpow2.f32 v32;
	v26 =	vld [tilespmem:s10+$0xFFFFFFF0];
	[tilespmem:s5+$0x0] =	vst v30  }
0xc5: {  	s16 =	sshll.u32 s26, $0x1;
	s6 =	simm.s32 $0x1EDE0;
	v19 =	vmax.f32 v19, $0.0e+00;
	v10 =	vadd.f32 $1.000000010e-07, v10;
	v27 =	vpop (erf);
	v30 =	vmax.f32 v62, $0.0e+00;
	v23 =	vld [tilespmem:s14+$0xFFFFFF80];
	s10 =	simm.s32 $0x1DD60;
	[tilespmem:s29+$0x0] =	vst v63  }
.LBB2_8:
0xc6: {  	v32 =	vld [tilespmem:s31+$0x0];
	s30 =	sadd.s32 $0x8, s30;
	v30 =	vadd.f32 $1.000000010e-07, v30;
	v28 =	vmax.f32 v28, $0.0e+00;
	s14 =	sadd.s32 $0x200, s14;
	s15 =	sadd.s32 $0x80, s15;
	(erf) = vpow2.f32 v21;
	[tilespmem:s29+$0x30] =	vst v25;
	v33 =	vmovc v16  }
0xc7: {  	v37 =	vmax.f32 v15, $0.0e+00;
	v21 =	vmul.f32 v22, v6;
	v34 =	vld [tilespmem:s31+$0xFFFFFFC0];
	p2 =	slt.u32 s30, $0x78;
	v16 =	vmax.f32 v29, $0.0e+00;
	v25 =	vpop (erf);
	[tilespmem:s29+$0xFFFFFFD0] =	vst v31  }
0xc8: {  	v6 =	vmovc v9;
	v35 =	vadd.f32 $1.000000010e-07, v37;
	v29 =	vld [tilespmem:s31+$0x30];
	v31 =	vmul.f32 $1.442695020e+00, v30;
	[tilespmem:s10+$0x30] =	vst v25;
	(erf) = vpow2.f32 v17  }
0xc9: {  	v17 =	vmul.f32 v27, v13;
	v36 =	vld [tilespmem:s14+$0xFFFFFF40];
	v9 =	vadd.f32 v26, v24;
	v26 =	vadd.f32 $1.000000010e-07, v28;
	v15 =	vpop (erf);
	[tilespmem:s5+$0xFFFFFFE0] =	vst v27  }
0xca: {  	v37 =	vadd.f32 $1.000000010e-07, v16;
	v22 =	vld [tilespmem:s14+$0x0];
	v16 =	vadd.f32 v18, v23;
	[tilespmem:s10+$0xFFFFFFC0] =	vst v15;
	v38 =	vpop (erf);
	(erf) = vpow2.f32 v20  }
0xcb: {  	v20 =	vmul.f32 $1.442695020e+00, v10;
	v18 =	vld [tilespmem:s14+$0xC0];
	v9 =	vmax.f32 v9, $0.0e+00;
	v23 =	vmul.f32 $1.442695020e+00, v26;
	[tilespmem:s29+$0xFFFFFFF0] =	vst v21;
	v21 =	vpop (erf)  }
0xcc: {  	v13 =	vmovc v12;
	v24 =	vmul.f32 $1.442695020e+00, v37;
	v27 =	vmul.f32 v15, v7;
	v7 =	vmovc v30;
	v28 =	vld [tilespmem:s14+$0x80];
	v9 =	vadd.f32 $1.000000010e-07, v9;
	[tilespmem:s29+$0xFFFFFFE0] =	vst v17  }
0xcd: {  	v17 =	vmul.f32 $1.442695020e+00, v35;
	v40 =	vmul.f32 v21, v14;
	v14 =	vadd.f32 $1.000000010e-07, v19;
	v30 =	vld [tilespmem:s31+$0x20];
	v39 =	vpop (erf);
	[tilespmem:s5+$0x10] =	vst v21;
	s5 =	smov.u32 s10;
	s10 =	smov.u32 s15  }
0xce: {  	v12 =	vmax.f32 v16, $0.0e+00;
	v19 =	vld [tilespmem:s14+$0xFFFFFF00];
	v21 =	vmul.f32 $1.442695020e+00, v9;
	(erf) = vpow2.f32 v20;
	[tilespmem:s5+$0x20] =	vst v39  }
0xcf: {  	v12 =	vadd.f32 $1.000000010e-07, v12;
	v41 =	vld [tilespmem:s31+$0xFFFFFFD0];
	v15 =	vadd.f32 v32, v22;
	v32 =	vmul.f32 $1.442695020e+00, v14;
	v22 =	vpop (erf);
	[tilespmem:s29+$0x10] =	vst v40;
	s29 =	smov.u32 s0;
	s0 =	smov.u32 s6  }
0xd0: {  	v25 =	vmul.f32 v25, v3;
	v3 =	vmovc v10;
	v16 =	vld [tilespmem:s31+$0x10];
	v18 =	vadd.f32 v29, v18;
	(erf) = vpow2.f32 v31;
	[tilespmem:s5+$0xFFFFFFF0] =	vst v22  }
.Ltmp2:
0xd1: {  	v39 =	vmul.f32 v39, v8;
	v29 =	vadd.f32 v33, v11;
	v11 =	vld [tilespmem:s14+$0x40];
	(erf) = vpow2.f32 v24;
	[tilespmem:s29+$0xFFFFFFC0] =	vst v27;
	v31 =	vpop (erf);
	(pc) =	sbr.rel @p2 .LBB2_8-.Ltmp2, $4  }
0xd2: {  	v8 =	vmovc v26;
	v20 =	vmul.f32 $1.442695020e+00, v12;
	v24 =	vld [tilespmem:s14+$0xFFFFFFC0];
	v10 =	vmax.f32 v18, $0.0e+00;
	[tilespmem:s5+$0xFFFFFFD0] =	vst v38;
	(erf) = vpow2.f32 v32  }
0xd3: {  	v33 =	vmul.f32 v31, v5;
	v32 =	vadd.f32 v34, v19;
	v18 =	vld [tilespmem:s31+$0xFFFFFFE0];
	v10 =	vadd.f32 $1.000000010e-07, v10;
	[tilespmem:s29+$0x20] =	vst v39;
	v27 =	vpop (erf)  }
0xd4: {  	v28 =	vadd.f32 v30, v28;
	v5 =	vmovc v35;
	v19 =	vmax.f32 v29, $0.0e+00;
	v26 =	vld [tilespmem:s31+$0xFFFFFFF0];
	(erf) = vpow2.f32 v23;
	[tilespmem:s5+$0x0] =	vst v31  }
0xd5: {  	s6 =	sadd.s32 $0x80, s6;
	v29 =	vadd.f32 v41, v36;
	s31 =	sadd.s32 $0x80, s31;
	v31 =	vmul.f32 v38, v4;
	v4 =	vmovc v37;
	v30 =	vmax.f32 v32, $0.0e+00;
	v23 =	vld [tilespmem:s14+$0xFFFFFF80];
	[tilespmem:s29+$0x0] =	vst v33  }
0xd6: {  	[tilespmem:s29+$0x30] =	vst v25  }
0xd7: {  	[tilespmem:s5+$0xFFFFFFE0] =	vst v27  }
0xd8: {  	(erf) = vpow2.f32 v21;
	v6 =	vmul.f32 v22, v6;
	v21 =	vpop (erf);
	[tilespmem:s29+$0xFFFFFFD0] =	vst v31  }
0xd9: {  	v13 =	vmul.f32 v27, v13;
	[tilespmem:s10+$0x30] =	vst v21  }
0xda: {  	v22 =	vadd.f32 $1.000000010e-07, v30;
	[tilespmem:s29+$0xFFFFFFF0] =	vst v6  }
0xdb: {  	(erf) = vpow2.f32 v17;
	[tilespmem:s29+$0xFFFFFFE0] =	vst v13;
	v3 =	vmul.f32 v21, v3;
	v17 =	vpop (erf)  }
0xdc: {  	v25 =	vmax.f32 v28, $0.0e+00;
	v27 =	vmax.f32 v29, $0.0e+00;
	v6 =	vmul.f32 $1.442695020e+00, v22;
	[tilespmem:s10+$0xFFFFFFC0] =	vst v17;
	v28 =	vpop (erf)  }
0xdd: {  	v13 =	vadd.f32 $1.000000010e-07, v25;
	v24 =	vadd.f32 v26, v24;
	v26 =	vmul.f32 $1.442695020e+00, v10;
	[tilespmem:s0+$0x30] =	vst v3;
	v29 =	vpop (erf)  }
0xde: {  	v25 =	vadd.f32 $1.000000010e-07, v27;
	(erf) = vpow2.f32 v20;
	[tilespmem:s10+$0xFFFFFFD0] =	vst v28;
	v14 =	vmul.f32 v29, v14  }
0xdf: {  	v7 =	vmul.f32 v17, v7;
	(erf) = vpow2.f32 v26;
	[tilespmem:s5+$0x10] =	vst v29  }
0xe0: {  	v17 =	vadd.f32 $1.000000010e-07, v19;
	v4 =	vmul.f32 v28, v4;
	[tilespmem:s29+$0x10] =	vst v14;
	v14 =	vmul.f32 $1.442695020e+00, v25  }
0xe1: {  	[tilespmem:s0+$0xFFFFFFC0] =	vst v7  }
0xe2: {  	v24 =	vmax.f32 v24, $0.0e+00;
	(erf) = vpow2.f32 v6;
	v6 =	vmul.f32 $1.442695020e+00, v17;
	v20 =	vpop (erf);
	[tilespmem:s0+$0xFFFFFFD0] =	vst v4  }
0xe3: {  	v24 =	vadd.f32 $1.000000010e-07, v24;
	[tilespmem:s10+$0x20] =	vst v20;
	v7 =	vmul.f32 v20, v8;
	v19 =	vpop (erf);
	(erf) = vpow2.f32 v14  }
0xe4: {  	v26 =	vmul.f32 $1.442695020e+00, v13;
	[tilespmem:s10+$0xFFFFFFF0] =	vst v19;
	v14 =	vpop (erf);
	(erf) = vpow2.f32 v6;
	v6 =	vmax.f32 v15, $0.0e+00  }
0xe5: {  	v8 =	vmul.f32 $1.442695020e+00, v24;
	[tilespmem:s0+$0x20] =	vst v7;
	v5 =	vmul.f32 v14, v5;
	v6 =	vadd.f32 $1.000000010e-07, v6  }
0xe6: {  	v9 =	vmul.f32 v19, v9;
	(erf) = vpow2.f32 v26;
	[tilespmem:s10+$0x0] =	vst v14  }
0xe7: {  	[tilespmem:s0+$0x0] =	vst v5;
	v5 =	vadd.f32 v18, v23;
	v3 =	vmul.f32 $1.442695020e+00, v6  }
0xe8: {  	[tilespmem:s0+$0xFFFFFFF0] =	vst v9;
	v7 =	vpop (erf);
	(erf) = vpow2.f32 v8  }
0xe9: {  	s15 =	sadd.s32 $0x80, s15;
	v8 =	vpop (erf);
	[tilespmem:s10+$0xFFFFFFE0] =	vst v7;
	v7 =	vmul.f32 v7, v12;
	v4 =	vmax.f32 v5, $0.0e+00;
	v5 =	vadd.f32 v16, v11  }
0xea: {  	[tilespmem:s15+$0x30] =	vst v8;
	(erf) = vpow2.f32 v3;
	v4 =	vadd.f32 $1.000000010e-07, v4  }
0xeb: {  	[tilespmem:s0+$0xFFFFFFE0] =	vst v7;
	v3 =	vpop (erf);
	v5 =	vmax.f32 v5, $0.0e+00  }
0xec: {  	[tilespmem:s15+$0xFFFFFFC0] =	vst v3;
	v11 =	vpop (erf);
	v9 =	vmul.f32 $1.442695020e+00, v4;
	v5 =	vadd.f32 $1.000000010e-07, v5  }
0xed: {  	v3 =	vmul.f32 v3, v22;
	v12 =	vpop (erf);
	[tilespmem:s15+$0xFFFFFFD0] =	vst v11  }
0xee: {  	[tilespmem:s10+$0x10] =	vst v12;
	(erf) = vpow2.f32 v9;
	v9 =	vmul.f32 $1.442695020e+00, v5  }
0xef: {  	v7 =	vpop (erf);
	v12 =	vmul.f32 v12, v17;
	[tilespmem:s6+$0xFFFFFFC0] =	vst v3  }
0xf0: {  	[tilespmem:s15+$0x20] =	vst v7;
	(erf) = vpow2.f32 v9  }
0xf1: {  	v14 =	vpop (erf);
	v3 =	vmul.f32 v7, v13;
	[tilespmem:s0+$0x10] =	vst v12  }
0xf2: {  	[tilespmem:s15+$0xFFFFFFF0] =	vst v14  }
0xf3: {  	[tilespmem:s6+$0x20] =	vst v3;
	v3 =	vmul.f32 v8, v10;
	v7 =	vpop (erf)  }
0xf4: {  	v6 =	vmul.f32 v7, v6;
	[tilespmem:s15+$0x0] =	vst v7  }
0xf5: {  	v7 =	vmul.f32 v11, v25;
	[tilespmem:s6+$0x30] =	vst v3  }
0xf6: {  	[tilespmem:s6+$0x0] =	vst v6  }
0xf7: {  	[tilespmem:s6+$0xFFFFFFD0] =	vst v7;
	v6 =	vmul.f32 v14, v24;
	v3 =	vpop (erf)  }
0xf8: {  	[tilespmem:s15+$0xFFFFFFE0] =	vst v3;
	v3 =	vmul.f32 v3, v4  }
0xf9: {  	[tilespmem:s6+$0xFFFFFFF0] =	vst v6;
	v4 =	vpop (erf)  }
0xfa: {  	s30 =	sshll.u32 s26, $0x8;
	[tilespmem:s6+$0xFFFFFFE0] =	vst v3;
	v3 =	vmul.f32 v4, v5  }
0xfb: {  	s31 =	sadd.s32 $0x2, s16;
	s0 =	sand.u32 $0x3FFFFF00, s30;
	[tilespmem:s15+$0x10] =	vst v4  }
0xfc: {  	s0 =	sadd.s32 $0x18920, s0;
	[tilespmem:s6+$0x10] =	vst v3;
	s6 =	sshll.u32 s31, $0x7  }
0xfd: {  	[spmem:s2] =	stream.indirect.scatter.add.f32 [tilespmem:s23], [sflag:$0x3], $0x10, s0, s28, $0xb8;
	[tilespmem:$0x1FCA0] =	vst v63  }
0xfe: {  	s5 =	sand.u32 $0x3FFFFF80, s6  }
0xff: {  	[spmem:s3] =	stream.indirect.scatter.add.f32 [tilespmem:s12], [sflag:$0x3], $0x10, s0, s28, $0xb8;
	[tilespmem:$0x1FCA0] =	vst v63  }
0x100: {  	v3 =	vld [tilespmem:s5+$0x186A0];
	_ =	sdelay $0x4  }
0x101: {  	v3 =	vshll.u32 v3, $0x2  }
0x102: {  	v3 =	vor.u32 v0, v3  }
0x103: {  	[tilespmem:$0x18BA0] =	vst v3  }
0x104: {  	v3 =	vld [tilespmem:s5+$0x186B0];
	_ =	sdelay $0x4  }
0x105: {  	v3 =	vshll.u32 v3, $0x2  }
0x106: {  	v3 =	vor.u32 v0, v3  }
0x107: {  	[tilespmem:$0x18BB0] =	vst v3  }
0x108: {  	v3 =	vld [tilespmem:s5+$0x186C0];
	_ =	sdelay $0x4  }
0x109: {  	v3 =	vshll.u32 v3, $0x2  }
0x10a: {  	v3 =	vor.u32 v0, v3  }
0x10b: {  	[tilespmem:$0x18BC0] =	vst v3  }
0x10c: {  	v3 =	vld [tilespmem:s5+$0x186D0];
	_ =	sdelay $0x4  }
0x10d: {  	v3 =	vshll.u32 v3, $0x2  }
0x10e: {  	v3 =	vor.u32 v0, v3  }
0x10f: {  	[tilespmem:$0x18BD0] =	vst v3  }
0x110: {  	v3 =	vld [tilespmem:s5+$0x186E0];
	_ =	sdelay $0x4  }
0x111: {  	v3 =	vshll.u32 v3, $0x2  }
0x112: {  	v3 =	vor.u32 v0, v3  }
0x113: {  	[tilespmem:$0x18BE0] =	vst v3  }
0x114: {  	v3 =	vld [tilespmem:s5+$0x186F0];
	_ =	sdelay $0x4  }
0x115: {  	v3 =	vshll.u32 v3, $0x2  }
0x116: {  	v3 =	vor.u32 v0, v3  }
0x117: {  	[tilespmem:$0x18BF0] =	vst v3  }
0x118: {  	v3 =	vld [tilespmem:s5+$0x18700];
	_ =	sdelay $0x4  }
0x119: {  	v3 =	vshll.u32 v3, $0x2  }
0x11a: {  	v3 =	vor.u32 v0, v3  }
0x11b: {  	[tilespmem:$0x18C00] =	vst v3  }
0x11c: {  	v3 =	vld [tilespmem:s5+$0x18710];
	_ =	sdelay $0x4  }
0x11d: {  	s0 =	sadd.s32 s9, s31;
	v3 =	vshll.u32 v3, $0x2  }
0x11e: {  	s0 =	sshll.u32 s0, $0xA;
	v3 =	vor.u32 v0, v3  }
0x11f: {  	s14 =	simm.s32 $0x18CA0;
	s10 =	simm.s32 $0x18BA0;
	s0 =	sand.u32 $0x1FFFFC00, s0;
	[tilespmem:$0x18C10] =	vst v3  }
0x120: {  	[tilespmem:s14], [sflag:$0x1] =	stream.indirect.gather [hbm4b:s1+s28], $0x10, s10, s28, $0xb8;
	[tilespmem:$0x1FCA0] =	vst v63  }
0x121: {  	s15 =	simm.s32 $0x19CA0;
	s0 =	sadd.s32 s7, s0  }
0x122: {  	[tilespmem:s15], [sflag:$0x1] =	stream.linear.gather [hbm4b:s0+s4], $0x2000, $0x38;
	[tilespmem:$0x1FCA0] =	vst v63  }
0x123: {  	_ =	swait.ge [sflag:s13], $0x800  }
0x124: {  	[sflag:s13] =	ssyncset.done $0x0  }
0x125: {  	[sflag:s13] =	ssyncadd.s32 $0xFFFFF800  }
0x126: {  	_ =	swait.ge [sflag:s13], $0x2000  }
0x127: {  	[sflag:s13] =	ssyncset.done $0x0  }
0x128: {  	s0 =	simm.s32 @p1 $0x4;
	[sflag:s13] =	ssyncadd.s32 $0xFFFFE000  }
0x129: {  	_ =	swait.ge @p1 [sflag:s0], $0x800  }
0x12a: {  	[sflag:s0] =	ssyncset.done @p1 $0x0  }
0x12b: {  	[sflag:s0] =	ssyncadd.s32 @p1 $0xFFFFF800  }
0x12c: {  	_ =	swait.ge @p1 [sflag:s0], $0x800  }
0x12d: {  	[sflag:s0] =	ssyncset.done @p1 $0x0  }
0x12e: {  	s16 =	simm.s32 $0x194E0;
	[sflag:s0] =	ssyncadd.s32 @p1 $0xFFFFF800  }
0x12f: {  	v3 =	vld [tilespmem:s16+$0x0]  }
0x130: {  	v4 =	vld [tilespmem:s16+$0xFFFFFFC0]  }
0x131: {  	v5 =	vld [tilespmem:s16+$0x30]  }
0x132: {  	v6 =	vld [tilespmem:s20+$0xFFFFFF40]  }
0x133: {  	v7 =	vld [tilespmem:s20+$0x0]  }
0x134: {  	v8 =	vld [tilespmem:s20+$0xC0]  }
0x135: {  	v9 =	vld [tilespmem:s20+$0x80]  }
0x136: {  	v10 =	vld [tilespmem:s16+$0x20]  }
0x137: {  	v11 =	vld [tilespmem:s20+$0xFFFFFF00]  }
0x138: {  	v12 =	vld [tilespmem:s16+$0xFFFFFFD0]  }
0x139: {  	v14 =	vld [tilespmem:s16+$0x10]  }
0x13a: {  	v15 =	vld [tilespmem:s20+$0x40]  }
0x13b: {  	v13 =	vld [tilespmem:s20+$0xFFFFFFC0]  }
0x13c: {  	v16 =	vld [tilespmem:s16+$0xFFFFFFE0]  }
0x13d: {  	s30 =	sadd.s32 $0x200, s20;
	v17 =	vld [tilespmem:s16+$0xFFFFFFF0]  }
0x13e: {  	s14 =	sadd.s32 $0x200, s30;
	v18 =	vld [tilespmem:s20+$0xFFFFFF80]  }
0x13f: {  	s31 =	simm.s32 $0x195E0;
	v29 =	vld [tilespmem:s14+$0xFFFFFF40]  }
0x140: {  	s26 =	simm.s32 $0x19560;
	v61 =	vld [tilespmem:s31+$0xFFFFFFD0]  }
0x141: {  	v19 =	vld [tilespmem:s26+$0x0]  }
0x142: {  	v20 =	vld [tilespmem:s26+$0xFFFFFFC0];
	v5 =	vadd.f32 v5, v8  }
0x143: {  	v26 =	vld [tilespmem:s26+$0x10];
	v4 =	vadd.f32 v4, v11;
	v3 =	vadd.f32 v3, v7  }
0x144: {  	v8 =	vld [tilespmem:s26+$0x30];
	v7 =	vadd.f32 v10, v9;
	v6 =	vadd.f32 v12, v6  }
0x145: {  	v9 =	vld [tilespmem:s30+$0xFFFFFF40];
	v29 =	vadd.f32 v61, v29;
	v5 =	vmax.f32 v5, $0.0e+00;
	v4 =	vmax.f32 v4, $0.0e+00  }
0x146: {  	v10 =	vld [tilespmem:s30+$0x0];
	v6 =	vmax.f32 v6, $0.0e+00;
	v3 =	vmax.f32 v3, $0.0e+00;
	v11 =	vadd.f32 $1.000000010e-07, v5  }
0x147: {  	v12 =	vadd.f32 $1.000000010e-07, v4;
	v4 =	vmax.f32 v7, $0.0e+00;
	v5 =	vld [tilespmem:s30+$0xC0];
	v7 =	vadd.f32 v17, v13  }
0x148: {  	v17 =	vld [tilespmem:s30+$0x80];
	v23 =	vadd.f32 $1.000000010e-07, v3;
	v31 =	vadd.f32 $1.000000010e-07, v6  }
0x149: {  	v3 =	vadd.f32 v16, v18;
	v18 =	vld [tilespmem:s26+$0xFFFFFFD0];
	v24 =	vadd.f32 $1.000000010e-07, v4  }
0x14a: {  	v4 =	vld [tilespmem:s26+$0x20];
	v21 =	vmul.f32 $1.442695020e+00, v12;
	v6 =	vmax.f32 v7, $0.0e+00;
	v13 =	vmul.f32 $1.442695020e+00, v11  }
0x14b: {  	v7 =	vld [tilespmem:s30+$0xFFFFFF00];
	v22 =	vmul.f32 $1.442695020e+00, v31;
	v25 =	vmul.f32 $1.442695020e+00, v23;
	v6 =	vadd.f32 $1.000000010e-07, v6  }
0x14c: {  	v28 =	vld [tilespmem:s30+$0x40];
	v3 =	vmax.f32 v3, $0.0e+00;
	v16 =	vmul.f32 $1.442695020e+00, v24;
	(erf) = vpow2.f32 v13  }
0x14d: {  	v30 =	vld [tilespmem:s14+$0xC0];
	v13 =	vadd.f32 $1.000000010e-07, v3;
	v27 =	vmul.f32 $1.442695020e+00, v6;
	v3 =	vadd.f32 v8, v5  }
0x14e: {  	(erf) = vpow2.f32 v21;
	v8 =	vld [tilespmem:s30+$0xFFFFFFC0];
	v5 =	vadd.f32 v19, v10;
	v10 =	vadd.f32 v14, v15  }
0x14f: {  	v19 =	vld [tilespmem:s26+$0xFFFFFFF0];
	v9 =	vadd.f32 v18, v9;
	(erf) = vpow2.f32 v22;
	v15 =	vmul.f32 $1.442695020e+00, v13  }
0x150: {  	v14 =	vld [tilespmem:s26+$0xFFFFFFE0];
	v4 =	vadd.f32 v4, v17;
	v3 =	vmax.f32 v3, $0.0e+00;
	v7 =	vadd.f32 v20, v7  }
0x151: {  	(erf) = vpow2.f32 v16;
	v16 =	vld [tilespmem:s30+$0xFFFFFF80];
	v10 =	vmax.f32 v10, $0.0e+00;
	v5 =	vmax.f32 v5, $0.0e+00  }
0x152: {  	v39 =	vld [tilespmem:s14+$0xFFFFFF00];
	v9 =	vmax.f32 v9, $0.0e+00;
	v3 =	vadd.f32 $1.000000010e-07, v3;
	v7 =	vmax.f32 v7, $0.0e+00  }
0x153: {  	v20 =	vld [tilespmem:s31+$0x30];
	(erf) = vpow2.f32 v27;
	v4 =	vmax.f32 v4, $0.0e+00;
	v7 =	vadd.f32 $1.000000010e-07, v7  }
0x154: {  	v27 =	vld [tilespmem:s31+$0xFFFFFFC0];
	(erf) = vpow2.f32 v25;
	v17 =	vadd.f32 v19, v8;
	v8 =	vadd.f32 $1.000000010e-07, v4  }
0x155: {  	v18 =	vld [tilespmem:s31+$0x0];
	v5 =	vadd.f32 $1.000000010e-07, v5;
	v4 =	vadd.f32 $1.000000010e-07, v9;
	v33 =	vmul.f32 $1.442695020e+00, v3  }
0x156: {  	v22 =	vld [tilespmem:s14+$0x0];
	v19 =	vmul.f32 $1.442695020e+00, v7;
	v16 =	vadd.f32 v14, v16;
	v32 =	vmul.f32 $1.442695020e+00, v8  }
0x157: {  	s5 =	simm.s32 $0x1E4E0;
	v34 =	vld [tilespmem:s14+$0x80];
	v9 =	vmax.f32 v17, $0.0e+00;
	v35 =	vmul.f32 $1.442695020e+00, v4;
	v25 =	vpop (erf);
	(erf) = vpow2.f32 v15  }
0x158: {  	v38 =	vld [tilespmem:s31+$0x20];
	v17 =	vmul.f32 $1.442695020e+00, v5;
	v14 =	vadd.f32 $1.000000010e-07, v10;
	v20 =	vadd.f32 v20, v30;
	v15 =	vpop (erf);
	[tilespmem:s5+$0x30] =	vst v25  }
0x159: {  	v9 =	vadd.f32 $1.000000010e-07, v9;
	v62 =	vadd.f32 v27, v39;
	(erf) = vpow2.f32 v33;
	v36 =	vpop (erf);
	[tilespmem:s5+$0xFFFFFFC0] =	vst v15  }
0x15a: {  	v25 =	vmul.f32 v25, v11;
	v37 =	vmul.f32 v15, v12;
	v12 =	vmax.f32 v16, $0.0e+00;
	v10 =	vpop (erf);
	[tilespmem:s5+$0xFFFFFFD0] =	vst v36  }
0x15b: {  	s16 =	simm.s32 $0x1F4E0;
	v11 =	vld [tilespmem:s14+$0x40];
	v15 =	vadd.f32 v18, v22;
	v18 =	vmul.f32 $1.442695020e+00, v14;
	(erf) = vpow2.f32 v19;
	[tilespmem:s5+$0x20] =	vst v10  }
0x15c: {  	v16 =	vld [tilespmem:s31+$0x10];
	v19 =	vadd.f32 v26, v28;
	(erf) = vpow2.f32 v35;
	v22 =	vpop (erf);
	[tilespmem:s16+$0xFFFFFFC0] =	vst v37;
	v26 =	vmul.f32 v10, v24  }
0x15d: {  	v21 =	vmul.f32 $1.442695020e+00, v9;
	v28 =	vadd.f32 v38, v34;
	v24 =	vld [tilespmem:s14+$0xFFFFFFC0];
	(erf) = vpow2.f32 v18;
	[tilespmem:s5+$0xFFFFFFF0] =	vst v22;
	v30 =	vpop (erf)  }
0x15e: {  	s29 =	simm.s32 $0x19660;
	s6 =	simm.s32 $0x1F5E0;
	v12 =	vadd.f32 $1.000000010e-07, v12;
	v31 =	vmul.f32 v36, v31;
	v18 =	vld [tilespmem:s31+$0xFFFFFFE0];
	v63 =	vmul.f32 v30, v23;
	[tilespmem:s16+$0x20] =	vst v26  }
0x15f: {  	s10 =	simm.s32 $0x1E560;
	s15 =	simm.s32 $0x1E560;
	s0 =	simm.s32 $0x1F560;
	v10 =	vmax.f32 v20, $0.0e+00;
	v19 =	vmax.f32 v19, $0.0e+00;
	(erf) = vpow2.f32 v32;
	v26 =	vld [tilespmem:s31+$0xFFFFFFF0];
	[tilespmem:s5+$0x0] =	vst v30  }
0x160: {  	s26 =	simm.s32 $0x10;
	v20 =	vmul.f32 $1.442695020e+00, v12;
	v10 =	vadd.f32 $1.000000010e-07, v10;
	v30 =	vmax.f32 v62, $0.0e+00;
	v23 =	vld [tilespmem:s14+$0xFFFFFF80];
	[tilespmem:s16+$0x0] =	vst v63;
	v27 =	vpop (erf)  }
.LBB2_10:
0x161: {  	v32 =	vld [tilespmem:s29+$0x0];
	s26 =	sadd.s32 $0x8, s26;
	v30 =	vadd.f32 $1.000000010e-07, v30;
	v28 =	vmax.f32 v28, $0.0e+00;
	s14 =	sadd.s32 $0x200, s14;
	s15 =	sadd.s32 $0x80, s15;
	(erf) = vpow2.f32 v21;
	[tilespmem:s16+$0x30] =	vst v25;
	v33 =	vmovc v16  }
0x162: {  	v37 =	vmax.f32 v15, $0.0e+00;
	v21 =	vmul.f32 v22, v6;
	v34 =	vld [tilespmem:s29+$0xFFFFFFC0];
	p1 =	slt.u32 s26, $0x78;
	v16 =	vmax.f32 v29, $0.0e+00;
	v25 =	vpop (erf);
	[tilespmem:s16+$0xFFFFFFD0] =	vst v31  }
0x163: {  	v6 =	vmovc v9;
	v35 =	vadd.f32 $1.000000010e-07, v37;
	v29 =	vld [tilespmem:s29+$0x30];
	v31 =	vmul.f32 $1.442695020e+00, v30;
	[tilespmem:s10+$0x30] =	vst v25;
	(erf) = vpow2.f32 v17  }
0x164: {  	v17 =	vmul.f32 v27, v13;
	v36 =	vld [tilespmem:s14+$0xFFFFFF40];
	v9 =	vadd.f32 v26, v24;
	v26 =	vadd.f32 $1.000000010e-07, v28;
	v15 =	vpop (erf);
	[tilespmem:s5+$0xFFFFFFE0] =	vst v27  }
0x165: {  	v37 =	vadd.f32 $1.000000010e-07, v16;
	v22 =	vld [tilespmem:s14+$0x0];
	v16 =	vadd.f32 v18, v23;
	[tilespmem:s10+$0xFFFFFFC0] =	vst v15;
	v38 =	vpop (erf);
	(erf) = vpow2.f32 v20  }
0x166: {  	v20 =	vmul.f32 $1.442695020e+00, v10;
	v18 =	vld [tilespmem:s14+$0xC0];
	v9 =	vmax.f32 v9, $0.0e+00;
	v23 =	vmul.f32 $1.442695020e+00, v26;
	[tilespmem:s16+$0xFFFFFFF0] =	vst v21;
	v21 =	vpop (erf)  }
0x167: {  	v13 =	vmovc v12;
	v24 =	vmul.f32 $1.442695020e+00, v37;
	v27 =	vmul.f32 v15, v7;
	v7 =	vmovc v30;
	v28 =	vld [tilespmem:s14+$0x80];
	v9 =	vadd.f32 $1.000000010e-07, v9;
	[tilespmem:s16+$0xFFFFFFE0] =	vst v17  }
0x168: {  	v17 =	vmul.f32 $1.442695020e+00, v35;
	v40 =	vmul.f32 v21, v14;
	v14 =	vadd.f32 $1.000000010e-07, v19;
	v30 =	vld [tilespmem:s29+$0x20];
	v39 =	vpop (erf);
	[tilespmem:s5+$0x10] =	vst v21;
	s5 =	smov.u32 s10;
	s10 =	smov.u32 s15  }
0x169: {  	v12 =	vmax.f32 v16, $0.0e+00;
	v19 =	vld [tilespmem:s14+$0xFFFFFF00];
	v21 =	vmul.f32 $1.442695020e+00, v9;
	(erf) = vpow2.f32 v20;
	[tilespmem:s5+$0x20] =	vst v39  }
0x16a: {  	v12 =	vadd.f32 $1.000000010e-07, v12;
	v41 =	vld [tilespmem:s29+$0xFFFFFFD0];
	v15 =	vadd.f32 v32, v22;
	v32 =	vmul.f32 $1.442695020e+00, v14;
	v22 =	vpop (erf);
	[tilespmem:s16+$0x10] =	vst v40;
	s16 =	smov.u32 s0;
	s0 =	smov.u32 s6  }
0x16b: {  	v25 =	vmul.f32 v25, v3;
	v3 =	vmovc v10;
	v16 =	vld [tilespmem:s29+$0x10];
	v18 =	vadd.f32 v29, v18;
	(erf) = vpow2.f32 v31;
	[tilespmem:s5+$0xFFFFFFF0] =	vst v22  }
.Ltmp3:
0x16c: {  	v39 =	vmul.f32 v39, v8;
	v29 =	vadd.f32 v33, v11;
	v11 =	vld [tilespmem:s14+$0x40];
	(erf) = vpow2.f32 v24;
	[tilespmem:s16+$0xFFFFFFC0] =	vst v27;
	v31 =	vpop (erf);
	(pc) =	sbr.rel @p1 .LBB2_10-.Ltmp3, $4  }
0x16d: {  	v8 =	vmovc v26;
	v20 =	vmul.f32 $1.442695020e+00, v12;
	v24 =	vld [tilespmem:s14+$0xFFFFFFC0];
	v10 =	vmax.f32 v18, $0.0e+00;
	[tilespmem:s5+$0xFFFFFFD0] =	vst v38;
	(erf) = vpow2.f32 v32  }
0x16e: {  	v33 =	vmul.f32 v31, v5;
	v32 =	vadd.f32 v34, v19;
	v18 =	vld [tilespmem:s29+$0xFFFFFFE0];
	v10 =	vadd.f32 $1.000000010e-07, v10;
	[tilespmem:s16+$0x20] =	vst v39;
	v27 =	vpop (erf)  }
0x16f: {  	v28 =	vadd.f32 v30, v28;
	v5 =	vmovc v35;
	v19 =	vmax.f32 v29, $0.0e+00;
	v26 =	vld [tilespmem:s29+$0xFFFFFFF0];
	(erf) = vpow2.f32 v23;
	[tilespmem:s5+$0x0] =	vst v31  }
0x170: {  	s6 =	sadd.s32 $0x80, s6;
	v29 =	vadd.f32 v41, v36;
	s29 =	sadd.s32 $0x80, s29;
	v31 =	vmul.f32 v38, v4;
	v4 =	vmovc v37;
	v30 =	vmax.f32 v32, $0.0e+00;
	v23 =	vld [tilespmem:s14+$0xFFFFFF80];
	[tilespmem:s16+$0x0] =	vst v33  }
0x171: {  	[tilespmem:s16+$0x30] =	vst v25  }
0x172: {  	[tilespmem:s5+$0xFFFFFFE0] =	vst v27  }
0x173: {  	v6 =	vmul.f32 v22, v6;
	v60 =	vpop (erf);
	[tilespmem:s16+$0xFFFFFFD0] =	vst v31  }
0x174: {  	v13 =	vmul.f32 v27, v13;
	[tilespmem:s10+$0x30] =	vst v60  }
0x175: {  	(erf) = vpow2.f32 v21;
	[tilespmem:s16+$0xFFFFFFF0] =	vst v6  }
0x176: {  	v62 =	vadd.f32 $1.000000010e-07, v30;
	v63 =	vmax.f32 v28, $0.0e+00;
	[tilespmem:s16+$0xFFFFFFE0] =	vst v13;
	v3 =	vmul.f32 v60, v3;
	v61 =	vpop (erf)  }
0x177: {  	v35 =	vmul.f32 $1.442695020e+00, v10;
	v41 =	vadd.f32 $1.000000010e-07, v19;
	(erf) = vpow2.f32 v17;
	[tilespmem:s10+$0xFFFFFFC0] =	vst v61  }
0x178: {  	v48 =	vmax.f32 v15, $0.0e+00;
	v32 =	vmax.f32 v29, $0.0e+00;
	v34 =	vmul.f32 $1.442695020e+00, v62;
	v33 =	vpop (erf);
	[tilespmem:s0+$0x30] =	vst v3  }
0x179: {  	v39 =	vadd.f32 $1.000000010e-07, v32;
	(erf) = vpow2.f32 v20;
	v7 =	vmul.f32 v61, v7;
	v36 =	vpop (erf);
	[tilespmem:s10+$0xFFFFFFD0] =	vst v33  }
0x17a: {  	v44 =	vmul.f32 $1.442695020e+00, v41;
	v24 =	vadd.f32 v26, v24;
	v4 =	vmul.f32 v33, v4;
	[tilespmem:s5+$0x10] =	vst v36  }
0x17b: {  	v37 =	vadd.f32 $1.000000010e-07, v63;
	v43 =	vmul.f32 $1.442695020e+00, v39;
	(erf) = vpow2.f32 v35;
	[tilespmem:s0+$0xFFFFFFC0] =	vst v7  }
0x17c: {  	v24 =	vmax.f32 v24, $0.0e+00;
	v14 =	vmul.f32 v36, v14;
	(erf) = vpow2.f32 v34;
	v38 =	vpop (erf);
	[tilespmem:s0+$0xFFFFFFD0] =	vst v4  }
0x17d: {  	v6 =	vadd.f32 $1.000000010e-07, v48;
	v40 =	vmul.f32 $1.442695020e+00, v37;
	v24 =	vadd.f32 $1.000000010e-07, v24;
	[tilespmem:s10+$0x20] =	vst v38  }
0x17e: {  	(erf) = vpow2.f32 v43;
	[tilespmem:s16+$0x10] =	vst v14;
	v45 =	vmul.f32 v38, v8;
	v42 =	vpop (erf)  }
0x17f: {  	v3 =	vmul.f32 $1.442695020e+00, v6;
	v46 =	vmul.f32 $1.442695020e+00, v24;
	[tilespmem:s10+$0xFFFFFFF0] =	vst v42  }
0x180: {  	v47 =	vpop (erf);
	(erf) = vpow2.f32 v44;
	[tilespmem:s0+$0x20] =	vst v45;
	v9 =	vmul.f32 v42, v9  }
0x181: {  	v5 =	vmul.f32 v47, v5;
	(erf) = vpow2.f32 v40;
	[tilespmem:s10+$0x0] =	vst v47  }
0x182: {  	v49 =	vadd.f32 v18, v23;
	[tilespmem:s0+$0xFFFFFFF0] =	vst v9;
	v50 =	vpop (erf);
	(erf) = vpow2.f32 v46  }
0x183: {  	[tilespmem:s0+$0x0] =	vst v5  }
0x184: {  	s26 =	sadd.s32 $0x80, s15;
	v53 =	vadd.f32 v16, v11;
	v52 =	vmax.f32 v49, $0.0e+00;
	v51 =	vpop (erf);
	[tilespmem:s10+$0xFFFFFFE0] =	vst v50  }
0x185: {  	v4 =	vadd.f32 $1.000000010e-07, v52;
	(erf) = vpow2.f32 v3;
	v7 =	vmul.f32 v50, v12;
	[tilespmem:s26+$0x30] =	vst v51;
	v3 =	vpop (erf)  }
0x186: {  	v5 =	vmax.f32 v53, $0.0e+00;
	[tilespmem:s26+$0xFFFFFFC0] =	vst v3  }
0x187: {  	v55 =	vmul.f32 $1.442695020e+00, v4;
	v5 =	vadd.f32 $1.000000010e-07, v5;
	v54 =	vpop (erf);
	[tilespmem:s0+$0xFFFFFFE0] =	vst v7;
	v3 =	vmul.f32 v3, v62  }
0x188: {  	[tilespmem:s26+$0xFFFFFFD0] =	vst v54;
	v61 =	vmul.f32 v54, v39  }
0x189: {  	v58 =	vmul.f32 $1.442695020e+00, v5;
	[tilespmem:s6+$0xFFFFFFC0] =	vst v3;
	v56 =	vpop (erf);
	(erf) = vpow2.f32 v55  }
0x18a: {  	[tilespmem:s6+$0xFFFFFFD0] =	vst v61;
	v57 =	vpop (erf)  }
0x18b: {  	[tilespmem:s10+$0x10] =	vst v56;
	v12 =	vmul.f32 v56, v41;
	v59 =	vpop (erf);
	(erf) = vpow2.f32 v58  }
0x18c: {  	[tilespmem:s26+$0x20] =	vst v57;
	v3 =	vmul.f32 v57, v37  }
0x18d: {  	[tilespmem:s0+$0x10] =	vst v12  }
0x18e: {  	[tilespmem:s6+$0x20] =	vst v3;
	v3 =	vmul.f32 v51, v10  }
0x18f: {  	[tilespmem:s26+$0xFFFFFFF0] =	vst v59;
	v60 =	vpop (erf)  }
0x190: {  	v62 =	vmul.f32 v59, v24;
	[tilespmem:s26+$0x0] =	vst v60  }
0x191: {  	[tilespmem:s6+$0x30] =	vst v3  }
0x192: {  	v6 =	vmul.f32 v60, v6;
	[tilespmem:s6+$0xFFFFFFF0] =	vst v62;
	v3 =	vpop (erf)  }
0x193: {  	[tilespmem:s26+$0xFFFFFFE0] =	vst v3;
	v3 =	vmul.f32 v3, v4  }
0x194: {  	[tilespmem:s6+$0x0] =	vst v6;
	v63 =	vpop (erf)  }
0x195: {  	[tilespmem:s6+$0xFFFFFFE0] =	vst v3;
	v3 =	vmul.f32 v63, v5  }
.Ltmp4:
0x196: {  	[tilespmem:s26+$0x10] =	vst v63;
	(pc) =	sbr.rel @p0 .LBB2_7-.Ltmp4, $4  }
0x197: {  	s29 =	sadd.s32 $0x18920, s25;
	s30 =	simm.s32 $0x1E4A0;
	s31 =	simm.s32 $0x1F4A0;
	[tilespmem:s6+$0x10] =	vst v3  }
0x198: {  	[spmem:s2] =	stream.indirect.scatter.add.f32 [tilespmem:s30], [sflag:$0x4], $0x10, s29, s28, $0xb8;
	[tilespmem:$0x1FCA0] =	vst v63  }
0x199: {  	p2 =	por $0x0, $0x0;
	p1 =	por $0x1, $0x1;
	s26 =	simm.s32 $0x1  }
0x19a: {  	[spmem:s3] =	stream.indirect.scatter.add.f32 [tilespmem:s31], [sflag:$0x4], $0x10, s29, s28, $0xb8;
	[tilespmem:$0x1FCA0] =	vst v63  }
0x19b: {  	_ =	swait.ge [sflag:s11], $0x800  }
0x19c: {  	[sflag:s11] =	ssyncset.done $0x0  }
0x19d: {  	[sflag:s11] =	ssyncadd.s32 $0xFFFFF800  }
0x19e: {  	_ =	swait.ge [sflag:s11], $0x2000  }
0x19f: {  	[sflag:s11] =	ssyncset.done $0x0  }
0x1a0: {  	s0 =	simm.s32 $0x3;
	[sflag:s11] =	ssyncadd.s32 $0xFFFFE000  }
0x1a1: {  	_ =	swait.ge [sflag:s0], $0x800  }
0x1a2: {  	[sflag:s0] =	ssyncset.done $0x0  }
0x1a3: {  	[sflag:s0] =	ssyncadd.s32 $0xFFFFF800  }
0x1a4: {  	_ =	swait.ge [sflag:s0], $0x800  }
0x1a5: {  	[sflag:s0] =	ssyncset.done $0x0  }
0x1a6: {  	s30 =	simm.s32 $0x18CE0;
	[sflag:s0] =	ssyncadd.s32 $0xFFFFF800  }
0x1a7: {  	v3 =	vld [tilespmem:s30+$0x0]  }
0x1a8: {  	v4 =	vld [tilespmem:s30+$0xFFFFFFC0]  }
0x1a9: {  	v5 =	vld [tilespmem:s30+$0x30]  }
0x1aa: {  	v6 =	vld [tilespmem:s19+$0xFFFFFF40]  }
0x1ab: {  	v7 =	vld [tilespmem:s19+$0x0]  }
0x1ac: {  	v8 =	vld [tilespmem:s19+$0xC0]  }
0x1ad: {  	v9 =	vld [tilespmem:s19+$0x80]  }
0x1ae: {  	v10 =	vld [tilespmem:s30+$0x20]  }
0x1af: {  	v11 =	vld [tilespmem:s19+$0xFFFFFF00]  }
0x1b0: {  	v12 =	vld [tilespmem:s30+$0xFFFFFFD0]  }
0x1b1: {  	v14 =	vld [tilespmem:s30+$0x10]  }
0x1b2: {  	v15 =	vld [tilespmem:s19+$0x40]  }
0x1b3: {  	v13 =	vld [tilespmem:s19+$0xFFFFFFC0]  }
0x1b4: {  	v16 =	vld [tilespmem:s30+$0xFFFFFFE0]  }
0x1b5: {  	s9 =	sadd.s32 $0x200, s8;
	v17 =	vld [tilespmem:s30+$0xFFFFFFF0]  }
0x1b6: {  	s6 =	simm.s32 $0x18DE0;
	v29 =	vld [tilespmem:s9+$0xFFFFFF40]  }
0x1b7: {  	v61 =	vld [tilespmem:s6+$0xFFFFFFD0]  }
0x1b8: {  	s31 =	simm.s32 $0x18D60;
	v18 =	vld [tilespmem:s19+$0xFFFFFF80]  }
0x1b9: {  	v19 =	vld [tilespmem:s31+$0x0];
	v5 =	vadd.f32 v5, v8  }
0x1ba: {  	v20 =	vld [tilespmem:s31+$0xFFFFFFC0];
	v4 =	vadd.f32 v4, v11;
	v3 =	vadd.f32 v3, v7  }
0x1bb: {  	v8 =	vld [tilespmem:s31+$0x30];
	v7 =	vadd.f32 v10, v9;
	v6 =	vadd.f32 v12, v6  }
0x1bc: {  	v9 =	vld [tilespmem:s8+$0xFFFFFF40];
	v29 =	vadd.f32 v61, v29;
	v5 =	vmax.f32 v5, $0.0e+00;
	v4 =	vmax.f32 v4, $0.0e+00  }
0x1bd: {  	v10 =	vld [tilespmem:s8+$0x0];
	v6 =	vmax.f32 v6, $0.0e+00;
	v3 =	vmax.f32 v3, $0.0e+00;
	v11 =	vadd.f32 $1.000000010e-07, v5  }
0x1be: {  	v12 =	vadd.f32 $1.000000010e-07, v4;
	v4 =	vmax.f32 v7, $0.0e+00;
	v5 =	vld [tilespmem:s8+$0xC0];
	v7 =	vadd.f32 v17, v13  }
0x1bf: {  	v17 =	vld [tilespmem:s8+$0x80];
	v23 =	vadd.f32 $1.000000010e-07, v3;
	v31 =	vadd.f32 $1.000000010e-07, v6  }
0x1c0: {  	v3 =	vadd.f32 v16, v18;
	v18 =	vld [tilespmem:s31+$0xFFFFFFD0];
	v24 =	vadd.f32 $1.000000010e-07, v4  }
0x1c1: {  	v4 =	vld [tilespmem:s31+$0x20];
	v21 =	vmul.f32 $1.442695020e+00, v12;
	v6 =	vmax.f32 v7, $0.0e+00;
	v13 =	vmul.f32 $1.442695020e+00, v11  }
0x1c2: {  	v7 =	vld [tilespmem:s8+$0xFFFFFF00];
	v22 =	vmul.f32 $1.442695020e+00, v31;
	v25 =	vmul.f32 $1.442695020e+00, v23;
	v6 =	vadd.f32 $1.000000010e-07, v6  }
0x1c3: {  	v26 =	vld [tilespmem:s31+$0x10];
	v3 =	vmax.f32 v3, $0.0e+00;
	v16 =	vmul.f32 $1.442695020e+00, v24;
	(erf) = vpow2.f32 v13  }
0x1c4: {  	v30 =	vld [tilespmem:s9+$0xC0];
	v13 =	vadd.f32 $1.000000010e-07, v3;
	v27 =	vmul.f32 $1.442695020e+00, v6;
	v3 =	vadd.f32 v8, v5  }
0x1c5: {  	(erf) = vpow2.f32 v21;
	v8 =	vld [tilespmem:s8+$0xFFFFFFC0];
	v5 =	vadd.f32 v19, v10;
	v10 =	vadd.f32 v14, v15  }
0x1c6: {  	v19 =	vld [tilespmem:s31+$0xFFFFFFF0];
	v9 =	vadd.f32 v18, v9;
	(erf) = vpow2.f32 v22;
	v15 =	vmul.f32 $1.442695020e+00, v13  }
0x1c7: {  	v14 =	vld [tilespmem:s31+$0xFFFFFFE0];
	v4 =	vadd.f32 v4, v17;
	v3 =	vmax.f32 v3, $0.0e+00;
	v7 =	vadd.f32 v20, v7  }
0x1c8: {  	(erf) = vpow2.f32 v16;
	v16 =	vld [tilespmem:s8+$0xFFFFFF80];
	v10 =	vmax.f32 v10, $0.0e+00;
	v5 =	vmax.f32 v5, $0.0e+00  }
0x1c9: {  	v39 =	vld [tilespmem:s9+$0xFFFFFF00];
	v9 =	vmax.f32 v9, $0.0e+00;
	v3 =	vadd.f32 $1.000000010e-07, v3;
	(erf) = vpow2.f32 v27  }
0x1ca: {  	v20 =	vld [tilespmem:s6+$0x30];
	v4 =	vmax.f32 v4, $0.0e+00;
	v5 =	vadd.f32 $1.000000010e-07, v5;
	v7 =	vmax.f32 v7, $0.0e+00  }
0x1cb: {  	v27 =	vld [tilespmem:s6+$0xFFFFFFC0];
	(erf) = vpow2.f32 v25;
	v7 =	vadd.f32 $1.000000010e-07, v7;
	v17 =	vadd.f32 v19, v8  }
0x1cc: {  	v18 =	vld [tilespmem:s6+$0x0];
	v8 =	vadd.f32 $1.000000010e-07, v4;
	v4 =	vadd.f32 $1.000000010e-07, v9;
	(erf) = vpow2.f32 v15  }
0x1cd: {  	v22 =	vld [tilespmem:s9+$0x0];
	v33 =	vmul.f32 $1.442695020e+00, v3;
	v19 =	vmul.f32 $1.442695020e+00, v7;
	v16 =	vadd.f32 v14, v16  }
0x1ce: {  	s5 =	simm.s32 $0x1DCE0;
	v28 =	vld [tilespmem:s8+$0x40];
	v9 =	vmax.f32 v17, $0.0e+00;
	v32 =	vmul.f32 $1.442695020e+00, v8;
	v35 =	vmul.f32 $1.442695020e+00, v4;
	v25 =	vpop (erf)  }
0x1cf: {  	v34 =	vld [tilespmem:s9+$0x80];
	v17 =	vmul.f32 $1.442695020e+00, v5;
	v14 =	vadd.f32 $1.000000010e-07, v10;
	v20 =	vadd.f32 v20, v30;
	v15 =	vpop (erf);
	[tilespmem:s5+$0x30] =	vst v25  }
0x1d0: {  	v38 =	vld [tilespmem:s6+$0x20];
	v9 =	vadd.f32 $1.000000010e-07, v9;
	(erf) = vpow2.f32 v33;
	v62 =	vadd.f32 v27, v39;
	v36 =	vpop (erf);
	[tilespmem:s5+$0xFFFFFFC0] =	vst v15  }
0x1d1: {  	v25 =	vmul.f32 v25, v11;
	v37 =	vmul.f32 v15, v12;
	v12 =	vmax.f32 v16, $0.0e+00;
	v10 =	vpop (erf);
	[tilespmem:s5+$0xFFFFFFD0] =	vst v36  }
0x1d2: {  	s14 =	simm.s32 $0x1ECE0;
	v11 =	vld [tilespmem:s9+$0x40];
	v15 =	vadd.f32 v18, v22;
	v18 =	vmul.f32 $1.442695020e+00, v14;
	(erf) = vpow2.f32 v19;
	[tilespmem:s5+$0x20] =	vst v10  }
0x1d3: {  	v16 =	vld [tilespmem:s6+$0x10];
	v19 =	vadd.f32 v26, v28;
	(erf) = vpow2.f32 v35;
	v22 =	vpop (erf);
	[tilespmem:s14+$0xFFFFFFC0] =	vst v37;
	v26 =	vmul.f32 v10, v24  }
0x1d4: {  	v21 =	vmul.f32 $1.442695020e+00, v9;
	v12 =	vadd.f32 $1.000000010e-07, v12;
	v24 =	vld [tilespmem:s9+$0xFFFFFFC0];
	(erf) = vpow2.f32 v18;
	[tilespmem:s5+$0xFFFFFFF0] =	vst v22;
	v30 =	vpop (erf)  }
0x1d5: {  	v28 =	vadd.f32 v38, v34;
	v31 =	vmul.f32 v36, v31;
	v18 =	vld [tilespmem:s6+$0xFFFFFFE0];
	v63 =	vmul.f32 v30, v23;
	[tilespmem:s14+$0x20] =	vst v26  }
0x1d6: {  	s15 =	simm.s32 $0x10;
	s16 =	simm.s32 $0x18E60;
	s0 =	simm.s32 $0x1ED60;
	v10 =	vmax.f32 v20, $0.0e+00;
	v20 =	vmul.f32 $1.442695020e+00, v12;
	(erf) = vpow2.f32 v32;
	v26 =	vld [tilespmem:s6+$0xFFFFFFF0];
	[tilespmem:s5+$0x0] =	vst v30  }
0x1d7: {  	s10 =	simm.s32 $0x1DD60;
	s8 =	simm.s32 $0x1DD60;
	v19 =	vmax.f32 v19, $0.0e+00;
	v10 =	vadd.f32 $1.000000010e-07, v10;
	v27 =	vpop (erf);
	v30 =	vmax.f32 v62, $0.0e+00;
	v23 =	vld [tilespmem:s9+$0xFFFFFF80];
	s6 =	simm.s32 $0x1EDE0;
	[tilespmem:s14+$0x0] =	vst v63  }
.LBB2_13:
0x1d8: {  	v32 =	vld [tilespmem:s16+$0x0];
	s15 =	sadd.s32 $0x8, s15;
	v30 =	vadd.f32 $1.000000010e-07, v30;
	v28 =	vmax.f32 v28, $0.0e+00;
	s9 =	sadd.s32 $0x200, s9;
	s10 =	sadd.s32 $0x80, s10;
	(erf) = vpow2.f32 v21;
	[tilespmem:s14+$0x30] =	vst v25;
	v33 =	vmovc v16  }
0x1d9: {  	v37 =	vmax.f32 v15, $0.0e+00;
	v21 =	vmul.f32 v22, v6;
	v34 =	vld [tilespmem:s16+$0xFFFFFFC0];
	p0 =	slt.u32 s15, $0x78;
	v16 =	vmax.f32 v29, $0.0e+00;
	v25 =	vpop (erf);
	[tilespmem:s14+$0xFFFFFFD0] =	vst v31  }
0x1da: {  	v6 =	vmovc v9;
	v35 =	vadd.f32 $1.000000010e-07, v37;
	v29 =	vld [tilespmem:s16+$0x30];
	v31 =	vmul.f32 $1.442695020e+00, v30;
	[tilespmem:s8+$0x30] =	vst v25;
	(erf) = vpow2.f32 v17  }
0x1db: {  	v17 =	vmul.f32 v27, v13;
	v36 =	vld [tilespmem:s9+$0xFFFFFF40];
	v9 =	vadd.f32 v26, v24;
	v26 =	vadd.f32 $1.000000010e-07, v28;
	v15 =	vpop (erf);
	[tilespmem:s5+$0xFFFFFFE0] =	vst v27  }
0x1dc: {  	v37 =	vadd.f32 $1.000000010e-07, v16;
	v22 =	vld [tilespmem:s9+$0x0];
	v16 =	vadd.f32 v18, v23;
	[tilespmem:s8+$0xFFFFFFC0] =	vst v15;
	v38 =	vpop (erf);
	(erf) = vpow2.f32 v20  }
0x1dd: {  	v20 =	vmul.f32 $1.442695020e+00, v10;
	v18 =	vld [tilespmem:s9+$0xC0];
	v9 =	vmax.f32 v9, $0.0e+00;
	v23 =	vmul.f32 $1.442695020e+00, v26;
	[tilespmem:s14+$0xFFFFFFF0] =	vst v21;
	v21 =	vpop (erf)  }
0x1de: {  	v13 =	vmovc v12;
	v24 =	vmul.f32 $1.442695020e+00, v37;
	v27 =	vmul.f32 v15, v7;
	v7 =	vmovc v30;
	v28 =	vld [tilespmem:s9+$0x80];
	v9 =	vadd.f32 $1.000000010e-07, v9;
	[tilespmem:s14+$0xFFFFFFE0] =	vst v17  }
0x1df: {  	v17 =	vmul.f32 $1.442695020e+00, v35;
	v40 =	vmul.f32 v21, v14;
	v14 =	vadd.f32 $1.000000010e-07, v19;
	v30 =	vld [tilespmem:s16+$0x20];
	v39 =	vpop (erf);
	[tilespmem:s5+$0x10] =	vst v21;
	s5 =	smov.u32 s8;
	s8 =	smov.u32 s10  }
0x1e0: {  	v12 =	vmax.f32 v16, $0.0e+00;
	v19 =	vld [tilespmem:s9+$0xFFFFFF00];
	v21 =	vmul.f32 $1.442695020e+00, v9;
	(erf) = vpow2.f32 v20;
	[tilespmem:s5+$0x20] =	vst v39  }
0x1e1: {  	v12 =	vadd.f32 $1.000000010e-07, v12;
	v41 =	vld [tilespmem:s16+$0xFFFFFFD0];
	v15 =	vadd.f32 v32, v22;
	v32 =	vmul.f32 $1.442695020e+00, v14;
	v22 =	vpop (erf);
	[tilespmem:s14+$0x10] =	vst v40;
	s14 =	smov.u32 s0;
	s0 =	smov.u32 s6  }
0x1e2: {  	v25 =	vmul.f32 v25, v3;
	v3 =	vmovc v10;
	v16 =	vld [tilespmem:s16+$0x10];
	v18 =	vadd.f32 v29, v18;
	(erf) = vpow2.f32 v31;
	[tilespmem:s5+$0xFFFFFFF0] =	vst v22  }
.Ltmp5:
0x1e3: {  	v39 =	vmul.f32 v39, v8;
	v29 =	vadd.f32 v33, v11;
	v11 =	vld [tilespmem:s9+$0x40];
	(erf) = vpow2.f32 v24;
	[tilespmem:s14+$0xFFFFFFC0] =	vst v27;
	v31 =	vpop (erf);
	(pc) =	sbr.rel @p0 .LBB2_13-.Ltmp5, $4  }
0x1e4: {  	v8 =	vmovc v26;
	v20 =	vmul.f32 $1.442695020e+00, v12;
	v24 =	vld [tilespmem:s9+$0xFFFFFFC0];
	v10 =	vmax.f32 v18, $0.0e+00;
	[tilespmem:s5+$0xFFFFFFD0] =	vst v38;
	(erf) = vpow2.f32 v32  }
0x1e5: {  	v33 =	vmul.f32 v31, v5;
	v32 =	vadd.f32 v34, v19;
	v18 =	vld [tilespmem:s16+$0xFFFFFFE0];
	v10 =	vadd.f32 $1.000000010e-07, v10;
	[tilespmem:s14+$0x20] =	vst v39;
	v27 =	vpop (erf)  }
0x1e6: {  	v28 =	vadd.f32 v30, v28;
	v5 =	vmovc v35;
	v19 =	vmax.f32 v29, $0.0e+00;
	v26 =	vld [tilespmem:s16+$0xFFFFFFF0];
	(erf) = vpow2.f32 v23;
	[tilespmem:s5+$0x0] =	vst v31  }
0x1e7: {  	s6 =	sadd.s32 $0x80, s6;
	v29 =	vadd.f32 v41, v36;
	s16 =	sadd.s32 $0x80, s16;
	v31 =	vmul.f32 v38, v4;
	v4 =	vmovc v37;
	v30 =	vmax.f32 v32, $0.0e+00;
	v23 =	vld [tilespmem:s9+$0xFFFFFF80];
	[tilespmem:s14+$0x0] =	vst v33  }
0x1e8: {  	[tilespmem:s14+$0x30] =	vst v25  }
0x1e9: {  	[tilespmem:s5+$0xFFFFFFE0] =	vst v27  }
0x1ea: {  	v6 =	vmul.f32 v22, v6;
	v60 =	vpop (erf);
	[tilespmem:s14+$0xFFFFFFD0] =	vst v31  }
0x1eb: {  	v13 =	vmul.f32 v27, v13;
	[tilespmem:s8+$0x30] =	vst v60  }
0x1ec: {  	(erf) = vpow2.f32 v21;
	[tilespmem:s14+$0xFFFFFFF0] =	vst v6  }
0x1ed: {  	v62 =	vadd.f32 $1.000000010e-07, v30;
	v63 =	vmax.f32 v28, $0.0e+00;
	[tilespmem:s14+$0xFFFFFFE0] =	vst v13;
	v3 =	vmul.f32 v60, v3;
	v61 =	vpop (erf)  }
0x1ee: {  	v35 =	vmul.f32 $1.442695020e+00, v10;
	v41 =	vadd.f32 $1.000000010e-07, v19;
	(erf) = vpow2.f32 v17;
	[tilespmem:s8+$0xFFFFFFC0] =	vst v61  }
0x1ef: {  	v48 =	vmax.f32 v15, $0.0e+00;
	v32 =	vmax.f32 v29, $0.0e+00;
	v34 =	vmul.f32 $1.442695020e+00, v62;
	v33 =	vpop (erf);
	[tilespmem:s0+$0x30] =	vst v3  }
0x1f0: {  	v39 =	vadd.f32 $1.000000010e-07, v32;
	(erf) = vpow2.f32 v20;
	v7 =	vmul.f32 v61, v7;
	v36 =	vpop (erf);
	[tilespmem:s8+$0xFFFFFFD0] =	vst v33  }
0x1f1: {  	v44 =	vmul.f32 $1.442695020e+00, v41;
	v24 =	vadd.f32 v26, v24;
	v4 =	vmul.f32 v33, v4;
	[tilespmem:s5+$0x10] =	vst v36  }
0x1f2: {  	v37 =	vadd.f32 $1.000000010e-07, v63;
	v43 =	vmul.f32 $1.442695020e+00, v39;
	(erf) = vpow2.f32 v35;
	[tilespmem:s0+$0xFFFFFFC0] =	vst v7  }
0x1f3: {  	v24 =	vmax.f32 v24, $0.0e+00;
	v14 =	vmul.f32 v36, v14;
	(erf) = vpow2.f32 v34;
	v38 =	vpop (erf);
	[tilespmem:s0+$0xFFFFFFD0] =	vst v4  }
0x1f4: {  	v6 =	vadd.f32 $1.000000010e-07, v48;
	v40 =	vmul.f32 $1.442695020e+00, v37;
	v24 =	vadd.f32 $1.000000010e-07, v24;
	[tilespmem:s8+$0x20] =	vst v38  }
0x1f5: {  	(erf) = vpow2.f32 v43;
	[tilespmem:s14+$0x10] =	vst v14;
	v45 =	vmul.f32 v38, v8;
	v42 =	vpop (erf)  }
0x1f6: {  	v3 =	vmul.f32 $1.442695020e+00, v6;
	v46 =	vmul.f32 $1.442695020e+00, v24;
	[tilespmem:s8+$0xFFFFFFF0] =	vst v42  }
0x1f7: {  	v47 =	vpop (erf);
	(erf) = vpow2.f32 v44;
	[tilespmem:s0+$0x20] =	vst v45;
	v9 =	vmul.f32 v42, v9  }
0x1f8: {  	v5 =	vmul.f32 v47, v5;
	(erf) = vpow2.f32 v40;
	[tilespmem:s8+$0x0] =	vst v47  }
0x1f9: {  	v49 =	vadd.f32 v18, v23;
	[tilespmem:s0+$0xFFFFFFF0] =	vst v9;
	v50 =	vpop (erf);
	(erf) = vpow2.f32 v46  }
0x1fa: {  	[tilespmem:s0+$0x0] =	vst v5  }
0x1fb: {  	s29 =	sadd.s32 $0x80, s10;
	v53 =	vadd.f32 v16, v11;
	v52 =	vmax.f32 v49, $0.0e+00;
	v51 =	vpop (erf);
	[tilespmem:s8+$0xFFFFFFE0] =	vst v50  }
0x1fc: {  	v4 =	vadd.f32 $1.000000010e-07, v52;
	(erf) = vpow2.f32 v3;
	v7 =	vmul.f32 v50, v12;
	[tilespmem:s29+$0x30] =	vst v51;
	v3 =	vpop (erf)  }
0x1fd: {  	v5 =	vmax.f32 v53, $0.0e+00;
	[tilespmem:s29+$0xFFFFFFC0] =	vst v3  }
0x1fe: {  	v55 =	vmul.f32 $1.442695020e+00, v4;
	v5 =	vadd.f32 $1.000000010e-07, v5;
	v54 =	vpop (erf);
	[tilespmem:s0+$0xFFFFFFE0] =	vst v7;
	v3 =	vmul.f32 v3, v62  }
0x1ff: {  	[tilespmem:s29+$0xFFFFFFD0] =	vst v54;
	v61 =	vmul.f32 v54, v39  }
0x200: {  	v58 =	vmul.f32 $1.442695020e+00, v5;
	[tilespmem:s6+$0xFFFFFFC0] =	vst v3;
	v56 =	vpop (erf);
	(erf) = vpow2.f32 v55  }
0x201: {  	[tilespmem:s6+$0xFFFFFFD0] =	vst v61;
	v57 =	vpop (erf)  }
0x202: {  	[tilespmem:s8+$0x10] =	vst v56;
	v12 =	vmul.f32 v56, v41;
	v59 =	vpop (erf);
	(erf) = vpow2.f32 v58  }
0x203: {  	[tilespmem:s29+$0x20] =	vst v57;
	v3 =	vmul.f32 v57, v37  }
0x204: {  	[tilespmem:s0+$0x10] =	vst v12  }
0x205: {  	[tilespmem:s6+$0x20] =	vst v3;
	v3 =	vmul.f32 v51, v10  }
0x206: {  	[tilespmem:s29+$0xFFFFFFF0] =	vst v59;
	v60 =	vpop (erf)  }
0x207: {  	v62 =	vmul.f32 v59, v24;
	[tilespmem:s29+$0x0] =	vst v60  }
0x208: {  	[tilespmem:s6+$0x30] =	vst v3  }
0x209: {  	v6 =	vmul.f32 v60, v6;
	[tilespmem:s6+$0xFFFFFFF0] =	vst v62;
	v3 =	vpop (erf)  }
0x20a: {  	[tilespmem:s29+$0xFFFFFFE0] =	vst v3;
	v3 =	vmul.f32 v3, v4  }
0x20b: {  	[tilespmem:s6+$0x0] =	vst v6;
	v63 =	vpop (erf)  }
0x20c: {  	[tilespmem:s6+$0xFFFFFFE0] =	vst v3;
	v3 =	vmul.f32 v63, v5  }
0x20d: {  	[tilespmem:s29+$0x10] =	vst v63  }
0x20e: {  	[tilespmem:s6+$0x10] =	vst v3  }
0x20f: {  	s6 =	rddreg [dreg:$0x13]  }
0x210: {  	s31 =	rddreg [dreg:$0x6];
	s6 =	sadd.s32 $0x1, s6  }
0x211: {  	p0 =	sne.s32 s6, s31  }
.Ltmp6:
0x212: {  	_ = 	snop;
	(pc) =	sbr.rel @p0 .LBB2_6-.Ltmp6, $4  }
0x213: {  	s30 =	simm.s32 $0x18B20  }
0x214: {  	[spmem:s2] =	stream.indirect.scatter.add.f32 [tilespmem:s23], [sflag:$0x3], $0x10, s30, s28, $0xb8;
	[tilespmem:$0x1FCA0] =	vst v63  }
0x215: {  	_ = 	snop  }
0x216: {  	[spmem:s3] =	stream.indirect.scatter.add.f32 [tilespmem:s12], [sflag:$0x3], $0x10, s30, s28, $0xb8;
	[tilespmem:$0x1FCA0] =	vst v63  }
0x217: {  	s0 =	simm.s32 $0x3  }
0x218: {  	_ =	swait.ge [sflag:s0], $0x800  }
0x219: {  	[sflag:s0] =	ssyncset.done $0x0  }
0x21a: {  	[sflag:s0] =	ssyncadd.s32 $0xFFFFF800  }
0x21b: {  	_ =	swait.ge [sflag:s0], $0x800  }
0x21c: {  	[sflag:s0] =	ssyncset.done $0x0  }
0x21d: {  	s15 =	simm.s32 $0x4;
	[sflag:s0] =	ssyncadd.s32 $0xFFFFF800  }
0x21e: {  	_ =	swait.ge [sflag:s15], $0x800  }
0x21f: {  	[sflag:s15] =	ssyncset.done $0x0  }
0x220: {  	[sflag:s15] =	ssyncadd.s32 $0xFFFFF800  }
0x221: {  	_ =	swait.ge [sflag:s15], $0x800  }
0x222: {  	[sflag:s15] =	ssyncset.done $0x0  }
0x223: {  	[sflag:s15] =	ssyncadd.s32 $0xFFFFF800  }
0x224: {  	[bflag:$0x0] =	sbarrier.arrive $0xFFFF  }
0x225: {  	s16 =	stileid.u32;
	s25 =	rddreg [dreg:$0x9]  }
0x226: {  	s0 =	sshll.u32 s16, $0x6;
	s26 =	rddreg [dreg:$0x8];
	s6 =	sshrl.u32 s25, $0x3  }
0x227: {  	s5 =	sor.u32 $0x1C05, s0;
	[dreg:$0x11] =	wrdreg s6  }
0x228: {  	[hbm:s26], [sflag:s5] =	dma.local [spmem:s6], $0x186A  }
0x229: {  	_ =	swait.ge [sflag:s24], $0x186A;
	[dreg:$0x10] =	wrdreg s5  }
0x22a: {  	s29 =	rddreg [dreg:$0xb]  }
0x22b: {  	[sflag:s24] =	ssyncset.done $0x0;
	s31 =	rddreg [dreg:$0xa];
	s30 =	sshrl.u32 s29, $0x3  }
0x22c: {  	[sflag:s24] =	ssyncadd.s32 $0xFFFFE796;
	[dreg:$0x12] =	wrdreg s30  }
0x22d: {  	[hbm:s31], [sflag:s5] =	dma.local [spmem:s30], $0x186A  }
0x22e: {  	_ =	swait.ge [sflag:s24], $0x186A  }
0x22f: {  	[sflag:s24] =	ssyncset.done $0x0  }
0x230: {  	[sflag:s24] =	ssyncadd.s32 $0xFFFFE796  }
0x231: {  	s0 =	simm.s32 $0x40;
	s5 =	simm.s32 $0x0;
	[bflag:$0x0] =	sbarrier.arrive $0xFFFF  }
.LBB2_16:
0x232: {  	p0 =	sne.s32 s0, $0x1F00;
	[tilespmem:s5+$0x1DCA0] =	vst v2;
	s5 =	smov.u32 s0;
	s0 =	sadd.s32 $0x40, s0  }
.Ltmp7:
0x233: {  	(pc) =	sbr.rel @p0 .LBB2_16-.Ltmp7, $2  }
0x234: {  	_ =	sdelay $0x2  }
0x235: {  	s5 =	sshra.s32 s5, $0x2  }
0x236: {  	[tilespmem:s5+$0x1DCA0] =	vst v2;
	s0 =	sadd.s32 $0x0, s17  }
0x237: {  	[spmem:s0] =	stream.linear.scatter [tilespmem:s23], [sflag:$0x5], $0x7D0, $0x38;
	[tilespmem:$0x1FCA0] =	vst v63  }
0x238: {  	_ =	swait.ge [sflag:s24], $0x7D0  }
0x239: {  	[sflag:s24] =	ssyncset.done $0x0  }
0x23a: {  	s31 =	sadd.s32 $0x0, s18;
	[sflag:s24] =	ssyncadd.s32 $0xFFFFF830  }
0x23b: {  	[spmem:s31] =	stream.linear.scatter [tilespmem:s23], [sflag:$0x5], $0x7D0, $0x38;
	[tilespmem:$0x1FCA0] =	vst v63  }
0x23c: {  	_ =	swait.ge [sflag:s24], $0x7D0  }
0x23d: {  	s5 =	simm.s32 $0x3E80;
	s0 =	simm.s32 $0x7D0;
	[sflag:s24] =	ssyncset.done $0x0  }
.LBB2_18:
0x23e: {  	s6 =	sadd.s32 s0, s17  }
0x23f: {  	[sflag:s24] =	ssyncadd.s32 $0xFFFFF830;
	s8 =	smov.u32 s5;
	s9 =	sadd.s32 $0x1F40, s5  }
0x240: {  	[spmem:s6] =	stream.linear.scatter [tilespmem:s23], [sflag:$0x5], $0x7D0, $0x38;
	[tilespmem:$0x1FCA0] =	vst v63  }
0x241: {  	p0 =	sne.s32 s5, $0x2EE00;
	_ =	swait.ge [sflag:s24], $0x7D0  }
.Ltmp8:
0x242: {  	[sflag:s24] =	ssyncset.done $0x0;
	(pc) =	sbr.rel @p0 .LBB2_18-.Ltmp8, $4  }
0x243: {  	s0 =	sadd.s32 s0, s18;
	[sflag:s24] =	ssyncadd.s32 $0xFFFFF830  }
0x244: {  	[spmem:s0] =	stream.linear.scatter [tilespmem:s23], [sflag:$0x5], $0x7D0, $0x38;
	[tilespmem:$0x1FCA0] =	vst v63  }
0x245: {  	_ =	swait.ge [sflag:s24], $0x7D0  }
0x246: {  	s5 =	smov.u32 s9;
	s0 =	sshra.s32 s8, $0x2;
	[sflag:s24] =	ssyncset.done $0x0  }
0x247: {  	s5 =	sadd.s32 s0, s17;
	[sflag:s24] =	ssyncadd.s32 $0xFFFFF830  }
0x248: {  	[spmem:s5] =	stream.linear.scatter [tilespmem:s23], [sflag:$0x5], $0x7D0, $0x38;
	[tilespmem:$0x1FCA0] =	vst v63  }
0x249: {  	_ =	swait.ge [sflag:s24], $0x7D0  }
0x24a: {  	[sflag:s24] =	ssyncset.done $0x0  }
0x24b: {  	s31 =	sadd.s32 s0, s18;
	[sflag:s24] =	ssyncadd.s32 $0xFFFFF830  }
0x24c: {  	[spmem:s31] =	stream.linear.scatter [tilespmem:s23], [sflag:$0x5], $0x7D0, $0x38;
	[tilespmem:$0x1FCA0] =	vst v63  }
0x24d: {  	_ =	swait.ge [sflag:s24], $0x7D0  }
0x24e: {  	[sflag:s24] =	ssyncset.done $0x0  }
0x24f: {  	[sflag:s24] =	ssyncadd.s32 $0xFFFFF830  }
0x250: {  	s6 =	simm.s32 $0x0;
	[bflag:$0x0] =	sbarrier.arrive $0xFFFF  }
.LBB2_20:
0x251: {  	p0 =	seq.s32 s6, $0x0  }
0x252: {  	s0 =	simm.s32 @!p0 $0x3  }
0x253: {  	_ =	swait.ge @!p0 [sflag:s0], $0x800  }
0x254: {  	[sflag:s0] =	ssyncset.done @!p0 $0x0  }
0x255: {  	[sflag:s0] =	ssyncadd.s32 @!p0 $0xFFFFF800  }
0x256: {  	_ =	swait.ge @!p0 [sflag:s0], $0x800  }
0x257: {  	[sflag:s0] =	ssyncset.done @!p0 $0x0  }
0x258: {  	[sflag:s0] =	ssyncadd.s32 @!p0 $0xFFFFF800;
	s0 =	simm.s32 @!p0 $0x4  }
0x259: {  	_ =	swait.ge @!p0 [sflag:s0], $0x800  }
0x25a: {  	s5 =	rddreg [dreg:$0x7]  }
0x25b: {  	[sflag:s0] =	ssyncset.done @!p0 $0x0;
	s5 =	sadd.s32 s5, s6  }
0x25c: {  	[dreg:$0x14] =	wrdreg s6;
	[sflag:s0] =	ssyncadd.s32 @!p0 $0xFFFFF800;
	s6 =	smul.u32 $0x280, s5  }
0x25d: {  	s25 =	simm.s32 $0x186A0;
	_ =	swait.ge @!p0 [sflag:s0], $0x800  }
0x25e: {  	[sflag:s0] =	ssyncset.done @!p0 $0x0;
	s16 =	rddreg [dreg:$0x5];
	s6 =	sshrl.u32 s6, $0x3  }
0x25f: {  	s9 =	simm.s32 $0x0;
	[sflag:s0] =	ssyncadd.s32 @!p0 $0xFFFFF800;
	s0 =	sadd.s32 s16, s6  }
0x260: {  	[tilespmem:s25], [sflag:$0x5] =	stream.linear.gather [hbm4b:s0+s9], $0x280, $0x38;
	[tilespmem:$0x1FCA0] =	vst v63  }
0x261: {  	_ =	swait.ge [sflag:s24], $0x280  }
0x262: {  	[sflag:s24] =	ssyncset.done $0x0  }
0x263: {  	s26 =	simm.s32 $0x18920;
	s0 =	sadd.s32 $0x186A0, s0;
	[sflag:s24] =	ssyncadd.s32 $0xFFFFFD80  }
0x264: {  	[tilespmem:s26], [sflag:$0x5] =	stream.linear.gather [hbm4b:s0+s9], $0x280, $0x38;
	[tilespmem:$0x1FCA0] =	vst v63  }
0x265: {  	_ =	swait.ge [sflag:s24], $0x280  }
0x266: {  	[sflag:s24] =	ssyncset.done $0x0  }
0x267: {  	[sflag:s24] =	ssyncadd.s32 $0xFFFFFD80  }
0x268: {  	v3 =	vld [tilespmem:$0x186A0]  }
0x269: {  	v4 =	vld [tilespmem:$0x186B0]  }
0x26a: {  	v5 =	vld [tilespmem:$0x186C0]  }
0x26b: {  	v6 =	vld [tilespmem:$0x186D0]  }
0x26c: {  	v7 =	vld [tilespmem:$0x186E0]  }
0x26d: {  	v8 =	vld [tilespmem:$0x186F0];
	v3 =	vshll.u32 v3, $0x2  }
0x26e: {  	v9 =	vld [tilespmem:$0x18700];
	v4 =	vshll.u32 v4, $0x2;
	v3 =	vor.u32 v1, v3  }
0x26f: {  	v58 =	vld [tilespmem:$0x18710];
	v57 =	vshll.u32 v5, $0x2;
	[tilespmem:$0x18BA0] =	vst v3;
	v3 =	vor.u32 v1, v4  }
0x270: {  	v59 =	vshll.u32 v6, $0x2;
	[tilespmem:$0x18BB0] =	vst v3;
	v3 =	vor.u32 v1, v57  }
0x271: {  	v60 =	vshll.u32 v7, $0x2;
	[tilespmem:$0x18BC0] =	vst v3;
	v3 =	vor.u32 v1, v59  }
0x272: {  	v61 =	vshll.u32 v8, $0x2;
	[tilespmem:$0x18BD0] =	vst v3;
	v3 =	vor.u32 v1, v60  }
0x273: {  	v62 =	vshll.u32 v9, $0x2;
	[tilespmem:$0x18BE0] =	vst v3;
	v3 =	vor.u32 v1, v61  }
0x274: {  	s29 =	smul.u32 $0xA000, s5;
	v63 =	vshll.u32 v58, $0x2;
	[tilespmem:$0x18BF0] =	vst v3;
	v3 =	vor.u32 v1, v62  }
0x275: {  	[tilespmem:$0x18C00] =	vst v3;
	v3 =	vor.u32 v1, v63  }
0x276: {  	s30 =	simm.s32 $0x18BA0;
	s8 =	simm.s32 $0x18CA0;
	s0 =	sshrl.u32 s29, $0x3;
	[tilespmem:$0x18C10] =	vst v3  }
0x277: {  	[tilespmem:s8], [sflag:$0x1] =	stream.indirect.gather [hbm4b:s1+s28], $0x10, s30, s28, $0xb8;
	[tilespmem:$0x1FCA0] =	vst v63  }
0x278: {  	s31 =	simm.s32 $0x19CA0;
	p2 =	por $0x1, $0x1;
	s0 =	sadd.s32 s7, s0  }
0x279: {  	[tilespmem:s31], [sflag:$0x1] =	stream.linear.gather [hbm4b:s0+s9], $0x2000, $0x38;
	[tilespmem:$0x1FCA0] =	vst v63  }
0x27a: {  	p1 =	por $0x0, $0x0;
	s26 =	simm.s32 $0x0;
	s9 =	smul.u32 $0x5, s5  }
.LBB2_21:
0x27b: {  	s0 =	sshllo.u32 s26, $0x1  }
0x27c: {  	s25 =	sshll.u32 s0, $0x7  }
0x27d: {  	v3 =	vld [tilespmem:s25+$0x186A0];
	_ =	sdelay $0x4  }
0x27e: {  	v3 =	vshll.u32 v3, $0x2  }
0x27f: {  	v3 =	vor.u32 v1, v3  }
0x280: {  	[tilespmem:$0x18C20] =	vst v3  }
0x281: {  	v3 =	vld [tilespmem:s25+$0x186B0];
	_ =	sdelay $0x4  }
0x282: {  	v3 =	vshll.u32 v3, $0x2  }
0x283: {  	v3 =	vor.u32 v1, v3  }
0x284: {  	[tilespmem:$0x18C30] =	vst v3  }
0x285: {  	v3 =	vld [tilespmem:s25+$0x186C0];
	_ =	sdelay $0x4  }
0x286: {  	v3 =	vshll.u32 v3, $0x2  }
0x287: {  	v3 =	vor.u32 v1, v3  }
0x288: {  	[tilespmem:$0x18C40] =	vst v3  }
0x289: {  	v3 =	vld [tilespmem:s25+$0x186D0];
	_ =	sdelay $0x4  }
0x28a: {  	v3 =	vshll.u32 v3, $0x2  }
0x28b: {  	v3 =	vor.u32 v1, v3  }
0x28c: {  	[tilespmem:$0x18C50] =	vst v3  }
0x28d: {  	v3 =	vld [tilespmem:s25+$0x186E0];
	_ =	sdelay $0x4  }
0x28e: {  	v3 =	vshll.u32 v3, $0x2  }
0x28f: {  	v3 =	vor.u32 v1, v3  }
0x290: {  	[tilespmem:$0x18C60] =	vst v3  }
0x291: {  	v3 =	vld [tilespmem:s25+$0x186F0];
	_ =	sdelay $0x4  }
0x292: {  	v3 =	vshll.u32 v3, $0x2  }
0x293: {  	v3 =	vor.u32 v1, v3  }
0x294: {  	[tilespmem:$0x18C70] =	vst v3  }
0x295: {  	v3 =	vld [tilespmem:s25+$0x18700];
	_ =	sdelay $0x4  }
0x296: {  	v3 =	vshll.u32 v3, $0x2  }
0x297: {  	v3 =	vor.u32 v1, v3  }
0x298: {  	[tilespmem:$0x18C80] =	vst v3  }
0x299: {  	v3 =	vld [tilespmem:s25+$0x18710];
	_ =	sdelay $0x4  }
0x29a: {  	s0 =	sadd.s32 s9, s0;
	v3 =	vshll.u32 v3, $0x2  }
0x29b: {  	s0 =	sshll.u32 s0, $0xA;
	v3 =	vor.u32 v1, v3  }
0x29c: {  	s5 =	simm.s32 $0x18C20;
	s6 =	simm.s32 $0x194A0;
	s0 =	sand.u32 $0x1FFFFC00, s0;
	[tilespmem:$0x18C90] =	vst v3  }
0x29d: {  	[tilespmem:s6], [sflag:$0x2] =	stream.indirect.gather [hbm4b:s1+s28], $0x10, s5, s28, $0xb8;
	[tilespmem:$0x1FCA0] =	vst v63  }
0x29e: {  	s16 =	simm.s32 $0x1BCA0;
	s0 =	sadd.s32 s7, s0  }
0x29f: {  	[tilespmem:s16], [sflag:$0x2] =	stream.linear.gather [hbm4b:s0+s4], $0x2000, $0x38;
	[tilespmem:$0x1FCA0] =	vst v63  }
0x2a0: {  	_ =	swait.ge [sflag:s11], $0x800  }
0x2a1: {  	[sflag:s11] =	ssyncset.done $0x0  }
0x2a2: {  	[sflag:s11] =	ssyncadd.s32 $0xFFFFF800  }
0x2a3: {  	_ =	swait.ge [sflag:s11], $0x2000  }
0x2a4: {  	[sflag:s11] =	ssyncset.done $0x0  }
0x2a5: {  	s0 =	simm.s32 @p1 $0x3;
	[sflag:s11] =	ssyncadd.s32 $0xFFFFE000  }
0x2a6: {  	_ =	swait.ge @p1 [sflag:s0], $0x800  }
0x2a7: {  	[sflag:s0] =	ssyncset.done @p1 $0x0  }
0x2a8: {  	[sflag:s0] =	ssyncadd.s32 @p1 $0xFFFFF800  }
0x2a9: {  	_ =	swait.ge @p1 [sflag:s0], $0x800  }
0x2aa: {  	[sflag:s0] =	ssyncset.done @p1 $0x0  }
0x2ab: {  	s5 =	simm.s32 $0x18CE0;
	[sflag:s0] =	ssyncadd.s32 @p1 $0xFFFFF800  }
0x2ac: {  	v3 =	vld [tilespmem:s5+$0x0]  }
0x2ad: {  	v4 =	vld [tilespmem:s5+$0xFFFFFFC0]  }
0x2ae: {  	v5 =	vld [tilespmem:s5+$0x30]  }
0x2af: {  	v6 =	vld [tilespmem:s21+$0xFFFFFF40]  }
0x2b0: {  	v7 =	vld [tilespmem:s21+$0x0]  }
0x2b1: {  	v8 =	vld [tilespmem:s21+$0xC0]  }
0x2b2: {  	v9 =	vld [tilespmem:s21+$0x80]  }
0x2b3: {  	v10 =	vld [tilespmem:s5+$0x20]  }
0x2b4: {  	v11 =	vld [tilespmem:s21+$0xFFFFFF00]  }
0x2b5: {  	v12 =	vld [tilespmem:s5+$0xFFFFFFD0]  }
0x2b6: {  	v14 =	vld [tilespmem:s5+$0x10]  }
0x2b7: {  	v15 =	vld [tilespmem:s21+$0x40]  }
0x2b8: {  	v13 =	vld [tilespmem:s21+$0xFFFFFFC0]  }
0x2b9: {  	s8 =	sadd.s32 $0x200, s21;
	v16 =	vld [tilespmem:s5+$0xFFFFFFE0]  }
0x2ba: {  	s14 =	sadd.s32 $0x200, s8;
	v17 =	vld [tilespmem:s5+$0xFFFFFFF0]  }
0x2bb: {  	s10 =	simm.s32 $0x18DE0;
	v29 =	vld [tilespmem:s14+$0xFFFFFF40]  }
0x2bc: {  	v61 =	vld [tilespmem:s10+$0xFFFFFFD0]  }
0x2bd: {  	s6 =	simm.s32 $0x18D60;
	v18 =	vld [tilespmem:s21+$0xFFFFFF80]  }
0x2be: {  	v19 =	vld [tilespmem:s6+$0x0];
	v5 =	vadd.f32 v5, v8  }
0x2bf: {  	v20 =	vld [tilespmem:s6+$0xFFFFFFC0];
	v4 =	vadd.f32 v4, v11;
	v3 =	vadd.f32 v3, v7  }
0x2c0: {  	v8 =	vld [tilespmem:s6+$0x30];
	v7 =	vadd.f32 v10, v9;
	v6 =	vadd.f32 v12, v6  }
0x2c1: {  	v9 =	vld [tilespmem:s8+$0xFFFFFF40];
	v29 =	vadd.f32 v61, v29;
	v5 =	vmax.f32 v5, $0.0e+00;
	v4 =	vmax.f32 v4, $0.0e+00  }
0x2c2: {  	v10 =	vld [tilespmem:s8+$0x0];
	v6 =	vmax.f32 v6, $0.0e+00;
	v3 =	vmax.f32 v3, $0.0e+00;
	v11 =	vadd.f32 $1.000000010e-07, v5  }
0x2c3: {  	v12 =	vadd.f32 $1.000000010e-07, v4;
	v4 =	vmax.f32 v7, $0.0e+00;
	v5 =	vld [tilespmem:s8+$0xC0];
	v7 =	vadd.f32 v17, v13  }
0x2c4: {  	v17 =	vld [tilespmem:s8+$0x80];
	v23 =	vadd.f32 $1.000000010e-07, v3;
	v31 =	vadd.f32 $1.000000010e-07, v6  }
0x2c5: {  	v3 =	vadd.f32 v16, v18;
	v18 =	vld [tilespmem:s6+$0xFFFFFFD0];
	v24 =	vadd.f32 $1.000000010e-07, v4  }
0x2c6: {  	v4 =	vld [tilespmem:s6+$0x20];
	v21 =	vmul.f32 $1.442695020e+00, v12;
	v6 =	vmax.f32 v7, $0.0e+00;
	v13 =	vmul.f32 $1.442695020e+00, v11  }
0x2c7: {  	v7 =	vld [tilespmem:s8+$0xFFFFFF00];
	v22 =	vmul.f32 $1.442695020e+00, v31;
	v25 =	vmul.f32 $1.442695020e+00, v23;
	v6 =	vadd.f32 $1.000000010e-07, v6  }
0x2c8: {  	v26 =	vld [tilespmem:s6+$0x10];
	v3 =	vmax.f32 v3, $0.0e+00;
	v16 =	vmul.f32 $1.442695020e+00, v24;
	(erf) = vpow2.f32 v13  }
0x2c9: {  	v30 =	vld [tilespmem:s14+$0xC0];
	v13 =	vadd.f32 $1.000000010e-07, v3;
	v27 =	vmul.f32 $1.442695020e+00, v6;
	v3 =	vadd.f32 v8, v5  }
0x2ca: {  	(erf) = vpow2.f32 v21;
	v8 =	vld [tilespmem:s8+$0xFFFFFFC0];
	v5 =	vadd.f32 v19, v10;
	v10 =	vadd.f32 v14, v15  }
0x2cb: {  	v19 =	vld [tilespmem:s6+$0xFFFFFFF0];
	v9 =	vadd.f32 v18, v9;
	(erf) = vpow2.f32 v22;
	v15 =	vmul.f32 $1.442695020e+00, v13  }
0x2cc: {  	v14 =	vld [tilespmem:s6+$0xFFFFFFE0];
	v4 =	vadd.f32 v4, v17;
	v3 =	vmax.f32 v3, $0.0e+00;
	v7 =	vadd.f32 v20, v7  }
0x2cd: {  	(erf) = vpow2.f32 v16;
	v16 =	vld [tilespmem:s8+$0xFFFFFF80];
	v10 =	vmax.f32 v10, $0.0e+00;
	v5 =	vmax.f32 v5, $0.0e+00  }
0x2ce: {  	v39 =	vld [tilespmem:s14+$0xFFFFFF00];
	v9 =	vmax.f32 v9, $0.0e+00;
	v3 =	vadd.f32 $1.000000010e-07, v3;
	(erf) = vpow2.f32 v27  }
0x2cf: {  	v20 =	vld [tilespmem:s10+$0x30];
	v4 =	vmax.f32 v4, $0.0e+00;
	v5 =	vadd.f32 $1.000000010e-07, v5;
	v7 =	vmax.f32 v7, $0.0e+00  }
0x2d0: {  	v27 =	vld [tilespmem:s10+$0xFFFFFFC0];
	(erf) = vpow2.f32 v25;
	v7 =	vadd.f32 $1.000000010e-07, v7;
	v17 =	vadd.f32 v19, v8  }
0x2d1: {  	v18 =	vld [tilespmem:s10+$0x0];
	v8 =	vadd.f32 $1.000000010e-07, v4;
	v4 =	vadd.f32 $1.000000010e-07, v9;
	(erf) = vpow2.f32 v15  }
0x2d2: {  	v22 =	vld [tilespmem:s14+$0x0];
	v33 =	vmul.f32 $1.442695020e+00, v3;
	v19 =	vmul.f32 $1.442695020e+00, v7;
	v16 =	vadd.f32 v14, v16  }
0x2d3: {  	v28 =	vld [tilespmem:s8+$0x40];
	s5 =	simm.s32 $0x1DCE0;
	v9 =	vmax.f32 v17, $0.0e+00;
	v32 =	vmul.f32 $1.442695020e+00, v8;
	v35 =	vmul.f32 $1.442695020e+00, v4;
	v25 =	vpop (erf)  }
0x2d4: {  	v34 =	vld [tilespmem:s14+$0x80];
	v17 =	vmul.f32 $1.442695020e+00, v5;
	v14 =	vadd.f32 $1.000000010e-07, v10;
	v20 =	vadd.f32 v20, v30;
	v15 =	vpop (erf);
	[tilespmem:s5+$0x30] =	vst v25  }
0x2d5: {  	v38 =	vld [tilespmem:s10+$0x20];
	v9 =	vadd.f32 $1.000000010e-07, v9;
	(erf) = vpow2.f32 v33;
	v62 =	vadd.f32 v27, v39;
	v36 =	vpop (erf);
	[tilespmem:s5+$0xFFFFFFC0] =	vst v15  }
0x2d6: {  	v25 =	vmul.f32 v25, v11;
	v37 =	vmul.f32 v15, v12;
	v12 =	vmax.f32 v16, $0.0e+00;
	v10 =	vpop (erf);
	[tilespmem:s5+$0xFFFFFFD0] =	vst v36  }
0x2d7: {  	s29 =	simm.s32 $0x1ECE0;
	v11 =	vld [tilespmem:s14+$0x40];
	v15 =	vadd.f32 v18, v22;
	v18 =	vmul.f32 $1.442695020e+00, v14;
	(erf) = vpow2.f32 v19;
	[tilespmem:s5+$0x20] =	vst v10  }
0x2d8: {  	v16 =	vld [tilespmem:s10+$0x10];
	v19 =	vadd.f32 v26, v28;
	(erf) = vpow2.f32 v35;
	v22 =	vpop (erf);
	[tilespmem:s29+$0xFFFFFFC0] =	vst v37;
	v26 =	vmul.f32 v10, v24  }
0x2d9: {  	v21 =	vmul.f32 $1.442695020e+00, v9;
	v12 =	vadd.f32 $1.000000010e-07, v12;
	v24 =	vld [tilespmem:s14+$0xFFFFFFC0];
	(erf) = vpow2.f32 v18;
	[tilespmem:s5+$0xFFFFFFF0] =	vst v22;
	v30 =	vpop (erf)  }
0x2da: {  	s30 =	simm.s32 $0x10;
	s15 =	simm.s32 $0x1DD60;
	v28 =	vadd.f32 v38, v34;
	v31 =	vmul.f32 v36, v31;
	v18 =	vld [tilespmem:s10+$0xFFFFFFE0];
	v63 =	vmul.f32 v30, v23;
	[tilespmem:s29+$0x20] =	vst v26  }
0x2db: {  	p0 =	por p2, p2;
	s31 =	simm.s32 $0x18E60;
	s0 =	simm.s32 $0x1ED60;
	v10 =	vmax.f32 v20, $0.0e+00;
	v20 =	vmul.f32 $1.442695020e+00, v12;
	(erf) = vpow2.f32 v32;
	v26 =	vld [tilespmem:s10+$0xFFFFFFF0];
	[tilespmem:s5+$0x0] =	vst v30  }
0x2dc: {  	s16 =	sshll.u32 s26, $0x1;
	s6 =	simm.s32 $0x1EDE0;
	v19 =	vmax.f32 v19, $0.0e+00;
	v10 =	vadd.f32 $1.000000010e-07, v10;
	v27 =	vpop (erf);
	v30 =	vmax.f32 v62, $0.0e+00;
	v23 =	vld [tilespmem:s14+$0xFFFFFF80];
	s10 =	simm.s32 $0x1DD60;
	[tilespmem:s29+$0x0] =	vst v63  }
.LBB2_22:
0x2dd: {  	v32 =	vld [tilespmem:s31+$0x0];
	s30 =	sadd.s32 $0x8, s30;
	v30 =	vadd.f32 $1.000000010e-07, v30;
	v28 =	vmax.f32 v28, $0.0e+00;
	s14 =	sadd.s32 $0x200, s14;
	s15 =	sadd.s32 $0x80, s15;
	(erf) = vpow2.f32 v21;
	[tilespmem:s29+$0x30] =	vst v25;
	v33 =	vmovc v16  }
0x2de: {  	v37 =	vmax.f32 v15, $0.0e+00;
	v21 =	vmul.f32 v22, v6;
	v34 =	vld [tilespmem:s31+$0xFFFFFFC0];
	p2 =	slt.u32 s30, $0x78;
	v16 =	vmax.f32 v29, $0.0e+00;
	v25 =	vpop (erf);
	[tilespmem:s29+$0xFFFFFFD0] =	vst v31  }
0x2df: {  	v6 =	vmovc v9;
	v35 =	vadd.f32 $1.000000010e-07, v37;
	v29 =	vld [tilespmem:s31+$0x30];
	v31 =	vmul.f32 $1.442695020e+00, v30;
	[tilespmem:s10+$0x30] =	vst v25;
	(erf) = vpow2.f32 v17  }
0x2e0: {  	v17 =	vmul.f32 v27, v13;
	v36 =	vld [tilespmem:s14+$0xFFFFFF40];
	v9 =	vadd.f32 v26, v24;
	v26 =	vadd.f32 $1.000000010e-07, v28;
	v15 =	vpop (erf);
	[tilespmem:s5+$0xFFFFFFE0] =	vst v27  }
0x2e1: {  	v37 =	vadd.f32 $1.000000010e-07, v16;
	v22 =	vld [tilespmem:s14+$0x0];
	v16 =	vadd.f32 v18, v23;
	[tilespmem:s10+$0xFFFFFFC0] =	vst v15;
	v38 =	vpop (erf);
	(erf) = vpow2.f32 v20  }
0x2e2: {  	v20 =	vmul.f32 $1.442695020e+00, v10;
	v18 =	vld [tilespmem:s14+$0xC0];
	v9 =	vmax.f32 v9, $0.0e+00;
	v23 =	vmul.f32 $1.442695020e+00, v26;
	[tilespmem:s29+$0xFFFFFFF0] =	vst v21;
	v21 =	vpop (erf)  }
0x2e3: {  	v13 =	vmovc v12;
	v24 =	vmul.f32 $1.442695020e+00, v37;
	v27 =	vmul.f32 v15, v7;
	v7 =	vmovc v30;
	v28 =	vld [tilespmem:s14+$0x80];
	v9 =	vadd.f32 $1.000000010e-07, v9;
	[tilespmem:s29+$0xFFFFFFE0] =	vst v17  }
0x2e4: {  	v17 =	vmul.f32 $1.442695020e+00, v35;
	v40 =	vmul.f32 v21, v14;
	v14 =	vadd.f32 $1.000000010e-07, v19;
	v30 =	vld [tilespmem:s31+$0x20];
	v39 =	vpop (erf);
	[tilespmem:s5+$0x10] =	vst v21;
	s5 =	smov.u32 s10;
	s10 =	smov.u32 s15  }
0x2e5: {  	v12 =	vmax.f32 v16, $0.0e+00;
	v19 =	vld [tilespmem:s14+$0xFFFFFF00];
	v21 =	vmul.f32 $1.442695020e+00, v9;
	(erf) = vpow2.f32 v20;
	[tilespmem:s5+$0x20] =	vst v39  }
0x2e6: {  	v12 =	vadd.f32 $1.000000010e-07, v12;
	v41 =	vld [tilespmem:s31+$0xFFFFFFD0];
	v15 =	vadd.f32 v32, v22;
	v32 =	vmul.f32 $1.442695020e+00, v14;
	v22 =	vpop (erf);
	[tilespmem:s29+$0x10] =	vst v40;
	s29 =	smov.u32 s0;
	s0 =	smov.u32 s6  }
0x2e7: {  	v25 =	vmul.f32 v25, v3;
	v3 =	vmovc v10;
	v16 =	vld [tilespmem:s31+$0x10];
	v18 =	vadd.f32 v29, v18;
	(erf) = vpow2.f32 v31;
	[tilespmem:s5+$0xFFFFFFF0] =	vst v22  }
.Ltmp9:
0x2e8: {  	v39 =	vmul.f32 v39, v8;
	v29 =	vadd.f32 v33, v11;
	v11 =	vld [tilespmem:s14+$0x40];
	(erf) = vpow2.f32 v24;
	[tilespmem:s29+$0xFFFFFFC0] =	vst v27;
	v31 =	vpop (erf);
	(pc) =	sbr.rel @p2 .LBB2_22-.Ltmp9, $4  }
0x2e9: {  	v8 =	vmovc v26;
	v20 =	vmul.f32 $1.442695020e+00, v12;
	v24 =	vld [tilespmem:s14+$0xFFFFFFC0];
	v10 =	vmax.f32 v18, $0.0e+00;
	[tilespmem:s5+$0xFFFFFFD0] =	vst v38;
	(erf) = vpow2.f32 v32  }
0x2ea: {  	v33 =	vmul.f32 v31, v5;
	v32 =	vadd.f32 v34, v19;
	v18 =	vld [tilespmem:s31+$0xFFFFFFE0];
	v10 =	vadd.f32 $1.000000010e-07, v10;
	[tilespmem:s29+$0x20] =	vst v39;
	v27 =	vpop (erf)  }
0x2eb: {  	v28 =	vadd.f32 v30, v28;
	v5 =	vmovc v35;
	v19 =	vmax.f32 v29, $0.0e+00;
	v26 =	vld [tilespmem:s31+$0xFFFFFFF0];
	(erf) = vpow2.f32 v23;
	[tilespmem:s5+$0x0] =	vst v31  }
0x2ec: {  	s6 =	sadd.s32 $0x80, s6;
	v29 =	vadd.f32 v41, v36;
	s31 =	sadd.s32 $0x80, s31;
	v31 =	vmul.f32 v38, v4;
	v4 =	vmovc v37;
	v30 =	vmax.f32 v32, $0.0e+00;
	v23 =	vld [tilespmem:s14+$0xFFFFFF80];
	[tilespmem:s29+$0x0] =	vst v33  }
0x2ed: {  	[tilespmem:s29+$0x30] =	vst v25  }
0x2ee: {  	[tilespmem:s5+$0xFFFFFFE0] =	vst v27  }
0x2ef: {  	(erf) = vpow2.f32 v21;
	v6 =	vmul.f32 v22, v6;
	v21 =	vpop (erf);
	[tilespmem:s29+$0xFFFFFFD0] =	vst v31  }
0x2f0: {  	v13 =	vmul.f32 v27, v13;
	[tilespmem:s10+$0x30] =	vst v21  }
0x2f1: {  	v22 =	vadd.f32 $1.000000010e-07, v30;
	[tilespmem:s29+$0xFFFFFFF0] =	vst v6  }
0x2f2: {  	(erf) = vpow2.f32 v17;
	[tilespmem:s29+$0xFFFFFFE0] =	vst v13;
	v3 =	vmul.f32 v21, v3;
	v17 =	vpop (erf)  }
0x2f3: {  	v25 =	vmax.f32 v28, $0.0e+00;
	v27 =	vmax.f32 v29, $0.0e+00;
	v6 =	vmul.f32 $1.442695020e+00, v22;
	[tilespmem:s10+$0xFFFFFFC0] =	vst v17;
	v28 =	vpop (erf)  }
0x2f4: {  	v13 =	vadd.f32 $1.000000010e-07, v25;
	v24 =	vadd.f32 v26, v24;
	v26 =	vmul.f32 $1.442695020e+00, v10;
	[tilespmem:s0+$0x30] =	vst v3;
	v29 =	vpop (erf)  }
0x2f5: {  	v25 =	vadd.f32 $1.000000010e-07, v27;
	(erf) = vpow2.f32 v20;
	[tilespmem:s10+$0xFFFFFFD0] =	vst v28;
	v14 =	vmul.f32 v29, v14  }
0x2f6: {  	v7 =	vmul.f32 v17, v7;
	(erf) = vpow2.f32 v26;
	[tilespmem:s5+$0x10] =	vst v29  }
0x2f7: {  	v17 =	vadd.f32 $1.000000010e-07, v19;
	v4 =	vmul.f32 v28, v4;
	[tilespmem:s29+$0x10] =	vst v14;
	v14 =	vmul.f32 $1.442695020e+00, v25  }
0x2f8: {  	[tilespmem:s0+$0xFFFFFFC0] =	vst v7  }
0x2f9: {  	v24 =	vmax.f32 v24, $0.0e+00;
	(erf) = vpow2.f32 v6;
	v6 =	vmul.f32 $1.442695020e+00, v17;
	v20 =	vpop (erf);
	[tilespmem:s0+$0xFFFFFFD0] =	vst v4  }
0x2fa: {  	v24 =	vadd.f32 $1.000000010e-07, v24;
	[tilespmem:s10+$0x20] =	vst v20;
	v7 =	vmul.f32 v20, v8;
	v19 =	vpop (erf);
	(erf) = vpow2.f32 v14  }
0x2fb: {  	v26 =	vmul.f32 $1.442695020e+00, v13;
	[tilespmem:s10+$0xFFFFFFF0] =	vst v19;
	v14 =	vpop (erf);
	(erf) = vpow2.f32 v6;
	v6 =	vmax.f32 v15, $0.0e+00  }
0x2fc: {  	v8 =	vmul.f32 $1.442695020e+00, v24;
	[tilespmem:s0+$0x20] =	vst v7;
	v5 =	vmul.f32 v14, v5;
	v6 =	vadd.f32 $1.000000010e-07, v6  }
0x2fd: {  	v9 =	vmul.f32 v19, v9;
	(erf) = vpow2.f32 v26;
	[tilespmem:s10+$0x0] =	vst v14  }
0x2fe: {  	[tilespmem:s0+$0x0] =	vst v5;
	v5 =	vadd.f32 v18, v23;
	v3 =	vmul.f32 $1.442695020e+00, v6  }
0x2ff: {  	[tilespmem:s0+$0xFFFFFFF0] =	vst v9;
	v7 =	vpop (erf);
	(erf) = vpow2.f32 v8  }
0x300: {  	s15 =	sadd.s32 $0x80, s15;
	v8 =	vpop (erf);
	[tilespmem:s10+$0xFFFFFFE0] =	vst v7;
	v7 =	vmul.f32 v7, v12;
	v4 =	vmax.f32 v5, $0.0e+00;
	v5 =	vadd.f32 v16, v11  }
0x301: {  	[tilespmem:s15+$0x30] =	vst v8;
	(erf) = vpow2.f32 v3;
	v4 =	vadd.f32 $1.000000010e-07, v4  }
0x302: {  	[tilespmem:s0+$0xFFFFFFE0] =	vst v7;
	v3 =	vpop (erf);
	v5 =	vmax.f32 v5, $0.0e+00  }
0x303: {  	[tilespmem:s15+$0xFFFFFFC0] =	vst v3;
	v11 =	vpop (erf);
	v9 =	vmul.f32 $1.442695020e+00, v4;
	v5 =	vadd.f32 $1.000000010e-07, v5  }
0x304: {  	v3 =	vmul.f32 v3, v22;
	v12 =	vpop (erf);
	[tilespmem:s15+$0xFFFFFFD0] =	vst v11  }
0x305: {  	[tilespmem:s10+$0x10] =	vst v12;
	(erf) = vpow2.f32 v9;
	v9 =	vmul.f32 $1.442695020e+00, v5  }
0x306: {  	v7 =	vpop (erf);
	v12 =	vmul.f32 v12, v17;
	[tilespmem:s6+$0xFFFFFFC0] =	vst v3  }
0x307: {  	[tilespmem:s15+$0x20] =	vst v7;
	(erf) = vpow2.f32 v9  }
0x308: {  	v14 =	vpop (erf);
	v3 =	vmul.f32 v7, v13;
	[tilespmem:s0+$0x10] =	vst v12  }
0x309: {  	[tilespmem:s15+$0xFFFFFFF0] =	vst v14  }
0x30a: {  	[tilespmem:s6+$0x20] =	vst v3;
	v3 =	vmul.f32 v8, v10;
	v7 =	vpop (erf)  }
0x30b: {  	v6 =	vmul.f32 v7, v6;
	[tilespmem:s15+$0x0] =	vst v7  }
0x30c: {  	v7 =	vmul.f32 v11, v25;
	[tilespmem:s6+$0x30] =	vst v3  }
0x30d: {  	[tilespmem:s6+$0x0] =	vst v6  }
0x30e: {  	[tilespmem:s6+$0xFFFFFFD0] =	vst v7;
	v6 =	vmul.f32 v14, v24;
	v3 =	vpop (erf)  }
0x30f: {  	[tilespmem:s15+$0xFFFFFFE0] =	vst v3;
	v3 =	vmul.f32 v3, v4  }
0x310: {  	[tilespmem:s6+$0xFFFFFFF0] =	vst v6;
	v4 =	vpop (erf)  }
0x311: {  	s30 =	sshll.u32 s26, $0x8;
	[tilespmem:s6+$0xFFFFFFE0] =	vst v3;
	v3 =	vmul.f32 v4, v5  }
0x312: {  	s31 =	sadd.s32 $0x2, s16;
	s0 =	sand.u32 $0x3FFFFF00, s30;
	[tilespmem:s15+$0x10] =	vst v4  }
0x313: {  	s0 =	sadd.s32 $0x18920, s0;
	[tilespmem:s6+$0x10] =	vst v3;
	s6 =	sshll.u32 s31, $0x7  }
0x314: {  	[spmem:s2] =	stream.indirect.scatter.add.f32 [tilespmem:s23], [sflag:$0x3], $0x10, s0, s28, $0xb8;
	[tilespmem:$0x1FCA0] =	vst v63  }
0x315: {  	s5 =	sand.u32 $0x3FFFFF80, s6  }
0x316: {  	[spmem:s3] =	stream.indirect.scatter.add.f32 [tilespmem:s12], [sflag:$0x3], $0x10, s0, s28, $0xb8;
	[tilespmem:$0x1FCA0] =	vst v63  }
0x317: {  	v3 =	vld [tilespmem:s5+$0x186A0];
	_ =	sdelay $0x4  }
0x318: {  	v3 =	vshll.u32 v3, $0x2  }
0x319: {  	v3 =	vor.u32 v1, v3  }
0x31a: {  	[tilespmem:$0x18BA0] =	vst v3  }
0x31b: {  	v3 =	vld [tilespmem:s5+$0x186B0];
	_ =	sdelay $0x4  }
0x31c: {  	v3 =	vshll.u32 v3, $0x2  }
0x31d: {  	v3 =	vor.u32 v1, v3  }
0x31e: {  	[tilespmem:$0x18BB0] =	vst v3  }
0x31f: {  	v3 =	vld [tilespmem:s5+$0x186C0];
	_ =	sdelay $0x4  }
0x320: {  	v3 =	vshll.u32 v3, $0x2  }
0x321: {  	v3 =	vor.u32 v1, v3  }
0x322: {  	[tilespmem:$0x18BC0] =	vst v3  }
0x323: {  	v3 =	vld [tilespmem:s5+$0x186D0];
	_ =	sdelay $0x4  }
0x324: {  	v3 =	vshll.u32 v3, $0x2  }
0x325: {  	v3 =	vor.u32 v1, v3  }
0x326: {  	[tilespmem:$0x18BD0] =	vst v3  }
0x327: {  	v3 =	vld [tilespmem:s5+$0x186E0];
	_ =	sdelay $0x4  }
0x328: {  	v3 =	vshll.u32 v3, $0x2  }
0x329: {  	v3 =	vor.u32 v1, v3  }
0x32a: {  	[tilespmem:$0x18BE0] =	vst v3  }
0x32b: {  	v3 =	vld [tilespmem:s5+$0x186F0];
	_ =	sdelay $0x4  }
0x32c: {  	v3 =	vshll.u32 v3, $0x2  }
0x32d: {  	v3 =	vor.u32 v1, v3  }
0x32e: {  	[tilespmem:$0x18BF0] =	vst v3  }
0x32f: {  	v3 =	vld [tilespmem:s5+$0x18700];
	_ =	sdelay $0x4  }
0x330: {  	v3 =	vshll.u32 v3, $0x2  }
0x331: {  	v3 =	vor.u32 v1, v3  }
0x332: {  	[tilespmem:$0x18C00] =	vst v3  }
0x333: {  	v3 =	vld [tilespmem:s5+$0x18710];
	_ =	sdelay $0x4  }
0x334: {  	s0 =	sadd.s32 s9, s31;
	v3 =	vshll.u32 v3, $0x2  }
0x335: {  	s0 =	sshll.u32 s0, $0xA;
	v3 =	vor.u32 v1, v3  }
0x336: {  	s14 =	simm.s32 $0x18CA0;
	s10 =	simm.s32 $0x18BA0;
	s0 =	sand.u32 $0x1FFFFC00, s0;
	[tilespmem:$0x18C10] =	vst v3  }
0x337: {  	[tilespmem:s14], [sflag:$0x1] =	stream.indirect.gather [hbm4b:s1+s28], $0x10, s10, s28, $0xb8;
	[tilespmem:$0x1FCA0] =	vst v63  }
0x338: {  	s15 =	simm.s32 $0x19CA0;
	s0 =	sadd.s32 s7, s0  }
0x339: {  	[tilespmem:s15], [sflag:$0x1] =	stream.linear.gather [hbm4b:s0+s4], $0x2000, $0x38;
	[tilespmem:$0x1FCA0] =	vst v63  }
0x33a: {  	_ =	swait.ge [sflag:s13], $0x800  }
0x33b: {  	[sflag:s13] =	ssyncset.done $0x0  }
0x33c: {  	[sflag:s13] =	ssyncadd.s32 $0xFFFFF800  }
0x33d: {  	_ =	swait.ge [sflag:s13], $0x2000  }
0x33e: {  	[sflag:s13] =	ssyncset.done $0x0  }
0x33f: {  	s0 =	simm.s32 @p1 $0x4;
	[sflag:s13] =	ssyncadd.s32 $0xFFFFE000  }
0x340: {  	_ =	swait.ge @p1 [sflag:s0], $0x800  }
0x341: {  	[sflag:s0] =	ssyncset.done @p1 $0x0  }
0x342: {  	[sflag:s0] =	ssyncadd.s32 @p1 $0xFFFFF800  }
0x343: {  	_ =	swait.ge @p1 [sflag:s0], $0x800  }
0x344: {  	[sflag:s0] =	ssyncset.done @p1 $0x0  }
0x345: {  	s16 =	simm.s32 $0x194E0;
	[sflag:s0] =	ssyncadd.s32 @p1 $0xFFFFF800  }
0x346: {  	v3 =	vld [tilespmem:s16+$0x0]  }
0x347: {  	v4 =	vld [tilespmem:s16+$0xFFFFFFC0]  }
0x348: {  	v5 =	vld [tilespmem:s16+$0x30]  }
0x349: {  	v6 =	vld [tilespmem:s22+$0xFFFFFF40]  }
0x34a: {  	v7 =	vld [tilespmem:s22+$0x0]  }
0x34b: {  	v8 =	vld [tilespmem:s22+$0xC0]  }
0x34c: {  	v9 =	vld [tilespmem:s22+$0x80]  }
0x34d: {  	v10 =	vld [tilespmem:s16+$0x20]  }
0x34e: {  	v11 =	vld [tilespmem:s22+$0xFFFFFF00]  }
0x34f: {  	v12 =	vld [tilespmem:s16+$0xFFFFFFD0]  }
0x350: {  	v14 =	vld [tilespmem:s16+$0x10]  }
0x351: {  	v15 =	vld [tilespmem:s22+$0x40]  }
0x352: {  	v13 =	vld [tilespmem:s22+$0xFFFFFFC0]  }
0x353: {  	v16 =	vld [tilespmem:s16+$0xFFFFFFE0]  }
0x354: {  	s30 =	sadd.s32 $0x200, s22;
	v17 =	vld [tilespmem:s16+$0xFFFFFFF0]  }
0x355: {  	s14 =	sadd.s32 $0x200, s30;
	v18 =	vld [tilespmem:s22+$0xFFFFFF80]  }
0x356: {  	s31 =	simm.s32 $0x195E0;
	v29 =	vld [tilespmem:s14+$0xFFFFFF40]  }
0x357: {  	s26 =	simm.s32 $0x19560;
	v61 =	vld [tilespmem:s31+$0xFFFFFFD0]  }
0x358: {  	v19 =	vld [tilespmem:s26+$0x0]  }
0x359: {  	v20 =	vld [tilespmem:s26+$0xFFFFFFC0];
	v5 =	vadd.f32 v5, v8  }
0x35a: {  	v26 =	vld [tilespmem:s26+$0x10];
	v4 =	vadd.f32 v4, v11;
	v3 =	vadd.f32 v3, v7  }
0x35b: {  	v8 =	vld [tilespmem:s26+$0x30];
	v7 =	vadd.f32 v10, v9;
	v6 =	vadd.f32 v12, v6  }
0x35c: {  	v9 =	vld [tilespmem:s30+$0xFFFFFF40];
	v29 =	vadd.f32 v61, v29;
	v5 =	vmax.f32 v5, $0.0e+00;
	v4 =	vmax.f32 v4, $0.0e+00  }
0x35d: {  	v10 =	vld [tilespmem:s30+$0x0];
	v6 =	vmax.f32 v6, $0.0e+00;
	v3 =	vmax.f32 v3, $0.0e+00;
	v11 =	vadd.f32 $1.000000010e-07, v5  }
0x35e: {  	v12 =	vadd.f32 $1.000000010e-07, v4;
	v4 =	vmax.f32 v7, $0.0e+00;
	v5 =	vld [tilespmem:s30+$0xC0];
	v7 =	vadd.f32 v17, v13  }
0x35f: {  	v17 =	vld [tilespmem:s30+$0x80];
	v23 =	vadd.f32 $1.000000010e-07, v3;
	v31 =	vadd.f32 $1.000000010e-07, v6  }
0x360: {  	v3 =	vadd.f32 v16, v18;
	v18 =	vld [tilespmem:s26+$0xFFFFFFD0];
	v24 =	vadd.f32 $1.000000010e-07, v4  }
0x361: {  	v4 =	vld [tilespmem:s26+$0x20];
	v21 =	vmul.f32 $1.442695020e+00, v12;
	v6 =	vmax.f32 v7, $0.0e+00;
	v13 =	vmul.f32 $1.442695020e+00, v11  }
0x362: {  	v7 =	vld [tilespmem:s30+$0xFFFFFF00];
	v22 =	vmul.f32 $1.442695020e+00, v31;
	v25 =	vmul.f32 $1.442695020e+00, v23;
	v6 =	vadd.f32 $1.000000010e-07, v6  }
0x363: {  	v28 =	vld [tilespmem:s30+$0x40];
	v3 =	vmax.f32 v3, $0.0e+00;
	v16 =	vmul.f32 $1.442695020e+00, v24;
	(erf) = vpow2.f32 v13  }
0x364: {  	v30 =	vld [tilespmem:s14+$0xC0];
	v13 =	vadd.f32 $1.000000010e-07, v3;
	v27 =	vmul.f32 $1.442695020e+00, v6;
	v3 =	vadd.f32 v8, v5  }
0x365: {  	(erf) = vpow2.f32 v21;
	v8 =	vld [tilespmem:s30+$0xFFFFFFC0];
	v5 =	vadd.f32 v19, v10;
	v10 =	vadd.f32 v14, v15  }
0x366: {  	v19 =	vld [tilespmem:s26+$0xFFFFFFF0];
	v9 =	vadd.f32 v18, v9;
	(erf) = vpow2.f32 v22;
	v15 =	vmul.f32 $1.442695020e+00, v13  }
0x367: {  	v14 =	vld [tilespmem:s26+$0xFFFFFFE0];
	v4 =	vadd.f32 v4, v17;
	v3 =	vmax.f32 v3, $0.0e+00;
	v7 =	vadd.f32 v20, v7  }
0x368: {  	(erf) = vpow2.f32 v16;
	v16 =	vld [tilespmem:s30+$0xFFFFFF80];
	v10 =	vmax.f32 v10, $0.0e+00;
	v5 =	vmax.f32 v5, $0.0e+00  }
0x369: {  	v39 =	vld [tilespmem:s14+$0xFFFFFF00];
	v9 =	vmax.f32 v9, $0.0e+00;
	v3 =	vadd.f32 $1.000000010e-07, v3;
	v7 =	vmax.f32 v7, $0.0e+00  }
0x36a: {  	v20 =	vld [tilespmem:s31+$0x30];
	(erf) = vpow2.f32 v27;
	v4 =	vmax.f32 v4, $0.0e+00;
	v7 =	vadd.f32 $1.000000010e-07, v7  }
0x36b: {  	v27 =	vld [tilespmem:s31+$0xFFFFFFC0];
	(erf) = vpow2.f32 v25;
	v17 =	vadd.f32 v19, v8;
	v8 =	vadd.f32 $1.000000010e-07, v4  }
0x36c: {  	v18 =	vld [tilespmem:s31+$0x0];
	v5 =	vadd.f32 $1.000000010e-07, v5;
	v4 =	vadd.f32 $1.000000010e-07, v9;
	v33 =	vmul.f32 $1.442695020e+00, v3  }
0x36d: {  	v22 =	vld [tilespmem:s14+$0x0];
	v19 =	vmul.f32 $1.442695020e+00, v7;
	v16 =	vadd.f32 v14, v16;
	v32 =	vmul.f32 $1.442695020e+00, v8  }
0x36e: {  	s5 =	simm.s32 $0x1E4E0;
	v34 =	vld [tilespmem:s14+$0x80];
	v9 =	vmax.f32 v17, $0.0e+00;
	v35 =	vmul.f32 $1.442695020e+00, v4;
	v25 =	vpop (erf);
	(erf) = vpow2.f32 v15  }
0x36f: {  	v38 =	vld [tilespmem:s31+$0x20];
	v17 =	vmul.f32 $1.442695020e+00, v5;
	v14 =	vadd.f32 $1.000000010e-07, v10;
	v20 =	vadd.f32 v20, v30;
	v15 =	vpop (erf);
	[tilespmem:s5+$0x30] =	vst v25  }
0x370: {  	v9 =	vadd.f32 $1.000000010e-07, v9;
	v62 =	vadd.f32 v27, v39;
	(erf) = vpow2.f32 v33;
	v36 =	vpop (erf);
	[tilespmem:s5+$0xFFFFFFC0] =	vst v15  }
0x371: {  	v25 =	vmul.f32 v25, v11;
	v37 =	vmul.f32 v15, v12;
	v12 =	vmax.f32 v16, $0.0e+00;
	v10 =	vpop (erf);
	[tilespmem:s5+$0xFFFFFFD0] =	vst v36  }
0x372: {  	s16 =	simm.s32 $0x1F4E0;
	v11 =	vld [tilespmem:s14+$0x40];
	v15 =	vadd.f32 v18, v22;
	v18 =	vmul.f32 $1.442695020e+00, v14;
	(erf) = vpow2.f32 v19;
	[tilespmem:s5+$0x20] =	vst v10  }
0x373: {  	v16 =	vld [tilespmem:s31+$0x10];
	v19 =	vadd.f32 v26, v28;
	(erf) = vpow2.f32 v35;
	v22 =	vpop (erf);
	[tilespmem:s16+$0xFFFFFFC0] =	vst v37;
	v26 =	vmul.f32 v10, v24  }
0x374: {  	v21 =	vmul.f32 $1.442695020e+00, v9;
	v28 =	vadd.f32 v38, v34;
	v24 =	vld [tilespmem:s14+$0xFFFFFFC0];
	(erf) = vpow2.f32 v18;
	[tilespmem:s5+$0xFFFFFFF0] =	vst v22;
	v30 =	vpop (erf)  }
0x375: {  	s29 =	simm.s32 $0x19660;
	s6 =	simm.s32 $0x1F5E0;
	v12 =	vadd.f32 $1.000000010e-07, v12;
	v31 =	vmul.f32 v36, v31;
	v18 =	vld [tilespmem:s31+$0xFFFFFFE0];
	v63 =	vmul.f32 v30, v23;
	[tilespmem:s16+$0x20] =	vst v26  }
0x376: {  	s10 =	simm.s32 $0x1E560;
	s15 =	simm.s32 $0x1E560;
	s0 =	simm.s32 $0x1F560;
	v10 =	vmax.f32 v20, $0.0e+00;
	v19 =	vmax.f32 v19, $0.0e+00;
	(erf) = vpow2.f32 v32;
	v26 =	vld [tilespmem:s31+$0xFFFFFFF0];
	[tilespmem:s5+$0x0] =	vst v30  }
0x377: {  	s26 =	simm.s32 $0x10;
	v20 =	vmul.f32 $1.442695020e+00, v12;
	v10 =	vadd.f32 $1.000000010e-07, v10;
	v30 =	vmax.f32 v62, $0.0e+00;
	v23 =	vld [tilespmem:s14+$0xFFFFFF80];
	[tilespmem:s16+$0x0] =	vst v63;
	v27 =	vpop (erf)  }
.LBB2_24:
0x378: {  	v32 =	vld [tilespmem:s29+$0x0];
	s26 =	sadd.s32 $0x8, s26;
	v30 =	vadd.f32 $1.000000010e-07, v30;
	v28 =	vmax.f32 v28, $0.0e+00;
	s14 =	sadd.s32 $0x200, s14;
	s15 =	sadd.s32 $0x80, s15;
	(erf) = vpow2.f32 v21;
	[tilespmem:s16+$0x30] =	vst v25;
	v33 =	vmovc v16  }
0x379: {  	v37 =	vmax.f32 v15, $0.0e+00;
	v21 =	vmul.f32 v22, v6;
	v34 =	vld [tilespmem:s29+$0xFFFFFFC0];
	p1 =	slt.u32 s26, $0x78;
	v16 =	vmax.f32 v29, $0.0e+00;
	v25 =	vpop (erf);
	[tilespmem:s16+$0xFFFFFFD0] =	vst v31  }
0x37a: {  	v6 =	vmovc v9;
	v35 =	vadd.f32 $1.000000010e-07, v37;
	v29 =	vld [tilespmem:s29+$0x30];
	v31 =	vmul.f32 $1.442695020e+00, v30;
	[tilespmem:s10+$0x30] =	vst v25;
	(erf) = vpow2.f32 v17  }
0x37b: {  	v17 =	vmul.f32 v27, v13;
	v36 =	vld [tilespmem:s14+$0xFFFFFF40];
	v9 =	vadd.f32 v26, v24;
	v26 =	vadd.f32 $1.000000010e-07, v28;
	v15 =	vpop (erf);
	[tilespmem:s5+$0xFFFFFFE0] =	vst v27  }
0x37c: {  	v37 =	vadd.f32 $1.000000010e-07, v16;
	v22 =	vld [tilespmem:s14+$0x0];
	v16 =	vadd.f32 v18, v23;
	[tilespmem:s10+$0xFFFFFFC0] =	vst v15;
	v38 =	vpop (erf);
	(erf) = vpow2.f32 v20  }
0x37d: {  	v20 =	vmul.f32 $1.442695020e+00, v10;
	v18 =	vld [tilespmem:s14+$0xC0];
	v9 =	vmax.f32 v9, $0.0e+00;
	v23 =	vmul.f32 $1.442695020e+00, v26;
	[tilespmem:s16+$0xFFFFFFF0] =	vst v21;
	v21 =	vpop (erf)  }
0x37e: {  	v13 =	vmovc v12;
	v24 =	vmul.f32 $1.442695020e+00, v37;
	v27 =	vmul.f32 v15, v7;
	v7 =	vmovc v30;
	v28 =	vld [tilespmem:s14+$0x80];
	v9 =	vadd.f32 $1.000000010e-07, v9;
	[tilespmem:s16+$0xFFFFFFE0] =	vst v17  }
0x37f: {  	v17 =	vmul.f32 $1.442695020e+00, v35;
	v40 =	vmul.f32 v21, v14;
	v14 =	vadd.f32 $1.000000010e-07, v19;
	v30 =	vld [tilespmem:s29+$0x20];
	v39 =	vpop (erf);
	[tilespmem:s5+$0x10] =	vst v21;
	s5 =	smov.u32 s10;
	s10 =	smov.u32 s15  }
0x380: {  	v12 =	vmax.f32 v16, $0.0e+00;
	v19 =	vld [tilespmem:s14+$0xFFFFFF00];
	v21 =	vmul.f32 $1.442695020e+00, v9;
	(erf) = vpow2.f32 v20;
	[tilespmem:s5+$0x20] =	vst v39  }
0x381: {  	v12 =	vadd.f32 $1.000000010e-07, v12;
	v41 =	vld [tilespmem:s29+$0xFFFFFFD0];
	v15 =	vadd.f32 v32, v22;
	v32 =	vmul.f32 $1.442695020e+00, v14;
	v22 =	vpop (erf);
	[tilespmem:s16+$0x10] =	vst v40;
	s16 =	smov.u32 s0;
	s0 =	smov.u32 s6  }
0x382: {  	v25 =	vmul.f32 v25, v3;
	v3 =	vmovc v10;
	v16 =	vld [tilespmem:s29+$0x10];
	v18 =	vadd.f32 v29, v18;
	(erf) = vpow2.f32 v31;
	[tilespmem:s5+$0xFFFFFFF0] =	vst v22  }
.Ltmp10:
0x383: {  	v39 =	vmul.f32 v39, v8;
	v29 =	vadd.f32 v33, v11;
	v11 =	vld [tilespmem:s14+$0x40];
	(erf) = vpow2.f32 v24;
	[tilespmem:s16+$0xFFFFFFC0] =	vst v27;
	v31 =	vpop (erf);
	(pc) =	sbr.rel @p1 .LBB2_24-.Ltmp10, $4  }
0x384: {  	v8 =	vmovc v26;
	v20 =	vmul.f32 $1.442695020e+00, v12;
	v24 =	vld [tilespmem:s14+$0xFFFFFFC0];
	v10 =	vmax.f32 v18, $0.0e+00;
	[tilespmem:s5+$0xFFFFFFD0] =	vst v38;
	(erf) = vpow2.f32 v32  }
0x385: {  	v33 =	vmul.f32 v31, v5;
	v32 =	vadd.f32 v34, v19;
	v18 =	vld [tilespmem:s29+$0xFFFFFFE0];
	v10 =	vadd.f32 $1.000000010e-07, v10;
	[tilespmem:s16+$0x20] =	vst v39;
	v27 =	vpop (erf)  }
0x386: {  	v28 =	vadd.f32 v30, v28;
	v5 =	vmovc v35;
	v19 =	vmax.f32 v29, $0.0e+00;
	v26 =	vld [tilespmem:s29+$0xFFFFFFF0];
	(erf) = vpow2.f32 v23;
	[tilespmem:s5+$0x0] =	vst v31  }
0x387: {  	s6 =	sadd.s32 $0x80, s6;
	v29 =	vadd.f32 v41, v36;
	s29 =	sadd.s32 $0x80, s29;
	v31 =	vmul.f32 v38, v4;
	v4 =	vmovc v37;
	v30 =	vmax.f32 v32, $0.0e+00;
	v23 =	vld [tilespmem:s14+$0xFFFFFF80];
	[tilespmem:s16+$0x0] =	vst v33  }
0x388: {  	[tilespmem:s16+$0x30] =	vst v25  }
0x389: {  	[tilespmem:s5+$0xFFFFFFE0] =	vst v27  }
0x38a: {  	v6 =	vmul.f32 v22, v6;
	v60 =	vpop (erf);
	[tilespmem:s16+$0xFFFFFFD0] =	vst v31  }
0x38b: {  	v13 =	vmul.f32 v27, v13;
	[tilespmem:s10+$0x30] =	vst v60  }
0x38c: {  	(erf) = vpow2.f32 v21;
	[tilespmem:s16+$0xFFFFFFF0] =	vst v6  }
0x38d: {  	v62 =	vadd.f32 $1.000000010e-07, v30;
	v63 =	vmax.f32 v28, $0.0e+00;
	[tilespmem:s16+$0xFFFFFFE0] =	vst v13;
	v3 =	vmul.f32 v60, v3;
	v61 =	vpop (erf)  }
0x38e: {  	v35 =	vmul.f32 $1.442695020e+00, v10;
	v41 =	vadd.f32 $1.000000010e-07, v19;
	(erf) = vpow2.f32 v17;
	[tilespmem:s10+$0xFFFFFFC0] =	vst v61  }
0x38f: {  	v48 =	vmax.f32 v15, $0.0e+00;
	v32 =	vmax.f32 v29, $0.0e+00;
	v34 =	vmul.f32 $1.442695020e+00, v62;
	v33 =	vpop (erf);
	[tilespmem:s0+$0x30] =	vst v3  }
0x390: {  	v39 =	vadd.f32 $1.000000010e-07, v32;
	(erf) = vpow2.f32 v20;
	v7 =	vmul.f32 v61, v7;
	v36 =	vpop (erf);
	[tilespmem:s10+$0xFFFFFFD0] =	vst v33  }
0x391: {  	v44 =	vmul.f32 $1.442695020e+00, v41;
	v24 =	vadd.f32 v26, v24;
	v4 =	vmul.f32 v33, v4;
	[tilespmem:s5+$0x10] =	vst v36  }
0x392: {  	v37 =	vadd.f32 $1.000000010e-07, v63;
	v43 =	vmul.f32 $1.442695020e+00, v39;
	(erf) = vpow2.f32 v35;
	[tilespmem:s0+$0xFFFFFFC0] =	vst v7  }
0x393: {  	v24 =	vmax.f32 v24, $0.0e+00;
	v14 =	vmul.f32 v36, v14;
	(erf) = vpow2.f32 v34;
	v38 =	vpop (erf);
	[tilespmem:s0+$0xFFFFFFD0] =	vst v4  }
0x394: {  	v6 =	vadd.f32 $1.000000010e-07, v48;
	v40 =	vmul.f32 $1.442695020e+00, v37;
	v24 =	vadd.f32 $1.000000010e-07, v24;
	[tilespmem:s10+$0x20] =	vst v38  }
0x395: {  	(erf) = vpow2.f32 v43;
	[tilespmem:s16+$0x10] =	vst v14;
	v45 =	vmul.f32 v38, v8;
	v42 =	vpop (erf)  }
0x396: {  	v3 =	vmul.f32 $1.442695020e+00, v6;
	v46 =	vmul.f32 $1.442695020e+00, v24;
	[tilespmem:s10+$0xFFFFFFF0] =	vst v42  }
0x397: {  	v47 =	vpop (erf);
	(erf) = vpow2.f32 v44;
	[tilespmem:s0+$0x20] =	vst v45;
	v9 =	vmul.f32 v42, v9  }
0x398: {  	v5 =	vmul.f32 v47, v5;
	(erf) = vpow2.f32 v40;
	[tilespmem:s10+$0x0] =	vst v47  }
0x399: {  	v49 =	vadd.f32 v18, v23;
	[tilespmem:s0+$0xFFFFFFF0] =	vst v9;
	v50 =	vpop (erf);
	(erf) = vpow2.f32 v46  }
0x39a: {  	[tilespmem:s0+$0x0] =	vst v5  }
0x39b: {  	s26 =	sadd.s32 $0x80, s15;
	v53 =	vadd.f32 v16, v11;
	v52 =	vmax.f32 v49, $0.0e+00;
	v51 =	vpop (erf);
	[tilespmem:s10+$0xFFFFFFE0] =	vst v50  }
0x39c: {  	v4 =	vadd.f32 $1.000000010e-07, v52;
	(erf) = vpow2.f32 v3;
	v7 =	vmul.f32 v50, v12;
	[tilespmem:s26+$0x30] =	vst v51;
	v3 =	vpop (erf)  }
0x39d: {  	v5 =	vmax.f32 v53, $0.0e+00;
	[tilespmem:s26+$0xFFFFFFC0] =	vst v3  }
0x39e: {  	v55 =	vmul.f32 $1.442695020e+00, v4;
	v5 =	vadd.f32 $1.000000010e-07, v5;
	v54 =	vpop (erf);
	[tilespmem:s0+$0xFFFFFFE0] =	vst v7;
	v3 =	vmul.f32 v3, v62  }
0x39f: {  	[tilespmem:s26+$0xFFFFFFD0] =	vst v54;
	v61 =	vmul.f32 v54, v39  }
0x3a0: {  	v58 =	vmul.f32 $1.442695020e+00, v5;
	[tilespmem:s6+$0xFFFFFFC0] =	vst v3;
	v56 =	vpop (erf);
	(erf) = vpow2.f32 v55  }
0x3a1: {  	[tilespmem:s6+$0xFFFFFFD0] =	vst v61;
	v57 =	vpop (erf)  }
0x3a2: {  	[tilespmem:s10+$0x10] =	vst v56;
	v12 =	vmul.f32 v56, v41;
	v59 =	vpop (erf);
	(erf) = vpow2.f32 v58  }
0x3a3: {  	[tilespmem:s26+$0x20] =	vst v57;
	v3 =	vmul.f32 v57, v37  }
0x3a4: {  	[tilespmem:s0+$0x10] =	vst v12  }
0x3a5: {  	[tilespmem:s6+$0x20] =	vst v3;
	v3 =	vmul.f32 v51, v10  }
0x3a6: {  	[tilespmem:s26+$0xFFFFFFF0] =	vst v59;
	v60 =	vpop (erf)  }
0x3a7: {  	v62 =	vmul.f32 v59, v24;
	[tilespmem:s26+$0x0] =	vst v60  }
0x3a8: {  	[tilespmem:s6+$0x30] =	vst v3  }
0x3a9: {  	v6 =	vmul.f32 v60, v6;
	[tilespmem:s6+$0xFFFFFFF0] =	vst v62;
	v3 =	vpop (erf)  }
0x3aa: {  	[tilespmem:s26+$0xFFFFFFE0] =	vst v3;
	v3 =	vmul.f32 v3, v4  }
0x3ab: {  	[tilespmem:s6+$0x0] =	vst v6;
	v63 =	vpop (erf)  }
0x3ac: {  	[tilespmem:s6+$0xFFFFFFE0] =	vst v3;
	v3 =	vmul.f32 v63, v5  }
.Ltmp11:
0x3ad: {  	[tilespmem:s26+$0x10] =	vst v63;
	(pc) =	sbr.rel @p0 .LBB2_21-.Ltmp11, $4  }
0x3ae: {  	s29 =	sadd.s32 $0x18920, s25;
	s30 =	simm.s32 $0x1E4A0;
	s31 =	simm.s32 $0x1F4A0;
	[tilespmem:s6+$0x10] =	vst v3  }
0x3af: {  	[spmem:s2] =	stream.indirect.scatter.add.f32 [tilespmem:s30], [sflag:$0x4], $0x10, s29, s28, $0xb8;
	[tilespmem:$0x1FCA0] =	vst v63  }
0x3b0: {  	p2 =	por $0x0, $0x0;
	p1 =	por $0x1, $0x1;
	s26 =	simm.s32 $0x1  }
0x3b1: {  	[spmem:s3] =	stream.indirect.scatter.add.f32 [tilespmem:s31], [sflag:$0x4], $0x10, s29, s28, $0xb8;
	[tilespmem:$0x1FCA0] =	vst v63  }
0x3b2: {  	_ =	swait.ge [sflag:s11], $0x800  }
0x3b3: {  	[sflag:s11] =	ssyncset.done $0x0  }
0x3b4: {  	[sflag:s11] =	ssyncadd.s32 $0xFFFFF800  }
0x3b5: {  	_ =	swait.ge [sflag:s11], $0x2000  }
0x3b6: {  	[sflag:s11] =	ssyncset.done $0x0  }
0x3b7: {  	s0 =	simm.s32 $0x3;
	[sflag:s11] =	ssyncadd.s32 $0xFFFFE000  }
0x3b8: {  	_ =	swait.ge [sflag:s0], $0x800  }
0x3b9: {  	[sflag:s0] =	ssyncset.done $0x0  }
0x3ba: {  	[sflag:s0] =	ssyncadd.s32 $0xFFFFF800  }
0x3bb: {  	_ =	swait.ge [sflag:s0], $0x800  }
0x3bc: {  	[sflag:s0] =	ssyncset.done $0x0  }
0x3bd: {  	s30 =	simm.s32 $0x18CE0;
	[sflag:s0] =	ssyncadd.s32 $0xFFFFF800  }
0x3be: {  	v3 =	vld [tilespmem:s30+$0x0]  }
0x3bf: {  	v4 =	vld [tilespmem:s30+$0xFFFFFFC0]  }
0x3c0: {  	v5 =	vld [tilespmem:s30+$0x30]  }
0x3c1: {  	v6 =	vld [tilespmem:s21+$0xFFFFFF40]  }
0x3c2: {  	v7 =	vld [tilespmem:s21+$0x0]  }
0x3c3: {  	v8 =	vld [tilespmem:s21+$0xC0]  }
0x3c4: {  	v9 =	vld [tilespmem:s21+$0x80]  }
0x3c5: {  	v10 =	vld [tilespmem:s30+$0x20]  }
0x3c6: {  	v11 =	vld [tilespmem:s21+$0xFFFFFF00]  }
0x3c7: {  	v12 =	vld [tilespmem:s30+$0xFFFFFFD0]  }
0x3c8: {  	v14 =	vld [tilespmem:s30+$0x10]  }
0x3c9: {  	v15 =	vld [tilespmem:s21+$0x40]  }
0x3ca: {  	v13 =	vld [tilespmem:s21+$0xFFFFFFC0]  }
0x3cb: {  	v16 =	vld [tilespmem:s30+$0xFFFFFFE0]  }
0x3cc: {  	s9 =	sadd.s32 $0x200, s8;
	v17 =	vld [tilespmem:s30+$0xFFFFFFF0]  }
0x3cd: {  	s6 =	simm.s32 $0x18DE0;
	v29 =	vld [tilespmem:s9+$0xFFFFFF40]  }
0x3ce: {  	v61 =	vld [tilespmem:s6+$0xFFFFFFD0]  }
0x3cf: {  	s31 =	simm.s32 $0x18D60;
	v18 =	vld [tilespmem:s21+$0xFFFFFF80]  }
0x3d0: {  	v19 =	vld [tilespmem:s31+$0x0];
	v5 =	vadd.f32 v5, v8  }
0x3d1: {  	v20 =	vld [tilespmem:s31+$0xFFFFFFC0];
	v4 =	vadd.f32 v4, v11;
	v3 =	vadd.f32 v3, v7  }
0x3d2: {  	v8 =	vld [tilespmem:s31+$0x30];
	v7 =	vadd.f32 v10, v9;
	v6 =	vadd.f32 v12, v6  }
0x3d3: {  	v9 =	vld [tilespmem:s8+$0xFFFFFF40];
	v29 =	vadd.f32 v61, v29;
	v5 =	vmax.f32 v5, $0.0e+00;
	v4 =	vmax.f32 v4, $0.0e+00  }
0x3d4: {  	v10 =	vld [tilespmem:s8+$0x0];
	v6 =	vmax.f32 v6, $0.0e+00;
	v3 =	vmax.f32 v3, $0.0e+00;
	v11 =	vadd.f32 $1.000000010e-07, v5  }
0x3d5: {  	v12 =	vadd.f32 $1.000000010e-07, v4;
	v4 =	vmax.f32 v7, $0.0e+00;
	v5 =	vld [tilespmem:s8+$0xC0];
	v7 =	vadd.f32 v17, v13  }
0x3d6: {  	v17 =	vld [tilespmem:s8+$0x80];
	v23 =	vadd.f32 $1.000000010e-07, v3;
	v31 =	vadd.f32 $1.000000010e-07, v6  }
0x3d7: {  	v3 =	vadd.f32 v16, v18;
	v18 =	vld [tilespmem:s31+$0xFFFFFFD0];
	v24 =	vadd.f32 $1.000000010e-07, v4  }
0x3d8: {  	v4 =	vld [tilespmem:s31+$0x20];
	v21 =	vmul.f32 $1.442695020e+00, v12;
	v6 =	vmax.f32 v7, $0.0e+00;
	v13 =	vmul.f32 $1.442695020e+00, v11  }
0x3d9: {  	v7 =	vld [tilespmem:s8+$0xFFFFFF00];
	v22 =	vmul.f32 $1.442695020e+00, v31;
	v25 =	vmul.f32 $1.442695020e+00, v23;
	v6 =	vadd.f32 $1.000000010e-07, v6  }
0x3da: {  	v26 =	vld [tilespmem:s31+$0x10];
	v3 =	vmax.f32 v3, $0.0e+00;
	v16 =	vmul.f32 $1.442695020e+00, v24;
	(erf) = vpow2.f32 v13  }
0x3db: {  	v30 =	vld [tilespmem:s9+$0xC0];
	v13 =	vadd.f32 $1.000000010e-07, v3;
	v27 =	vmul.f32 $1.442695020e+00, v6;
	v3 =	vadd.f32 v8, v5  }
0x3dc: {  	(erf) = vpow2.f32 v21;
	v8 =	vld [tilespmem:s8+$0xFFFFFFC0];
	v5 =	vadd.f32 v19, v10;
	v10 =	vadd.f32 v14, v15  }
0x3dd: {  	v19 =	vld [tilespmem:s31+$0xFFFFFFF0];
	v9 =	vadd.f32 v18, v9;
	(erf) = vpow2.f32 v22;
	v15 =	vmul.f32 $1.442695020e+00, v13  }
0x3de: {  	v14 =	vld [tilespmem:s31+$0xFFFFFFE0];
	v4 =	vadd.f32 v4, v17;
	v3 =	vmax.f32 v3, $0.0e+00;
	v7 =	vadd.f32 v20, v7  }
0x3df: {  	(erf) = vpow2.f32 v16;
	v16 =	vld [tilespmem:s8+$0xFFFFFF80];
	v10 =	vmax.f32 v10, $0.0e+00;
	v5 =	vmax.f32 v5, $0.0e+00  }
0x3e0: {  	v39 =	vld [tilespmem:s9+$0xFFFFFF00];
	v9 =	vmax.f32 v9, $0.0e+00;
	v3 =	vadd.f32 $1.000000010e-07, v3;
	(erf) = vpow2.f32 v27  }
0x3e1: {  	v20 =	vld [tilespmem:s6+$0x30];
	v4 =	vmax.f32 v4, $0.0e+00;
	v5 =	vadd.f32 $1.000000010e-07, v5;
	v7 =	vmax.f32 v7, $0.0e+00  }
0x3e2: {  	v27 =	vld [tilespmem:s6+$0xFFFFFFC0];
	(erf) = vpow2.f32 v25;
	v7 =	vadd.f32 $1.000000010e-07, v7;
	v17 =	vadd.f32 v19, v8  }
0x3e3: {  	v18 =	vld [tilespmem:s6+$0x0];
	v8 =	vadd.f32 $1.000000010e-07, v4;
	v4 =	vadd.f32 $1.000000010e-07, v9;
	(erf) = vpow2.f32 v15  }
0x3e4: {  	v22 =	vld [tilespmem:s9+$0x0];
	v33 =	vmul.f32 $1.442695020e+00, v3;
	v19 =	vmul.f32 $1.442695020e+00, v7;
	v16 =	vadd.f32 v14, v16  }
0x3e5: {  	s5 =	simm.s32 $0x1DCE0;
	v28 =	vld [tilespmem:s8+$0x40];
	v9 =	vmax.f32 v17, $0.0e+00;
	v32 =	vmul.f32 $1.442695020e+00, v8;
	v35 =	vmul.f32 $1.442695020e+00, v4;
	v25 =	vpop (erf)  }
0x3e6: {  	v34 =	vld [tilespmem:s9+$0x80];
	v17 =	vmul.f32 $1.442695020e+00, v5;
	v14 =	vadd.f32 $1.000000010e-07, v10;
	v20 =	vadd.f32 v20, v30;
	v15 =	vpop (erf);
	[tilespmem:s5+$0x30] =	vst v25  }
0x3e7: {  	v38 =	vld [tilespmem:s6+$0x20];
	v9 =	vadd.f32 $1.000000010e-07, v9;
	(erf) = vpow2.f32 v33;
	v62 =	vadd.f32 v27, v39;
	v36 =	vpop (erf);
	[tilespmem:s5+$0xFFFFFFC0] =	vst v15  }
0x3e8: {  	v25 =	vmul.f32 v25, v11;
	v37 =	vmul.f32 v15, v12;
	v12 =	vmax.f32 v16, $0.0e+00;
	v10 =	vpop (erf);
	[tilespmem:s5+$0xFFFFFFD0] =	vst v36  }
0x3e9: {  	s14 =	simm.s32 $0x1ECE0;
	v11 =	vld [tilespmem:s9+$0x40];
	v15 =	vadd.f32 v18, v22;
	v18 =	vmul.f32 $1.442695020e+00, v14;
	(erf) = vpow2.f32 v19;
	[tilespmem:s5+$0x20] =	vst v10  }
0x3ea: {  	v16 =	vld [tilespmem:s6+$0x10];
	v19 =	vadd.f32 v26, v28;
	(erf) = vpow2.f32 v35;
	v22 =	vpop (erf);
	[tilespmem:s14+$0xFFFFFFC0] =	vst v37;
	v26 =	vmul.f32 v10, v24  }
0x3eb: {  	v21 =	vmul.f32 $1.442695020e+00, v9;
	v12 =	vadd.f32 $1.000000010e-07, v12;
	v24 =	vld [tilespmem:s9+$0xFFFFFFC0];
	(erf) = vpow2.f32 v18;
	[tilespmem:s5+$0xFFFFFFF0] =	vst v22;
	v30 =	vpop (erf)  }
0x3ec: {  	v28 =	vadd.f32 v38, v34;
	v31 =	vmul.f32 v36, v31;
	v18 =	vld [tilespmem:s6+$0xFFFFFFE0];
	v63 =	vmul.f32 v30, v23;
	[tilespmem:s14+$0x20] =	vst v26  }
0x3ed: {  	s15 =	simm.s32 $0x10;
	s16 =	simm.s32 $0x18E60;
	s0 =	simm.s32 $0x1ED60;
	v10 =	vmax.f32 v20, $0.0e+00;
	v20 =	vmul.f32 $1.442695020e+00, v12;
	(erf) = vpow2.f32 v32;
	v26 =	vld [tilespmem:s6+$0xFFFFFFF0];
	[tilespmem:s5+$0x0] =	vst v30  }
0x3ee: {  	s10 =	simm.s32 $0x1DD60;
	s8 =	simm.s32 $0x1DD60;
	v19 =	vmax.f32 v19, $0.0e+00;
	v10 =	vadd.f32 $1.000000010e-07, v10;
	v27 =	vpop (erf);
	v30 =	vmax.f32 v62, $0.0e+00;
	v23 =	vld [tilespmem:s9+$0xFFFFFF80];
	s6 =	simm.s32 $0x1EDE0;
	[tilespmem:s14+$0x0] =	vst v63  }
.LBB2_27:
0x3ef: {  	v32 =	vld [tilespmem:s16+$0x0];
	s15 =	sadd.s32 $0x8, s15;
	v30 =	vadd.f32 $1.000000010e-07, v30;
	v28 =	vmax.f32 v28, $0.0e+00;
	s9 =	sadd.s32 $0x200, s9;
	s10 =	sadd.s32 $0x80, s10;
	(erf) = vpow2.f32 v21;
	[tilespmem:s14+$0x30] =	vst v25;
	v33 =	vmovc v16  }
0x3f0: {  	v37 =	vmax.f32 v15, $0.0e+00;
	v21 =	vmul.f32 v22, v6;
	v34 =	vld [tilespmem:s16+$0xFFFFFFC0];
	p0 =	slt.u32 s15, $0x78;
	v16 =	vmax.f32 v29, $0.0e+00;
	v25 =	vpop (erf);
	[tilespmem:s14+$0xFFFFFFD0] =	vst v31  }
0x3f1: {  	v6 =	vmovc v9;
	v35 =	vadd.f32 $1.000000010e-07, v37;
	v29 =	vld [tilespmem:s16+$0x30];
	v31 =	vmul.f32 $1.442695020e+00, v30;
	[tilespmem:s8+$0x30] =	vst v25;
	(erf) = vpow2.f32 v17  }
0x3f2: {  	v17 =	vmul.f32 v27, v13;
	v36 =	vld [tilespmem:s9+$0xFFFFFF40];
	v9 =	vadd.f32 v26, v24;
	v26 =	vadd.f32 $1.000000010e-07, v28;
	v15 =	vpop (erf);
	[tilespmem:s5+$0xFFFFFFE0] =	vst v27  }
0x3f3: {  	v37 =	vadd.f32 $1.000000010e-07, v16;
	v22 =	vld [tilespmem:s9+$0x0];
	v16 =	vadd.f32 v18, v23;
	[tilespmem:s8+$0xFFFFFFC0] =	vst v15;
	v38 =	vpop (erf);
	(erf) = vpow2.f32 v20  }
0x3f4: {  	v20 =	vmul.f32 $1.442695020e+00, v10;
	v18 =	vld [tilespmem:s9+$0xC0];
	v9 =	vmax.f32 v9, $0.0e+00;
	v23 =	vmul.f32 $1.442695020e+00, v26;
	[tilespmem:s14+$0xFFFFFFF0] =	vst v21;
	v21 =	vpop (erf)  }
0x3f5: {  	v13 =	vmovc v12;
	v24 =	vmul.f32 $1.442695020e+00, v37;
	v27 =	vmul.f32 v15, v7;
	v7 =	vmovc v30;
	v28 =	vld [tilespmem:s9+$0x80];
	v9 =	vadd.f32 $1.000000010e-07, v9;
	[tilespmem:s14+$0xFFFFFFE0] =	vst v17  }
0x3f6: {  	v17 =	vmul.f32 $1.442695020e+00, v35;
	v40 =	vmul.f32 v21, v14;
	v14 =	vadd.f32 $1.000000010e-07, v19;
	v30 =	vld [tilespmem:s16+$0x20];
	v39 =	vpop (erf);
	[tilespmem:s5+$0x10] =	vst v21;
	s5 =	smov.u32 s8;
	s8 =	smov.u32 s10  }
0x3f7: {  	v12 =	vmax.f32 v16, $0.0e+00;
	v19 =	vld [tilespmem:s9+$0xFFFFFF00];
	v21 =	vmul.f32 $1.442695020e+00, v9;
	(erf) = vpow2.f32 v20;
	[tilespmem:s5+$0x20] =	vst v39  }
0x3f8: {  	v12 =	vadd.f32 $1.000000010e-07, v12;
	v41 =	vld [tilespmem:s16+$0xFFFFFFD0];
	v15 =	vadd.f32 v32, v22;
	v32 =	vmul.f32 $1.442695020e+00, v14;
	v22 =	vpop (erf);
	[tilespmem:s14+$0x10] =	vst v40;
	s14 =	smov.u32 s0;
	s0 =	smov.u32 s6  }
0x3f9: {  	v25 =	vmul.f32 v25, v3;
	v3 =	vmovc v10;
	v16 =	vld [tilespmem:s16+$0x10];
	v18 =	vadd.f32 v29, v18;
	(erf) = vpow2.f32 v31;
	[tilespmem:s5+$0xFFFFFFF0] =	vst v22  }
.Ltmp12:
0x3fa: {  	v39 =	vmul.f32 v39, v8;
	v29 =	vadd.f32 v33, v11;
	v11 =	vld [tilespmem:s9+$0x40];
	(erf) = vpow2.f32 v24;
	[tilespmem:s14+$0xFFFFFFC0] =	vst v27;
	v31 =	vpop (erf);
	(pc) =	sbr.rel @p0 .LBB2_27-.Ltmp12, $4  }
0x3fb: {  	v8 =	vmovc v26;
	v20 =	vmul.f32 $1.442695020e+00, v12;
	v24 =	vld [tilespmem:s9+$0xFFFFFFC0];
	v10 =	vmax.f32 v18, $0.0e+00;
	[tilespmem:s5+$0xFFFFFFD0] =	vst v38;
	(erf) = vpow2.f32 v32  }
0x3fc: {  	v33 =	vmul.f32 v31, v5;
	v32 =	vadd.f32 v34, v19;
	v18 =	vld [tilespmem:s16+$0xFFFFFFE0];
	v10 =	vadd.f32 $1.000000010e-07, v10;
	[tilespmem:s14+$0x20] =	vst v39;
	v27 =	vpop (erf)  }
0x3fd: {  	v28 =	vadd.f32 v30, v28;
	v5 =	vmovc v35;
	v19 =	vmax.f32 v29, $0.0e+00;
	v26 =	vld [tilespmem:s16+$0xFFFFFFF0];
	(erf) = vpow2.f32 v23;
	[tilespmem:s5+$0x0] =	vst v31  }
0x3fe: {  	s6 =	sadd.s32 $0x80, s6;
	v29 =	vadd.f32 v41, v36;
	s16 =	sadd.s32 $0x80, s16;
	v31 =	vmul.f32 v38, v4;
	v4 =	vmovc v37;
	v30 =	vmax.f32 v32, $0.0e+00;
	v23 =	vld [tilespmem:s9+$0xFFFFFF80];
	[tilespmem:s14+$0x0] =	vst v33  }
0x3ff: {  	[tilespmem:s14+$0x30] =	vst v25  }
0x400: {  	[tilespmem:s5+$0xFFFFFFE0] =	vst v27  }
0x401: {  	v6 =	vmul.f32 v22, v6;
	v60 =	vpop (erf);
	[tilespmem:s14+$0xFFFFFFD0] =	vst v31  }
0x402: {  	v13 =	vmul.f32 v27, v13;
	[tilespmem:s8+$0x30] =	vst v60  }
0x403: {  	(erf) = vpow2.f32 v21;
	[tilespmem:s14+$0xFFFFFFF0] =	vst v6  }
0x404: {  	v62 =	vadd.f32 $1.000000010e-07, v30;
	v63 =	vmax.f32 v28, $0.0e+00;
	[tilespmem:s14+$0xFFFFFFE0] =	vst v13;
	v3 =	vmul.f32 v60, v3;
	v61 =	vpop (erf)  }
0x405: {  	v35 =	vmul.f32 $1.442695020e+00, v10;
	v41 =	vadd.f32 $1.000000010e-07, v19;
	(erf) = vpow2.f32 v17;
	[tilespmem:s8+$0xFFFFFFC0] =	vst v61  }
0x406: {  	v48 =	vmax.f32 v15, $0.0e+00;
	v32 =	vmax.f32 v29, $0.0e+00;
	v34 =	vmul.f32 $1.442695020e+00, v62;
	v33 =	vpop (erf);
	[tilespmem:s0+$0x30] =	vst v3  }
0x407: {  	v39 =	vadd.f32 $1.000000010e-07, v32;
	(erf) = vpow2.f32 v20;
	v7 =	vmul.f32 v61, v7;
	v36 =	vpop (erf);
	[tilespmem:s8+$0xFFFFFFD0] =	vst v33  }
0x408: {  	v44 =	vmul.f32 $1.442695020e+00, v41;
	v24 =	vadd.f32 v26, v24;
	v4 =	vmul.f32 v33, v4;
	[tilespmem:s5+$0x10] =	vst v36  }
0x409: {  	v37 =	vadd.f32 $1.000000010e-07, v63;
	v43 =	vmul.f32 $1.442695020e+00, v39;
	(erf) = vpow2.f32 v35;
	[tilespmem:s0+$0xFFFFFFC0] =	vst v7  }
0x40a: {  	v24 =	vmax.f32 v24, $0.0e+00;
	v14 =	vmul.f32 v36, v14;
	(erf) = vpow2.f32 v34;
	v38 =	vpop (erf);
	[tilespmem:s0+$0xFFFFFFD0] =	vst v4  }
0x40b: {  	v6 =	vadd.f32 $1.000000010e-07, v48;
	v40 =	vmul.f32 $1.442695020e+00, v37;
	v24 =	vadd.f32 $1.000000010e-07, v24;
	[tilespmem:s8+$0x20] =	vst v38  }
0x40c: {  	(erf) = vpow2.f32 v43;
	[tilespmem:s14+$0x10] =	vst v14;
	v45 =	vmul.f32 v38, v8;
	v42 =	vpop (erf)  }
0x40d: {  	v3 =	vmul.f32 $1.442695020e+00, v6;
	v46 =	vmul.f32 $1.442695020e+00, v24;
	[tilespmem:s8+$0xFFFFFFF0] =	vst v42  }
0x40e: {  	v47 =	vpop (erf);
	(erf) = vpow2.f32 v44;
	[tilespmem:s0+$0x20] =	vst v45;
	v9 =	vmul.f32 v42, v9  }
0x40f: {  	v5 =	vmul.f32 v47, v5;
	(erf) = vpow2.f32 v40;
	[tilespmem:s8+$0x0] =	vst v47  }
0x410: {  	v49 =	vadd.f32 v18, v23;
	[tilespmem:s0+$0xFFFFFFF0] =	vst v9;
	v50 =	vpop (erf);
	(erf) = vpow2.f32 v46  }
0x411: {  	[tilespmem:s0+$0x0] =	vst v5  }
0x412: {  	s29 =	sadd.s32 $0x80, s10;
	v53 =	vadd.f32 v16, v11;
	v52 =	vmax.f32 v49, $0.0e+00;
	v51 =	vpop (erf);
	[tilespmem:s8+$0xFFFFFFE0] =	vst v50  }
0x413: {  	v4 =	vadd.f32 $1.000000010e-07, v52;
	(erf) = vpow2.f32 v3;
	v7 =	vmul.f32 v50, v12;
	[tilespmem:s29+$0x30] =	vst v51;
	v3 =	vpop (erf)  }
0x414: {  	v5 =	vmax.f32 v53, $0.0e+00;
	[tilespmem:s29+$0xFFFFFFC0] =	vst v3  }
0x415: {  	v55 =	vmul.f32 $1.442695020e+00, v4;
	v5 =	vadd.f32 $1.000000010e-07, v5;
	v54 =	vpop (erf);
	[tilespmem:s0+$0xFFFFFFE0] =	vst v7;
	v3 =	vmul.f32 v3, v62  }
0x416: {  	[tilespmem:s29+$0xFFFFFFD0] =	vst v54;
	v61 =	vmul.f32 v54, v39  }
0x417: {  	v58 =	vmul.f32 $1.442695020e+00, v5;
	[tilespmem:s6+$0xFFFFFFC0] =	vst v3;
	v56 =	vpop (erf);
	(erf) = vpow2.f32 v55  }
0x418: {  	[tilespmem:s6+$0xFFFFFFD0] =	vst v61;
	v57 =	vpop (erf)  }
0x419: {  	[tilespmem:s8+$0x10] =	vst v56;
	v12 =	vmul.f32 v56, v41;
	v59 =	vpop (erf);
	(erf) = vpow2.f32 v58  }
0x41a: {  	[tilespmem:s29+$0x20] =	vst v57;
	v3 =	vmul.f32 v57, v37  }
0x41b: {  	[tilespmem:s0+$0x10] =	vst v12  }
0x41c: {  	[tilespmem:s6+$0x20] =	vst v3;
	v3 =	vmul.f32 v51, v10  }
0x41d: {  	[tilespmem:s29+$0xFFFFFFF0] =	vst v59;
	v60 =	vpop (erf)  }
0x41e: {  	v62 =	vmul.f32 v59, v24;
	[tilespmem:s29+$0x0] =	vst v60  }
0x41f: {  	[tilespmem:s6+$0x30] =	vst v3  }
0x420: {  	v6 =	vmul.f32 v60, v6;
	[tilespmem:s6+$0xFFFFFFF0] =	vst v62;
	v3 =	vpop (erf)  }
0x421: {  	[tilespmem:s29+$0xFFFFFFE0] =	vst v3;
	v3 =	vmul.f32 v3, v4  }
0x422: {  	[tilespmem:s6+$0x0] =	vst v6;
	v63 =	vpop (erf)  }
0x423: {  	[tilespmem:s6+$0xFFFFFFE0] =	vst v3;
	v3 =	vmul.f32 v63, v5  }
0x424: {  	[tilespmem:s29+$0x10] =	vst v63  }
0x425: {  	[tilespmem:s6+$0x10] =	vst v3  }
0x426: {  	s6 =	rddreg [dreg:$0x14]  }
0x427: {  	s31 =	rddreg [dreg:$0x6];
	s6 =	sadd.s32 $0x1, s6  }
0x428: {  	p0 =	sne.s32 s6, s31  }
.Ltmp13:
0x429: {  	_ = 	snop;
	(pc) =	sbr.rel @p0 .LBB2_20-.Ltmp13, $4  }
0x42a: {  	s30 =	simm.s32 $0x18B20  }
0x42b: {  	[spmem:s2] =	stream.indirect.scatter.add.f32 [tilespmem:s23], [sflag:$0x3], $0x10, s30, s28, $0xb8;
	[tilespmem:$0x1FCA0] =	vst v63  }
0x42c: {  	_ = 	snop  }
0x42d: {  	[spmem:s3] =	stream.indirect.scatter.add.f32 [tilespmem:s12], [sflag:$0x3], $0x10, s30, s28, $0xb8;
	[tilespmem:$0x1FCA0] =	vst v63  }
0x42e: {  	s0 =	simm.s32 $0x3  }
0x42f: {  	_ =	swait.ge [sflag:s0], $0x800  }
0x430: {  	[sflag:s0] =	ssyncset.done $0x0  }
0x431: {  	[sflag:s0] =	ssyncadd.s32 $0xFFFFF800  }
0x432: {  	_ =	swait.ge [sflag:s0], $0x800  }
0x433: {  	[sflag:s0] =	ssyncset.done $0x0  }
0x434: {  	s16 =	simm.s32 $0x4;
	[sflag:s0] =	ssyncadd.s32 $0xFFFFF800  }
0x435: {  	_ =	swait.ge [sflag:s16], $0x800  }
0x436: {  	[sflag:s16] =	ssyncset.done $0x0  }
0x437: {  	[sflag:s16] =	ssyncadd.s32 $0xFFFFF800  }
0x438: {  	_ =	swait.ge [sflag:s16], $0x800  }
0x439: {  	[sflag:s16] =	ssyncset.done $0x0  }
0x43a: {  	[sflag:s16] =	ssyncadd.s32 $0xFFFFF800  }
0x43b: {  	[bflag:$0x0] =	sbarrier.arrive $0xFFFF  }
0x43c: {  	s25 =	rddreg [dreg:$0xc]  }
0x43d: {  	s5 =	rddreg [dreg:$0x10]  }
0x43e: {  	s6 =	rddreg [dreg:$0x11]  }
0x43f: {  	[hbm:s25], [sflag:s5] =	dma.local [spmem:s6], $0x186A  }
0x440: {  	_ =	swait.ge [sflag:s24], $0x186A  }
0x441: {  	[sflag:s24] =	ssyncset.done $0x0;
	s26 =	rddreg [dreg:$0xd]  }
0x442: {  	s29 =	rddreg [dreg:$0x12];
	[sflag:s24] =	ssyncadd.s32 $0xFFFFE796  }
0x443: {  	[hbm:s26], [sflag:s5] =	dma.local [spmem:s29], $0x186A  }
0x444: {  	_ =	swait.ge [sflag:s24], $0x186A  }
0x445: {  	s30 =	rddreg [dreg:$0xf]  }
0x446: {  	s31 =	rddreg [dreg:$0xe];
	s5 =	sadd.s32 $0x1, s30  }
0x447: {  	p0 =	sne.s32 s5, s31  }
.Ltmp14:
0x448: {  	_ = 	snop;
	(pc) =	sbr.rel @p0 .LBB2_1-.Ltmp14, $3  }
0x449: {  	[sflag:s24] =	ssyncset.done $0x0  }
0x44a: {  	[sflag:s24] =	ssyncadd.s32 $0xFFFFE796  }
0x44b: {  	[bflag:$0x0] =	sbarrier.arrive $0xFFFF;
	_ =	sdelay $0x1  }
0x44c: {  	_ =	sfence.sel $0x180000  }
0x44d: {  	[bflag:$0x0] =	sbarrier.arrive $0xFFFF  }
0x44e: {  	_ =	strace $0x90000047  }
0x44f: {  	s0 =	stileid.u32;
	[bflag:$0x2] =	sbarrier.arrive $0xFFFF  }
0x450: {  	p0 =	sne.s32 s0, $0x0;
	s0 =	rddreg [dreg:$0x4]  }
0x451: {  	s0 =	sadd.s32 @!p0 $0x100000, s0  }
0x452: {  	[sflag:s0] =	ssyncadd.tile.s32 @!p0 $0x1;
	_ =	shalt  }
.Lfunc_end2:
_tile_overlayer_lowered:
.L_overlay_start_2:
0x453: {  	(tag) =	ssettag $0x2  }
0x454: {  	s0 =	rddreg [dreg:$0x0];
	s2 =	stileid.u32  }
0x455: {  	s1 =	rddreg [dreg:$0x1];
	p0 =	sne.s32 s2, $0x0  }
0x456: {  	s3 =	rddreg [dreg:$0x2];
	[bflag:$0x3] =	sbarrier.arrive $0xFFFF;
	s2 =	simm.s32 @!p0 $0x1C05  }
0x457: {  	[timem:s3], [sflag:s2] =	dma.local @!p0 [hbm:s0], s1  }
0x458: {  	s0 =	simm.s32 @!p0 $0x5  }
0x459: {  	_ =	swait.ge @!p0 [sflag:s0], s1  }
0x45a: {  	s1 =	ssub.s32 @!p0 $0x0, s1;
	[sflag:s0] =	ssyncset.done @!p0 $0x0  }
0x45b: {  	[sflag:s0] =	ssyncadd.s32 @!p0 s1  }
0x45c: {  	[bflag:$0x3] =	sbarrier.arrive $0xFFFF  }
0x45d: {  	_ =	shalt  }

</sc_bundles>
